<compile_context>
chip_gen: v7x
topology: tpu7x:2x2x1
jax: 0.10.2.dev20260603
libtpu: 0.0.44.dev20260713+nightly
codegen_flags: <defaults>
</compile_context>

<pallas_src>
import jax
import jax.numpy as jnp
from jax import lax
from jax.experimental import pallas as pl
from jax.experimental.pallas import tpu as pltpu
from jax.experimental.pallas import tpu_sc as plsc

N = 10000
E = 320000
D = 128
DH = 256
B = 64
NCLS = 16

NCORES = 2
NSUB = 16
NW = NCORES * NSUB
EPW = E // NW
K = 125
G = 8
T = EPW // (G * K)
APAD = 10240

_MESH = plsc.VectorSubcoreMesh(core_axis_name="c", subcore_axis_name="s",
                               num_cores=NCORES, num_subcores=NSUB)


def _drain(acc, o0, o1, c, s):
  def go(out):
    @pl.when(s < 15)
    def _():
      pltpu.sync_copy(acc.at[pl.ds(s * 624, 624)], out.at[pl.ds(s * 624, 624)])

    @pl.when(s == 15)
    def _():
      pltpu.sync_copy(acc.at[pl.ds(9360, 640)], out.at[pl.ds(9360, 640)])

  @pl.when(c == 0)
  def _():
    go(o0)

  @pl.when(c == 1)
  def _():
    go(o1)


def _cnt_body(dstr, ones_h, zer_h, cnt0, cnt1, idx_d, ones, cacc, sem):
  c = lax.axis_index("c")
  s = lax.axis_index("s")
  w = c * NSUB + s

  pltpu.sync_copy(ones_h, ones)
  pltpu.sync_copy(zer_h, cacc.at[pl.ds(s * 640, 640)])

  plsc.subcore_barrier()

  @pl.loop(0, T)
  def _(t):
    pltpu.sync_copy(dstr.at[w, t], idx_d)
    for g in range(G):
      pltpu.sync_copy(ones, cacc.at[idx_d.at[g]], add=True)

  plsc.subcore_barrier()
  _drain(cacc, cnt0, cnt1, c, s)


_sc_count = pl.kernel(
    _cnt_body,
    out_type=[jax.ShapeDtypeStruct((N, D), jnp.float32)] * 2,
    mesh=_MESH,
    scratch_types=[pltpu.VMEM((G, K), jnp.int32),
                   pltpu.VMEM((K, D), jnp.float32),
                   pltpu.VMEM_SHARED((APAD, D), jnp.float32),
                   pltpu.SemaphoreType.DMA],
    name="sc_edge_count")


def _agg_body(table, srcr, dstr, out0, out1, is0, is1, id0, id1, buf, acc,
              sga, sgb, si0, si1):
  c = lax.axis_index("c")
  s = lax.axis_index("s")
  w = c * NSUB + s

  pltpu.sync_copy(srcr.at[w, 0], is0)
  pltpu.sync_copy(dstr.at[w, 0], id0)
  pltpu.async_copy(srcr.at[w, 1], is1, si1)
  pltpu.async_copy(dstr.at[w, 1], id1, si1)
  pltpu.async_copy(table.at[is0.at[0]], buf.at[0], sga)

  z16 = jnp.zeros((16,), jnp.float32)

  @pl.loop(0, 120)
  def _(r):
    @pl.loop(0, D // 16)
    def _(q):
      buf[1, r, pl.ds(q * 16, 16)] = z16

  @pl.loop(0, 5)
  def _(t):
    pltpu.sync_copy(buf.at[1, pl.ds(0, 120)],
                    acc.at[pl.ds(s * 640 + t * 120, 120)])
  pltpu.sync_copy(buf.at[1, pl.ds(0, 40)], acc.at[pl.ds(s * 640 + 600, 40)])

  plsc.subcore_barrier()

  def block(idx_sv, idx_dv, nxt_sv, wait_pair):
    for g in range(G):
      d = g % 2
      sg_d, sg_n = (sga, sgb) if d == 0 else (sgb, sga)
      pltpu.make_async_copy(table.at[idx_sv.at[g]], buf.at[d], sg_d).wait()
      if g + 1 < G:
        pltpu.async_copy(table.at[idx_sv.at[g + 1]], buf.at[1 - d], sg_n)
      else:
        if wait_pair is not None:
          pltpu.make_async_copy(srcr.at[w, 0], nxt_sv[0], wait_pair).wait()
          pltpu.make_async_copy(dstr.at[w, 0], nxt_sv[1], wait_pair).wait()
        pltpu.async_copy(table.at[nxt_sv[0].at[0]], buf.at[1 - d], sg_n)
      pltpu.sync_copy(buf.at[d], acc.at[idx_dv.at[g]], add=True)

  @pl.loop(0, T // 2)
  def _(u):
    block(is0, id0, (is1, id1), si1)
    tn0 = jnp.minimum(2 * u + 2, T - 1)
    pltpu.async_copy(srcr.at[w, tn0], is0, si0)
    pltpu.async_copy(dstr.at[w, tn0], id0, si0)
    block(is1, id1, (is0, id0), si0)
    tn1 = jnp.minimum(2 * u + 3, T - 1)
    pltpu.async_copy(srcr.at[w, tn1], is1, si1)
    pltpu.async_copy(dstr.at[w, tn1], id1, si1)

  pltpu.make_async_copy(table.at[is0.at[0]], buf.at[0], sga).wait()
  pltpu.make_async_copy(srcr.at[w, 0], is1, si1).wait()
  pltpu.make_async_copy(dstr.at[w, 0], id1, si1).wait()

  plsc.subcore_barrier()
  _drain(acc, out0, out1, c, s)


_sc_agg = pl.kernel(
    _agg_body,
    out_type=[jax.ShapeDtypeStruct((N, D), jnp.float32)] * 2,
    mesh=_MESH,
    scratch_types=[pltpu.VMEM((G, K), jnp.int32),
                   pltpu.VMEM((G, K), jnp.int32),
                   pltpu.VMEM((G, K), jnp.int32),
                   pltpu.VMEM((G, K), jnp.int32),
                   pltpu.VMEM((2, K, D), jnp.float32),
                   pltpu.VMEM_SHARED((APAD, D), jnp.float32),
                   pltpu.SemaphoreType.DMA,
                   pltpu.SemaphoreType.DMA,
                   pltpu.SemaphoreType.DMA,
                   pltpu.SemaphoreType.DMA],
    name="sc_edge_agg")



_R = 1000


def _dot_t(a, b):
  return lax.dot_general(a, b, (((1,), (1,)), ((), ())),
                         preferred_element_type=jnp.float32)


def _dense1_body(a0, a1, c0, c1, xb, w1l, b1l, w1r, w2l, w2r, b2l,
                 p_out, q_out):
  cnt = jnp.maximum(c0[:, 0:1] + c1[:, 0:1], 1.0)
  aggmean = (a0[...] + a1[...]) / cnt
  h = _dot_t(aggmean, w1l[...]) + b1l[...] + _dot_t(xb[...], w1r[...])
  h = jnp.maximum(h, 0.0)
  p_out[...] = _dot_t(h, w2l[...])
  q_out[...] = _dot_t(h, w2r[...]) + b2l[...]


def _dense1(a0, a1, c0, c1, x, w1l, b1l, w1r, w2l, w2r, b2l):
  row = pl.BlockSpec((_R, D), lambda i: (i, 0))
  cntspec = pl.BlockSpec((_R, D), lambda i: (i, 0))
  full = lambda shape: pl.BlockSpec(shape, lambda i: (0, 0))
  return pl.pallas_call(
      _dense1_body,
      grid=(N // _R,),
      in_specs=[row, row, cntspec, cntspec, row,
                full((DH, D)), full((1, DH)), full((DH, D)),
                full((D, DH)), full((D, DH)), full((1, D))],
      out_specs=[row, row],
      out_shape=[jax.ShapeDtypeStruct((N, D), jnp.float32)] * 2,
  )(a0, a1, c0, c1, x, w1l, b1l, w1r, w2l, w2r, b2l)


def _dense2_body(a0, a1, c0, c1, qb, bb, wc, bc, out, psum, pcnt):
  i = pl.program_id(0)

  @pl.when(i == 0)
  def _():
    psum[...] = jnp.zeros_like(psum)
    pcnt[...] = jnp.zeros_like(pcnt)

  cnt = jnp.maximum(c0[:, 0:1] + c1[:, 0:1], 1.0)
  h2 = jnp.maximum((a0[...] + a1[...]) / cnt + qb[...], 0.0)
  bv = bb[0]
  rows = lax.broadcasted_iota(jnp.int32, (B, _R), 0)
  oh = (rows == bv).astype(jnp.float32)
  psum[...] += jnp.dot(oh, h2, preferred_element_type=jnp.float32)
  pcnt[...] += jnp.sum(oh, axis=1, keepdims=True)

  @pl.when(i == N // _R - 1)
  def _():
    pooled = psum[...] / jnp.maximum(pcnt[...], 1.0)
    out[...] = _dot_t(pooled, wc[...]) + bc[...]


def _dense2(a0, a1, c0, c1, q, batch3, wc, bc):
  row = pl.BlockSpec((_R, D), lambda i: (i, 0))
  cntspec = pl.BlockSpec((_R, D), lambda i: (i, 0))
  return pl.pallas_call(
      _dense2_body,
      grid=(N // _R,),
      in_specs=[row, row, cntspec, cntspec, row,
                pl.BlockSpec((1, 1, _R), lambda i: (i, 0, 0)),
                pl.BlockSpec((NCLS, D), lambda i: (0, 0)),
                pl.BlockSpec((1, NCLS), lambda i: (0, 0))],
      out_specs=pl.BlockSpec((B, NCLS), lambda i: (0, 0)),
      out_shape=jax.ShapeDtypeStruct((B, NCLS), jnp.float32),
      scratch_shapes=[pltpu.VMEM((B, D), jnp.float32),
                      pltpu.VMEM((B, 1), jnp.float32)],
  )(a0, a1, c0, c1, q, batch3, wc, bc)


def kernel(x, edge_index, batch, W1l, b1l, W1r, W2l, b2l, W2r, Wc, bc):
  src = edge_index[0].reshape(NW, T, G, K)
  dst = edge_index[1].reshape(NW, T, G, K)

  c0, c1 = _sc_count(dst, jnp.ones((K, D), jnp.float32),
                     jnp.zeros((640, D), jnp.float32))
  a0, a1 = _sc_agg(x, src, dst)
  p, q = _dense1(a0, a1, c0, c1, x,
                 W1l, b1l.reshape(1, DH), W1r, W2l, W2r, b2l.reshape(1, D))
  g0, g1 = _sc_agg(p, src, dst)
  return _dense2(g0, g1, c0, c1, q, batch.reshape(N // _R, 1, _R),
                 Wc, bc.reshape(1, NCLS))

# --- scband reference (transcript-rebuilt; emitter-appended) ---
"""Pipeline reference for scband-graph-sageclassifier-81879256531434 (READ-ONLY COPY).

The authoritative reference and input builder live on the scoring server;
editing this copy changes nothing except your own understanding.
"""

import jax, jax.numpy as jnp
import numpy as np

N = 10000
E = 320000
DIN = 128
DH = 256
DE = 128
NC = 16
B = 64


def setup_inputs(seed: int = 0) -> dict:
    key = jax.random.key(seed)
    ks = jax.random.split(key, 12)
    x = jax.random.normal(ks[0], (N, DIN), dtype=jnp.float32)
    edge_index = jax.random.randint(ks[1], (2, E), 0, N, dtype=jnp.int32)
    batch = jnp.sort(jax.random.randint(ks[2], (N,), 0, B, dtype=jnp.int32))
    s1 = 1.0 / np.sqrt(DIN)
    s2 = 1.0 / np.sqrt(DH)
    s3 = 1.0 / np.sqrt(DE)
    W1l = jax.random.uniform(ks[3], (DH, DIN), jnp.float32, -s1, s1)
    b1l = jax.random.uniform(ks[4], (DH,), jnp.float32, -s1, s1)
    W1r = jax.random.uniform(ks[5], (DH, DIN), jnp.float32, -s1, s1)
    W2l = jax.random.uniform(ks[6], (DE, DH), jnp.float32, -s2, s2)
    b2l = jax.random.uniform(ks[7], (DE,), jnp.float32, -s2, s2)
    W2r = jax.random.uniform(ks[8], (DE, DH), jnp.float32, -s2, s2)
    Wc = jax.random.uniform(ks[9], (NC, DE), jnp.float32, -s3, s3)
    bc = jax.random.uniform(ks[10], (NC,), jnp.float32, -s3, s3)
    return {"x": x, "edge_index": edge_index, "batch": batch,
            "W1l": W1l, "b1l": b1l, "W1r": W1r,
            "W2l": W2l, "b2l": b2l, "W2r": W2r,
            "Wc": Wc, "bc": bc}


def _sage_conv(x, edge_index, Wl, bl, Wr):
    # PyG SAGEConv (aggr='mean', root_weight=True):
    # out = lin_l(mean_{j in N(i)} x_j) + lin_r(x_i)
    src = edge_index[0]
    dst = edge_index[1]
    msg = jnp.take(x, src, axis=0)  # gather source node features
    agg_sum = jax.ops.segment_sum(msg, dst, num_segments=N)
    cnt = jax.ops.segment_sum(jnp.ones((msg.shape[0], 1), x.dtype), dst, num_segments=N)
    agg_mean = agg_sum / jnp.clip(cnt, 1.0)
    return agg_mean @ Wl.T + bl + x @ Wr.T


def reference(x, edge_index, batch, W1l, b1l, W1r, W2l, b2l, W2r, Wc, bc):
    h = _sage_conv(x, edge_index, W1l, b1l, W1r)
    h = jax.nn.relu(h)
    # dropout: identity in eval mode
    h = _sage_conv(h, edge_index, W2l, b2l, W2r)
    h = jax.nn.relu(h)
    # global_mean_pool over batch assignment
    pool_sum = jax.ops.segment_sum(h, batch, num_segments=B)
    pool_cnt = jax.ops.segment_sum(jnp.ones((h.shape[0], 1), h.dtype), batch, num_segments=B)
    pooled = pool_sum / jnp.clip(pool_cnt, 1.0)
    logits = pooled @ Wc.T + bc
    return logits

if __name__ == "__main__":
    import jax
    _d = setup_inputs()
    print(jax.jit(kernel)(*tuple(_d.values())))

</pallas_src>

<mosaic_0001>
#map = affine_map<(d0, d1) -> (0, 0)>
#map1 = affine_map<(d0, d1) -> (0, 0, 0, 0)>
module attributes {stable_mosaic.version = 14 : i64} {
  func.func @sc_edge_agg(%arg0: i32, %arg1: i32, %arg2: memref<10000x128xf32, #tpu.memory_space<hbm>>, %arg3: memref<32x10x8x125xi32, #tpu.memory_space<hbm>>, %arg4: memref<32x10x8x125xi32, #tpu.memory_space<hbm>>, %arg5: memref<10000x128xf32, #tpu.memory_space<hbm>>, %arg6: memref<10000x128xf32, #tpu.memory_space<hbm>>, %arg7: memref<8x125xi32, #tpu.memory_space<vmem>>, %arg8: memref<8x125xi32, #tpu.memory_space<vmem>>, %arg9: memref<8x125xi32, #tpu.memory_space<vmem>>, %arg10: memref<8x125xi32, #tpu.memory_space<vmem>>, %arg11: memref<2x125x128xf32, #tpu.memory_space<vmem>>, %arg12: memref<10240x128xf32, #tpu.memory_space<vmem_shared>>, %arg13: memref<!tpu.dma_semaphore, #tpu.memory_space<semaphore_mem>>, %arg14: memref<!tpu.dma_semaphore, #tpu.memory_space<semaphore_mem>>, %arg15: memref<!tpu.dma_semaphore, #tpu.memory_space<semaphore_mem>>, %arg16: memref<!tpu.dma_semaphore, #tpu.memory_space<semaphore_mem>>) attributes {dimension_semantics = [#tpu.dimension_semantics<core_parallel>, #tpu.dimension_semantics<subcore_parallel>], iteration_bounds = array<i64: 2, 16>, scalar_prefetch = 0 : i64, scratch_operands = 10 : i64, tpu.core_type = #tpu.core_type<sc_vector_subcore>, window_params = [{transform_indices = #map}, {transform_indices = #map1}, {transform_indices = #map1}, {transform_indices = #map}, {transform_indices = #map}]} {
    %mul3A = arith.constant 16 : i32
    %mul3A_0 = arith.muli %arg0, %mul3A : i32
    %add3A = arith.addi %mul3A_0, %arg1 : i32
    %run_scoped3A = arith.constant 0 : i32
    "tpu.region"() ({
      %run_scoped3A_88 = tpu.sem_alloc : memref<!tpu.dma_semaphore, #tpu.memory_space<semaphore_mem>>
      %dma_start3A_89 = arith.constant 0 : i32
      %dma_start3A_90 = arith.constant 0 : i32
      %dma_start3A_91 = tpu.memref_slice %arg3[%add3A, %run_scoped3A, %dma_start3A_89, %dma_start3A_90] : memref<32x10x8x125xi32, #tpu.memory_space<hbm>> -> memref<1x1x8x125xi32, #tpu.memory_space<hbm>>
      %dma_start3A_92 = tpu.memref_squeeze %dma_start3A_91 : memref<1x1x8x125xi32, #tpu.memory_space<hbm>> -> memref<8x125xi32, #tpu.memory_space<hbm>>
      %dma_start3A_93 = arith.constant 0 : i32
      %dma_start3A_94 = arith.constant 0 : i32
      %dma_start3A_95 = tpu.memref_slice %arg3[%add3A, %run_scoped3A, %dma_start3A_93, %dma_start3A_94] : memref<32x10x8x125xi32, #tpu.memory_space<hbm>> -> memref<1x1x8x125xi32, #tpu.memory_space<hbm>>
      %dma_start3A_96 = tpu.memref_squeeze %dma_start3A_95 : memref<1x1x8x125xi32, #tpu.memory_space<hbm>> -> memref<8x125xi32, #tpu.memory_space<hbm>>
      tpu.enqueue_dma source(%dma_start3A_96 : memref<8x125xi32, #tpu.memory_space<hbm>>) target(%arg7 : memref<8x125xi32, #tpu.memory_space<vmem>>) target_semaphore(%run_scoped3A_88 : memref<!tpu.dma_semaphore, #tpu.memory_space<semaphore_mem>>)
      %dma_wait3A_97 = arith.constant 0 : i32
      %dma_wait3A_98 = arith.constant 0 : i32
      %dma_wait3A_99 = tpu.memref_slice %arg3[%add3A, %run_scoped3A, %dma_wait3A_97, %dma_wait3A_98] : memref<32x10x8x125xi32, #tpu.memory_space<hbm>> -> memref<1x1x8x125xi32, #tpu.memory_space<hbm>>
      %dma_wait3A_100 = tpu.memref_squeeze %dma_wait3A_99 : memref<1x1x8x125xi32, #tpu.memory_space<hbm>> -> memref<8x125xi32, #tpu.memory_space<hbm>>
      %dma_wait3A_101 = arith.constant 0 : i32
      %dma_wait3A_102 = arith.constant 0 : i32
      %dma_wait3A_103 = tpu.memref_slice %arg3[%add3A, %run_scoped3A, %dma_wait3A_101, %dma_wait3A_102] : memref<32x10x8x125xi32, #tpu.memory_space<hbm>> -> memref<1x1x8x125xi32, #tpu.memory_space<hbm>>
      %dma_wait3A_104 = tpu.memref_squeeze %dma_wait3A_103 : memref<1x1x8x125xi32, #tpu.memory_space<hbm>> -> memref<8x125xi32, #tpu.memory_space<hbm>>
      tpu.wait_dma2 semaphore(%run_scoped3A_88 : memref<!tpu.dma_semaphore, #tpu.memory_space<semaphore_mem>>) src(%dma_wait3A_104 : memref<8x125xi32, #tpu.memory_space<hbm>>) dst(%arg7 : memref<8x125xi32, #tpu.memory_space<vmem>>)
      tpu.yield
    }) : () -> ()
    %run_scoped3A_1 = arith.constant 0 : i32
    "tpu.region"() ({
      %run_scoped3A_88 = tpu.sem_alloc : memref<!tpu.dma_semaphore, #tpu.memory_space<semaphore_mem>>
      %dma_start3A_89 = arith.constant 0 : i32
      %dma_start3A_90 = arith.constant 0 : i32
      %dma_start3A_91 = tpu.memref_slice %arg4[%add3A, %run_scoped3A_1, %dma_start3A_89, %dma_start3A_90] : memref<32x10x8x125xi32, #tpu.memory_space<hbm>> -> memref<1x1x8x125xi32, #tpu.memory_space<hbm>>
      %dma_start3A_92 = tpu.memref_squeeze %dma_start3A_91 : memref<1x1x8x125xi32, #tpu.memory_space<hbm>> -> memref<8x125xi32, #tpu.memory_space<hbm>>
      %dma_start3A_93 = arith.constant 0 : i32
      %dma_start3A_94 = arith.constant 0 : i32
      %dma_start3A_95 = tpu.memref_slice %arg4[%add3A, %run_scoped3A_1, %dma_start3A_93, %dma_start3A_94] : memref<32x10x8x125xi32, #tpu.memory_space<hbm>> -> memref<1x1x8x125xi32, #tpu.memory_space<hbm>>
      %dma_start3A_96 = tpu.memref_squeeze %dma_start3A_95 : memref<1x1x8x125xi32, #tpu.memory_space<hbm>> -> memref<8x125xi32, #tpu.memory_space<hbm>>
      tpu.enqueue_dma source(%dma_start3A_96 : memref<8x125xi32, #tpu.memory_space<hbm>>) target(%arg9 : memref<8x125xi32, #tpu.memory_space<vmem>>) target_semaphore(%run_scoped3A_88 : memref<!tpu.dma_semaphore, #tpu.memory_space<semaphore_mem>>)
      %dma_wait3A_97 = arith.constant 0 : i32
      %dma_wait3A_98 = arith.constant 0 : i32
      %dma_wait3A_99 = tpu.memref_slice %arg4[%add3A, %run_scoped3A_1, %dma_wait3A_97, %dma_wait3A_98] : memref<32x10x8x125xi32, #tpu.memory_space<hbm>> -> memref<1x1x8x125xi32, #tpu.memory_space<hbm>>
      %dma_wait3A_100 = tpu.memref_squeeze %dma_wait3A_99 : memref<1x1x8x125xi32, #tpu.memory_space<hbm>> -> memref<8x125xi32, #tpu.memory_space<hbm>>
      %dma_wait3A_101 = arith.constant 0 : i32
      %dma_wait3A_102 = arith.constant 0 : i32
      %dma_wait3A_103 = tpu.memref_slice %arg4[%add3A, %run_scoped3A_1, %dma_wait3A_101, %dma_wait3A_102] : memref<32x10x8x125xi32, #tpu.memory_space<hbm>> -> memref<1x1x8x125xi32, #tpu.memory_space<hbm>>
      %dma_wait3A_104 = tpu.memref_squeeze %dma_wait3A_103 : memref<1x1x8x125xi32, #tpu.memory_space<hbm>> -> memref<8x125xi32, #tpu.memory_space<hbm>>
      tpu.wait_dma2 semaphore(%run_scoped3A_88 : memref<!tpu.dma_semaphore, #tpu.memory_space<semaphore_mem>>) src(%dma_wait3A_104 : memref<8x125xi32, #tpu.memory_space<hbm>>) dst(%arg9 : memref<8x125xi32, #tpu.memory_space<vmem>>)
      tpu.yield
    }) : () -> ()
    %dma_start3A = arith.constant 1 : i32
    %dma_start3A_2 = arith.constant 0 : i32
    %dma_start3A_3 = arith.constant 0 : i32
    %dma_start3A_4 = tpu.memref_slice %arg3[%add3A, %dma_start3A, %dma_start3A_2, %dma_start3A_3] : memref<32x10x8x125xi32, #tpu.memory_space<hbm>> -> memref<1x1x8x125xi32, #tpu.memory_space<hbm>>
    %dma_start3A_5 = tpu.memref_squeeze %dma_start3A_4 : memref<1x1x8x125xi32, #tpu.memory_space<hbm>> -> memref<8x125xi32, #tpu.memory_space<hbm>>
    %dma_start3A_6 = arith.constant 0 : i32
    %dma_start3A_7 = arith.constant 0 : i32
    %dma_start3A_8 = tpu.memref_slice %arg3[%add3A, %dma_start3A, %dma_start3A_6, %dma_start3A_7] : memref<32x10x8x125xi32, #tpu.memory_space<hbm>> -> memref<1x1x8x125xi32, #tpu.memory_space<hbm>>
    %dma_start3A_9 = tpu.memref_squeeze %dma_start3A_8 : memref<1x1x8x125xi32, #tpu.memory_space<hbm>> -> memref<8x125xi32, #tpu.memory_space<hbm>>
    tpu.enqueue_dma source(%dma_start3A_9 : memref<8x125xi32, #tpu.memory_space<hbm>>) target(%arg8 : memref<8x125xi32, #tpu.memory_space<vmem>>) target_semaphore(%arg16 : memref<!tpu.dma_semaphore, #tpu.memory_space<semaphore_mem>>)
    %dma_start3A_10 = arith.constant 1 : i32
    %dma_start3A_11 = arith.constant 0 : i32
    %dma_start3A_12 = arith.constant 0 : i32
    %dma_start3A_13 = tpu.memref_slice %arg4[%add3A, %dma_start3A_10, %dma_start3A_11, %dma_start3A_12] : memref<32x10x8x125xi32, #tpu.memory_space<hbm>> -> memref<1x1x8x125xi32, #tpu.memory_space<hbm>>
    %dma_start3A_14 = tpu.memref_squeeze %dma_start3A_13 : memref<1x1x8x125xi32, #tpu.memory_space<hbm>> -> memref<8x125xi32, #tpu.memory_space<hbm>>
    %dma_start3A_15 = arith.constant 0 : i32
    %dma_start3A_16 = arith.constant 0 : i32
    %dma_start3A_17 = tpu.memref_slice %arg4[%add3A, %dma_start3A_10, %dma_start3A_15, %dma_start3A_16] : memref<32x10x8x125xi32, #tpu.memory_space<hbm>> -> memref<1x1x8x125xi32, #tpu.memory_space<hbm>>
    %dma_start3A_18 = tpu.memref_squeeze %dma_start3A_17 : memref<1x1x8x125xi32, #tpu.memory_space<hbm>> -> memref<8x125xi32, #tpu.memory_space<hbm>>
    tpu.enqueue_dma source(%dma_start3A_18 : memref<8x125xi32, #tpu.memory_space<hbm>>) target(%arg10 : memref<8x125xi32, #tpu.memory_space<vmem>>) target_semaphore(%arg16 : memref<!tpu.dma_semaphore, #tpu.memory_space<semaphore_mem>>)
    %dma_start3A_19 = arith.constant 0 : i32
    %dma_start3A_20 = arith.constant 0 : i32
    %dma_start3A_21 = arith.constant 0 : i32
    %dma_start3A_22 = arith.constant 0 : i32
    %dma_start3A_23 = tpu.memref_slice %arg11[%dma_start3A_20, %dma_start3A_21, %dma_start3A_22] : memref<2x125x128xf32, #tpu.memory_space<vmem>> -> memref<1x125x128xf32, #tpu.memory_space<vmem>>
    %dma_start3A_24 = tpu.memref_squeeze %dma_start3A_23 : memref<1x125x128xf32, #tpu.memory_space<vmem>> -> memref<125x128xf32, #tpu.memory_space<vmem>>
    %dma_start3A_25 = arith.constant 0 : i32
    %dma_start3A_26 = tpu.memref_slice %arg7[%dma_start3A_19, %dma_start3A_25] : memref<8x125xi32, #tpu.memory_space<vmem>> -> memref<1x125xi32, #tpu.memory_space<vmem>>
    %dma_start3A_27 = tpu.memref_squeeze %dma_start3A_26 : memref<1x125xi32, #tpu.memory_space<vmem>> -> memref<125xi32, #tpu.memory_space<vmem>>
    %dma_start3A_28 = arith.constant 0 : i32
    %dma_start3A_29 = arith.constant 0 : i32
    %dma_start3A_30 = tpu.memref_slice %arg2[%dma_start3A_28, %dma_start3A_29] : memref<10000x128xf32, #tpu.memory_space<hbm>> -> memref<10000x128xf32, #tpu.memory_space<hbm>>
    tpu.enqueue_indirect_dma source(%dma_start3A_30 : memref<10000x128xf32, #tpu.memory_space<hbm>>) target(%dma_start3A_24 : memref<125x128xf32, #tpu.memory_space<vmem>>) offsets(%dma_start3A_27 : memref<125xi32, #tpu.memory_space<vmem>>) semaphore(%arg13 : memref<!tpu.dma_semaphore, #tpu.memory_space<semaphore_mem>>)
    %broadcast_in_dim3A = arith.constant 0.000000e+00 : f32
    %broadcast_in_dim3A_31 = vector.broadcast %broadcast_in_dim3A : f32 to vector<16xf32>
    %scan3A = arith.constant 0 : i32
    %scan3A_32 = arith.constant 120 : i32
    %scan3A_33 = arith.addi %scan3A, %scan3A_32 : i32
    %scan3A_34 = arith.constant 1 : i32
    scf.for %scan3A_88 = %scan3A to %scan3A_33 step %scan3A_34  : i32 {
      %mul3A_89 = arith.constant 1 : i32
      %mul3A_90 = arith.muli %scan3A_88, %mul3A_89 : i32
      %add3A_91 = arith.constant 0 : i32
      %add3A_92 = arith.addi %add3A_91, %mul3A_90 : i32
      %scan3A_93 = arith.constant 0 : i32
      %scan3A_94 = arith.constant 8 : i32
      %scan3A_95 = arith.addi %scan3A_93, %scan3A_94 : i32
      %scan3A_96 = arith.constant 1 : i32
      scf.for %scan3A_98 = %scan3A_93 to %scan3A_95 step %scan3A_96  : i32 {
        %mul3A_99 = arith.constant 1 : i32
        %mul3A_100 = arith.muli %scan3A_98, %mul3A_99 : i32
        %add3A_101 = arith.constant 0 : i32
        %add3A_102 = arith.addi %add3A_101, %mul3A_100 : i32
        %mul3A_103 = arith.constant 16 : i32
        %mul3A_104 = arith.muli %add3A_102, %mul3A_103 : i32
        %swap3A = arith.constant 1 : i32
        %swap3A_105 = arith.index_cast %swap3A : i32 to index
        %swap3A_106 = arith.index_cast %add3A_92 : i32 to index
        %swap3A_107 = arith.index_cast %mul3A_104 : i32 to index
        %swap3A_108 = tpu.vector_load %arg11[%swap3A_105, %swap3A_106, %swap3A_107] {strides = array<i32>} : memref<2x125x128xf32, #tpu.memory_space<vmem>>, vector<1x1x16xf32>,
        %swap3A_109 = vector.shape_cast %swap3A_108 : vector<1x1x16xf32> to vector<16xf32>
        %swap3A_110 = vector.shape_cast %broadcast_in_dim3A_31 : vector<16xf32> to vector<1x1x16xf32>
        tpu.vector_store %arg11[%swap3A_105, %swap3A_106, %swap3A_107], %swap3A_110 {strides = array<i32>} : memref<2x125x128xf32, #tpu.memory_space<vmem>>, vector<1x1x16xf32>,
      }
      %scan3A_97 = arith.constant 8 : i32
    }
    %scan3A_35 = arith.constant 120 : i32
    %scan3A_36 = arith.constant 0 : i32
    %scan3A_37 = arith.constant 5 : i32
    %scan3A_38 = arith.addi %scan3A_36, %scan3A_37 : i32
    %scan3A_39 = arith.constant 1 : i32
    scf.for %scan3A_88 = %scan3A_36 to %scan3A_38 step %scan3A_39  : i32 {
      %mul3A_89 = arith.constant 1 : i32
      %mul3A_90 = arith.muli %scan3A_88, %mul3A_89 : i32
      %add3A_91 = arith.constant 0 : i32
      %add3A_92 = arith.addi %add3A_91, %mul3A_90 : i32
      %mul3A_93 = arith.constant 640 : i32
      %mul3A_94 = arith.muli %arg1, %mul3A_93 : i32
      %mul3A_95 = arith.constant 120 : i32
      %mul3A_96 = arith.muli %add3A_92, %mul3A_95 : i32
      %add3A_97 = arith.addi %mul3A_94, %mul3A_96 : i32
      %run_scoped3A_98 = arith.constant 1 : i32
      "tpu.region"() ({
        %run_scoped3A_99 = tpu.sem_alloc : memref<!tpu.dma_semaphore, #tpu.memory_space<semaphore_mem>>
        %dma_start3A_100 = arith.constant 0 : i32
        %dma_start3A_101 = arith.constant 0 : i32
        %dma_start3A_102 = tpu.memref_slice %arg11[%run_scoped3A_98, %dma_start3A_100, %dma_start3A_101] : memref<2x125x128xf32, #tpu.memory_space<vmem>> -> memref<1x120x128xf32, #tpu.memory_space<vmem>>
        %dma_start3A_103 = tpu.memref_squeeze %dma_start3A_102 : memref<1x120x128xf32, #tpu.memory_space<vmem>> -> memref<120x128xf32, #tpu.memory_space<vmem>>
        %dma_start3A_104 = arith.constant 0 : i32
        %dma_start3A_105 = tpu.memref_slice %arg12[%add3A_97, %dma_start3A_104] : memref<10240x128xf32, #tpu.memory_space<vmem_shared>> -> memref<120x128xf32, #tpu.memory_space<vmem_shared>>
        %dma_start3A_106 = arith.constant 0 : i32
        %dma_start3A_107 = tpu.memref_slice %arg12[%add3A_97, %dma_start3A_106] : memref<10240x128xf32, #tpu.memory_space<vmem_shared>> -> memref<120x128xf32, #tpu.memory_space<vmem_shared>>
        %dma_start3A_108 = arith.constant 0 : i32
        %dma_start3A_109 = arith.constant 0 : i32
        %dma_start3A_110 = tpu.memref_slice %arg11[%run_scoped3A_98, %dma_start3A_108, %dma_start3A_109] : memref<2x125x128xf32, #tpu.memory_space<vmem>> -> memref<1x120x128xf32, #tpu.memory_space<vmem>>
        %dma_start3A_111 = tpu.memref_squeeze %dma_start3A_110 : memref<1x120x128xf32, #tpu.memory_space<vmem>> -> memref<120x128xf32, #tpu.memory_space<vmem>>
        tpu.enqueue_dma source(%dma_start3A_111 : memref<120x128xf32, #tpu.memory_space<vmem>>) target(%dma_start3A_107 : memref<120x128xf32, #tpu.memory_space<vmem_shared>>) target_semaphore(%run_scoped3A_99 : memref<!tpu.dma_semaphore, #tpu.memory_space<semaphore_mem>>)
        %dma_wait3A_112 = arith.constant 0 : i32
        %dma_wait3A_113 = arith.constant 0 : i32
        %dma_wait3A_114 = tpu.memref_slice %arg11[%run_scoped3A_98, %dma_wait3A_112, %dma_wait3A_113] : memref<2x125x128xf32, #tpu.memory_space<vmem>> -> memref<1x120x128xf32, #tpu.memory_space<vmem>>
        %dma_wait3A_115 = tpu.memref_squeeze %dma_wait3A_114 : memref<1x120x128xf32, #tpu.memory_space<vmem>> -> memref<120x128xf32, #tpu.memory_space<vmem>>
        %dma_wait3A_116 = arith.constant 0 : i32
        %dma_wait3A_117 = tpu.memref_slice %arg12[%add3A_97, %dma_wait3A_116] : memref<10240x128xf32, #tpu.memory_space<vmem_shared>> -> memref<120x128xf32, #tpu.memory_space<vmem_shared>>
        %dma_wait3A_118 = arith.constant 0 : i32
        %dma_wait3A_119 = tpu.memref_slice %arg12[%add3A_97, %dma_wait3A_118] : memref<10240x128xf32, #tpu.memory_space<vmem_shared>> -> memref<120x128xf32, #tpu.memory_space<vmem_shared>>
        %dma_wait3A_120 = arith.constant 0 : i32
        %dma_wait3A_121 = arith.constant 0 : i32
        %dma_wait3A_122 = tpu.memref_slice %arg11[%run_scoped3A_98, %dma_wait3A_120, %dma_wait3A_121] : memref<2x125x128xf32, #tpu.memory_space<vmem>> -> memref<1x120x128xf32, #tpu.memory_space<vmem>>
        %dma_wait3A_123 = tpu.memref_squeeze %dma_wait3A_122 : memref<1x120x128xf32, #tpu.memory_space<vmem>> -> memref<120x128xf32, #tpu.memory_space<vmem>>
        tpu.wait_dma2 semaphore(%run_scoped3A_99 : memref<!tpu.dma_semaphore, #tpu.memory_space<semaphore_mem>>) src(%dma_wait3A_123 : memref<120x128xf32, #tpu.memory_space<vmem>>) dst(%dma_wait3A_119 : memref<120x128xf32, #tpu.memory_space<vmem_shared>>)
        tpu.yield
      }) : () -> ()
    }
    %scan3A_40 = arith.constant 5 : i32
    %mul3A_41 = arith.constant 640 : i32
    %mul3A_42 = arith.muli %arg1, %mul3A_41 : i32
    %add3A_43 = arith.constant 600 : i32
    %add3A_44 = arith.addi %mul3A_42, %add3A_43 : i32
    %run_scoped3A_45 = arith.constant 1 : i32
    "tpu.region"() ({
      %run_scoped3A_88 = tpu.sem_alloc : memref<!tpu.dma_semaphore, #tpu.memory_space<semaphore_mem>>
      %dma_start3A_89 = arith.constant 0 : i32
      %dma_start3A_90 = arith.constant 0 : i32
      %dma_start3A_91 = tpu.memref_slice %arg11[%run_scoped3A_45, %dma_start3A_89, %dma_start3A_90] : memref<2x125x128xf32, #tpu.memory_space<vmem>> -> memref<1x40x128xf32, #tpu.memory_space<vmem>>
      %dma_start3A_92 = tpu.memref_squeeze %dma_start3A_91 : memref<1x40x128xf32, #tpu.memory_space<vmem>> -> memref<40x128xf32, #tpu.memory_space<vmem>>
      %dma_start3A_93 = arith.constant 0 : i32
      %dma_start3A_94 = tpu.memref_slice %arg12[%add3A_44, %dma_start3A_93] : memref<10240x128xf32, #tpu.memory_space<vmem_shared>> -> memref<40x128xf32, #tpu.memory_space<vmem_shared>>
      %dma_start3A_95 = arith.constant 0 : i32
      %dma_start3A_96 = tpu.memref_slice %arg12[%add3A_44, %dma_start3A_95] : memref<10240x128xf32, #tpu.memory_space<vmem_shared>> -> memref<40x128xf32, #tpu.memory_space<vmem_shared>>
      %dma_start3A_97 = arith.constant 0 : i32
      %dma_start3A_98 = arith.constant 0 : i32
      %dma_start3A_99 = tpu.memref_slice %arg11[%run_scoped3A_45, %dma_start3A_97, %dma_start3A_98] : memref<2x125x128xf32, #tpu.memory_space<vmem>> -> memref<1x40x128xf32, #tpu.memory_space<vmem>>
      %dma_start3A_100 = tpu.memref_squeeze %dma_start3A_99 : memref<1x40x128xf32, #tpu.memory_space<vmem>> -> memref<40x128xf32, #tpu.memory_space<vmem>>
      tpu.enqueue_dma source(%dma_start3A_100 : memref<40x128xf32, #tpu.memory_space<vmem>>) target(%dma_start3A_96 : memref<40x128xf32, #tpu.memory_space<vmem_shared>>) target_semaphore(%run_scoped3A_88 : memref<!tpu.dma_semaphore, #tpu.memory_space<semaphore_mem>>)
      %dma_wait3A_101 = arith.constant 0 : i32
      %dma_wait3A_102 = arith.constant 0 : i32
      %dma_wait3A_103 = tpu.memref_slice %arg11[%run_scoped3A_45, %dma_wait3A_101, %dma_wait3A_102] : memref<2x125x128xf32, #tpu.memory_space<vmem>> -> memref<1x40x128xf32, #tpu.memory_space<vmem>>
      %dma_wait3A_104 = tpu.memref_squeeze %dma_wait3A_103 : memref<1x40x128xf32, #tpu.memory_space<vmem>> -> memref<40x128xf32, #tpu.memory_space<vmem>>
      %dma_wait3A_105 = arith.constant 0 : i32
      %dma_wait3A_106 = tpu.memref_slice %arg12[%add3A_44, %dma_wait3A_105] : memref<10240x128xf32, #tpu.memory_space<vmem_shared>> -> memref<40x128xf32, #tpu.memory_space<vmem_shared>>
      %dma_wait3A_107 = arith.constant 0 : i32
      %dma_wait3A_108 = tpu.memref_slice %arg12[%add3A_44, %dma_wait3A_107] : memref<10240x128xf32, #tpu.memory_space<vmem_shared>> -> memref<40x128xf32, #tpu.memory_space<vmem_shared>>
      %dma_wait3A_109 = arith.constant 0 : i32
      %dma_wait3A_110 = arith.constant 0 : i32
      %dma_wait3A_111 = tpu.memref_slice %arg11[%run_scoped3A_45, %dma_wait3A_109, %dma_wait3A_110] : memref<2x125x128xf32, #tpu.memory_space<vmem>> -> memref<1x40x128xf32, #tpu.memory_space<vmem>>
      %dma_wait3A_112 = tpu.memref_squeeze %dma_wait3A_111 : memref<1x40x128xf32, #tpu.memory_space<vmem>> -> memref<40x128xf32, #tpu.memory_space<vmem>>
      tpu.wait_dma2 semaphore(%run_scoped3A_88 : memref<!tpu.dma_semaphore, #tpu.memory_space<semaphore_mem>>) src(%dma_wait3A_112 : memref<40x128xf32, #tpu.memory_space<vmem>>) dst(%dma_wait3A_108 : memref<40x128xf32, #tpu.memory_space<vmem_shared>>)
      tpu.yield
    }) : () -> ()
    %barrier3A = arith.constant 0 : index
    tpu.barrier barrier_id(%barrier3A)
    %scan3A_46 = arith.constant 0 : i32
    %scan3A_47 = arith.constant 5 : i32
    %scan3A_48 = arith.addi %scan3A_46, %scan3A_47 : i32
    %scan3A_49 = arith.constant 1 : i32
    scf.for %scan3A_88 = %scan3A_46 to %scan3A_48 step %scan3A_49  : i32 {
      %mul3A_89 = arith.constant 1 : i32
      %mul3A_90 = arith.muli %scan3A_88, %mul3A_89 : i32
      %add3A_91 = arith.constant 0 : i32
      %add3A_92 = arith.addi %add3A_91, %mul3A_90 : i32
      %dma_wait3A_93 = arith.constant 0 : i32
      %dma_wait3A_94 = arith.constant 0 : i32
      %dma_wait3A_95 = arith.constant 0 : i32
      %dma_wait3A_96 = arith.constant 0 : i32
      %dma_wait3A_97 = tpu.memref_slice %arg11[%dma_wait3A_94, %dma_wait3A_95, %dma_wait3A_96] : memref<2x125x128xf32, #tpu.memory_space<vmem>> -> memref<1x125x128xf32, #tpu.memory_space<vmem>>
      %dma_wait3A_98 = tpu.memref_squeeze %dma_wait3A_97 : memref<1x125x128xf32, #tpu.memory_space<vmem>> -> memref<125x128xf32, #tpu.memory_space<vmem>>
      %dma_wait3A_99 = arith.constant 0 : i32
      %dma_wait3A_100 = tpu.memref_slice %arg7[%dma_wait3A_93, %dma_wait3A_99] : memref<8x125xi32, #tpu.memory_space<vmem>> -> memref<1x125xi32, #tpu.memory_space<vmem>>
      %dma_wait3A_101 = tpu.memref_squeeze %dma_wait3A_100 : memref<1x125xi32, #tpu.memory_space<vmem>> -> memref<125xi32, #tpu.memory_space<vmem>>
      %dma_wait3A_102 = arith.constant 0 : i32
      %dma_wait3A_103 = arith.constant 0 : i32
      %dma_wait3A_104 = tpu.memref_slice %arg2[%dma_wait3A_102, %dma_wait3A_103] : memref<10000x128xf32, #tpu.memory_space<hbm>> -> memref<10000x128xf32, #tpu.memory_space<hbm>>
      tpu.wait_indirect_dma semaphore(%arg13 : memref<!tpu.dma_semaphore, #tpu.memory_space<semaphore_mem>>) src(%dma_wait3A_104 : memref<10000x128xf32, #tpu.memory_space<hbm>>) dst(%dma_wait3A_98 : memref<125x128xf32, #tpu.memory_space<vmem>>)
      %dma_start3A_105 = arith.constant 1 : i32
      %dma_start3A_106 = arith.constant 1 : i32
      %dma_start3A_107 = arith.constant 0 : i32
      %dma_start3A_108 = arith.constant 0 : i32
      %dma_start3A_109 = tpu.memref_slice %arg11[%dma_start3A_106, %dma_start3A_107, %dma_start3A_108] : memref<2x125x128xf32, #tpu.memory_space<vmem>> -> memref<1x125x128xf32, #tpu.memory_space<vmem>>
      %dma_start3A_110 = tpu.memref_squeeze %dma_start3A_109 : memref<1x125x128xf32, #tpu.memory_space<vmem>> -> memref<125x128xf32, #tpu.memory_space<vmem>>
      %dma_start3A_111 = arith.constant 0 : i32
      %dma_start3A_112 = tpu.memref_slice %arg7[%dma_start3A_105, %dma_start3A_111] : memref<8x125xi32, #tpu.memory_space<vmem>> -> memref<1x125xi32, #tpu.memory_space<vmem>>
      %dma_start3A_113 = tpu.memref_squeeze %dma_start3A_112 : memref<1x125xi32, #tpu.memory_space<vmem>> -> memref<125xi32, #tpu.memory_space<vmem>>
      %dma_start3A_114 = arith.constant 0 : i32
      %dma_start3A_115 = arith.constant 0 : i32
      %dma_start3A_116 = tpu.memref_slice %arg2[%dma_start3A_114, %dma_start3A_115] : memref<10000x128xf32, #tpu.memory_space<hbm>> -> memref<10000x128xf32, #tpu.memory_space<hbm>>
      tpu.enqueue_indirect_dma source(%dma_start3A_116 : memref<10000x128xf32, #tpu.memory_space<hbm>>) target(%dma_start3A_110 : memref<125x128xf32, #tpu.memory_space<vmem>>) offsets(%dma_start3A_113 : memref<125xi32, #tpu.memory_space<vmem>>) semaphore(%arg14 : memref<!tpu.dma_semaphore, #tpu.memory_space<semaphore_mem>>)
      %run_scoped3A_117 = arith.constant 0 : i32
      %run_scoped3A_118 = arith.constant 0 : i32
      "tpu.region"() ({
        %run_scoped3A_588 = tpu.sem_alloc : memref<!tpu.dma_semaphore, #tpu.memory_space<semaphore_mem>>
        %dma_start3A_589 = arith.constant 0 : i32
        %dma_start3A_590 = arith.constant 0 : i32
        %dma_start3A_591 = tpu.memref_slice %arg11[%run_scoped3A_117, %dma_start3A_589, %dma_start3A_590] : memref<2x125x128xf32, #tpu.memory_space<vmem>> -> memref<1x125x128xf32, #tpu.memory_space<vmem>>
        %dma_start3A_592 = tpu.memref_squeeze %dma_start3A_591 : memref<1x125x128xf32, #tpu.memory_space<vmem>> -> memref<125x128xf32, #tpu.memory_space<vmem>>
        %dma_start3A_593 = arith.constant 0 : i32
        %dma_start3A_594 = tpu.memref_slice %arg9[%run_scoped3A_118, %dma_start3A_593] : memref<8x125xi32, #tpu.memory_space<vmem>> -> memref<1x125xi32, #tpu.memory_space<vmem>>
        %dma_start3A_595 = tpu.memref_squeeze %dma_start3A_594 : memref<1x125xi32, #tpu.memory_space<vmem>> -> memref<125xi32, #tpu.memory_space<vmem>>
        %dma_start3A_596 = arith.constant 0 : i32
        %dma_start3A_597 = arith.constant 0 : i32
        %dma_start3A_598 = tpu.memref_slice %arg12[%dma_start3A_596, %dma_start3A_597] : memref<10240x128xf32, #tpu.memory_space<vmem_shared>> -> memref<10240x128xf32, #tpu.memory_space<vmem_shared>>
        tpu.enqueue_indirect_dma source(%dma_start3A_592 : memref<125x128xf32, #tpu.memory_space<vmem>>) target(%dma_start3A_598 : memref<10240x128xf32, #tpu.memory_space<vmem_shared>>) offsets(%dma_start3A_595 : memref<125xi32, #tpu.memory_space<vmem>>) semaphore(%run_scoped3A_588 : memref<!tpu.dma_semaphore, #tpu.memory_space<semaphore_mem>>) {add = true}
        %dma_wait3A_599 = arith.constant 0 : i32
        %dma_wait3A_600 = arith.constant 0 : i32
        %dma_wait3A_601 = tpu.memref_slice %arg11[%run_scoped3A_117, %dma_wait3A_599, %dma_wait3A_600] : memref<2x125x128xf32, #tpu.memory_space<vmem>> -> memref<1x125x128xf32, #tpu.memory_space<vmem>>
        %dma_wait3A_602 = tpu.memref_squeeze %dma_wait3A_601 : memref<1x125x128xf32, #tpu.memory_space<vmem>> -> memref<125x128xf32, #tpu.memory_space<vmem>>
        %dma_wait3A_603 = arith.constant 0 : i32
        %dma_wait3A_604 = tpu.memref_slice %arg9[%run_scoped3A_118, %dma_wait3A_603] : memref<8x125xi32, #tpu.memory_space<vmem>> -> memref<1x125xi32, #tpu.memory_space<vmem>>
        %dma_wait3A_605 = tpu.memref_squeeze %dma_wait3A_604 : memref<1x125xi32, #tpu.memory_space<vmem>> -> memref<125xi32, #tpu.memory_space<vmem>>
        %dma_wait3A_606 = arith.constant 0 : i32
        %dma_wait3A_607 = arith.constant 0 : i32
        %dma_wait3A_608 = tpu.memref_slice %arg12[%dma_wait3A_606, %dma_wait3A_607] : memref<10240x128xf32, #tpu.memory_space<vmem_shared>> -> memref<10240x128xf32, #tpu.memory_space<vmem_shared>>
        tpu.wait_indirect_dma semaphore(%run_scoped3A_588 : memref<!tpu.dma_semaphore, #tpu.memory_space<semaphore_mem>>) src(%dma_wait3A_602 : memref<125x128xf32, #tpu.memory_space<vmem>>) dst(%dma_wait3A_608 : memref<10240x128xf32, #tpu.memory_space<vmem_shared>>)
        tpu.yield
      }) : () -> ()
      %dma_wait3A_119 = arith.constant 1 : i32
      %dma_wait3A_120 = arith.constant 1 : i32
      %dma_wait3A_121 = arith.constant 0 : i32
      %dma_wait3A_122 = arith.constant 0 : i32
      %dma_wait3A_123 = tpu.memref_slice %arg11[%dma_wait3A_120, %dma_wait3A_121, %dma_wait3A_122] : memref<2x125x128xf32, #tpu.memory_space<vmem>> -> memref<1x125x128xf32, #tpu.memory_space<vmem>>
      %dma_wait3A_124 = tpu.memref_squeeze %dma_wait3A_123 : memref<1x125x128xf32, #tpu.memory_space<vmem>> -> memref<125x128xf32, #tpu.memory_space<vmem>>
      %dma_wait3A_125 = arith.constant 0 : i32
      %dma_wait3A_126 = tpu.memref_slice %arg7[%dma_wait3A_119, %dma_wait3A_125] : memref<8x125xi32, #tpu.memory_space<vmem>> -> memref<1x125xi32, #tpu.memory_space<vmem>>
      %dma_wait3A_127 = tpu.memref_squeeze %dma_wait3A_126 : memref<1x125xi32, #tpu.memory_space<vmem>> -> memref<125xi32, #tpu.memory_space<vmem>>
      %dma_wait3A_128 = arith.constant 0 : i32
      %dma_wait3A_129 = arith.constant 0 : i32
      %dma_wait3A_130 = tpu.memref_slice %arg2[%dma_wait3A_128, %dma_wait3A_129] : memref<10000x128xf32, #tpu.memory_space<hbm>> -> memref<10000x128xf32, #tpu.memory_space<hbm>>
      tpu.wait_indirect_dma semaphore(%arg14 : memref<!tpu.dma_semaphore, #tpu.memory_space<semaphore_mem>>) src(%dma_wait3A_130 : memref<10000x128xf32, #tpu.memory_space<hbm>>) dst(%dma_wait3A_124 : memref<125x128xf32, #tpu.memory_space<vmem>>)
      %dma_start3A_131 = arith.constant 2 : i32
      %dma_start3A_132 = arith.constant 0 : i32
      %dma_start3A_133 = arith.constant 0 : i32
      %dma_start3A_134 = arith.constant 0 : i32
      %dma_start3A_135 = tpu.memref_slice %arg11[%dma_start3A_132, %dma_start3A_133, %dma_start3A_134] : memref<2x125x128xf32, #tpu.memory_space<vmem>> -> memref<1x125x128xf32, #tpu.memory_space<vmem>>
      %dma_start3A_136 = tpu.memref_squeeze %dma_start3A_135 : memref<1x125x128xf32, #tpu.memory_space<vmem>> -> memref<125x128xf32, #tpu.memory_space<vmem>>
      %dma_start3A_137 = arith.constant 0 : i32
      %dma_start3A_138 = tpu.memref_slice %arg7[%dma_start3A_131, %dma_start3A_137] : memref<8x125xi32, #tpu.memory_space<vmem>> -> memref<1x125xi32, #tpu.memory_space<vmem>>
      %dma_start3A_139 = tpu.memref_squeeze %dma_start3A_138 : memref<1x125xi32, #tpu.memory_space<vmem>> -> memref<125xi32, #tpu.memory_space<vmem>>
      %dma_start3A_140 = arith.constant 0 : i32
      %dma_start3A_141 = arith.constant 0 : i32
      %dma_start3A_142 = tpu.memref_slice %arg2[%dma_start3A_140, %dma_start3A_141] : memref<10000x128xf32, #tpu.memory_space<hbm>> -> memref<10000x128xf32, #tpu.memory_space<hbm>>
      tpu.enqueue_indirect_dma source(%dma_start3A_142 : memref<10000x128xf32, #tpu.memory_space<hbm>>) target(%dma_start3A_136 : memref<125x128xf32, #tpu.memory_space<vmem>>) offsets(%dma_start3A_139 : memref<125xi32, #tpu.memory_space<vmem>>) semaphore(%arg13 : memref<!tpu.dma_semaphore, #tpu.memory_space<semaphore_mem>>)
      %run_scoped3A_143 = arith.constant 1 : i32
      %run_scoped3A_144 = arith.constant 1 : i32
      "tpu.region"() ({
        %run_scoped3A_588 = tpu.sem_alloc : memref<!tpu.dma_semaphore, #tpu.memory_space<semaphore_mem>>
        %dma_start3A_589 = arith.constant 0 : i32
        %dma_start3A_590 = arith.constant 0 : i32
        %dma_start3A_591 = tpu.memref_slice %arg11[%run_scoped3A_143, %dma_start3A_589, %dma_start3A_590] : memref<2x125x128xf32, #tpu.memory_space<vmem>> -> memref<1x125x128xf32, #tpu.memory_space<vmem>>
        %dma_start3A_592 = tpu.memref_squeeze %dma_start3A_591 : memref<1x125x128xf32, #tpu.memory_space<vmem>> -> memref<125x128xf32, #tpu.memory_space<vmem>>
        %dma_start3A_593 = arith.constant 0 : i32
        %dma_start3A_594 = tpu.memref_slice %arg9[%run_scoped3A_144, %dma_start3A_593] : memref<8x125xi32, #tpu.memory_space<vmem>> -> memref<1x125xi32, #tpu.memory_space<vmem>>
        %dma_start3A_595 = tpu.memref_squeeze %dma_start3A_594 : memref<1x125xi32, #tpu.memory_space<vmem>> -> memref<125xi32, #tpu.memory_space<vmem>>
        %dma_start3A_596 = arith.constant 0 : i32
        %dma_start3A_597 = arith.constant 0 : i32
        %dma_start3A_598 = tpu.memref_slice %arg12[%dma_start3A_596, %dma_start3A_597] : memref<10240x128xf32, #tpu.memory_space<vmem_shared>> -> memref<10240x128xf32, #tpu.memory_space<vmem_shared>>
        tpu.enqueue_indirect_dma source(%dma_start3A_592 : memref<125x128xf32, #tpu.memory_space<vmem>>) target(%dma_start3A_598 : memref<10240x128xf32, #tpu.memory_space<vmem_shared>>) offsets(%dma_start3A_595 : memref<125xi32, #tpu.memory_space<vmem>>) semaphore(%run_scoped3A_588 : memref<!tpu.dma_semaphore, #tpu.memory_space<semaphore_mem>>) {add = true}
        %dma_wait3A_599 = arith.constant 0 : i32
        %dma_wait3A_600 = arith.constant 0 : i32
        %dma_wait3A_601 = tpu.memref_slice %arg11[%run_scoped3A_143, %dma_wait3A_599, %dma_wait3A_600] : memref<2x125x128xf32, #tpu.memory_space<vmem>> -> memref<1x125x128xf32, #tpu.memory_space<vmem>>
        %dma_wait3A_602 = tpu.memref_squeeze %dma_wait3A_601 : memref<1x125x128xf32, #tpu.memory_space<vmem>> -> memref<125x128xf32, #tpu.memory_space<vmem>>
        %dma_wait3A_603 = arith.constant 0 : i32
        %dma_wait3A_604 = tpu.memref_slice %arg9[%run_scoped3A_144, %dma_wait3A_603] : memref<8x125xi32, #tpu.memory_space<vmem>> -> memref<1x125xi32, #tpu.memory_space<vmem>>
        %dma_wait3A_605 = tpu.memref_squeeze %dma_wait3A_604 : memref<1x125xi32, #tpu.memory_space<vmem>> -> memref<125xi32, #tpu.memory_space<vmem>>
        %dma_wait3A_606 = arith.constant 0 : i32
        %dma_wait3A_607 = arith.constant 0 : i32
        %dma_wait3A_608 = tpu.memref_slice %arg12[%dma_wait3A_606, %dma_wait3A_607] : memref<10240x128xf32, #tpu.memory_space<vmem_shared>> -> memref<10240x128xf32, #tpu.memory_space<vmem_shared>>
        tpu.wait_indirect_dma semaphore(%run_scoped3A_588 : memref<!tpu.dma_semaphore, #tpu.memory_space<semaphore_mem>>) src(%dma_wait3A_602 : memref<125x128xf32, #tpu.memory_space<vmem>>) dst(%dma_wait3A_608 : memref<10240x128xf32, #tpu.memory_space<vmem_shared>>)
        tpu.yield
      }) : () -> ()
      %dma_wait3A_145 = arith.constant 2 : i32
      %dma_wait3A_146 = arith.constant 0 : i32
      %dma_wait3A_147 = arith.constant 0 : i32
      %dma_wait3A_148 = arith.constant 0 : i32
      %dma_wait3A_149 = tpu.memref_slice %arg11[%dma_wait3A_146, %dma_wait3A_147, %dma_wait3A_148] : memref<2x125x128xf32, #tpu.memory_space<vmem>> -> memref<1x125x128xf32, #tpu.memory_space<vmem>>
      %dma_wait3A_150 = tpu.memref_squeeze %dma_wait3A_149 : memref<1x125x128xf32, #tpu.memory_space<vmem>> -> memref<125x128xf32, #tpu.memory_space<vmem>>
      %dma_wait3A_151 = arith.constant 0 : i32
      %dma_wait3A_152 = tpu.memref_slice %arg7[%dma_wait3A_145, %dma_wait3A_151] : memref<8x125xi32, #tpu.memory_space<vmem>> -> memref<1x125xi32, #tpu.memory_space<vmem>>
      %dma_wait3A_153 = tpu.memref_squeeze %dma_wait3A_152 : memref<1x125xi32, #tpu.memory_space<vmem>> -> memref<125xi32, #tpu.memory_space<vmem>>
      %dma_wait3A_154 = arith.constant 0 : i32
      %dma_wait3A_155 = arith.constant 0 : i32
      %dma_wait3A_156 = tpu.memref_slice %arg2[%dma_wait3A_154, %dma_wait3A_155] : memref<10000x128xf32, #tpu.memory_space<hbm>> -> memref<10000x128xf32, #tpu.memory_space<hbm>>
      tpu.wait_indirect_dma semaphore(%arg13 : memref<!tpu.dma_semaphore, #tpu.memory_space<semaphore_mem>>) src(%dma_wait3A_156 : memref<10000x128xf32, #tpu.memory_space<hbm>>) dst(%dma_wait3A_150 : memref<125x128xf32, #tpu.memory_space<vmem>>)
      %dma_start3A_157 = arith.constant 3 : i32
      %dma_start3A_158 = arith.constant 1 : i32
      %dma_start3A_159 = arith.constant 0 : i32
      %dma_start3A_160 = arith.constant 0 : i32
      %dma_start3A_161 = tpu.memref_slice %arg11[%dma_start3A_158, %dma_start3A_159, %dma_start3A_160] : memref<2x125x128xf32, #tpu.memory_space<vmem>> -> memref<1x125x128xf32, #tpu.memory_space<vmem>>
      %dma_start3A_162 = tpu.memref_squeeze %dma_start3A_161 : memref<1x125x128xf32, #tpu.memory_space<vmem>> -> memref<125x128xf32, #tpu.memory_space<vmem>>
      %dma_start3A_163 = arith.constant 0 : i32
      %dma_start3A_164 = tpu.memref_slice %arg7[%dma_start3A_157, %dma_start3A_163] : memref<8x125xi32, #tpu.memory_space<vmem>> -> memref<1x125xi32, #tpu.memory_space<vmem>>
      %dma_start3A_165 = tpu.memref_squeeze %dma_start3A_164 : memref<1x125xi32, #tpu.memory_space<vmem>> -> memref<125xi32, #tpu.memory_space<vmem>>
      %dma_start3A_166 = arith.constant 0 : i32
      %dma_start3A_167 = arith.constant 0 : i32
      %dma_start3A_168 = tpu.memref_slice %arg2[%dma_start3A_166, %dma_start3A_167] : memref<10000x128xf32, #tpu.memory_space<hbm>> -> memref<10000x128xf32, #tpu.memory_space<hbm>>
      tpu.enqueue_indirect_dma source(%dma_start3A_168 : memref<10000x128xf32, #tpu.memory_space<hbm>>) target(%dma_start3A_162 : memref<125x128xf32, #tpu.memory_space<vmem>>) offsets(%dma_start3A_165 : memref<125xi32, #tpu.memory_space<vmem>>) semaphore(%arg14 : memref<!tpu.dma_semaphore, #tpu.memory_space<semaphore_mem>>)
      %run_scoped3A_169 = arith.constant 0 : i32
      %run_scoped3A_170 = arith.constant 2 : i32
      "tpu.region"() ({
        %run_scoped3A_588 = tpu.sem_alloc : memref<!tpu.dma_semaphore, #tpu.memory_space<semaphore_mem>>
        %dma_start3A_589 = arith.constant 0 : i32
        %dma_start3A_590 = arith.constant 0 : i32
        %dma_start3A_591 = tpu.memref_slice %arg11[%run_scoped3A_169, %dma_start3A_589, %dma_start3A_590] : memref<2x125x128xf32, #tpu.memory_space<vmem>> -> memref<1x125x128xf32, #tpu.memory_space<vmem>>
        %dma_start3A_592 = tpu.memref_squeeze %dma_start3A_591 : memref<1x125x128xf32, #tpu.memory_space<vmem>> -> memref<125x128xf32, #tpu.memory_space<vmem>>
        %dma_start3A_593 = arith.constant 0 : i32
        %dma_start3A_594 = tpu.memref_slice %arg9[%run_scoped3A_170, %dma_start3A_593] : memref<8x125xi32, #tpu.memory_space<vmem>> -> memref<1x125xi32, #tpu.memory_space<vmem>>
        %dma_start3A_595 = tpu.memref_squeeze %dma_start3A_594 : memref<1x125xi32, #tpu.memory_space<vmem>> -> memref<125xi32, #tpu.memory_space<vmem>>
        %dma_start3A_596 = arith.constant 0 : i32
        %dma_start3A_597 = arith.constant 0 : i32
        %dma_start3A_598 = tpu.memref_slice %arg12[%dma_start3A_596, %dma_start3A_597] : memref<10240x128xf32, #tpu.memory_space<vmem_shared>> -> memref<10240x128xf32, #tpu.memory_space<vmem_shared>>
        tpu.enqueue_indirect_dma source(%dma_start3A_592 : memref<125x128xf32, #tpu.memory_space<vmem>>) target(%dma_start3A_598 : memref<10240x128xf32, #tpu.memory_space<vmem_shared>>) offsets(%dma_start3A_595 : memref<125xi32, #tpu.memory_space<vmem>>) semaphore(%run_scoped3A_588 : memref<!tpu.dma_semaphore, #tpu.memory_space<semaphore_mem>>) {add = true}
        %dma_wait3A_599 = arith.constant 0 : i32
        %dma_wait3A_600 = arith.constant 0 : i32
        %dma_wait3A_601 = tpu.memref_slice %arg11[%run_scoped3A_169, %dma_wait3A_599, %dma_wait3A_600] : memref<2x125x128xf32, #tpu.memory_space<vmem>> -> memref<1x125x128xf32, #tpu.memory_space<vmem>>
        %dma_wait3A_602 = tpu.memref_squeeze %dma_wait3A_601 : memref<1x125x128xf32, #tpu.memory_space<vmem>> -> memref<125x128xf32, #tpu.memory_space<vmem>>
        %dma_wait3A_603 = arith.constant 0 : i32
        %dma_wait3A_604 = tpu.memref_slice %arg9[%run_scoped3A_170, %dma_wait3A_603] : memref<8x125xi32, #tpu.memory_space<vmem>> -> memref<1x125xi32, #tpu.memory_space<vmem>>
        %dma_wait3A_605 = tpu.memref_squeeze %dma_wait3A_604 : memref<1x125xi32, #tpu.memory_space<vmem>> -> memref<125xi32, #tpu.memory_space<vmem>>
        %dma_wait3A_606 = arith.constant 0 : i32
        %dma_wait3A_607 = arith.constant 0 : i32
        %dma_wait3A_608 = tpu.memref_slice %arg12[%dma_wait3A_606, %dma_wait3A_607] : memref<10240x128xf32, #tpu.memory_space<vmem_shared>> -> memref<10240x128xf32, #tpu.memory_space<vmem_shared>>
        tpu.wait_indirect_dma semaphore(%run_scoped3A_588 : memref<!tpu.dma_semaphore, #tpu.memory_space<semaphore_mem>>) src(%dma_wait3A_602 : memref<125x128xf32, #tpu.memory_space<vmem>>) dst(%dma_wait3A_608 : memref<10240x128xf32, #tpu.memory_space<vmem_shared>>)
        tpu.yield
      }) : () -> ()
      %dma_wait3A_171 = arith.constant 3 : i32
      %dma_wait3A_172 = arith.constant 1 : i32
      %dma_wait3A_173 = arith.constant 0 : i32
      %dma_wait3A_174 = arith.constant 0 : i32
      %dma_wait3A_175 = tpu.memref_slice %arg11[%dma_wait3A_172, %dma_wait3A_173, %dma_wait3A_174] : memref<2x125x128xf32, #tpu.memory_space<vmem>> -> memref<1x125x128xf32, #tpu.memory_space<vmem>>
      %dma_wait3A_176 = tpu.memref_squeeze %dma_wait3A_175 : memref<1x125x128xf32, #tpu.memory_space<vmem>> -> memref<125x128xf32, #tpu.memory_space<vmem>>
      %dma_wait3A_177 = arith.constant 0 : i32
      %dma_wait3A_178 = tpu.memref_slice %arg7[%dma_wait3A_171, %dma_wait3A_177] : memref<8x125xi32, #tpu.memory_space<vmem>> -> memref<1x125xi32, #tpu.memory_space<vmem>>
      %dma_wait3A_179 = tpu.memref_squeeze %dma_wait3A_178 : memref<1x125xi32, #tpu.memory_space<vmem>> -> memref<125xi32, #tpu.memory_space<vmem>>
      %dma_wait3A_180 = arith.constant 0 : i32
      %dma_wait3A_181 = arith.constant 0 : i32
      %dma_wait3A_182 = tpu.memref_slice %arg2[%dma_wait3A_180, %dma_wait3A_181] : memref<10000x128xf32, #tpu.memory_space<hbm>> -> memref<10000x128xf32, #tpu.memory_space<hbm>>
      tpu.wait_indirect_dma semaphore(%arg14 : memref<!tpu.dma_semaphore, #tpu.memory_space<semaphore_mem>>) src(%dma_wait3A_182 : memref<10000x128xf32, #tpu.memory_space<hbm>>) dst(%dma_wait3A_176 : memref<125x128xf32, #tpu.memory_space<vmem>>)
      %dma_start3A_183 = arith.constant 4 : i32
      %dma_start3A_184 = arith.constant 0 : i32
      %dma_start3A_185 = arith.constant 0 : i32
      %dma_start3A_186 = arith.constant 0 : i32
      %dma_start3A_187 = tpu.memref_slice %arg11[%dma_start3A_184, %dma_start3A_185, %dma_start3A_186] : memref<2x125x128xf32, #tpu.memory_space<vmem>> -> memref<1x125x128xf32, #tpu.memory_space<vmem>>
      %dma_start3A_188 = tpu.memref_squeeze %dma_start3A_187 : memref<1x125x128xf32, #tpu.memory_space<vmem>> -> memref<125x128xf32, #tpu.memory_space<vmem>>
      %dma_start3A_189 = arith.constant 0 : i32
      %dma_start3A_190 = tpu.memref_slice %arg7[%dma_start3A_183, %dma_start3A_189] : memref<8x125xi32, #tpu.memory_space<vmem>> -> memref<1x125xi32, #tpu.memory_space<vmem>>
      %dma_start3A_191 = tpu.memref_squeeze %dma_start3A_190 : memref<1x125xi32, #tpu.memory_space<vmem>> -> memref<125xi32, #tpu.memory_space<vmem>>
      %dma_start3A_192 = arith.constant 0 : i32
      %dma_start3A_193 = arith.constant 0 : i32
      %dma_start3A_194 = tpu.memref_slice %arg2[%dma_start3A_192, %dma_start3A_193] : memref<10000x128xf32, #tpu.memory_space<hbm>> -> memref<10000x128xf32, #tpu.memory_space<hbm>>
      tpu.enqueue_indirect_dma source(%dma_start3A_194 : memref<10000x128xf32, #tpu.memory_space<hbm>>) target(%dma_start3A_188 : memref<125x128xf32, #tpu.memory_space<vmem>>) offsets(%dma_start3A_191 : memref<125xi32, #tpu.memory_space<vmem>>) semaphore(%arg13 : memref<!tpu.dma_semaphore, #tpu.memory_space<semaphore_mem>>)
      %run_scoped3A_195 = arith.constant 1 : i32
      %run_scoped3A_196 = arith.constant 3 : i32
      "tpu.region"() ({
        %run_scoped3A_588 = tpu.sem_alloc : memref<!tpu.dma_semaphore, #tpu.memory_space<semaphore_mem>>
        %dma_start3A_589 = arith.constant 0 : i32
        %dma_start3A_590 = arith.constant 0 : i32
        %dma_start3A_591 = tpu.memref_slice %arg11[%run_scoped3A_195, %dma_start3A_589, %dma_start3A_590] : memref<2x125x128xf32, #tpu.memory_space<vmem>> -> memref<1x125x128xf32, #tpu.memory_space<vmem>>
        %dma_start3A_592 = tpu.memref_squeeze %dma_start3A_591 : memref<1x125x128xf32, #tpu.memory_space<vmem>> -> memref<125x128xf32, #tpu.memory_space<vmem>>
        %dma_start3A_593 = arith.constant 0 : i32
        %dma_start3A_594 = tpu.memref_slice %arg9[%run_scoped3A_196, %dma_start3A_593] : memref<8x125xi32, #tpu.memory_space<vmem>> -> memref<1x125xi32, #tpu.memory_space<vmem>>
        %dma_start3A_595 = tpu.memref_squeeze %dma_start3A_594 : memref<1x125xi32, #tpu.memory_space<vmem>> -> memref<125xi32, #tpu.memory_space<vmem>>
        %dma_start3A_596 = arith.constant 0 : i32
        %dma_start3A_597 = arith.constant 0 : i32
        %dma_start3A_598 = tpu.memref_slice %arg12[%dma_start3A_596, %dma_start3A_597] : memref<10240x128xf32, #tpu.memory_space<vmem_shared>> -> memref<10240x128xf32, #tpu.memory_space<vmem_shared>>
        tpu.enqueue_indirect_dma source(%dma_start3A_592 : memref<125x128xf32, #tpu.memory_space<vmem>>) target(%dma_start3A_598 : memref<10240x128xf32, #tpu.memory_space<vmem_shared>>) offsets(%dma_start3A_595 : memref<125xi32, #tpu.memory_space<vmem>>) semaphore(%run_scoped3A_588 : memref<!tpu.dma_semaphore, #tpu.memory_space<semaphore_mem>>) {add = true}
        %dma_wait3A_599 = arith.constant 0 : i32
        %dma_wait3A_600 = arith.constant 0 : i32
        %dma_wait3A_601 = tpu.memref_slice %arg11[%run_scoped3A_195, %dma_wait3A_599, %dma_wait3A_600] : memref<2x125x128xf32, #tpu.memory_space<vmem>> -> memref<1x125x128xf32, #tpu.memory_space<vmem>>
        %dma_wait3A_602 = tpu.memref_squeeze %dma_wait3A_601 : memref<1x125x128xf32, #tpu.memory_space<vmem>> -> memref<125x128xf32, #tpu.memory_space<vmem>>
        %dma_wait3A_603 = arith.constant 0 : i32
        %dma_wait3A_604 = tpu.memref_slice %arg9[%run_scoped3A_196, %dma_wait3A_603] : memref<8x125xi32, #tpu.memory_space<vmem>> -> memref<1x125xi32, #tpu.memory_space<vmem>>
        %dma_wait3A_605 = tpu.memref_squeeze %dma_wait3A_604 : memref<1x125xi32, #tpu.memory_space<vmem>> -> memref<125xi32, #tpu.memory_space<vmem>>
        %dma_wait3A_606 = arith.constant 0 : i32
        %dma_wait3A_607 = arith.constant 0 : i32
        %dma_wait3A_608 = tpu.memref_slice %arg12[%dma_wait3A_606, %dma_wait3A_607] : memref<10240x128xf32, #tpu.memory_space<vmem_shared>> -> memref<10240x128xf32, #tpu.memory_space<vmem_shared>>
        tpu.wait_indirect_dma semaphore(%run_scoped3A_588 : memref<!tpu.dma_semaphore, #tpu.memory_space<semaphore_mem>>) src(%dma_wait3A_602 : memref<125x128xf32, #tpu.memory_space<vmem>>) dst(%dma_wait3A_608 : memref<10240x128xf32, #tpu.memory_space<vmem_shared>>)
        tpu.yield
      }) : () -> ()
      %dma_wait3A_197 = arith.constant 4 : i32
      %dma_wait3A_198 = arith.constant 0 : i32
      %dma_wait3A_199 = arith.constant 0 : i32
      %dma_wait3A_200 = arith.constant 0 : i32
      %dma_wait3A_201 = tpu.memref_slice %arg11[%dma_wait3A_198, %dma_wait3A_199, %dma_wait3A_200] : memref<2x125x128xf32, #tpu.memory_space<vmem>> -> memref<1x125x128xf32, #tpu.memory_space<vmem>>
      %dma_wait3A_202 = tpu.memref_squeeze %dma_wait3A_201 : memref<1x125x128xf32, #tpu.memory_space<vmem>> -> memref<125x128xf32, #tpu.memory_space<vmem>>
      %dma_wait3A_203 = arith.constant 0 : i32
      %dma_wait3A_204 = tpu.memref_slice %arg7[%dma_wait3A_197, %dma_wait3A_203] : memref<8x125xi32, #tpu.memory_space<vmem>> -> memref<1x125xi32, #tpu.memory_space<vmem>>
      %dma_wait3A_205 = tpu.memref_squeeze %dma_wait3A_204 : memref<1x125xi32, #tpu.memory_space<vmem>> -> memref<125xi32, #tpu.memory_space<vmem>>
      %dma_wait3A_206 = arith.constant 0 : i32
      %dma_wait3A_207 = arith.constant 0 : i32
      %dma_wait3A_208 = tpu.memref_slice %arg2[%dma_wait3A_206, %dma_wait3A_207] : memref<10000x128xf32, #tpu.memory_space<hbm>> -> memref<10000x128xf32, #tpu.memory_space<hbm>>
      tpu.wait_indirect_dma semaphore(%arg13 : memref<!tpu.dma_semaphore, #tpu.memory_space<semaphore_mem>>) src(%dma_wait3A_208 : memref<10000x128xf32, #tpu.memory_space<hbm>>) dst(%dma_wait3A_202 : memref<125x128xf32, #tpu.memory_space<vmem>>)
      %dma_start3A_209 = arith.constant 5 : i32
      %dma_start3A_210 = arith.constant 1 : i32
      %dma_start3A_211 = arith.constant 0 : i32
      %dma_start3A_212 = arith.constant 0 : i32
      %dma_start3A_213 = tpu.memref_slice %arg11[%dma_start3A_210, %dma_start3A_211, %dma_start3A_212] : memref<2x125x128xf32, #tpu.memory_space<vmem>> -> memref<1x125x128xf32, #tpu.memory_space<vmem>>
      %dma_start3A_214 = tpu.memref_squeeze %dma_start3A_213 : memref<1x125x128xf32, #tpu.memory_space<vmem>> -> memref<125x128xf32, #tpu.memory_space<vmem>>
      %dma_start3A_215 = arith.constant 0 : i32
      %dma_start3A_216 = tpu.memref_slice %arg7[%dma_start3A_209, %dma_start3A_215] : memref<8x125xi32, #tpu.memory_space<vmem>> -> memref<1x125xi32, #tpu.memory_space<vmem>>
      %dma_start3A_217 = tpu.memref_squeeze %dma_start3A_216 : memref<1x125xi32, #tpu.memory_space<vmem>> -> memref<125xi32, #tpu.memory_space<vmem>>
      %dma_start3A_218 = arith.constant 0 : i32
      %dma_start3A_219 = arith.constant 0 : i32
      %dma_start3A_220 = tpu.memref_slice %arg2[%dma_start3A_218, %dma_start3A_219] : memref<10000x128xf32, #tpu.memory_space<hbm>> -> memref<10000x128xf32, #tpu.memory_space<hbm>>
      tpu.enqueue_indirect_dma source(%dma_start3A_220 : memref<10000x128xf32, #tpu.memory_space<hbm>>) target(%dma_start3A_214 : memref<125x128xf32, #tpu.memory_space<vmem>>) offsets(%dma_start3A_217 : memref<125xi32, #tpu.memory_space<vmem>>) semaphore(%arg14 : memref<!tpu.dma_semaphore, #tpu.memory_space<semaphore_mem>>)
      %run_scoped3A_221 = arith.constant 0 : i32
      %run_scoped3A_222 = arith.constant 4 : i32
      "tpu.region"() ({
        %run_scoped3A_588 = tpu.sem_alloc : memref<!tpu.dma_semaphore, #tpu.memory_space<semaphore_mem>>
        %dma_start3A_589 = arith.constant 0 : i32
        %dma_start3A_590 = arith.constant 0 : i32
        %dma_start3A_591 = tpu.memref_slice %arg11[%run_scoped3A_221, %dma_start3A_589, %dma_start3A_590] : memref<2x125x128xf32, #tpu.memory_space<vmem>> -> memref<1x125x128xf32, #tpu.memory_space<vmem>>
        %dma_start3A_592 = tpu.memref_squeeze %dma_start3A_591 : memref<1x125x128xf32, #tpu.memory_space<vmem>> -> memref<125x128xf32, #tpu.memory_space<vmem>>
        %dma_start3A_593 = arith.constant 0 : i32
        %dma_start3A_594 = tpu.memref_slice %arg9[%run_scoped3A_222, %dma_start3A_593] : memref<8x125xi32, #tpu.memory_space<vmem>> -> memref<1x125xi32, #tpu.memory_space<vmem>>
        %dma_start3A_595 = tpu.memref_squeeze %dma_start3A_594 : memref<1x125xi32, #tpu.memory_space<vmem>> -> memref<125xi32, #tpu.memory_space<vmem>>
        %dma_start3A_596 = arith.constant 0 : i32
        %dma_start3A_597 = arith.constant 0 : i32
        %dma_start3A_598 = tpu.memref_slice %arg12[%dma_start3A_596, %dma_start3A_597] : memref<10240x128xf32, #tpu.memory_space<vmem_shared>> -> memref<10240x128xf32, #tpu.memory_space<vmem_shared>>
        tpu.enqueue_indirect_dma source(%dma_start3A_592 : memref<125x128xf32, #tpu.memory_space<vmem>>) target(%dma_start3A_598 : memref<10240x128xf32, #tpu.memory_space<vmem_shared>>) offsets(%dma_start3A_595 : memref<125xi32, #tpu.memory_space<vmem>>) semaphore(%run_scoped3A_588 : memref<!tpu.dma_semaphore, #tpu.memory_space<semaphore_mem>>) {add = true}
        %dma_wait3A_599 = arith.constant 0 : i32
        %dma_wait3A_600 = arith.constant 0 : i32
        %dma_wait3A_601 = tpu.memref_slice %arg11[%run_scoped3A_221, %dma_wait3A_599, %dma_wait3A_600] : memref<2x125x128xf32, #tpu.memory_space<vmem>> -> memref<1x125x128xf32, #tpu.memory_space<vmem>>
        %dma_wait3A_602 = tpu.memref_squeeze %dma_wait3A_601 : memref<1x125x128xf32, #tpu.memory_space<vmem>> -> memref<125x128xf32, #tpu.memory_space<vmem>>
        %dma_wait3A_603 = arith.constant 0 : i32
        %dma_wait3A_604 = tpu.memref_slice %arg9[%run_scoped3A_222, %dma_wait3A_603] : memref<8x125xi32, #tpu.memory_space<vmem>> -> memref<1x125xi32, #tpu.memory_space<vmem>>
        %dma_wait3A_605 = tpu.memref_squeeze %dma_wait3A_604 : memref<1x125xi32, #tpu.memory_space<vmem>> -> memref<125xi32, #tpu.memory_space<vmem>>
        %dma_wait3A_606 = arith.constant 0 : i32
        %dma_wait3A_607 = arith.constant 0 : i32
        %dma_wait3A_608 = tpu.memref_slice %arg12[%dma_wait3A_606, %dma_wait3A_607] : memref<10240x128xf32, #tpu.memory_space<vmem_shared>> -> memref<10240x128xf32, #tpu.memory_space<vmem_shared>>
        tpu.wait_indirect_dma semaphore(%run_scoped3A_588 : memref<!tpu.dma_semaphore, #tpu.memory_space<semaphore_mem>>) src(%dma_wait3A_602 : memref<125x128xf32, #tpu.memory_space<vmem>>) dst(%dma_wait3A_608 : memref<10240x128xf32, #tpu.memory_space<vmem_shared>>)
        tpu.yield
      }) : () -> ()
      %dma_wait3A_223 = arith.constant 5 : i32
      %dma_wait3A_224 = arith.constant 1 : i32
      %dma_wait3A_225 = arith.constant 0 : i32
      %dma_wait3A_226 = arith.constant 0 : i32
      %dma_wait3A_227 = tpu.memref_slice %arg11[%dma_wait3A_224, %dma_wait3A_225, %dma_wait3A_226] : memref<2x125x128xf32, #tpu.memory_space<vmem>> -> memref<1x125x128xf32, #tpu.memory_space<vmem>>
      %dma_wait3A_228 = tpu.memref_squeeze %dma_wait3A_227 : memref<1x125x128xf32, #tpu.memory_space<vmem>> -> memref<125x128xf32, #tpu.memory_space<vmem>>
      %dma_wait3A_229 = arith.constant 0 : i32
      %dma_wait3A_230 = tpu.memref_slice %arg7[%dma_wait3A_223, %dma_wait3A_229] : memref<8x125xi32, #tpu.memory_space<vmem>> -> memref<1x125xi32, #tpu.memory_space<vmem>>
      %dma_wait3A_231 = tpu.memref_squeeze %dma_wait3A_230 : memref<1x125xi32, #tpu.memory_space<vmem>> -> memref<125xi32, #tpu.memory_space<vmem>>
      %dma_wait3A_232 = arith.constant 0 : i32
      %dma_wait3A_233 = arith.constant 0 : i32
      %dma_wait3A_234 = tpu.memref_slice %arg2[%dma_wait3A_232, %dma_wait3A_233] : memref<10000x128xf32, #tpu.memory_space<hbm>> -> memref<10000x128xf32, #tpu.memory_space<hbm>>
      tpu.wait_indirect_dma semaphore(%arg14 : memref<!tpu.dma_semaphore, #tpu.memory_space<semaphore_mem>>) src(%dma_wait3A_234 : memref<10000x128xf32, #tpu.memory_space<hbm>>) dst(%dma_wait3A_228 : memref<125x128xf32, #tpu.memory_space<vmem>>)
      %dma_start3A_235 = arith.constant 6 : i32
      %dma_start3A_236 = arith.constant 0 : i32
      %dma_start3A_237 = arith.constant 0 : i32
      %dma_start3A_238 = arith.constant 0 : i32
      %dma_start3A_239 = tpu.memref_slice %arg11[%dma_start3A_236, %dma_start3A_237, %dma_start3A_238] : memref<2x125x128xf32, #tpu.memory_space<vmem>> -> memref<1x125x128xf32, #tpu.memory_space<vmem>>
      %dma_start3A_240 = tpu.memref_squeeze %dma_start3A_239 : memref<1x125x128xf32, #tpu.memory_space<vmem>> -> memref<125x128xf32, #tpu.memory_space<vmem>>
      %dma_start3A_241 = arith.constant 0 : i32
      %dma_start3A_242 = tpu.memref_slice %arg7[%dma_start3A_235, %dma_start3A_241] : memref<8x125xi32, #tpu.memory_space<vmem>> -> memref<1x125xi32, #tpu.memory_space<vmem>>
      %dma_start3A_243 = tpu.memref_squeeze %dma_start3A_242 : memref<1x125xi32, #tpu.memory_space<vmem>> -> memref<125xi32, #tpu.memory_space<vmem>>
      %dma_start3A_244 = arith.constant 0 : i32
      %dma_start3A_245 = arith.constant 0 : i32
      %dma_start3A_246 = tpu.memref_slice %arg2[%dma_start3A_244, %dma_start3A_245] : memref<10000x128xf32, #tpu.memory_space<hbm>> -> memref<10000x128xf32, #tpu.memory_space<hbm>>
      tpu.enqueue_indirect_dma source(%dma_start3A_246 : memref<10000x128xf32, #tpu.memory_space<hbm>>) target(%dma_start3A_240 : memref<125x128xf32, #tpu.memory_space<vmem>>) offsets(%dma_start3A_243 : memref<125xi32, #tpu.memory_space<vmem>>) semaphore(%arg13 : memref<!tpu.dma_semaphore, #tpu.memory_space<semaphore_mem>>)
      %run_scoped3A_247 = arith.constant 1 : i32
      %run_scoped3A_248 = arith.constant 5 : i32
      "tpu.region"() ({
        %run_scoped3A_588 = tpu.sem_alloc : memref<!tpu.dma_semaphore, #tpu.memory_space<semaphore_mem>>
        %dma_start3A_589 = arith.constant 0 : i32
        %dma_start3A_590 = arith.constant 0 : i32
        %dma_start3A_591 = tpu.memref_slice %arg11[%run_scoped3A_247, %dma_start3A_589, %dma_start3A_590] : memref<2x125x128xf32, #tpu.memory_space<vmem>> -> memref<1x125x128xf32, #tpu.memory_space<vmem>>
        %dma_start3A_592 = tpu.memref_squeeze %dma_start3A_591 : memref<1x125x128xf32, #tpu.memory_space<vmem>> -> memref<125x128xf32, #tpu.memory_space<vmem>>
        %dma_start3A_593 = arith.constant 0 : i32
        %dma_start3A_594 = tpu.memref_slice %arg9[%run_scoped3A_248, %dma_start3A_593] : memref<8x125xi32, #tpu.memory_space<vmem>> -> memref<1x125xi32, #tpu.memory_space<vmem>>
        %dma_start3A_595 = tpu.memref_squeeze %dma_start3A_594 : memref<1x125xi32, #tpu.memory_space<vmem>> -> memref<125xi32, #tpu.memory_space<vmem>>
        %dma_start3A_596 = arith.constant 0 : i32
        %dma_start3A_597 = arith.constant 0 : i32
        %dma_start3A_598 = tpu.memref_slice %arg12[%dma_start3A_596, %dma_start3A_597] : memref<10240x128xf32, #tpu.memory_space<vmem_shared>> -> memref<10240x128xf32, #tpu.memory_space<vmem_shared>>
        tpu.enqueue_indirect_dma source(%dma_start3A_592 : memref<125x128xf32, #tpu.memory_space<vmem>>) target(%dma_start3A_598 : memref<10240x128xf32, #tpu.memory_space<vmem_shared>>) offsets(%dma_start3A_595 : memref<125xi32, #tpu.memory_space<vmem>>) semaphore(%run_scoped3A_588 : memref<!tpu.dma_semaphore, #tpu.memory_space<semaphore_mem>>) {add = true}
        %dma_wait3A_599 = arith.constant 0 : i32
        %dma_wait3A_600 = arith.constant 0 : i32
        %dma_wait3A_601 = tpu.memref_slice %arg11[%run_scoped3A_247, %dma_wait3A_599, %dma_wait3A_600] : memref<2x125x128xf32, #tpu.memory_space<vmem>> -> memref<1x125x128xf32, #tpu.memory_space<vmem>>
        %dma_wait3A_602 = tpu.memref_squeeze %dma_wait3A_601 : memref<1x125x128xf32, #tpu.memory_space<vmem>> -> memref<125x128xf32, #tpu.memory_space<vmem>>
        %dma_wait3A_603 = arith.constant 0 : i32
        %dma_wait3A_604 = tpu.memref_slice %arg9[%run_scoped3A_248, %dma_wait3A_603] : memref<8x125xi32, #tpu.memory_space<vmem>> -> memref<1x125xi32, #tpu.memory_space<vmem>>
        %dma_wait3A_605 = tpu.memref_squeeze %dma_wait3A_604 : memref<1x125xi32, #tpu.memory_space<vmem>> -> memref<125xi32, #tpu.memory_space<vmem>>
        %dma_wait3A_606 = arith.constant 0 : i32
        %dma_wait3A_607 = arith.constant 0 : i32
        %dma_wait3A_608 = tpu.memref_slice %arg12[%dma_wait3A_606, %dma_wait3A_607] : memref<10240x128xf32, #tpu.memory_space<vmem_shared>> -> memref<10240x128xf32, #tpu.memory_space<vmem_shared>>
        tpu.wait_indirect_dma semaphore(%run_scoped3A_588 : memref<!tpu.dma_semaphore, #tpu.memory_space<semaphore_mem>>) src(%dma_wait3A_602 : memref<125x128xf32, #tpu.memory_space<vmem>>) dst(%dma_wait3A_608 : memref<10240x128xf32, #tpu.memory_space<vmem_shared>>)
        tpu.yield
      }) : () -> ()
      %dma_wait3A_249 = arith.constant 6 : i32
      %dma_wait3A_250 = arith.constant 0 : i32
      %dma_wait3A_251 = arith.constant 0 : i32
      %dma_wait3A_252 = arith.constant 0 : i32
      %dma_wait3A_253 = tpu.memref_slice %arg11[%dma_wait3A_250, %dma_wait3A_251, %dma_wait3A_252] : memref<2x125x128xf32, #tpu.memory_space<vmem>> -> memref<1x125x128xf32, #tpu.memory_space<vmem>>
      %dma_wait3A_254 = tpu.memref_squeeze %dma_wait3A_253 : memref<1x125x128xf32, #tpu.memory_space<vmem>> -> memref<125x128xf32, #tpu.memory_space<vmem>>
      %dma_wait3A_255 = arith.constant 0 : i32
      %dma_wait3A_256 = tpu.memref_slice %arg7[%dma_wait3A_249, %dma_wait3A_255] : memref<8x125xi32, #tpu.memory_space<vmem>> -> memref<1x125xi32, #tpu.memory_space<vmem>>
      %dma_wait3A_257 = tpu.memref_squeeze %dma_wait3A_256 : memref<1x125xi32, #tpu.memory_space<vmem>> -> memref<125xi32, #tpu.memory_space<vmem>>
      %dma_wait3A_258 = arith.constant 0 : i32
      %dma_wait3A_259 = arith.constant 0 : i32
      %dma_wait3A_260 = tpu.memref_slice %arg2[%dma_wait3A_258, %dma_wait3A_259] : memref<10000x128xf32, #tpu.memory_space<hbm>> -> memref<10000x128xf32, #tpu.memory_space<hbm>>
      tpu.wait_indirect_dma semaphore(%arg13 : memref<!tpu.dma_semaphore, #tpu.memory_space<semaphore_mem>>) src(%dma_wait3A_260 : memref<10000x128xf32, #tpu.memory_space<hbm>>) dst(%dma_wait3A_254 : memref<125x128xf32, #tpu.memory_space<vmem>>)
      %dma_start3A_261 = arith.constant 7 : i32
      %dma_start3A_262 = arith.constant 1 : i32
      %dma_start3A_263 = arith.constant 0 : i32
      %dma_start3A_264 = arith.constant 0 : i32
      %dma_start3A_265 = tpu.memref_slice %arg11[%dma_start3A_262, %dma_start3A_263, %dma_start3A_264] : memref<2x125x128xf32, #tpu.memory_space<vmem>> -> memref<1x125x128xf32, #tpu.memory_space<vmem>>
      %dma_start3A_266 = tpu.memref_squeeze %dma_start3A_265 : memref<1x125x128xf32, #tpu.memory_space<vmem>> -> memref<125x128xf32, #tpu.memory_space<vmem>>
      %dma_start3A_267 = arith.constant 0 : i32
      %dma_start3A_268 = tpu.memref_slice %arg7[%dma_start3A_261, %dma_start3A_267] : memref<8x125xi32, #tpu.memory_space<vmem>> -> memref<1x125xi32, #tpu.memory_space<vmem>>
      %dma_start3A_269 = tpu.memref_squeeze %dma_start3A_268 : memref<1x125xi32, #tpu.memory_space<vmem>> -> memref<125xi32, #tpu.memory_space<vmem>>
      %dma_start3A_270 = arith.constant 0 : i32
      %dma_start3A_271 = arith.constant 0 : i32
      %dma_start3A_272 = tpu.memref_slice %arg2[%dma_start3A_270, %dma_start3A_271] : memref<10000x128xf32, #tpu.memory_space<hbm>> -> memref<10000x128xf32, #tpu.memory_space<hbm>>
      tpu.enqueue_indirect_dma source(%dma_start3A_272 : memref<10000x128xf32, #tpu.memory_space<hbm>>) target(%dma_start3A_266 : memref<125x128xf32, #tpu.memory_space<vmem>>) offsets(%dma_start3A_269 : memref<125xi32, #tpu.memory_space<vmem>>) semaphore(%arg14 : memref<!tpu.dma_semaphore, #tpu.memory_space<semaphore_mem>>)
      %run_scoped3A_273 = arith.constant 0 : i32
      %run_scoped3A_274 = arith.constant 6 : i32
      "tpu.region"() ({
        %run_scoped3A_588 = tpu.sem_alloc : memref<!tpu.dma_semaphore, #tpu.memory_space<semaphore_mem>>
        %dma_start3A_589 = arith.constant 0 : i32
        %dma_start3A_590 = arith.constant 0 : i32
        %dma_start3A_591 = tpu.memref_slice %arg11[%run_scoped3A_273, %dma_start3A_589, %dma_start3A_590] : memref<2x125x128xf32, #tpu.memory_space<vmem>> -> memref<1x125x128xf32, #tpu.memory_space<vmem>>
        %dma_start3A_592 = tpu.memref_squeeze %dma_start3A_591 : memref<1x125x128xf32, #tpu.memory_space<vmem>> -> memref<125x128xf32, #tpu.memory_space<vmem>>
        %dma_start3A_593 = arith.constant 0 : i32
        %dma_start3A_594 = tpu.memref_slice %arg9[%run_scoped3A_274, %dma_start3A_593] : memref<8x125xi32, #tpu.memory_space<vmem>> -> memref<1x125xi32, #tpu.memory_space<vmem>>
        %dma_start3A_595 = tpu.memref_squeeze %dma_start3A_594 : memref<1x125xi32, #tpu.memory_space<vmem>> -> memref<125xi32, #tpu.memory_space<vmem>>
        %dma_start3A_596 = arith.constant 0 : i32
        %dma_start3A_597 = arith.constant 0 : i32
        %dma_start3A_598 = tpu.memref_slice %arg12[%dma_start3A_596, %dma_start3A_597] : memref<10240x128xf32, #tpu.memory_space<vmem_shared>> -> memref<10240x128xf32, #tpu.memory_space<vmem_shared>>
        tpu.enqueue_indirect_dma source(%dma_start3A_592 : memref<125x128xf32, #tpu.memory_space<vmem>>) target(%dma_start3A_598 : memref<10240x128xf32, #tpu.memory_space<vmem_shared>>) offsets(%dma_start3A_595 : memref<125xi32, #tpu.memory_space<vmem>>) semaphore(%run_scoped3A_588 : memref<!tpu.dma_semaphore, #tpu.memory_space<semaphore_mem>>) {add = true}
        %dma_wait3A_599 = arith.constant 0 : i32
        %dma_wait3A_600 = arith.constant 0 : i32
        %dma_wait3A_601 = tpu.memref_slice %arg11[%run_scoped3A_273, %dma_wait3A_599, %dma_wait3A_600] : memref<2x125x128xf32, #tpu.memory_space<vmem>> -> memref<1x125x128xf32, #tpu.memory_space<vmem>>
        %dma_wait3A_602 = tpu.memref_squeeze %dma_wait3A_601 : memref<1x125x128xf32, #tpu.memory_space<vmem>> -> memref<125x128xf32, #tpu.memory_space<vmem>>
        %dma_wait3A_603 = arith.constant 0 : i32
        %dma_wait3A_604 = tpu.memref_slice %arg9[%run_scoped3A_274, %dma_wait3A_603] : memref<8x125xi32, #tpu.memory_space<vmem>> -> memref<1x125xi32, #tpu.memory_space<vmem>>
        %dma_wait3A_605 = tpu.memref_squeeze %dma_wait3A_604 : memref<1x125xi32, #tpu.memory_space<vmem>> -> memref<125xi32, #tpu.memory_space<vmem>>
        %dma_wait3A_606 = arith.constant 0 : i32
        %dma_wait3A_607 = arith.constant 0 : i32
        %dma_wait3A_608 = tpu.memref_slice %arg12[%dma_wait3A_606, %dma_wait3A_607] : memref<10240x128xf32, #tpu.memory_space<vmem_shared>> -> memref<10240x128xf32, #tpu.memory_space<vmem_shared>>
        tpu.wait_indirect_dma semaphore(%run_scoped3A_588 : memref<!tpu.dma_semaphore, #tpu.memory_space<semaphore_mem>>) src(%dma_wait3A_602 : memref<125x128xf32, #tpu.memory_space<vmem>>) dst(%dma_wait3A_608 : memref<10240x128xf32, #tpu.memory_space<vmem_shared>>)
        tpu.yield
      }) : () -> ()
      %dma_wait3A_275 = arith.constant 7 : i32
      %dma_wait3A_276 = arith.constant 1 : i32
      %dma_wait3A_277 = arith.constant 0 : i32
      %dma_wait3A_278 = arith.constant 0 : i32
      %dma_wait3A_279 = tpu.memref_slice %arg11[%dma_wait3A_276, %dma_wait3A_277, %dma_wait3A_278] : memref<2x125x128xf32, #tpu.memory_space<vmem>> -> memref<1x125x128xf32, #tpu.memory_space<vmem>>
      %dma_wait3A_280 = tpu.memref_squeeze %dma_wait3A_279 : memref<1x125x128xf32, #tpu.memory_space<vmem>> -> memref<125x128xf32, #tpu.memory_space<vmem>>
      %dma_wait3A_281 = arith.constant 0 : i32
      %dma_wait3A_282 = tpu.memref_slice %arg7[%dma_wait3A_275, %dma_wait3A_281] : memref<8x125xi32, #tpu.memory_space<vmem>> -> memref<1x125xi32, #tpu.memory_space<vmem>>
      %dma_wait3A_283 = tpu.memref_squeeze %dma_wait3A_282 : memref<1x125xi32, #tpu.memory_space<vmem>> -> memref<125xi32, #tpu.memory_space<vmem>>
      %dma_wait3A_284 = arith.constant 0 : i32
      %dma_wait3A_285 = arith.constant 0 : i32
      %dma_wait3A_286 = tpu.memref_slice %arg2[%dma_wait3A_284, %dma_wait3A_285] : memref<10000x128xf32, #tpu.memory_space<hbm>> -> memref<10000x128xf32, #tpu.memory_space<hbm>>
      tpu.wait_indirect_dma semaphore(%arg14 : memref<!tpu.dma_semaphore, #tpu.memory_space<semaphore_mem>>) src(%dma_wait3A_286 : memref<10000x128xf32, #tpu.memory_space<hbm>>) dst(%dma_wait3A_280 : memref<125x128xf32, #tpu.memory_space<vmem>>)
      %dma_wait3A_287 = arith.constant 0 : i32
      %dma_wait3A_288 = arith.constant 0 : i32
      %dma_wait3A_289 = arith.constant 0 : i32
      %dma_wait3A_290 = tpu.memref_slice %arg3[%add3A, %dma_wait3A_287, %dma_wait3A_288, %dma_wait3A_289] : memref<32x10x8x125xi32, #tpu.memory_space<hbm>> -> memref<1x1x8x125xi32, #tpu.memory_space<hbm>>
      %dma_wait3A_291 = tpu.memref_squeeze %dma_wait3A_290 : memref<1x1x8x125xi32, #tpu.memory_space<hbm>> -> memref<8x125xi32, #tpu.memory_space<hbm>>
      %dma_wait3A_292 = arith.constant 0 : i32
      %dma_wait3A_293 = arith.constant 0 : i32
      %dma_wait3A_294 = tpu.memref_slice %arg3[%add3A, %dma_wait3A_287, %dma_wait3A_292, %dma_wait3A_293] : memref<32x10x8x125xi32, #tpu.memory_space<hbm>> -> memref<1x1x8x125xi32, #tpu.memory_space<hbm>>
      %dma_wait3A_295 = tpu.memref_squeeze %dma_wait3A_294 : memref<1x1x8x125xi32, #tpu.memory_space<hbm>> -> memref<8x125xi32, #tpu.memory_space<hbm>>
      tpu.wait_dma2 semaphore(%arg16 : memref<!tpu.dma_semaphore, #tpu.memory_space<semaphore_mem>>) src(%dma_wait3A_295 : memref<8x125xi32, #tpu.memory_space<hbm>>) dst(%arg8 : memref<8x125xi32, #tpu.memory_space<vmem>>)
      %dma_wait3A_296 = arith.constant 0 : i32
      %dma_wait3A_297 = arith.constant 0 : i32
      %dma_wait3A_298 = arith.constant 0 : i32
      %dma_wait3A_299 = tpu.memref_slice %arg4[%add3A, %dma_wait3A_296, %dma_wait3A_297, %dma_wait3A_298] : memref<32x10x8x125xi32, #tpu.memory_space<hbm>> -> memref<1x1x8x125xi32, #tpu.memory_space<hbm>>
      %dma_wait3A_300 = tpu.memref_squeeze %dma_wait3A_299 : memref<1x1x8x125xi32, #tpu.memory_space<hbm>> -> memref<8x125xi32, #tpu.memory_space<hbm>>
      %dma_wait3A_301 = arith.constant 0 : i32
      %dma_wait3A_302 = arith.constant 0 : i32
      %dma_wait3A_303 = tpu.memref_slice %arg4[%add3A, %dma_wait3A_296, %dma_wait3A_301, %dma_wait3A_302] : memref<32x10x8x125xi32, #tpu.memory_space<hbm>> -> memref<1x1x8x125xi32, #tpu.memory_space<hbm>>
      %dma_wait3A_304 = tpu.memref_squeeze %dma_wait3A_303 : memref<1x1x8x125xi32, #tpu.memory_space<hbm>> -> memref<8x125xi32, #tpu.memory_space<hbm>>
      tpu.wait_dma2 semaphore(%arg16 : memref<!tpu.dma_semaphore, #tpu.memory_space<semaphore_mem>>) src(%dma_wait3A_304 : memref<8x125xi32, #tpu.memory_space<hbm>>) dst(%arg10 : memref<8x125xi32, #tpu.memory_space<vmem>>)
      %dma_start3A_305 = arith.constant 0 : i32
      %dma_start3A_306 = arith.constant 0 : i32
      %dma_start3A_307 = arith.constant 0 : i32
      %dma_start3A_308 = arith.constant 0 : i32
      %dma_start3A_309 = tpu.memref_slice %arg11[%dma_start3A_306, %dma_start3A_307, %dma_start3A_308] : memref<2x125x128xf32, #tpu.memory_space<vmem>> -> memref<1x125x128xf32, #tpu.memory_space<vmem>>
      %dma_start3A_310 = tpu.memref_squeeze %dma_start3A_309 : memref<1x125x128xf32, #tpu.memory_space<vmem>> -> memref<125x128xf32, #tpu.memory_space<vmem>>
      %dma_start3A_311 = arith.constant 0 : i32
      %dma_start3A_312 = tpu.memref_slice %arg8[%dma_start3A_305, %dma_start3A_311] : memref<8x125xi32, #tpu.memory_space<vmem>> -> memref<1x125xi32, #tpu.memory_space<vmem>>
      %dma_start3A_313 = tpu.memref_squeeze %dma_start3A_312 : memref<1x125xi32, #tpu.memory_space<vmem>> -> memref<125xi32, #tpu.memory_space<vmem>>
      %dma_start3A_314 = arith.constant 0 : i32
      %dma_start3A_315 = arith.constant 0 : i32
      %dma_start3A_316 = tpu.memref_slice %arg2[%dma_start3A_314, %dma_start3A_315] : memref<10000x128xf32, #tpu.memory_space<hbm>> -> memref<10000x128xf32, #tpu.memory_space<hbm>>
      tpu.enqueue_indirect_dma source(%dma_start3A_316 : memref<10000x128xf32, #tpu.memory_space<hbm>>) target(%dma_start3A_310 : memref<125x128xf32, #tpu.memory_space<vmem>>) offsets(%dma_start3A_313 : memref<125xi32, #tpu.memory_space<vmem>>) semaphore(%arg13 : memref<!tpu.dma_semaphore, #tpu.memory_space<semaphore_mem>>)
      %run_scoped3A_317 = arith.constant 1 : i32
      %run_scoped3A_318 = arith.constant 7 : i32
      "tpu.region"() ({
        %run_scoped3A_588 = tpu.sem_alloc : memref<!tpu.dma_semaphore, #tpu.memory_space<semaphore_mem>>
        %dma_start3A_589 = arith.constant 0 : i32
        %dma_start3A_590 = arith.constant 0 : i32
        %dma_start3A_591 = tpu.memref_slice %arg11[%run_scoped3A_317, %dma_start3A_589, %dma_start3A_590] : memref<2x125x128xf32, #tpu.memory_space<vmem>> -> memref<1x125x128xf32, #tpu.memory_space<vmem>>
        %dma_start3A_592 = tpu.memref_squeeze %dma_start3A_591 : memref<1x125x128xf32, #tpu.memory_space<vmem>> -> memref<125x128xf32, #tpu.memory_space<vmem>>
        %dma_start3A_593 = arith.constant 0 : i32
        %dma_start3A_594 = tpu.memref_slice %arg9[%run_scoped3A_318, %dma_start3A_593] : memref<8x125xi32, #tpu.memory_space<vmem>> -> memref<1x125xi32, #tpu.memory_space<vmem>>
        %dma_start3A_595 = tpu.memref_squeeze %dma_start3A_594 : memref<1x125xi32, #tpu.memory_space<vmem>> -> memref<125xi32, #tpu.memory_space<vmem>>
        %dma_start3A_596 = arith.constant 0 : i32
        %dma_start3A_597 = arith.constant 0 : i32
        %dma_start3A_598 = tpu.memref_slice %arg12[%dma_start3A_596, %dma_start3A_597] : memref<10240x128xf32, #tpu.memory_space<vmem_shared>> -> memref<10240x128xf32, #tpu.memory_space<vmem_shared>>
        tpu.enqueue_indirect_dma source(%dma_start3A_592 : memref<125x128xf32, #tpu.memory_space<vmem>>) target(%dma_start3A_598 : memref<10240x128xf32, #tpu.memory_space<vmem_shared>>) offsets(%dma_start3A_595 : memref<125xi32, #tpu.memory_space<vmem>>) semaphore(%run_scoped3A_588 : memref<!tpu.dma_semaphore, #tpu.memory_space<semaphore_mem>>) {add = true}
        %dma_wait3A_599 = arith.constant 0 : i32
        %dma_wait3A_600 = arith.constant 0 : i32
        %dma_wait3A_601 = tpu.memref_slice %arg11[%run_scoped3A_317, %dma_wait3A_599, %dma_wait3A_600] : memref<2x125x128xf32, #tpu.memory_space<vmem>> -> memref<1x125x128xf32, #tpu.memory_space<vmem>>
        %dma_wait3A_602 = tpu.memref_squeeze %dma_wait3A_601 : memref<1x125x128xf32, #tpu.memory_space<vmem>> -> memref<125x128xf32, #tpu.memory_space<vmem>>
        %dma_wait3A_603 = arith.constant 0 : i32
        %dma_wait3A_604 = tpu.memref_slice %arg9[%run_scoped3A_318, %dma_wait3A_603] : memref<8x125xi32, #tpu.memory_space<vmem>> -> memref<1x125xi32, #tpu.memory_space<vmem>>
        %dma_wait3A_605 = tpu.memref_squeeze %dma_wait3A_604 : memref<1x125xi32, #tpu.memory_space<vmem>> -> memref<125xi32, #tpu.memory_space<vmem>>
        %dma_wait3A_606 = arith.constant 0 : i32
        %dma_wait3A_607 = arith.constant 0 : i32
        %dma_wait3A_608 = tpu.memref_slice %arg12[%dma_wait3A_606, %dma_wait3A_607] : memref<10240x128xf32, #tpu.memory_space<vmem_shared>> -> memref<10240x128xf32, #tpu.memory_space<vmem_shared>>
        tpu.wait_indirect_dma semaphore(%run_scoped3A_588 : memref<!tpu.dma_semaphore, #tpu.memory_space<semaphore_mem>>) src(%dma_wait3A_602 : memref<125x128xf32, #tpu.memory_space<vmem>>) dst(%dma_wait3A_608 : memref<10240x128xf32, #tpu.memory_space<vmem_shared>>)
        tpu.yield
      }) : () -> ()
      %mul3A_319 = arith.constant 2 : i32
      %mul3A_320 = arith.muli %mul3A_319, %add3A_92 : i32
      %add3A_321 = arith.constant 2 : i32
      %add3A_322 = arith.addi %mul3A_320, %add3A_321 : i32
      %min3A = arith.constant 9 : i32
      %min3A_323 = arith.minsi %add3A_322, %min3A : i32
      %dma_start3A_324 = arith.constant 0 : i32
      %dma_start3A_325 = arith.constant 0 : i32
      %dma_start3A_326 = tpu.memref_slice %arg3[%add3A, %min3A_323, %dma_start3A_324, %dma_start3A_325] : memref<32x10x8x125xi32, #tpu.memory_space<hbm>> -> memref<1x1x8x125xi32, #tpu.memory_space<hbm>>
      %dma_start3A_327 = tpu.memref_squeeze %dma_start3A_326 : memref<1x1x8x125xi32, #tpu.memory_space<hbm>> -> memref<8x125xi32, #tpu.memory_space<hbm>>
      %dma_start3A_328 = arith.constant 0 : i32
      %dma_start3A_329 = arith.constant 0 : i32
      %dma_start3A_330 = tpu.memref_slice %arg3[%add3A, %min3A_323, %dma_start3A_328, %dma_start3A_329] : memref<32x10x8x125xi32, #tpu.memory_space<hbm>> -> memref<1x1x8x125xi32, #tpu.memory_space<hbm>>
      %dma_start3A_331 = tpu.memref_squeeze %dma_start3A_330 : memref<1x1x8x125xi32, #tpu.memory_space<hbm>> -> memref<8x125xi32, #tpu.memory_space<hbm>>
      tpu.enqueue_dma source(%dma_start3A_331 : memref<8x125xi32, #tpu.memory_space<hbm>>) target(%arg7 : memref<8x125xi32, #tpu.memory_space<vmem>>) target_semaphore(%arg15 : memref<!tpu.dma_semaphore, #tpu.memory_space<semaphore_mem>>)
      %dma_start3A_332 = arith.constant 0 : i32
      %dma_start3A_333 = arith.constant 0 : i32
      %dma_start3A_334 = tpu.memref_slice %arg4[%add3A, %min3A_323, %dma_start3A_332, %dma_start3A_333] : memref<32x10x8x125xi32, #tpu.memory_space<hbm>> -> memref<1x1x8x125xi32, #tpu.memory_space<hbm>>
      %dma_start3A_335 = tpu.memref_squeeze %dma_start3A_334 : memref<1x1x8x125xi32, #tpu.memory_space<hbm>> -> memref<8x125xi32, #tpu.memory_space<hbm>>
      %dma_start3A_336 = arith.constant 0 : i32
      %dma_start3A_337 = arith.constant 0 : i32
      %dma_start3A_338 = tpu.memref_slice %arg4[%add3A, %min3A_323, %dma_start3A_336, %dma_start3A_337] : memref<32x10x8x125xi32, #tpu.memory_space<hbm>> -> memref<1x1x8x125xi32, #tpu.memory_space<hbm>>
      %dma_start3A_339 = tpu.memref_squeeze %dma_start3A_338 : memref<1x1x8x125xi32, #tpu.memory_space<hbm>> -> memref<8x125xi32, #tpu.memory_space<hbm>>
      tpu.enqueue_dma source(%dma_start3A_339 : memref<8x125xi32, #tpu.memory_space<hbm>>) target(%arg9 : memref<8x125xi32, #tpu.memory_space<vmem>>) target_semaphore(%arg15 : memref<!tpu.dma_semaphore, #tpu.memory_space<semaphore_mem>>)
      %dma_wait3A_340 = arith.constant 0 : i32
      %dma_wait3A_341 = arith.constant 0 : i32
      %dma_wait3A_342 = arith.constant 0 : i32
      %dma_wait3A_343 = arith.constant 0 : i32
      %dma_wait3A_344 = tpu.memref_slice %arg11[%dma_wait3A_341, %dma_wait3A_342, %dma_wait3A_343] : memref<2x125x128xf32, #tpu.memory_space<vmem>> -> memref<1x125x128xf32, #tpu.memory_space<vmem>>
      %dma_wait3A_345 = tpu.memref_squeeze %dma_wait3A_344 : memref<1x125x128xf32, #tpu.memory_space<vmem>> -> memref<125x128xf32, #tpu.memory_space<vmem>>
      %dma_wait3A_346 = arith.constant 0 : i32
      %dma_wait3A_347 = tpu.memref_slice %arg8[%dma_wait3A_340, %dma_wait3A_346] : memref<8x125xi32, #tpu.memory_space<vmem>> -> memref<1x125xi32, #tpu.memory_space<vmem>>
      %dma_wait3A_348 = tpu.memref_squeeze %dma_wait3A_347 : memref<1x125xi32, #tpu.memory_space<vmem>> -> memref<125xi32, #tpu.memory_space<vmem>>
      %dma_wait3A_349 = arith.constant 0 : i32
      %dma_wait3A_350 = arith.constant 0 : i32
      %dma_wait3A_351 = tpu.memref_slice %arg2[%dma_wait3A_349, %dma_wait3A_350] : memref<10000x128xf32, #tpu.memory_space<hbm>> -> memref<10000x128xf32, #tpu.memory_space<hbm>>
      tpu.wait_indirect_dma semaphore(%arg13 : memref<!tpu.dma_semaphore, #tpu.memory_space<semaphore_mem>>) src(%dma_wait3A_351 : memref<10000x128xf32, #tpu.memory_space<hbm>>) dst(%dma_wait3A_345 : memref<125x128xf32, #tpu.memory_space<vmem>>)
      %dma_start3A_352 = arith.constant 1 : i32
      %dma_start3A_353 = arith.constant 1 : i32
      %dma_start3A_354 = arith.constant 0 : i32
      %dma_start3A_355 = arith.constant 0 : i32
      %dma_start3A_356 = tpu.memref_slice %arg11[%dma_start3A_353, %dma_start3A_354, %dma_start3A_355] : memref<2x125x128xf32, #tpu.memory_space<vmem>> -> memref<1x125x128xf32, #tpu.memory_space<vmem>>
      %dma_start3A_357 = tpu.memref_squeeze %dma_start3A_356 : memref<1x125x128xf32, #tpu.memory_space<vmem>> -> memref<125x128xf32, #tpu.memory_space<vmem>>
      %dma_start3A_358 = arith.constant 0 : i32
      %dma_start3A_359 = tpu.memref_slice %arg8[%dma_start3A_352, %dma_start3A_358] : memref<8x125xi32, #tpu.memory_space<vmem>> -> memref<1x125xi32, #tpu.memory_space<vmem>>
      %dma_start3A_360 = tpu.memref_squeeze %dma_start3A_359 : memref<1x125xi32, #tpu.memory_space<vmem>> -> memref<125xi32, #tpu.memory_space<vmem>>
      %dma_start3A_361 = arith.constant 0 : i32
      %dma_start3A_362 = arith.constant 0 : i32
      %dma_start3A_363 = tpu.memref_slice %arg2[%dma_start3A_361, %dma_start3A_362] : memref<10000x128xf32, #tpu.memory_space<hbm>> -> memref<10000x128xf32, #tpu.memory_space<hbm>>
      tpu.enqueue_indirect_dma source(%dma_start3A_363 : memref<10000x128xf32, #tpu.memory_space<hbm>>) target(%dma_start3A_357 : memref<125x128xf32, #tpu.memory_space<vmem>>) offsets(%dma_start3A_360 : memref<125xi32, #tpu.memory_space<vmem>>) semaphore(%arg14 : memref<!tpu.dma_semaphore, #tpu.memory_space<semaphore_mem>>)
      %run_scoped3A_364 = arith.constant 0 : i32
      %run_scoped3A_365 = arith.constant 0 : i32
      "tpu.region"() ({
        %run_scoped3A_588 = tpu.sem_alloc : memref<!tpu.dma_semaphore, #tpu.memory_space<semaphore_mem>>
        %dma_start3A_589 = arith.constant 0 : i32
        %dma_start3A_590 = arith.constant 0 : i32
        %dma_start3A_591 = tpu.memref_slice %arg11[%run_scoped3A_364, %dma_start3A_589, %dma_start3A_590] : memref<2x125x128xf32, #tpu.memory_space<vmem>> -> memref<1x125x128xf32, #tpu.memory_space<vmem>>
        %dma_start3A_592 = tpu.memref_squeeze %dma_start3A_591 : memref<1x125x128xf32, #tpu.memory_space<vmem>> -> memref<125x128xf32, #tpu.memory_space<vmem>>
        %dma_start3A_593 = arith.constant 0 : i32
        %dma_start3A_594 = tpu.memref_slice %arg10[%run_scoped3A_365, %dma_start3A_593] : memref<8x125xi32, #tpu.memory_space<vmem>> -> memref<1x125xi32, #tpu.memory_space<vmem>>
        %dma_start3A_595 = tpu.memref_squeeze %dma_start3A_594 : memref<1x125xi32, #tpu.memory_space<vmem>> -> memref<125xi32, #tpu.memory_space<vmem>>
        %dma_start3A_596 = arith.constant 0 : i32
        %dma_start3A_597 = arith.constant 0 : i32
        %dma_start3A_598 = tpu.memref_slice %arg12[%dma_start3A_596, %dma_start3A_597] : memref<10240x128xf32, #tpu.memory_space<vmem_shared>> -> memref<10240x128xf32, #tpu.memory_space<vmem_shared>>
        tpu.enqueue_indirect_dma source(%dma_start3A_592 : memref<125x128xf32, #tpu.memory_space<vmem>>) target(%dma_start3A_598 : memref<10240x128xf32, #tpu.memory_space<vmem_shared>>) offsets(%dma_start3A_595 : memref<125xi32, #tpu.memory_space<vmem>>) semaphore(%run_scoped3A_588 : memref<!tpu.dma_semaphore, #tpu.memory_space<semaphore_mem>>) {add = true}
        %dma_wait3A_599 = arith.constant 0 : i32
        %dma_wait3A_600 = arith.constant 0 : i32
        %dma_wait3A_601 = tpu.memref_slice %arg11[%run_scoped3A_364, %dma_wait3A_599, %dma_wait3A_600] : memref<2x125x128xf32, #tpu.memory_space<vmem>> -> memref<1x125x128xf32, #tpu.memory_space<vmem>>
        %dma_wait3A_602 = tpu.memref_squeeze %dma_wait3A_601 : memref<1x125x128xf32, #tpu.memory_space<vmem>> -> memref<125x128xf32, #tpu.memory_space<vmem>>
        %dma_wait3A_603 = arith.constant 0 : i32
        %dma_wait3A_604 = tpu.memref_slice %arg10[%run_scoped3A_365, %dma_wait3A_603] : memref<8x125xi32, #tpu.memory_space<vmem>> -> memref<1x125xi32, #tpu.memory_space<vmem>>
        %dma_wait3A_605 = tpu.memref_squeeze %dma_wait3A_604 : memref<1x125xi32, #tpu.memory_space<vmem>> -> memref<125xi32, #tpu.memory_space<vmem>>
        %dma_wait3A_606 = arith.constant 0 : i32
        %dma_wait3A_607 = arith.constant 0 : i32
        %dma_wait3A_608 = tpu.memref_slice %arg12[%dma_wait3A_606, %dma_wait3A_607] : memref<10240x128xf32, #tpu.memory_space<vmem_shared>> -> memref<10240x128xf32, #tpu.memory_space<vmem_shared>>
        tpu.wait_indirect_dma semaphore(%run_scoped3A_588 : memref<!tpu.dma_semaphore, #tpu.memory_space<semaphore_mem>>) src(%dma_wait3A_602 : memref<125x128xf32, #tpu.memory_space<vmem>>) dst(%dma_wait3A_608 : memref<10240x128xf32, #tpu.memory_space<vmem_shared>>)
        tpu.yield
      }) : () -> ()
      %dma_wait3A_366 = arith.constant 1 : i32
      %dma_wait3A_367 = arith.constant 1 : i32
      %dma_wait3A_368 = arith.constant 0 : i32
      %dma_wait3A_369 = arith.constant 0 : i32
      %dma_wait3A_370 = tpu.memref_slice %arg11[%dma_wait3A_367, %dma_wait3A_368, %dma_wait3A_369] : memref<2x125x128xf32, #tpu.memory_space<vmem>> -> memref<1x125x128xf32, #tpu.memory_space<vmem>>
      %dma_wait3A_371 = tpu.memref_squeeze %dma_wait3A_370 : memref<1x125x128xf32, #tpu.memory_space<vmem>> -> memref<125x128xf32, #tpu.memory_space<vmem>>
      %dma_wait3A_372 = arith.constant 0 : i32
      %dma_wait3A_373 = tpu.memref_slice %arg8[%dma_wait3A_366, %dma_wait3A_372] : memref<8x125xi32, #tpu.memory_space<vmem>> -> memref<1x125xi32, #tpu.memory_space<vmem>>
      %dma_wait3A_374 = tpu.memref_squeeze %dma_wait3A_373 : memref<1x125xi32, #tpu.memory_space<vmem>> -> memref<125xi32, #tpu.memory_space<vmem>>
      %dma_wait3A_375 = arith.constant 0 : i32
      %dma_wait3A_376 = arith.constant 0 : i32
      %dma_wait3A_377 = tpu.memref_slice %arg2[%dma_wait3A_375, %dma_wait3A_376] : memref<10000x128xf32, #tpu.memory_space<hbm>> -> memref<10000x128xf32, #tpu.memory_space<hbm>>
      tpu.wait_indirect_dma semaphore(%arg14 : memref<!tpu.dma_semaphore, #tpu.memory_space<semaphore_mem>>) src(%dma_wait3A_377 : memref<10000x128xf32, #tpu.memory_space<hbm>>) dst(%dma_wait3A_371 : memref<125x128xf32, #tpu.memory_space<vmem>>)
      %dma_start3A_378 = arith.constant 2 : i32
      %dma_start3A_379 = arith.constant 0 : i32
      %dma_start3A_380 = arith.constant 0 : i32
      %dma_start3A_381 = arith.constant 0 : i32
      %dma_start3A_382 = tpu.memref_slice %arg11[%dma_start3A_379, %dma_start3A_380, %dma_start3A_381] : memref<2x125x128xf32, #tpu.memory_space<vmem>> -> memref<1x125x128xf32, #tpu.memory_space<vmem>>
      %dma_start3A_383 = tpu.memref_squeeze %dma_start3A_382 : memref<1x125x128xf32, #tpu.memory_space<vmem>> -> memref<125x128xf32, #tpu.memory_space<vmem>>
      %dma_start3A_384 = arith.constant 0 : i32
      %dma_start3A_385 = tpu.memref_slice %arg8[%dma_start3A_378, %dma_start3A_384] : memref<8x125xi32, #tpu.memory_space<vmem>> -> memref<1x125xi32, #tpu.memory_space<vmem>>
      %dma_start3A_386 = tpu.memref_squeeze %dma_start3A_385 : memref<1x125xi32, #tpu.memory_space<vmem>> -> memref<125xi32, #tpu.memory_space<vmem>>
      %dma_start3A_387 = arith.constant 0 : i32
      %dma_start3A_388 = arith.constant 0 : i32
      %dma_start3A_389 = tpu.memref_slice %arg2[%dma_start3A_387, %dma_start3A_388] : memref<10000x128xf32, #tpu.memory_space<hbm>> -> memref<10000x128xf32, #tpu.memory_space<hbm>>
      tpu.enqueue_indirect_dma source(%dma_start3A_389 : memref<10000x128xf32, #tpu.memory_space<hbm>>) target(%dma_start3A_383 : memref<125x128xf32, #tpu.memory_space<vmem>>) offsets(%dma_start3A_386 : memref<125xi32, #tpu.memory_space<vmem>>) semaphore(%arg13 : memref<!tpu.dma_semaphore, #tpu.memory_space<semaphore_mem>>)
      %run_scoped3A_390 = arith.constant 1 : i32
      %run_scoped3A_391 = arith.constant 1 : i32
      "tpu.region"() ({
        %run_scoped3A_588 = tpu.sem_alloc : memref<!tpu.dma_semaphore, #tpu.memory_space<semaphore_mem>>
        %dma_start3A_589 = arith.constant 0 : i32
        %dma_start3A_590 = arith.constant 0 : i32
        %dma_start3A_591 = tpu.memref_slice %arg11[%run_scoped3A_390, %dma_start3A_589, %dma_start3A_590] : memref<2x125x128xf32, #tpu.memory_space<vmem>> -> memref<1x125x128xf32, #tpu.memory_space<vmem>>
        %dma_start3A_592 = tpu.memref_squeeze %dma_start3A_591 : memref<1x125x128xf32, #tpu.memory_space<vmem>> -> memref<125x128xf32, #tpu.memory_space<vmem>>
        %dma_start3A_593 = arith.constant 0 : i32
        %dma_start3A_594 = tpu.memref_slice %arg10[%run_scoped3A_391, %dma_start3A_593] : memref<8x125xi32, #tpu.memory_space<vmem>> -> memref<1x125xi32, #tpu.memory_space<vmem>>
        %dma_start3A_595 = tpu.memref_squeeze %dma_start3A_594 : memref<1x125xi32, #tpu.memory_space<vmem>> -> memref<125xi32, #tpu.memory_space<vmem>>
        %dma_start3A_596 = arith.constant 0 : i32
        %dma_start3A_597 = arith.constant 0 : i32
        %dma_start3A_598 = tpu.memref_slice %arg12[%dma_start3A_596, %dma_start3A_597] : memref<10240x128xf32, #tpu.memory_space<vmem_shared>> -> memref<10240x128xf32, #tpu.memory_space<vmem_shared>>
        tpu.enqueue_indirect_dma source(%dma_start3A_592 : memref<125x128xf32, #tpu.memory_space<vmem>>) target(%dma_start3A_598 : memref<10240x128xf32, #tpu.memory_space<vmem_shared>>) offsets(%dma_start3A_595 : memref<125xi32, #tpu.memory_space<vmem>>) semaphore(%run_scoped3A_588 : memref<!tpu.dma_semaphore, #tpu.memory_space<semaphore_mem>>) {add = true}
        %dma_wait3A_599 = arith.constant 0 : i32
        %dma_wait3A_600 = arith.constant 0 : i32
        %dma_wait3A_601 = tpu.memref_slice %arg11[%run_scoped3A_390, %dma_wait3A_599, %dma_wait3A_600] : memref<2x125x128xf32, #tpu.memory_space<vmem>> -> memref<1x125x128xf32, #tpu.memory_space<vmem>>
        %dma_wait3A_602 = tpu.memref_squeeze %dma_wait3A_601 : memref<1x125x128xf32, #tpu.memory_space<vmem>> -> memref<125x128xf32, #tpu.memory_space<vmem>>
        %dma_wait3A_603 = arith.constant 0 : i32
        %dma_wait3A_604 = tpu.memref_slice %arg10[%run_scoped3A_391, %dma_wait3A_603] : memref<8x125xi32, #tpu.memory_space<vmem>> -> memref<1x125xi32, #tpu.memory_space<vmem>>
        %dma_wait3A_605 = tpu.memref_squeeze %dma_wait3A_604 : memref<1x125xi32, #tpu.memory_space<vmem>> -> memref<125xi32, #tpu.memory_space<vmem>>
        %dma_wait3A_606 = arith.constant 0 : i32
        %dma_wait3A_607 = arith.constant 0 : i32
        %dma_wait3A_608 = tpu.memref_slice %arg12[%dma_wait3A_606, %dma_wait3A_607] : memref<10240x128xf32, #tpu.memory_space<vmem_shared>> -> memref<10240x128xf32, #tpu.memory_space<vmem_shared>>
        tpu.wait_indirect_dma semaphore(%run_scoped3A_588 : memref<!tpu.dma_semaphore, #tpu.memory_space<semaphore_mem>>) src(%dma_wait3A_602 : memref<125x128xf32, #tpu.memory_space<vmem>>) dst(%dma_wait3A_608 : memref<10240x128xf32, #tpu.memory_space<vmem_shared>>)
        tpu.yield
      }) : () -> ()
      %dma_wait3A_392 = arith.constant 2 : i32
      %dma_wait3A_393 = arith.constant 0 : i32
      %dma_wait3A_394 = arith.constant 0 : i32
      %dma_wait3A_395 = arith.constant 0 : i32
      %dma_wait3A_396 = tpu.memref_slice %arg11[%dma_wait3A_393, %dma_wait3A_394, %dma_wait3A_395] : memref<2x125x128xf32, #tpu.memory_space<vmem>> -> memref<1x125x128xf32, #tpu.memory_space<vmem>>
      %dma_wait3A_397 = tpu.memref_squeeze %dma_wait3A_396 : memref<1x125x128xf32, #tpu.memory_space<vmem>> -> memref<125x128xf32, #tpu.memory_space<vmem>>
      %dma_wait3A_398 = arith.constant 0 : i32
      %dma_wait3A_399 = tpu.memref_slice %arg8[%dma_wait3A_392, %dma_wait3A_398] : memref<8x125xi32, #tpu.memory_space<vmem>> -> memref<1x125xi32, #tpu.memory_space<vmem>>
      %dma_wait3A_400 = tpu.memref_squeeze %dma_wait3A_399 : memref<1x125xi32, #tpu.memory_space<vmem>> -> memref<125xi32, #tpu.memory_space<vmem>>
      %dma_wait3A_401 = arith.constant 0 : i32
      %dma_wait3A_402 = arith.constant 0 : i32
      %dma_wait3A_403 = tpu.memref_slice %arg2[%dma_wait3A_401, %dma_wait3A_402] : memref<10000x128xf32, #tpu.memory_space<hbm>> -> memref<10000x128xf32, #tpu.memory_space<hbm>>
      tpu.wait_indirect_dma semaphore(%arg13 : memref<!tpu.dma_semaphore, #tpu.memory_space<semaphore_mem>>) src(%dma_wait3A_403 : memref<10000x128xf32, #tpu.memory_space<hbm>>) dst(%dma_wait3A_397 : memref<125x128xf32, #tpu.memory_space<vmem>>)
      %dma_start3A_404 = arith.constant 3 : i32
      %dma_start3A_405 = arith.constant 1 : i32
      %dma_start3A_406 = arith.constant 0 : i32
      %dma_start3A_407 = arith.constant 0 : i32
      %dma_start3A_408 = tpu.memref_slice %arg11[%dma_start3A_405, %dma_start3A_406, %dma_start3A_407] : memref<2x125x128xf32, #tpu.memory_space<vmem>> -> memref<1x125x128xf32, #tpu.memory_space<vmem>>
      %dma_start3A_409 = tpu.memref_squeeze %dma_start3A_408 : memref<1x125x128xf32, #tpu.memory_space<vmem>> -> memref<125x128xf32, #tpu.memory_space<vmem>>
      %dma_start3A_410 = arith.constant 0 : i32
      %dma_start3A_411 = tpu.memref_slice %arg8[%dma_start3A_404, %dma_start3A_410] : memref<8x125xi32, #tpu.memory_space<vmem>> -> memref<1x125xi32, #tpu.memory_space<vmem>>
      %dma_start3A_412 = tpu.memref_squeeze %dma_start3A_411 : memref<1x125xi32, #tpu.memory_space<vmem>> -> memref<125xi32, #tpu.memory_space<vmem>>
      %dma_start3A_413 = arith.constant 0 : i32
      %dma_start3A_414 = arith.constant 0 : i32
      %dma_start3A_415 = tpu.memref_slice %arg2[%dma_start3A_413, %dma_start3A_414] : memref<10000x128xf32, #tpu.memory_space<hbm>> -> memref<10000x128xf32, #tpu.memory_space<hbm>>
      tpu.enqueue_indirect_dma source(%dma_start3A_415 : memref<10000x128xf32, #tpu.memory_space<hbm>>) target(%dma_start3A_409 : memref<125x128xf32, #tpu.memory_space<vmem>>) offsets(%dma_start3A_412 : memref<125xi32, #tpu.memory_space<vmem>>) semaphore(%arg14 : memref<!tpu.dma_semaphore, #tpu.memory_space<semaphore_mem>>)
      %run_scoped3A_416 = arith.constant 0 : i32
      %run_scoped3A_417 = arith.constant 2 : i32
      "tpu.region"() ({
        %run_scoped3A_588 = tpu.sem_alloc : memref<!tpu.dma_semaphore, #tpu.memory_space<semaphore_mem>>
        %dma_start3A_589 = arith.constant 0 : i32
        %dma_start3A_590 = arith.constant 0 : i32
        %dma_start3A_591 = tpu.memref_slice %arg11[%run_scoped3A_416, %dma_start3A_589, %dma_start3A_590] : memref<2x125x128xf32, #tpu.memory_space<vmem>> -> memref<1x125x128xf32, #tpu.memory_space<vmem>>
        %dma_start3A_592 = tpu.memref_squeeze %dma_start3A_591 : memref<1x125x128xf32, #tpu.memory_space<vmem>> -> memref<125x128xf32, #tpu.memory_space<vmem>>
        %dma_start3A_593 = arith.constant 0 : i32
        %dma_start3A_594 = tpu.memref_slice %arg10[%run_scoped3A_417, %dma_start3A_593] : memref<8x125xi32, #tpu.memory_space<vmem>> -> memref<1x125xi32, #tpu.memory_space<vmem>>
        %dma_start3A_595 = tpu.memref_squeeze %dma_start3A_594 : memref<1x125xi32, #tpu.memory_space<vmem>> -> memref<125xi32, #tpu.memory_space<vmem>>
        %dma_start3A_596 = arith.constant 0 : i32
        %dma_start3A_597 = arith.constant 0 : i32
        %dma_start3A_598 = tpu.memref_slice %arg12[%dma_start3A_596, %dma_start3A_597] : memref<10240x128xf32, #tpu.memory_space<vmem_shared>> -> memref<10240x128xf32, #tpu.memory_space<vmem_shared>>
        tpu.enqueue_indirect_dma source(%dma_start3A_592 : memref<125x128xf32, #tpu.memory_space<vmem>>) target(%dma_start3A_598 : memref<10240x128xf32, #tpu.memory_space<vmem_shared>>) offsets(%dma_start3A_595 : memref<125xi32, #tpu.memory_space<vmem>>) semaphore(%run_scoped3A_588 : memref<!tpu.dma_semaphore, #tpu.memory_space<semaphore_mem>>) {add = true}
        %dma_wait3A_599 = arith.constant 0 : i32
        %dma_wait3A_600 = arith.constant 0 : i32
        %dma_wait3A_601 = tpu.memref_slice %arg11[%run_scoped3A_416, %dma_wait3A_599, %dma_wait3A_600] : memref<2x125x128xf32, #tpu.memory_space<vmem>> -> memref<1x125x128xf32, #tpu.memory_space<vmem>>
        %dma_wait3A_602 = tpu.memref_squeeze %dma_wait3A_601 : memref<1x125x128xf32, #tpu.memory_space<vmem>> -> memref<125x128xf32, #tpu.memory_space<vmem>>
        %dma_wait3A_603 = arith.constant 0 : i32
        %dma_wait3A_604 = tpu.memref_slice %arg10[%run_scoped3A_417, %dma_wait3A_603] : memref<8x125xi32, #tpu.memory_space<vmem>> -> memref<1x125xi32, #tpu.memory_space<vmem>>
        %dma_wait3A_605 = tpu.memref_squeeze %dma_wait3A_604 : memref<1x125xi32, #tpu.memory_space<vmem>> -> memref<125xi32, #tpu.memory_space<vmem>>
        %dma_wait3A_606 = arith.constant 0 : i32
        %dma_wait3A_607 = arith.constant 0 : i32
        %dma_wait3A_608 = tpu.memref_slice %arg12[%dma_wait3A_606, %dma_wait3A_607] : memref<10240x128xf32, #tpu.memory_space<vmem_shared>> -> memref<10240x128xf32, #tpu.memory_space<vmem_shared>>
        tpu.wait_indirect_dma semaphore(%run_scoped3A_588 : memref<!tpu.dma_semaphore, #tpu.memory_space<semaphore_mem>>) src(%dma_wait3A_602 : memref<125x128xf32, #tpu.memory_space<vmem>>) dst(%dma_wait3A_608 : memref<10240x128xf32, #tpu.memory_space<vmem_shared>>)
        tpu.yield
      }) : () -> ()
      %dma_wait3A_418 = arith.constant 3 : i32
      %dma_wait3A_419 = arith.constant 1 : i32
      %dma_wait3A_420 = arith.constant 0 : i32
      %dma_wait3A_421 = arith.constant 0 : i32
      %dma_wait3A_422 = tpu.memref_slice %arg11[%dma_wait3A_419, %dma_wait3A_420, %dma_wait3A_421] : memref<2x125x128xf32, #tpu.memory_space<vmem>> -> memref<1x125x128xf32, #tpu.memory_space<vmem>>
      %dma_wait3A_423 = tpu.memref_squeeze %dma_wait3A_422 : memref<1x125x128xf32, #tpu.memory_space<vmem>> -> memref<125x128xf32, #tpu.memory_space<vmem>>
      %dma_wait3A_424 = arith.constant 0 : i32
      %dma_wait3A_425 = tpu.memref_slice %arg8[%dma_wait3A_418, %dma_wait3A_424] : memref<8x125xi32, #tpu.memory_space<vmem>> -> memref<1x125xi32, #tpu.memory_space<vmem>>
      %dma_wait3A_426 = tpu.memref_squeeze %dma_wait3A_425 : memref<1x125xi32, #tpu.memory_space<vmem>> -> memref<125xi32, #tpu.memory_space<vmem>>
      %dma_wait3A_427 = arith.constant 0 : i32
      %dma_wait3A_428 = arith.constant 0 : i32
      %dma_wait3A_429 = tpu.memref_slice %arg2[%dma_wait3A_427, %dma_wait3A_428] : memref<10000x128xf32, #tpu.memory_space<hbm>> -> memref<10000x128xf32, #tpu.memory_space<hbm>>
      tpu.wait_indirect_dma semaphore(%arg14 : memref<!tpu.dma_semaphore, #tpu.memory_space<semaphore_mem>>) src(%dma_wait3A_429 : memref<10000x128xf32, #tpu.memory_space<hbm>>) dst(%dma_wait3A_423 : memref<125x128xf32, #tpu.memory_space<vmem>>)
      %dma_start3A_430 = arith.constant 4 : i32
      %dma_start3A_431 = arith.constant 0 : i32
      %dma_start3A_432 = arith.constant 0 : i32
      %dma_start3A_433 = arith.constant 0 : i32
      %dma_start3A_434 = tpu.memref_slice %arg11[%dma_start3A_431, %dma_start3A_432, %dma_start3A_433] : memref<2x125x128xf32, #tpu.memory_space<vmem>> -> memref<1x125x128xf32, #tpu.memory_space<vmem>>
      %dma_start3A_435 = tpu.memref_squeeze %dma_start3A_434 : memref<1x125x128xf32, #tpu.memory_space<vmem>> -> memref<125x128xf32, #tpu.memory_space<vmem>>
      %dma_start3A_436 = arith.constant 0 : i32
      %dma_start3A_437 = tpu.memref_slice %arg8[%dma_start3A_430, %dma_start3A_436] : memref<8x125xi32, #tpu.memory_space<vmem>> -> memref<1x125xi32, #tpu.memory_space<vmem>>
      %dma_start3A_438 = tpu.memref_squeeze %dma_start3A_437 : memref<1x125xi32, #tpu.memory_space<vmem>> -> memref<125xi32, #tpu.memory_space<vmem>>
      %dma_start3A_439 = arith.constant 0 : i32
      %dma_start3A_440 = arith.constant 0 : i32
      %dma_start3A_441 = tpu.memref_slice %arg2[%dma_start3A_439, %dma_start3A_440] : memref<10000x128xf32, #tpu.memory_space<hbm>> -> memref<10000x128xf32, #tpu.memory_space<hbm>>
      tpu.enqueue_indirect_dma source(%dma_start3A_441 : memref<10000x128xf32, #tpu.memory_space<hbm>>) target(%dma_start3A_435 : memref<125x128xf32, #tpu.memory_space<vmem>>) offsets(%dma_start3A_438 : memref<125xi32, #tpu.memory_space<vmem>>) semaphore(%arg13 : memref<!tpu.dma_semaphore, #tpu.memory_space<semaphore_mem>>)
      %run_scoped3A_442 = arith.constant 1 : i32
      %run_scoped3A_443 = arith.constant 3 : i32
      "tpu.region"() ({
        %run_scoped3A_588 = tpu.sem_alloc : memref<!tpu.dma_semaphore, #tpu.memory_space<semaphore_mem>>
        %dma_start3A_589 = arith.constant 0 : i32
        %dma_start3A_590 = arith.constant 0 : i32
        %dma_start3A_591 = tpu.memref_slice %arg11[%run_scoped3A_442, %dma_start3A_589, %dma_start3A_590] : memref<2x125x128xf32, #tpu.memory_space<vmem>> -> memref<1x125x128xf32, #tpu.memory_space<vmem>>
        %dma_start3A_592 = tpu.memref_squeeze %dma_start3A_591 : memref<1x125x128xf32, #tpu.memory_space<vmem>> -> memref<125x128xf32, #tpu.memory_space<vmem>>
        %dma_start3A_593 = arith.constant 0 : i32
        %dma_start3A_594 = tpu.memref_slice %arg10[%run_scoped3A_443, %dma_start3A_593] : memref<8x125xi32, #tpu.memory_space<vmem>> -> memref<1x125xi32, #tpu.memory_space<vmem>>
        %dma_start3A_595 = tpu.memref_squeeze %dma_start3A_594 : memref<1x125xi32, #tpu.memory_space<vmem>> -> memref<125xi32, #tpu.memory_space<vmem>>
        %dma_start3A_596 = arith.constant 0 : i32
        %dma_start3A_597 = arith.constant 0 : i32
        %dma_start3A_598 = tpu.memref_slice %arg12[%dma_start3A_596, %dma_start3A_597] : memref<10240x128xf32, #tpu.memory_space<vmem_shared>> -> memref<10240x128xf32, #tpu.memory_space<vmem_shared>>
        tpu.enqueue_indirect_dma source(%dma_start3A_592 : memref<125x128xf32, #tpu.memory_space<vmem>>) target(%dma_start3A_598 : memref<10240x128xf32, #tpu.memory_space<vmem_shared>>) offsets(%dma_start3A_595 : memref<125xi32, #tpu.memory_space<vmem>>) semaphore(%run_scoped3A_588 : memref<!tpu.dma_semaphore, #tpu.memory_space<semaphore_mem>>) {add = true}
        %dma_wait3A_599 = arith.constant 0 : i32
        %dma_wait3A_600 = arith.constant 0 : i32
        %dma_wait3A_601 = tpu.memref_slice %arg11[%run_scoped3A_442, %dma_wait3A_599, %dma_wait3A_600] : memref<2x125x128xf32, #tpu.memory_space<vmem>> -> memref<1x125x128xf32, #tpu.memory_space<vmem>>
        %dma_wait3A_602 = tpu.memref_squeeze %dma_wait3A_601 : memref<1x125x128xf32, #tpu.memory_space<vmem>> -> memref<125x128xf32, #tpu.memory_space<vmem>>
        %dma_wait3A_603 = arith.constant 0 : i32
        %dma_wait3A_604 = tpu.memref_slice %arg10[%run_scoped3A_443, %dma_wait3A_603] : memref<8x125xi32, #tpu.memory_space<vmem>> -> memref<1x125xi32, #tpu.memory_space<vmem>>
        %dma_wait3A_605 = tpu.memref_squeeze %dma_wait3A_604 : memref<1x125xi32, #tpu.memory_space<vmem>> -> memref<125xi32, #tpu.memory_space<vmem>>
        %dma_wait3A_606 = arith.constant 0 : i32
        %dma_wait3A_607 = arith.constant 0 : i32
        %dma_wait3A_608 = tpu.memref_slice %arg12[%dma_wait3A_606, %dma_wait3A_607] : memref<10240x128xf32, #tpu.memory_space<vmem_shared>> -> memref<10240x128xf32, #tpu.memory_space<vmem_shared>>
        tpu.wait_indirect_dma semaphore(%run_scoped3A_588 : memref<!tpu.dma_semaphore, #tpu.memory_space<semaphore_mem>>) src(%dma_wait3A_602 : memref<125x128xf32, #tpu.memory_space<vmem>>) dst(%dma_wait3A_608 : memref<10240x128xf32, #tpu.memory_space<vmem_shared>>)
        tpu.yield
      }) : () -> ()
      %dma_wait3A_444 = arith.constant 4 : i32
      %dma_wait3A_445 = arith.constant 0 : i32
      %dma_wait3A_446 = arith.constant 0 : i32
      %dma_wait3A_447 = arith.constant 0 : i32
      %dma_wait3A_448 = tpu.memref_slice %arg11[%dma_wait3A_445, %dma_wait3A_446, %dma_wait3A_447] : memref<2x125x128xf32, #tpu.memory_space<vmem>> -> memref<1x125x128xf32, #tpu.memory_space<vmem>>
      %dma_wait3A_449 = tpu.memref_squeeze %dma_wait3A_448 : memref<1x125x128xf32, #tpu.memory_space<vmem>> -> memref<125x128xf32, #tpu.memory_space<vmem>>
      %dma_wait3A_450 = arith.constant 0 : i32
      %dma_wait3A_451 = tpu.memref_slice %arg8[%dma_wait3A_444, %dma_wait3A_450] : memref<8x125xi32, #tpu.memory_space<vmem>> -> memref<1x125xi32, #tpu.memory_space<vmem>>
      %dma_wait3A_452 = tpu.memref_squeeze %dma_wait3A_451 : memref<1x125xi32, #tpu.memory_space<vmem>> -> memref<125xi32, #tpu.memory_space<vmem>>
      %dma_wait3A_453 = arith.constant 0 : i32
      %dma_wait3A_454 = arith.constant 0 : i32
      %dma_wait3A_455 = tpu.memref_slice %arg2[%dma_wait3A_453, %dma_wait3A_454] : memref<10000x128xf32, #tpu.memory_space<hbm>> -> memref<10000x128xf32, #tpu.memory_space<hbm>>
      tpu.wait_indirect_dma semaphore(%arg13 : memref<!tpu.dma_semaphore, #tpu.memory_space<semaphore_mem>>) src(%dma_wait3A_455 : memref<10000x128xf32, #tpu.memory_space<hbm>>) dst(%dma_wait3A_449 : memref<125x128xf32, #tpu.memory_space<vmem>>)
      %dma_start3A_456 = arith.constant 5 : i32
      %dma_start3A_457 = arith.constant 1 : i32
      %dma_start3A_458 = arith.constant 0 : i32
      %dma_start3A_459 = arith.constant 0 : i32
      %dma_start3A_460 = tpu.memref_slice %arg11[%dma_start3A_457, %dma_start3A_458, %dma_start3A_459] : memref<2x125x128xf32, #tpu.memory_space<vmem>> -> memref<1x125x128xf32, #tpu.memory_space<vmem>>
      %dma_start3A_461 = tpu.memref_squeeze %dma_start3A_460 : memref<1x125x128xf32, #tpu.memory_space<vmem>> -> memref<125x128xf32, #tpu.memory_space<vmem>>
      %dma_start3A_462 = arith.constant 0 : i32
      %dma_start3A_463 = tpu.memref_slice %arg8[%dma_start3A_456, %dma_start3A_462] : memref<8x125xi32, #tpu.memory_space<vmem>> -> memref<1x125xi32, #tpu.memory_space<vmem>>
      %dma_start3A_464 = tpu.memref_squeeze %dma_start3A_463 : memref<1x125xi32, #tpu.memory_space<vmem>> -> memref<125xi32, #tpu.memory_space<vmem>>
      %dma_start3A_465 = arith.constant 0 : i32
      %dma_start3A_466 = arith.constant 0 : i32
      %dma_start3A_467 = tpu.memref_slice %arg2[%dma_start3A_465, %dma_start3A_466] : memref<10000x128xf32, #tpu.memory_space<hbm>> -> memref<10000x128xf32, #tpu.memory_space<hbm>>
      tpu.enqueue_indirect_dma source(%dma_start3A_467 : memref<10000x128xf32, #tpu.memory_space<hbm>>) target(%dma_start3A_461 : memref<125x128xf32, #tpu.memory_space<vmem>>) offsets(%dma_start3A_464 : memref<125xi32, #tpu.memory_space<vmem>>) semaphore(%arg14 : memref<!tpu.dma_semaphore, #tpu.memory_space<semaphore_mem>>)
      %run_scoped3A_468 = arith.constant 0 : i32
      %run_scoped3A_469 = arith.constant 4 : i32
      "tpu.region"() ({
        %run_scoped3A_588 = tpu.sem_alloc : memref<!tpu.dma_semaphore, #tpu.memory_space<semaphore_mem>>
        %dma_start3A_589 = arith.constant 0 : i32
        %dma_start3A_590 = arith.constant 0 : i32
        %dma_start3A_591 = tpu.memref_slice %arg11[%run_scoped3A_468, %dma_start3A_589, %dma_start3A_590] : memref<2x125x128xf32, #tpu.memory_space<vmem>> -> memref<1x125x128xf32, #tpu.memory_space<vmem>>
        %dma_start3A_592 = tpu.memref_squeeze %dma_start3A_591 : memref<1x125x128xf32, #tpu.memory_space<vmem>> -> memref<125x128xf32, #tpu.memory_space<vmem>>
        %dma_start3A_593 = arith.constant 0 : i32
        %dma_start3A_594 = tpu.memref_slice %arg10[%run_scoped3A_469, %dma_start3A_593] : memref<8x125xi32, #tpu.memory_space<vmem>> -> memref<1x125xi32, #tpu.memory_space<vmem>>
        %dma_start3A_595 = tpu.memref_squeeze %dma_start3A_594 : memref<1x125xi32, #tpu.memory_space<vmem>> -> memref<125xi32, #tpu.memory_space<vmem>>
        %dma_start3A_596 = arith.constant 0 : i32
        %dma_start3A_597 = arith.constant 0 : i32
        %dma_start3A_598 = tpu.memref_slice %arg12[%dma_start3A_596, %dma_start3A_597] : memref<10240x128xf32, #tpu.memory_space<vmem_shared>> -> memref<10240x128xf32, #tpu.memory_space<vmem_shared>>
        tpu.enqueue_indirect_dma source(%dma_start3A_592 : memref<125x128xf32, #tpu.memory_space<vmem>>) target(%dma_start3A_598 : memref<10240x128xf32, #tpu.memory_space<vmem_shared>>) offsets(%dma_start3A_595 : memref<125xi32, #tpu.memory_space<vmem>>) semaphore(%run_scoped3A_588 : memref<!tpu.dma_semaphore, #tpu.memory_space<semaphore_mem>>) {add = true}
        %dma_wait3A_599 = arith.constant 0 : i32
        %dma_wait3A_600 = arith.constant 0 : i32
        %dma_wait3A_601 = tpu.memref_slice %arg11[%run_scoped3A_468, %dma_wait3A_599, %dma_wait3A_600] : memref<2x125x128xf32, #tpu.memory_space<vmem>> -> memref<1x125x128xf32, #tpu.memory_space<vmem>>
        %dma_wait3A_602 = tpu.memref_squeeze %dma_wait3A_601 : memref<1x125x128xf32, #tpu.memory_space<vmem>> -> memref<125x128xf32, #tpu.memory_space<vmem>>
        %dma_wait3A_603 = arith.constant 0 : i32
        %dma_wait3A_604 = tpu.memref_slice %arg10[%run_scoped3A_469, %dma_wait3A_603] : memref<8x125xi32, #tpu.memory_space<vmem>> -> memref<1x125xi32, #tpu.memory_space<vmem>>
        %dma_wait3A_605 = tpu.memref_squeeze %dma_wait3A_604 : memref<1x125xi32, #tpu.memory_space<vmem>> -> memref<125xi32, #tpu.memory_space<vmem>>
        %dma_wait3A_606 = arith.constant 0 : i32
        %dma_wait3A_607 = arith.constant 0 : i32
        %dma_wait3A_608 = tpu.memref_slice %arg12[%dma_wait3A_606, %dma_wait3A_607] : memref<10240x128xf32, #tpu.memory_space<vmem_shared>> -> memref<10240x128xf32, #tpu.memory_space<vmem_shared>>
        tpu.wait_indirect_dma semaphore(%run_scoped3A_588 : memref<!tpu.dma_semaphore, #tpu.memory_space<semaphore_mem>>) src(%dma_wait3A_602 : memref<125x128xf32, #tpu.memory_space<vmem>>) dst(%dma_wait3A_608 : memref<10240x128xf32, #tpu.memory_space<vmem_shared>>)
        tpu.yield
      }) : () -> ()
      %dma_wait3A_470 = arith.constant 5 : i32
      %dma_wait3A_471 = arith.constant 1 : i32
      %dma_wait3A_472 = arith.constant 0 : i32
      %dma_wait3A_473 = arith.constant 0 : i32
      %dma_wait3A_474 = tpu.memref_slice %arg11[%dma_wait3A_471, %dma_wait3A_472, %dma_wait3A_473] : memref<2x125x128xf32, #tpu.memory_space<vmem>> -> memref<1x125x128xf32, #tpu.memory_space<vmem>>
      %dma_wait3A_475 = tpu.memref_squeeze %dma_wait3A_474 : memref<1x125x128xf32, #tpu.memory_space<vmem>> -> memref<125x128xf32, #tpu.memory_space<vmem>>
      %dma_wait3A_476 = arith.constant 0 : i32
      %dma_wait3A_477 = tpu.memref_slice %arg8[%dma_wait3A_470, %dma_wait3A_476] : memref<8x125xi32, #tpu.memory_space<vmem>> -> memref<1x125xi32, #tpu.memory_space<vmem>>
      %dma_wait3A_478 = tpu.memref_squeeze %dma_wait3A_477 : memref<1x125xi32, #tpu.memory_space<vmem>> -> memref<125xi32, #tpu.memory_space<vmem>>
      %dma_wait3A_479 = arith.constant 0 : i32
      %dma_wait3A_480 = arith.constant 0 : i32
      %dma_wait3A_481 = tpu.memref_slice %arg2[%dma_wait3A_479, %dma_wait3A_480] : memref<10000x128xf32, #tpu.memory_space<hbm>> -> memref<10000x128xf32, #tpu.memory_space<hbm>>
      tpu.wait_indirect_dma semaphore(%arg14 : memref<!tpu.dma_semaphore, #tpu.memory_space<semaphore_mem>>) src(%dma_wait3A_481 : memref<10000x128xf32, #tpu.memory_space<hbm>>) dst(%dma_wait3A_475 : memref<125x128xf32, #tpu.memory_space<vmem>>)
      %dma_start3A_482 = arith.constant 6 : i32
      %dma_start3A_483 = arith.constant 0 : i32
      %dma_start3A_484 = arith.constant 0 : i32
      %dma_start3A_485 = arith.constant 0 : i32
      %dma_start3A_486 = tpu.memref_slice %arg11[%dma_start3A_483, %dma_start3A_484, %dma_start3A_485] : memref<2x125x128xf32, #tpu.memory_space<vmem>> -> memref<1x125x128xf32, #tpu.memory_space<vmem>>
      %dma_start3A_487 = tpu.memref_squeeze %dma_start3A_486 : memref<1x125x128xf32, #tpu.memory_space<vmem>> -> memref<125x128xf32, #tpu.memory_space<vmem>>
      %dma_start3A_488 = arith.constant 0 : i32
      %dma_start3A_489 = tpu.memref_slice %arg8[%dma_start3A_482, %dma_start3A_488] : memref<8x125xi32, #tpu.memory_space<vmem>> -> memref<1x125xi32, #tpu.memory_space<vmem>>
      %dma_start3A_490 = tpu.memref_squeeze %dma_start3A_489 : memref<1x125xi32, #tpu.memory_space<vmem>> -> memref<125xi32, #tpu.memory_space<vmem>>
      %dma_start3A_491 = arith.constant 0 : i32
      %dma_start3A_492 = arith.constant 0 : i32
      %dma_start3A_493 = tpu.memref_slice %arg2[%dma_start3A_491, %dma_start3A_492] : memref<10000x128xf32, #tpu.memory_space<hbm>> -> memref<10000x128xf32, #tpu.memory_space<hbm>>
      tpu.enqueue_indirect_dma source(%dma_start3A_493 : memref<10000x128xf32, #tpu.memory_space<hbm>>) target(%dma_start3A_487 : memref<125x128xf32, #tpu.memory_space<vmem>>) offsets(%dma_start3A_490 : memref<125xi32, #tpu.memory_space<vmem>>) semaphore(%arg13 : memref<!tpu.dma_semaphore, #tpu.memory_space<semaphore_mem>>)
      %run_scoped3A_494 = arith.constant 1 : i32
      %run_scoped3A_495 = arith.constant 5 : i32
      "tpu.region"() ({
        %run_scoped3A_588 = tpu.sem_alloc : memref<!tpu.dma_semaphore, #tpu.memory_space<semaphore_mem>>
        %dma_start3A_589 = arith.constant 0 : i32
        %dma_start3A_590 = arith.constant 0 : i32
        %dma_start3A_591 = tpu.memref_slice %arg11[%run_scoped3A_494, %dma_start3A_589, %dma_start3A_590] : memref<2x125x128xf32, #tpu.memory_space<vmem>> -> memref<1x125x128xf32, #tpu.memory_space<vmem>>
        %dma_start3A_592 = tpu.memref_squeeze %dma_start3A_591 : memref<1x125x128xf32, #tpu.memory_space<vmem>> -> memref<125x128xf32, #tpu.memory_space<vmem>>
        %dma_start3A_593 = arith.constant 0 : i32
        %dma_start3A_594 = tpu.memref_slice %arg10[%run_scoped3A_495, %dma_start3A_593] : memref<8x125xi32, #tpu.memory_space<vmem>> -> memref<1x125xi32, #tpu.memory_space<vmem>>
        %dma_start3A_595 = tpu.memref_squeeze %dma_start3A_594 : memref<1x125xi32, #tpu.memory_space<vmem>> -> memref<125xi32, #tpu.memory_space<vmem>>
        %dma_start3A_596 = arith.constant 0 : i32
        %dma_start3A_597 = arith.constant 0 : i32
        %dma_start3A_598 = tpu.memref_slice %arg12[%dma_start3A_596, %dma_start3A_597] : memref<10240x128xf32, #tpu.memory_space<vmem_shared>> -> memref<10240x128xf32, #tpu.memory_space<vmem_shared>>
        tpu.enqueue_indirect_dma source(%dma_start3A_592 : memref<125x128xf32, #tpu.memory_space<vmem>>) target(%dma_start3A_598 : memref<10240x128xf32, #tpu.memory_space<vmem_shared>>) offsets(%dma_start3A_595 : memref<125xi32, #tpu.memory_space<vmem>>) semaphore(%run_scoped3A_588 : memref<!tpu.dma_semaphore, #tpu.memory_space<semaphore_mem>>) {add = true}
        %dma_wait3A_599 = arith.constant 0 : i32
        %dma_wait3A_600 = arith.constant 0 : i32
        %dma_wait3A_601 = tpu.memref_slice %arg11[%run_scoped3A_494, %dma_wait3A_599, %dma_wait3A_600] : memref<2x125x128xf32, #tpu.memory_space<vmem>> -> memref<1x125x128xf32, #tpu.memory_space<vmem>>
        %dma_wait3A_602 = tpu.memref_squeeze %dma_wait3A_601 : memref<1x125x128xf32, #tpu.memory_space<vmem>> -> memref<125x128xf32, #tpu.memory_space<vmem>>
        %dma_wait3A_603 = arith.constant 0 : i32
        %dma_wait3A_604 = tpu.memref_slice %arg10[%run_scoped3A_495, %dma_wait3A_603] : memref<8x125xi32, #tpu.memory_space<vmem>> -> memref<1x125xi32, #tpu.memory_space<vmem>>
        %dma_wait3A_605 = tpu.memref_squeeze %dma_wait3A_604 : memref<1x125xi32, #tpu.memory_space<vmem>> -> memref<125xi32, #tpu.memory_space<vmem>>
        %dma_wait3A_606 = arith.constant 0 : i32
        %dma_wait3A_607 = arith.constant 0 : i32
        %dma_wait3A_608 = tpu.memref_slice %arg12[%dma_wait3A_606, %dma_wait3A_607] : memref<10240x128xf32, #tpu.memory_space<vmem_shared>> -> memref<10240x128xf32, #tpu.memory_space<vmem_shared>>
        tpu.wait_indirect_dma semaphore(%run_scoped3A_588 : memref<!tpu.dma_semaphore, #tpu.memory_space<semaphore_mem>>) src(%dma_wait3A_602 : memref<125x128xf32, #tpu.memory_space<vmem>>) dst(%dma_wait3A_608 : memref<10240x128xf32, #tpu.memory_space<vmem_shared>>)
        tpu.yield
      }) : () -> ()
      %dma_wait3A_496 = arith.constant 6 : i32
      %dma_wait3A_497 = arith.constant 0 : i32
      %dma_wait3A_498 = arith.constant 0 : i32
      %dma_wait3A_499 = arith.constant 0 : i32
      %dma_wait3A_500 = tpu.memref_slice %arg11[%dma_wait3A_497, %dma_wait3A_498, %dma_wait3A_499] : memref<2x125x128xf32, #tpu.memory_space<vmem>> -> memref<1x125x128xf32, #tpu.memory_space<vmem>>
      %dma_wait3A_501 = tpu.memref_squeeze %dma_wait3A_500 : memref<1x125x128xf32, #tpu.memory_space<vmem>> -> memref<125x128xf32, #tpu.memory_space<vmem>>
      %dma_wait3A_502 = arith.constant 0 : i32
      %dma_wait3A_503 = tpu.memref_slice %arg8[%dma_wait3A_496, %dma_wait3A_502] : memref<8x125xi32, #tpu.memory_space<vmem>> -> memref<1x125xi32, #tpu.memory_space<vmem>>
      %dma_wait3A_504 = tpu.memref_squeeze %dma_wait3A_503 : memref<1x125xi32, #tpu.memory_space<vmem>> -> memref<125xi32, #tpu.memory_space<vmem>>
      %dma_wait3A_505 = arith.constant 0 : i32
      %dma_wait3A_506 = arith.constant 0 : i32
      %dma_wait3A_507 = tpu.memref_slice %arg2[%dma_wait3A_505, %dma_wait3A_506] : memref<10000x128xf32, #tpu.memory_space<hbm>> -> memref<10000x128xf32, #tpu.memory_space<hbm>>
      tpu.wait_indirect_dma semaphore(%arg13 : memref<!tpu.dma_semaphore, #tpu.memory_space<semaphore_mem>>) src(%dma_wait3A_507 : memref<10000x128xf32, #tpu.memory_space<hbm>>) dst(%dma_wait3A_501 : memref<125x128xf32, #tpu.memory_space<vmem>>)
      %dma_start3A_508 = arith.constant 7 : i32
      %dma_start3A_509 = arith.constant 1 : i32
      %dma_start3A_510 = arith.constant 0 : i32
      %dma_start3A_511 = arith.constant 0 : i32
      %dma_start3A_512 = tpu.memref_slice %arg11[%dma_start3A_509, %dma_start3A_510, %dma_start3A_511] : memref<2x125x128xf32, #tpu.memory_space<vmem>> -> memref<1x125x128xf32, #tpu.memory_space<vmem>>
      %dma_start3A_513 = tpu.memref_squeeze %dma_start3A_512 : memref<1x125x128xf32, #tpu.memory_space<vmem>> -> memref<125x128xf32, #tpu.memory_space<vmem>>
      %dma_start3A_514 = arith.constant 0 : i32
      %dma_start3A_515 = tpu.memref_slice %arg8[%dma_start3A_508, %dma_start3A_514] : memref<8x125xi32, #tpu.memory_space<vmem>> -> memref<1x125xi32, #tpu.memory_space<vmem>>
      %dma_start3A_516 = tpu.memref_squeeze %dma_start3A_515 : memref<1x125xi32, #tpu.memory_space<vmem>> -> memref<125xi32, #tpu.memory_space<vmem>>
      %dma_start3A_517 = arith.constant 0 : i32
      %dma_start3A_518 = arith.constant 0 : i32
      %dma_start3A_519 = tpu.memref_slice %arg2[%dma_start3A_517, %dma_start3A_518] : memref<10000x128xf32, #tpu.memory_space<hbm>> -> memref<10000x128xf32, #tpu.memory_space<hbm>>
      tpu.enqueue_indirect_dma source(%dma_start3A_519 : memref<10000x128xf32, #tpu.memory_space<hbm>>) target(%dma_start3A_513 : memref<125x128xf32, #tpu.memory_space<vmem>>) offsets(%dma_start3A_516 : memref<125xi32, #tpu.memory_space<vmem>>) semaphore(%arg14 : memref<!tpu.dma_semaphore, #tpu.memory_space<semaphore_mem>>)
      %run_scoped3A_520 = arith.constant 0 : i32
      %run_scoped3A_521 = arith.constant 6 : i32
      "tpu.region"() ({
        %run_scoped3A_588 = tpu.sem_alloc : memref<!tpu.dma_semaphore, #tpu.memory_space<semaphore_mem>>
        %dma_start3A_589 = arith.constant 0 : i32
        %dma_start3A_590 = arith.constant 0 : i32
        %dma_start3A_591 = tpu.memref_slice %arg11[%run_scoped3A_520, %dma_start3A_589, %dma_start3A_590] : memref<2x125x128xf32, #tpu.memory_space<vmem>> -> memref<1x125x128xf32, #tpu.memory_space<vmem>>
        %dma_start3A_592 = tpu.memref_squeeze %dma_start3A_591 : memref<1x125x128xf32, #tpu.memory_space<vmem>> -> memref<125x128xf32, #tpu.memory_space<vmem>>
        %dma_start3A_593 = arith.constant 0 : i32
        %dma_start3A_594 = tpu.memref_slice %arg10[%run_scoped3A_521, %dma_start3A_593] : memref<8x125xi32, #tpu.memory_space<vmem>> -> memref<1x125xi32, #tpu.memory_space<vmem>>
        %dma_start3A_595 = tpu.memref_squeeze %dma_start3A_594 : memref<1x125xi32, #tpu.memory_space<vmem>> -> memref<125xi32, #tpu.memory_space<vmem>>
        %dma_start3A_596 = arith.constant 0 : i32
        %dma_start3A_597 = arith.constant 0 : i32
        %dma_start3A_598 = tpu.memref_slice %arg12[%dma_start3A_596, %dma_start3A_597] : memref<10240x128xf32, #tpu.memory_space<vmem_shared>> -> memref<10240x128xf32, #tpu.memory_space<vmem_shared>>
        tpu.enqueue_indirect_dma source(%dma_start3A_592 : memref<125x128xf32, #tpu.memory_space<vmem>>) target(%dma_start3A_598 : memref<10240x128xf32, #tpu.memory_space<vmem_shared>>) offsets(%dma_start3A_595 : memref<125xi32, #tpu.memory_space<vmem>>) semaphore(%run_scoped3A_588 : memref<!tpu.dma_semaphore, #tpu.memory_space<semaphore_mem>>) {add = true}
        %dma_wait3A_599 = arith.constant 0 : i32
        %dma_wait3A_600 = arith.constant 0 : i32
        %dma_wait3A_601 = tpu.memref_slice %arg11[%run_scoped3A_520, %dma_wait3A_599, %dma_wait3A_600] : memref<2x125x128xf32, #tpu.memory_space<vmem>> -> memref<1x125x128xf32, #tpu.memory_space<vmem>>
        %dma_wait3A_602 = tpu.memref_squeeze %dma_wait3A_601 : memref<1x125x128xf32, #tpu.memory_space<vmem>> -> memref<125x128xf32, #tpu.memory_space<vmem>>
        %dma_wait3A_603 = arith.constant 0 : i32
        %dma_wait3A_604 = tpu.memref_slice %arg10[%run_scoped3A_521, %dma_wait3A_603] : memref<8x125xi32, #tpu.memory_space<vmem>> -> memref<1x125xi32, #tpu.memory_space<vmem>>
        %dma_wait3A_605 = tpu.memref_squeeze %dma_wait3A_604 : memref<1x125xi32, #tpu.memory_space<vmem>> -> memref<125xi32, #tpu.memory_space<vmem>>
        %dma_wait3A_606 = arith.constant 0 : i32
        %dma_wait3A_607 = arith.constant 0 : i32
        %dma_wait3A_608 = tpu.memref_slice %arg12[%dma_wait3A_606, %dma_wait3A_607] : memref<10240x128xf32, #tpu.memory_space<vmem_shared>> -> memref<10240x128xf32, #tpu.memory_space<vmem_shared>>
        tpu.wait_indirect_dma semaphore(%run_scoped3A_588 : memref<!tpu.dma_semaphore, #tpu.memory_space<semaphore_mem>>) src(%dma_wait3A_602 : memref<125x128xf32, #tpu.memory_space<vmem>>) dst(%dma_wait3A_608 : memref<10240x128xf32, #tpu.memory_space<vmem_shared>>)
        tpu.yield
      }) : () -> ()
      %dma_wait3A_522 = arith.constant 7 : i32
      %dma_wait3A_523 = arith.constant 1 : i32
      %dma_wait3A_524 = arith.constant 0 : i32
      %dma_wait3A_525 = arith.constant 0 : i32
      %dma_wait3A_526 = tpu.memref_slice %arg11[%dma_wait3A_523, %dma_wait3A_524, %dma_wait3A_525] : memref<2x125x128xf32, #tpu.memory_space<vmem>> -> memref<1x125x128xf32, #tpu.memory_space<vmem>>
      %dma_wait3A_527 = tpu.memref_squeeze %dma_wait3A_526 : memref<1x125x128xf32, #tpu.memory_space<vmem>> -> memref<125x128xf32, #tpu.memory_space<vmem>>
      %dma_wait3A_528 = arith.constant 0 : i32
      %dma_wait3A_529 = tpu.memref_slice %arg8[%dma_wait3A_522, %dma_wait3A_528] : memref<8x125xi32, #tpu.memory_space<vmem>> -> memref<1x125xi32, #tpu.memory_space<vmem>>
      %dma_wait3A_530 = tpu.memref_squeeze %dma_wait3A_529 : memref<1x125xi32, #tpu.memory_space<vmem>> -> memref<125xi32, #tpu.memory_space<vmem>>
      %dma_wait3A_531 = arith.constant 0 : i32
      %dma_wait3A_532 = arith.constant 0 : i32
      %dma_wait3A_533 = tpu.memref_slice %arg2[%dma_wait3A_531, %dma_wait3A_532] : memref<10000x128xf32, #tpu.memory_space<hbm>> -> memref<10000x128xf32, #tpu.memory_space<hbm>>
      tpu.wait_indirect_dma semaphore(%arg14 : memref<!tpu.dma_semaphore, #tpu.memory_space<semaphore_mem>>) src(%dma_wait3A_533 : memref<10000x128xf32, #tpu.memory_space<hbm>>) dst(%dma_wait3A_527 : memref<125x128xf32, #tpu.memory_space<vmem>>)
      %dma_wait3A_534 = arith.constant 0 : i32
      %dma_wait3A_535 = arith.constant 0 : i32
      %dma_wait3A_536 = arith.constant 0 : i32
      %dma_wait3A_537 = tpu.memref_slice %arg3[%add3A, %dma_wait3A_534, %dma_wait3A_535, %dma_wait3A_536] : memref<32x10x8x125xi32, #tpu.memory_space<hbm>> -> memref<1x1x8x125xi32, #tpu.memory_space<hbm>>
      %dma_wait3A_538 = tpu.memref_squeeze %dma_wait3A_537 : memref<1x1x8x125xi32, #tpu.memory_space<hbm>> -> memref<8x125xi32, #tpu.memory_space<hbm>>
      %dma_wait3A_539 = arith.constant 0 : i32
      %dma_wait3A_540 = arith.constant 0 : i32
      %dma_wait3A_541 = tpu.memref_slice %arg3[%add3A, %dma_wait3A_534, %dma_wait3A_539, %dma_wait3A_540] : memref<32x10x8x125xi32, #tpu.memory_space<hbm>> -> memref<1x1x8x125xi32, #tpu.memory_space<hbm>>
      %dma_wait3A_542 = tpu.memref_squeeze %dma_wait3A_541 : memref<1x1x8x125xi32, #tpu.memory_space<hbm>> -> memref<8x125xi32, #tpu.memory_space<hbm>>
      tpu.wait_dma2 semaphore(%arg15 : memref<!tpu.dma_semaphore, #tpu.memory_space<semaphore_mem>>) src(%dma_wait3A_542 : memref<8x125xi32, #tpu.memory_space<hbm>>) dst(%arg7 : memref<8x125xi32, #tpu.memory_space<vmem>>)
      %dma_wait3A_543 = arith.constant 0 : i32
      %dma_wait3A_544 = arith.constant 0 : i32
      %dma_wait3A_545 = arith.constant 0 : i32
      %dma_wait3A_546 = tpu.memref_slice %arg4[%add3A, %dma_wait3A_543, %dma_wait3A_544, %dma_wait3A_545] : memref<32x10x8x125xi32, #tpu.memory_space<hbm>> -> memref<1x1x8x125xi32, #tpu.memory_space<hbm>>
      %dma_wait3A_547 = tpu.memref_squeeze %dma_wait3A_546 : memref<1x1x8x125xi32, #tpu.memory_space<hbm>> -> memref<8x125xi32, #tpu.memory_space<hbm>>
      %dma_wait3A_548 = arith.constant 0 : i32
      %dma_wait3A_549 = arith.constant 0 : i32
      %dma_wait3A_550 = tpu.memref_slice %arg4[%add3A, %dma_wait3A_543, %dma_wait3A_548, %dma_wait3A_549] : memref<32x10x8x125xi32, #tpu.memory_space<hbm>> -> memref<1x1x8x125xi32, #tpu.memory_space<hbm>>
      %dma_wait3A_551 = tpu.memref_squeeze %dma_wait3A_550 : memref<1x1x8x125xi32, #tpu.memory_space<hbm>> -> memref<8x125xi32, #tpu.memory_space<hbm>>
      tpu.wait_dma2 semaphore(%arg15 : memref<!tpu.dma_semaphore, #tpu.memory_space<semaphore_mem>>) src(%dma_wait3A_551 : memref<8x125xi32, #tpu.memory_space<hbm>>) dst(%arg9 : memref<8x125xi32, #tpu.memory_space<vmem>>)
      %dma_start3A_552 = arith.constant 0 : i32
      %dma_start3A_553 = arith.constant 0 : i32
      %dma_start3A_554 = arith.constant 0 : i32
      %dma_start3A_555 = arith.constant 0 : i32
      %dma_start3A_556 = tpu.memref_slice %arg11[%dma_start3A_553, %dma_start3A_554, %dma_start3A_555] : memref<2x125x128xf32, #tpu.memory_space<vmem>> -> memref<1x125x128xf32, #tpu.memory_space<vmem>>
      %dma_start3A_557 = tpu.memref_squeeze %dma_start3A_556 : memref<1x125x128xf32, #tpu.memory_space<vmem>> -> memref<125x128xf32, #tpu.memory_space<vmem>>
      %dma_start3A_558 = arith.constant 0 : i32
      %dma_start3A_559 = tpu.memref_slice %arg7[%dma_start3A_552, %dma_start3A_558] : memref<8x125xi32, #tpu.memory_space<vmem>> -> memref<1x125xi32, #tpu.memory_space<vmem>>
      %dma_start3A_560 = tpu.memref_squeeze %dma_start3A_559 : memref<1x125xi32, #tpu.memory_space<vmem>> -> memref<125xi32, #tpu.memory_space<vmem>>
      %dma_start3A_561 = arith.constant 0 : i32
      %dma_start3A_562 = arith.constant 0 : i32
      %dma_start3A_563 = tpu.memref_slice %arg2[%dma_start3A_561, %dma_start3A_562] : memref<10000x128xf32, #tpu.memory_space<hbm>> -> memref<10000x128xf32, #tpu.memory_space<hbm>>
      tpu.enqueue_indirect_dma source(%dma_start3A_563 : memref<10000x128xf32, #tpu.memory_space<hbm>>) target(%dma_start3A_557 : memref<125x128xf32, #tpu.memory_space<vmem>>) offsets(%dma_start3A_560 : memref<125xi32, #tpu.memory_space<vmem>>) semaphore(%arg13 : memref<!tpu.dma_semaphore, #tpu.memory_space<semaphore_mem>>)
      %run_scoped3A_564 = arith.constant 1 : i32
      %run_scoped3A_565 = arith.constant 7 : i32
      "tpu.region"() ({
        %run_scoped3A_588 = tpu.sem_alloc : memref<!tpu.dma_semaphore, #tpu.memory_space<semaphore_mem>>
        %dma_start3A_589 = arith.constant 0 : i32
        %dma_start3A_590 = arith.constant 0 : i32
        %dma_start3A_591 = tpu.memref_slice %arg11[%run_scoped3A_564, %dma_start3A_589, %dma_start3A_590] : memref<2x125x128xf32, #tpu.memory_space<vmem>> -> memref<1x125x128xf32, #tpu.memory_space<vmem>>
        %dma_start3A_592 = tpu.memref_squeeze %dma_start3A_591 : memref<1x125x128xf32, #tpu.memory_space<vmem>> -> memref<125x128xf32, #tpu.memory_space<vmem>>
        %dma_start3A_593 = arith.constant 0 : i32
        %dma_start3A_594 = tpu.memref_slice %arg10[%run_scoped3A_565, %dma_start3A_593] : memref<8x125xi32, #tpu.memory_space<vmem>> -> memref<1x125xi32, #tpu.memory_space<vmem>>
        %dma_start3A_595 = tpu.memref_squeeze %dma_start3A_594 : memref<1x125xi32, #tpu.memory_space<vmem>> -> memref<125xi32, #tpu.memory_space<vmem>>
        %dma_start3A_596 = arith.constant 0 : i32
        %dma_start3A_597 = arith.constant 0 : i32
        %dma_start3A_598 = tpu.memref_slice %arg12[%dma_start3A_596, %dma_start3A_597] : memref<10240x128xf32, #tpu.memory_space<vmem_shared>> -> memref<10240x128xf32, #tpu.memory_space<vmem_shared>>
        tpu.enqueue_indirect_dma source(%dma_start3A_592 : memref<125x128xf32, #tpu.memory_space<vmem>>) target(%dma_start3A_598 : memref<10240x128xf32, #tpu.memory_space<vmem_shared>>) offsets(%dma_start3A_595 : memref<125xi32, #tpu.memory_space<vmem>>) semaphore(%run_scoped3A_588 : memref<!tpu.dma_semaphore, #tpu.memory_space<semaphore_mem>>) {add = true}
        %dma_wait3A_599 = arith.constant 0 : i32
        %dma_wait3A_600 = arith.constant 0 : i32
        %dma_wait3A_601 = tpu.memref_slice %arg11[%run_scoped3A_564, %dma_wait3A_599, %dma_wait3A_600] : memref<2x125x128xf32, #tpu.memory_space<vmem>> -> memref<1x125x128xf32, #tpu.memory_space<vmem>>
        %dma_wait3A_602 = tpu.memref_squeeze %dma_wait3A_601 : memref<1x125x128xf32, #tpu.memory_space<vmem>> -> memref<125x128xf32, #tpu.memory_space<vmem>>
        %dma_wait3A_603 = arith.constant 0 : i32
        %dma_wait3A_604 = tpu.memref_slice %arg10[%run_scoped3A_565, %dma_wait3A_603] : memref<8x125xi32, #tpu.memory_space<vmem>> -> memref<1x125xi32, #tpu.memory_space<vmem>>
        %dma_wait3A_605 = tpu.memref_squeeze %dma_wait3A_604 : memref<1x125xi32, #tpu.memory_space<vmem>> -> memref<125xi32, #tpu.memory_space<vmem>>
        %dma_wait3A_606 = arith.constant 0 : i32
        %dma_wait3A_607 = arith.constant 0 : i32
        %dma_wait3A_608 = tpu.memref_slice %arg12[%dma_wait3A_606, %dma_wait3A_607] : memref<10240x128xf32, #tpu.memory_space<vmem_shared>> -> memref<10240x128xf32, #tpu.memory_space<vmem_shared>>
        tpu.wait_indirect_dma semaphore(%run_scoped3A_588 : memref<!tpu.dma_semaphore, #tpu.memory_space<semaphore_mem>>) src(%dma_wait3A_602 : memref<125x128xf32, #tpu.memory_space<vmem>>) dst(%dma_wait3A_608 : memref<10240x128xf32, #tpu.memory_space<vmem_shared>>)
        tpu.yield
      }) : () -> ()
      %mul3A_566 = arith.constant 2 : i32
      %mul3A_567 = arith.muli %mul3A_566, %add3A_92 : i32
      %add3A_568 = arith.constant 3 : i32
      %add3A_569 = arith.addi %mul3A_567, %add3A_568 : i32
      %min3A_570 = arith.constant 9 : i32
      %min3A_571 = arith.minsi %add3A_569, %min3A_570 : i32
      %dma_start3A_572 = arith.constant 0 : i32
      %dma_start3A_573 = arith.constant 0 : i32
      %dma_start3A_574 = tpu.memref_slice %arg3[%add3A, %min3A_571, %dma_start3A_572, %dma_start3A_573] : memref<32x10x8x125xi32, #tpu.memory_space<hbm>> -> memref<1x1x8x125xi32, #tpu.memory_space<hbm>>
      %dma_start3A_575 = tpu.memref_squeeze %dma_start3A_574 : memref<1x1x8x125xi32, #tpu.memory_space<hbm>> -> memref<8x125xi32, #tpu.memory_space<hbm>>
      %dma_start3A_576 = arith.constant 0 : i32
      %dma_start3A_577 = arith.constant 0 : i32
      %dma_start3A_578 = tpu.memref_slice %arg3[%add3A, %min3A_571, %dma_start3A_576, %dma_start3A_577] : memref<32x10x8x125xi32, #tpu.memory_space<hbm>> -> memref<1x1x8x125xi32, #tpu.memory_space<hbm>>
      %dma_start3A_579 = tpu.memref_squeeze %dma_start3A_578 : memref<1x1x8x125xi32, #tpu.memory_space<hbm>> -> memref<8x125xi32, #tpu.memory_space<hbm>>
      tpu.enqueue_dma source(%dma_start3A_579 : memref<8x125xi32, #tpu.memory_space<hbm>>) target(%arg8 : memref<8x125xi32, #tpu.memory_space<vmem>>) target_semaphore(%arg16 : memref<!tpu.dma_semaphore, #tpu.memory_space<semaphore_mem>>)
      %dma_start3A_580 = arith.constant 0 : i32
      %dma_start3A_581 = arith.constant 0 : i32
      %dma_start3A_582 = tpu.memref_slice %arg4[%add3A, %min3A_571, %dma_start3A_580, %dma_start3A_581] : memref<32x10x8x125xi32, #tpu.memory_space<hbm>> -> memref<1x1x8x125xi32, #tpu.memory_space<hbm>>
      %dma_start3A_583 = tpu.memref_squeeze %dma_start3A_582 : memref<1x1x8x125xi32, #tpu.memory_space<hbm>> -> memref<8x125xi32, #tpu.memory_space<hbm>>
      %dma_start3A_584 = arith.constant 0 : i32
      %dma_start3A_585 = arith.constant 0 : i32
      %dma_start3A_586 = tpu.memref_slice %arg4[%add3A, %min3A_571, %dma_start3A_584, %dma_start3A_585] : memref<32x10x8x125xi32, #tpu.memory_space<hbm>> -> memref<1x1x8x125xi32, #tpu.memory_space<hbm>>
      %dma_start3A_587 = tpu.memref_squeeze %dma_start3A_586 : memref<1x1x8x125xi32, #tpu.memory_space<hbm>> -> memref<8x125xi32, #tpu.memory_space<hbm>>
      tpu.enqueue_dma source(%dma_start3A_587 : memref<8x125xi32, #tpu.memory_space<hbm>>) target(%arg10 : memref<8x125xi32, #tpu.memory_space<vmem>>) target_semaphore(%arg16 : memref<!tpu.dma_semaphore, #tpu.memory_space<semaphore_mem>>)
    }
    %scan3A_50 = arith.constant 5 : i32
    %dma_wait3A = arith.constant 0 : i32
    %dma_wait3A_51 = arith.constant 0 : i32
    %dma_wait3A_52 = arith.constant 0 : i32
    %dma_wait3A_53 = arith.constant 0 : i32
    %dma_wait3A_54 = tpu.memref_slice %arg11[%dma_wait3A_51, %dma_wait3A_52, %dma_wait3A_53] : memref<2x125x128xf32, #tpu.memory_space<vmem>> -> memref<1x125x128xf32, #tpu.memory_space<vmem>>
    %dma_wait3A_55 = tpu.memref_squeeze %dma_wait3A_54 : memref<1x125x128xf32, #tpu.memory_space<vmem>> -> memref<125x128xf32, #tpu.memory_space<vmem>>
    %dma_wait3A_56 = arith.constant 0 : i32
    %dma_wait3A_57 = tpu.memref_slice %arg7[%dma_wait3A, %dma_wait3A_56] : memref<8x125xi32, #tpu.memory_space<vmem>> -> memref<1x125xi32, #tpu.memory_space<vmem>>
    %dma_wait3A_58 = tpu.memref_squeeze %dma_wait3A_57 : memref<1x125xi32, #tpu.memory_space<vmem>> -> memref<125xi32, #tpu.memory_space<vmem>>
    %dma_wait3A_59 = arith.constant 0 : i32
    %dma_wait3A_60 = arith.constant 0 : i32
    %dma_wait3A_61 = tpu.memref_slice %arg2[%dma_wait3A_59, %dma_wait3A_60] : memref<10000x128xf32, #tpu.memory_space<hbm>> -> memref<10000x128xf32, #tpu.memory_space<hbm>>
    tpu.wait_indirect_dma semaphore(%arg13 : memref<!tpu.dma_semaphore, #tpu.memory_space<semaphore_mem>>) src(%dma_wait3A_61 : memref<10000x128xf32, #tpu.memory_space<hbm>>) dst(%dma_wait3A_55 : memref<125x128xf32, #tpu.memory_space<vmem>>)
    %dma_wait3A_62 = arith.constant 0 : i32
    %dma_wait3A_63 = arith.constant 0 : i32
    %dma_wait3A_64 = arith.constant 0 : i32
    %dma_wait3A_65 = tpu.memref_slice %arg3[%add3A, %dma_wait3A_62, %dma_wait3A_63, %dma_wait3A_64] : memref<32x10x8x125xi32, #tpu.memory_space<hbm>> -> memref<1x1x8x125xi32, #tpu.memory_space<hbm>>
    %dma_wait3A_66 = tpu.memref_squeeze %dma_wait3A_65 : memref<1x1x8x125xi32, #tpu.memory_space<hbm>> -> memref<8x125xi32, #tpu.memory_space<hbm>>
    %dma_wait3A_67 = arith.constant 0 : i32
    %dma_wait3A_68 = arith.constant 0 : i32
    %dma_wait3A_69 = tpu.memref_slice %arg3[%add3A, %dma_wait3A_62, %dma_wait3A_67, %dma_wait3A_68] : memref<32x10x8x125xi32, #tpu.memory_space<hbm>> -> memref<1x1x8x125xi32, #tpu.memory_space<hbm>>
    %dma_wait3A_70 = tpu.memref_squeeze %dma_wait3A_69 : memref<1x1x8x125xi32, #tpu.memory_space<hbm>> -> memref<8x125xi32, #tpu.memory_space<hbm>>
    tpu.wait_dma2 semaphore(%arg16 : memref<!tpu.dma_semaphore, #tpu.memory_space<semaphore_mem>>) src(%dma_wait3A_70 : memref<8x125xi32, #tpu.memory_space<hbm>>) dst(%arg8 : memref<8x125xi32, #tpu.memory_space<vmem>>)
    %dma_wait3A_71 = arith.constant 0 : i32
    %dma_wait3A_72 = arith.constant 0 : i32
    %dma_wait3A_73 = arith.constant 0 : i32
    %dma_wait3A_74 = tpu.memref_slice %arg4[%add3A, %dma_wait3A_71, %dma_wait3A_72, %dma_wait3A_73] : memref<32x10x8x125xi32, #tpu.memory_space<hbm>> -> memref<1x1x8x125xi32, #tpu.memory_space<hbm>>
    %dma_wait3A_75 = tpu.memref_squeeze %dma_wait3A_74 : memref<1x1x8x125xi32, #tpu.memory_space<hbm>> -> memref<8x125xi32, #tpu.memory_space<hbm>>
    %dma_wait3A_76 = arith.constant 0 : i32
    %dma_wait3A_77 = arith.constant 0 : i32
    %dma_wait3A_78 = tpu.memref_slice %arg4[%add3A, %dma_wait3A_71, %dma_wait3A_76, %dma_wait3A_77] : memref<32x10x8x125xi32, #tpu.memory_space<hbm>> -> memref<1x1x8x125xi32, #tpu.memory_space<hbm>>
    %dma_wait3A_79 = tpu.memref_squeeze %dma_wait3A_78 : memref<1x1x8x125xi32, #tpu.memory_space<hbm>> -> memref<8x125xi32, #tpu.memory_space<hbm>>
    tpu.wait_dma2 semaphore(%arg16 : memref<!tpu.dma_semaphore, #tpu.memory_space<semaphore_mem>>) src(%dma_wait3A_79 : memref<8x125xi32, #tpu.memory_space<hbm>>) dst(%arg10 : memref<8x125xi32, #tpu.memory_space<vmem>>)
    %barrier3A_80 = arith.constant 0 : index
    tpu.barrier barrier_id(%barrier3A_80)
    %eq3A = arith.constant 0 : i32
    %eq3A_81 = arith.cmpi eq, %arg0, %eq3A : i32
    %convert_element_type3A = arith.extui %eq3A_81 : i1 to i32
    %cond3A = arith.constant 0 : i32
    %cond3A_82 = arith.cmpi ne, %convert_element_type3A, %cond3A : i32
    scf.if %cond3A_82 {
      %lt3A = arith.constant 15 : i32
      %lt3A_88 = arith.cmpi slt, %arg1, %lt3A : i32
      %convert_element_type3A_89 = arith.extui %lt3A_88 : i1 to i32
      %cond3A_90 = arith.constant 0 : i32
      %cond3A_91 = arith.cmpi ne, %convert_element_type3A_89, %cond3A_90 : i32
      scf.if %cond3A_91 {
        %mul3A_97 = arith.constant 624 : i32
        %mul3A_98 = arith.muli %arg1, %mul3A_97 : i32
        %mul3A_99 = arith.constant 624 : i32
        %mul3A_100 = arith.muli %arg1, %mul3A_99 : i32
        "tpu.region"() ({
          %run_scoped3A_101 = tpu.sem_alloc : memref<!tpu.dma_semaphore, #tpu.memory_space<semaphore_mem>>
          %dma_start3A_102 = arith.constant 0 : i32
          %dma_start3A_103 = tpu.memref_slice %arg5[%mul3A_100, %dma_start3A_102] : memref<10000x128xf32, #tpu.memory_space<hbm>> -> memref<624x128xf32, #tpu.memory_space<hbm>>
          %dma_start3A_104 = arith.constant 0 : i32
          %dma_start3A_105 = tpu.memref_slice %arg12[%mul3A_98, %dma_start3A_104] : memref<10240x128xf32, #tpu.memory_space<vmem_shared>> -> memref<624x128xf32, #tpu.memory_space<vmem_shared>>
          tpu.enqueue_dma source(%dma_start3A_105 : memref<624x128xf32, #tpu.memory_space<vmem_shared>>) target(%dma_start3A_103 : memref<624x128xf32, #tpu.memory_space<hbm>>) target_semaphore(%run_scoped3A_101 : memref<!tpu.dma_semaphore, #tpu.memory_space<semaphore_mem>>)
          %dma_wait3A_106 = arith.constant 0 : i32
          %dma_wait3A_107 = tpu.memref_slice %arg5[%mul3A_100, %dma_wait3A_106] : memref<10000x128xf32, #tpu.memory_space<hbm>> -> memref<624x128xf32, #tpu.memory_space<hbm>>
          %dma_wait3A_108 = arith.constant 0 : i32
          %dma_wait3A_109 = tpu.memref_slice %arg12[%mul3A_98, %dma_wait3A_108] : memref<10240x128xf32, #tpu.memory_space<vmem_shared>> -> memref<624x128xf32, #tpu.memory_space<vmem_shared>>
          tpu.wait_dma2 semaphore(%run_scoped3A_101 : memref<!tpu.dma_semaphore, #tpu.memory_space<semaphore_mem>>) src(%dma_wait3A_109 : memref<624x128xf32, #tpu.memory_space<vmem_shared>>) dst(%dma_wait3A_107 : memref<624x128xf32, #tpu.memory_space<hbm>>)
          tpu.yield
        }) : () -> ()
      } else {
      }
      %eq3A_92 = arith.constant 15 : i32
      %eq3A_93 = arith.cmpi eq, %arg1, %eq3A_92 : i32
      %convert_element_type3A_94 = arith.extui %eq3A_93 : i1 to i32
      %cond3A_95 = arith.constant 0 : i32
      %cond3A_96 = arith.cmpi ne, %convert_element_type3A_94, %cond3A_95 : i32
      scf.if %cond3A_96 {
        "tpu.region"() ({
          %run_scoped3A_97 = tpu.sem_alloc : memref<!tpu.dma_semaphore, #tpu.memory_space<semaphore_mem>>
          %dma_start3A_98 = arith.constant 9360 : i32
          %dma_start3A_99 = arith.constant 0 : i32
          %dma_start3A_100 = tpu.memref_slice %arg5[%dma_start3A_98, %dma_start3A_99] : memref<10000x128xf32, #tpu.memory_space<hbm>> -> memref<640x128xf32, #tpu.memory_space<hbm>>
          %dma_start3A_101 = arith.constant 9360 : i32
          %dma_start3A_102 = arith.constant 0 : i32
          %dma_start3A_103 = tpu.memref_slice %arg12[%dma_start3A_101, %dma_start3A_102] : memref<10240x128xf32, #tpu.memory_space<vmem_shared>> -> memref<640x128xf32, #tpu.memory_space<vmem_shared>>
          tpu.enqueue_dma source(%dma_start3A_103 : memref<640x128xf32, #tpu.memory_space<vmem_shared>>) target(%dma_start3A_100 : memref<640x128xf32, #tpu.memory_space<hbm>>) target_semaphore(%run_scoped3A_97 : memref<!tpu.dma_semaphore, #tpu.memory_space<semaphore_mem>>)
          %dma_wait3A_104 = arith.constant 9360 : i32
          %dma_wait3A_105 = arith.constant 0 : i32
          %dma_wait3A_106 = tpu.memref_slice %arg5[%dma_wait3A_104, %dma_wait3A_105] : memref<10000x128xf32, #tpu.memory_space<hbm>> -> memref<640x128xf32, #tpu.memory_space<hbm>>
          %dma_wait3A_107 = arith.constant 9360 : i32
          %dma_wait3A_108 = arith.constant 0 : i32
          %dma_wait3A_109 = tpu.memref_slice %arg12[%dma_wait3A_107, %dma_wait3A_108] : memref<10240x128xf32, #tpu.memory_space<vmem_shared>> -> memref<640x128xf32, #tpu.memory_space<vmem_shared>>
          tpu.wait_dma2 semaphore(%run_scoped3A_97 : memref<!tpu.dma_semaphore, #tpu.memory_space<semaphore_mem>>) src(%dma_wait3A_109 : memref<640x128xf32, #tpu.memory_space<vmem_shared>>) dst(%dma_wait3A_106 : memref<640x128xf32, #tpu.memory_space<hbm>>)
          tpu.yield
        }) : () -> ()
      } else {
      }
    } else {
    }
    %eq3A_83 = arith.constant 1 : i32
    %eq3A_84 = arith.cmpi eq, %arg0, %eq3A_83 : i32
    %convert_element_type3A_85 = arith.extui %eq3A_84 : i1 to i32
    %cond3A_86 = arith.constant 0 : i32
    %cond3A_87 = arith.cmpi ne, %convert_element_type3A_85, %cond3A_86 : i32
    scf.if %cond3A_87 {
      %lt3A = arith.constant 15 : i32
      %lt3A_88 = arith.cmpi slt, %arg1, %lt3A : i32
      %convert_element_type3A_89 = arith.extui %lt3A_88 : i1 to i32
      %cond3A_90 = arith.constant 0 : i32
      %cond3A_91 = arith.cmpi ne, %convert_element_type3A_89, %cond3A_90 : i32
      scf.if %cond3A_91 {
        %mul3A_97 = arith.constant 624 : i32
        %mul3A_98 = arith.muli %arg1, %mul3A_97 : i32
        %mul3A_99 = arith.constant 624 : i32
        %mul3A_100 = arith.muli %arg1, %mul3A_99 : i32
        "tpu.region"() ({
          %run_scoped3A_101 = tpu.sem_alloc : memref<!tpu.dma_semaphore, #tpu.memory_space<semaphore_mem>>
          %dma_start3A_102 = arith.constant 0 : i32
          %dma_start3A_103 = tpu.memref_slice %arg6[%mul3A_100, %dma_start3A_102] : memref<10000x128xf32, #tpu.memory_space<hbm>> -> memref<624x128xf32, #tpu.memory_space<hbm>>
          %dma_start3A_104 = arith.constant 0 : i32
          %dma_start3A_105 = tpu.memref_slice %arg12[%mul3A_98, %dma_start3A_104] : memref<10240x128xf32, #tpu.memory_space<vmem_shared>> -> memref<624x128xf32, #tpu.memory_space<vmem_shared>>
          tpu.enqueue_dma source(%dma_start3A_105 : memref<624x128xf32, #tpu.memory_space<vmem_shared>>) target(%dma_start3A_103 : memref<624x128xf32, #tpu.memory_space<hbm>>) target_semaphore(%run_scoped3A_101 : memref<!tpu.dma_semaphore, #tpu.memory_space<semaphore_mem>>)
          %dma_wait3A_106 = arith.constant 0 : i32
          %dma_wait3A_107 = tpu.memref_slice %arg6[%mul3A_100, %dma_wait3A_106] : memref<10000x128xf32, #tpu.memory_space<hbm>> -> memref<624x128xf32, #tpu.memory_space<hbm>>
          %dma_wait3A_108 = arith.constant 0 : i32
          %dma_wait3A_109 = tpu.memref_slice %arg12[%mul3A_98, %dma_wait3A_108] : memref<10240x128xf32, #tpu.memory_space<vmem_shared>> -> memref<624x128xf32, #tpu.memory_space<vmem_shared>>
          tpu.wait_dma2 semaphore(%run_scoped3A_101 : memref<!tpu.dma_semaphore, #tpu.memory_space<semaphore_mem>>) src(%dma_wait3A_109 : memref<624x128xf32, #tpu.memory_space<vmem_shared>>) dst(%dma_wait3A_107 : memref<624x128xf32, #tpu.memory_space<hbm>>)
          tpu.yield
        }) : () -> ()
      } else {
      }
      %eq3A_92 = arith.constant 15 : i32
      %eq3A_93 = arith.cmpi eq, %arg1, %eq3A_92 : i32
      %convert_element_type3A_94 = arith.extui %eq3A_93 : i1 to i32
      %cond3A_95 = arith.constant 0 : i32
      %cond3A_96 = arith.cmpi ne, %convert_element_type3A_94, %cond3A_95 : i32
      scf.if %cond3A_96 {
        "tpu.region"() ({
          %run_scoped3A_97 = tpu.sem_alloc : memref<!tpu.dma_semaphore, #tpu.memory_space<semaphore_mem>>
          %dma_start3A_98 = arith.constant 9360 : i32
          %dma_start3A_99 = arith.constant 0 : i32
          %dma_start3A_100 = tpu.memref_slice %arg6[%dma_start3A_98, %dma_start3A_99] : memref<10000x128xf32, #tpu.memory_space<hbm>> -> memref<640x128xf32, #tpu.memory_space<hbm>>
          %dma_start3A_101 = arith.constant 9360 : i32
          %dma_start3A_102 = arith.constant 0 : i32
          %dma_start3A_103 = tpu.memref_slice %arg12[%dma_start3A_101, %dma_start3A_102] : memref<10240x128xf32, #tpu.memory_space<vmem_shared>> -> memref<640x128xf32, #tpu.memory_space<vmem_shared>>
          tpu.enqueue_dma source(%dma_start3A_103 : memref<640x128xf32, #tpu.memory_space<vmem_shared>>) target(%dma_start3A_100 : memref<640x128xf32, #tpu.memory_space<hbm>>) target_semaphore(%run_scoped3A_97 : memref<!tpu.dma_semaphore, #tpu.memory_space<semaphore_mem>>)
          %dma_wait3A_104 = arith.constant 9360 : i32
          %dma_wait3A_105 = arith.constant 0 : i32
          %dma_wait3A_106 = tpu.memref_slice %arg6[%dma_wait3A_104, %dma_wait3A_105] : memref<10000x128xf32, #tpu.memory_space<hbm>> -> memref<640x128xf32, #tpu.memory_space<hbm>>
          %dma_wait3A_107 = arith.constant 9360 : i32
          %dma_wait3A_108 = arith.constant 0 : i32
          %dma_wait3A_109 = tpu.memref_slice %arg12[%dma_wait3A_107, %dma_wait3A_108] : memref<10240x128xf32, #tpu.memory_space<vmem_shared>> -> memref<640x128xf32, #tpu.memory_space<vmem_shared>>
          tpu.wait_dma2 semaphore(%run_scoped3A_97 : memref<!tpu.dma_semaphore, #tpu.memory_space<semaphore_mem>>) src(%dma_wait3A_109 : memref<640x128xf32, #tpu.memory_space<vmem_shared>>) dst(%dma_wait3A_106 : memref<640x128xf32, #tpu.memory_space<hbm>>)
          tpu.yield
        }) : () -> ()
      } else {
      }
    } else {
    }
    return
  }
}

#map = affine_map<(d0, d1) -> (0, 0)>
#map1 = affine_map<(d0, d1) -> (0, 0, 0, 0)>
module attributes {stable_mosaic.version = 14 : i64} {
  func.func @sc_edge_agg(%arg0: i32, %arg1: i32, %arg2: memref<10000x128xf32, #tpu.memory_space<hbm>>, %arg3: memref<32x10x8x125xi32, #tpu.memory_space<hbm>>, %arg4: memref<32x10x8x125xi32, #tpu.memory_space<hbm>>, %arg5: memref<10000x128xf32, #tpu.memory_space<hbm>>, %arg6: memref<10000x128xf32, #tpu.memory_space<hbm>>, %arg7: memref<8x125xi32, #tpu.memory_space<vmem>>, %arg8: memref<8x125xi32, #tpu.memory_space<vmem>>, %arg9: memref<8x125xi32, #tpu.memory_space<vmem>>, %arg10: memref<8x125xi32, #tpu.memory_space<vmem>>, %arg11: memref<2x125x128xf32, #tpu.memory_space<vmem>>, %arg12: memref<10240x128xf32, #tpu.memory_space<vmem_shared>>, %arg13: memref<!tpu.dma_semaphore, #tpu.memory_space<semaphore_mem>>, %arg14: memref<!tpu.dma_semaphore, #tpu.memory_space<semaphore_mem>>, %arg15: memref<!tpu.dma_semaphore, #tpu.memory_space<semaphore_mem>>, %arg16: memref<!tpu.dma_semaphore, #tpu.memory_space<semaphore_mem>>) attributes {dimension_semantics = [#tpu.dimension_semantics<core_parallel>, #tpu.dimension_semantics<subcore_parallel>], iteration_bounds = array<i64: 2, 16>, scalar_prefetch = 0 : i64, scratch_operands = 10 : i64, tpu.core_type = #tpu.core_type<sc_vector_subcore>, window_params = [{transform_indices = #map}, {transform_indices = #map1}, {transform_indices = #map1}, {transform_indices = #map}, {transform_indices = #map}]} {
    %mul3A = arith.constant 16 : i32
    %mul3A_0 = arith.muli %arg0, %mul3A : i32
    %add3A = arith.addi %mul3A_0, %arg1 : i32
    %run_scoped3A = arith.constant 0 : i32
    "tpu.region"() ({
      %run_scoped3A_88 = tpu.sem_alloc : memref<!tpu.dma_semaphore, #tpu.memory_space<semaphore_mem>>
      %dma_start3A_89 = arith.constant 0 : i32
      %dma_start3A_90 = arith.constant 0 : i32
      %dma_start3A_91 = tpu.memref_slice %arg3[%add3A, %run_scoped3A, %dma_start3A_89, %dma_start3A_90] : memref<32x10x8x125xi32, #tpu.memory_space<hbm>> -> memref<1x1x8x125xi32, #tpu.memory_space<hbm>>
      %dma_start3A_92 = tpu.memref_squeeze %dma_start3A_91 : memref<1x1x8x125xi32, #tpu.memory_space<hbm>> -> memref<8x125xi32, #tpu.memory_space<hbm>>
      %dma_start3A_93 = arith.constant 0 : i32
      %dma_start3A_94 = arith.constant 0 : i32
      %dma_start3A_95 = tpu.memref_slice %arg3[%add3A, %run_scoped3A, %dma_start3A_93, %dma_start3A_94] : memref<32x10x8x125xi32, #tpu.memory_space<hbm>> -> memref<1x1x8x125xi32, #tpu.memory_space<hbm>>
      %dma_start3A_96 = tpu.memref_squeeze %dma_start3A_95 : memref<1x1x8x125xi32, #tpu.memory_space<hbm>> -> memref<8x125xi32, #tpu.memory_space<hbm>>
      tpu.enqueue_dma source(%dma_start3A_96 : memref<8x125xi32, #tpu.memory_space<hbm>>) target(%arg7 : memref<8x125xi32, #tpu.memory_space<vmem>>) target_semaphore(%run_scoped3A_88 : memref<!tpu.dma_semaphore, #tpu.memory_space<semaphore_mem>>)
      %dma_wait3A_97 = arith.constant 0 : i32
      %dma_wait3A_98 = arith.constant 0 : i32
      %dma_wait3A_99 = tpu.memref_slice %arg3[%add3A, %run_scoped3A, %dma_wait3A_97, %dma_wait3A_98] : memref<32x10x8x125xi32, #tpu.memory_space<hbm>> -> memref<1x1x8x125xi32, #tpu.memory_space<hbm>>
      %dma_wait3A_100 = tpu.memref_squeeze %dma_wait3A_99 : memref<1x1x8x125xi32, #tpu.memory_space<hbm>> -> memref<8x125xi32, #tpu.memory_space<hbm>>
      %dma_wait3A_101 = arith.constant 0 : i32
      %dma_wait3A_102 = arith.constant 0 : i32
      %dma_wait3A_103 = tpu.memref_slice %arg3[%add3A, %run_scoped3A, %dma_wait3A_101, %dma_wait3A_102] : memref<32x10x8x125xi32, #tpu.memory_space<hbm>> -> memref<1x1x8x125xi32, #tpu.memory_space<hbm>>
      %dma_wait3A_104 = tpu.memref_squeeze %dma_wait3A_103 : memref<1x1x8x125xi32, #tpu.memory_space<hbm>> -> memref<8x125xi32, #tpu.memory_space<hbm>>
      tpu.wait_dma2 semaphore(%run_scoped3A_88 : memref<!tpu.dma_semaphore, #tpu.memory_space<semaphore_mem>>) src(%dma_wait3A_104 : memref<8x125xi32, #tpu.memory_space<hbm>>) dst(%arg7 : memref<8x125xi32, #tpu.memory_space<vmem>>)
      tpu.yield
    }) : () -> ()
    %run_scoped3A_1 = arith.constant 0 : i32
    "tpu.region"() ({
      %run_scoped3A_88 = tpu.sem_alloc : memref<!tpu.dma_semaphore, #tpu.memory_space<semaphore_mem>>
      %dma_start3A_89 = arith.constant 0 : i32
      %dma_start3A_90 = arith.constant 0 : i32
      %dma_start3A_91 = tpu.memref_slice %arg4[%add3A, %run_scoped3A_1, %dma_start3A_89, %dma_start3A_90] : memref<32x10x8x125xi32, #tpu.memory_space<hbm>> -> memref<1x1x8x125xi32, #tpu.memory_space<hbm>>
      %dma_start3A_92 = tpu.memref_squeeze %dma_start3A_91 : memref<1x1x8x125xi32, #tpu.memory_space<hbm>> -> memref<8x125xi32, #tpu.memory_space<hbm>>
      %dma_start3A_93 = arith.constant 0 : i32
      %dma_start3A_94 = arith.constant 0 : i32
      %dma_start3A_95 = tpu.memref_slice %arg4[%add3A, %run_scoped3A_1, %dma_start3A_93, %dma_start3A_94] : memref<32x10x8x125xi32, #tpu.memory_space<hbm>> -> memref<1x1x8x125xi32, #tpu.memory_space<hbm>>
      %dma_start3A_96 = tpu.memref_squeeze %dma_start3A_95 : memref<1x1x8x125xi32, #tpu.memory_space<hbm>> -> memref<8x125xi32, #tpu.memory_space<hbm>>
      tpu.enqueue_dma source(%dma_start3A_96 : memref<8x125xi32, #tpu.memory_space<hbm>>) target(%arg9 : memref<8x125xi32, #tpu.memory_space<vmem>>) target_semaphore(%run_scoped3A_88 : memref<!tpu.dma_semaphore, #tpu.memory_space<semaphore_mem>>)
      %dma_wait3A_97 = arith.constant 0 : i32
      %dma_wait3A_98 = arith.constant 0 : i32
      %dma_wait3A_99 = tpu.memref_slice %arg4[%add3A, %run_scoped3A_1, %dma_wait3A_97, %dma_wait3A_98] : memref<32x10x8x125xi32, #tpu.memory_space<hbm>> -> memref<1x1x8x125xi32, #tpu.memory_space<hbm>>
      %dma_wait3A_100 = tpu.memref_squeeze %dma_wait3A_99 : memref<1x1x8x125xi32, #tpu.memory_space<hbm>> -> memref<8x125xi32, #tpu.memory_space<hbm>>
      %dma_wait3A_101 = arith.constant 0 : i32
      %dma_wait3A_102 = arith.constant 0 : i32
      %dma_wait3A_103 = tpu.memref_slice %arg4[%add3A, %run_scoped3A_1, %dma_wait3A_101, %dma_wait3A_102] : memref<32x10x8x125xi32, #tpu.memory_space<hbm>> -> memref<1x1x8x125xi32, #tpu.memory_space<hbm>>
      %dma_wait3A_104 = tpu.memref_squeeze %dma_wait3A_103 : memref<1x1x8x125xi32, #tpu.memory_space<hbm>> -> memref<8x125xi32, #tpu.memory_space<hbm>>
      tpu.wait_dma2 semaphore(%run_scoped3A_88 : memref<!tpu.dma_semaphore, #tpu.memory_space<semaphore_mem>>) src(%dma_wait3A_104 : memref<8x125xi32, #tpu.memory_space<hbm>>) dst(%arg9 : memref<8x125xi32, #tpu.memory_space<vmem>>)
      tpu.yield
    }) : () -> ()
    %dma_start3A = arith.constant 1 : i32
    %dma_start3A_2 = arith.constant 0 : i32
    %dma_start3A_3 = arith.constant 0 : i32
    %dma_start3A_4 = tpu.memref_slice %arg3[%add3A, %dma_start3A, %dma_start3A_2, %dma_start3A_3] : memref<32x10x8x125xi32, #tpu.memory_space<hbm>> -> memref<1x1x8x125xi32, #tpu.memory_space<hbm>>
    %dma_start3A_5 = tpu.memref_squeeze %dma_start3A_4 : memref<1x1x8x125xi32, #tpu.memory_space<hbm>> -> memref<8x125xi32, #tpu.memory_space<hbm>>
    %dma_start3A_6 = arith.constant 0 : i32
    %dma_start3A_7 = arith.constant 0 : i32
    %dma_start3A_8 = tpu.memref_slice %arg3[%add3A, %dma_start3A, %dma_start3A_6, %dma_start3A_7] : memref<32x10x8x125xi32, #tpu.memory_space<hbm>> -> memref<1x1x8x125xi32, #tpu.memory_space<hbm>>
    %dma_start3A_9 = tpu.memref_squeeze %dma_start3A_8 : memref<1x1x8x125xi32, #tpu.memory_space<hbm>> -> memref<8x125xi32, #tpu.memory_space<hbm>>
    tpu.enqueue_dma source(%dma_start3A_9 : memref<8x125xi32, #tpu.memory_space<hbm>>) target(%arg8 : memref<8x125xi32, #tpu.memory_space<vmem>>) target_semaphore(%arg16 : memref<!tpu.dma_semaphore, #tpu.memory_space<semaphore_mem>>)
    %dma_start3A_10 = arith.constant 1 : i32
    %dma_start3A_11 = arith.constant 0 : i32
    %dma_start3A_12 = arith.constant 0 : i32
    %dma_start3A_13 = tpu.memref_slice %arg4[%add3A, %dma_start3A_10, %dma_start3A_11, %dma_start3A_12] : memref<32x10x8x125xi32, #tpu.memory_space<hbm>> -> memref<1x1x8x125xi32, #tpu.memory_space<hbm>>
    %dma_start3A_14 = tpu.memref_squeeze %dma_start3A_13 : memref<1x1x8x125xi32, #tpu.memory_space<hbm>> -> memref<8x125xi32, #tpu.memory_space<hbm>>
    %dma_start3A_15 = arith.constant 0 : i32
    %dma_start3A_16 = arith.constant 0 : i32
    %dma_start3A_17 = tpu.memref_slice %arg4[%add3A, %dma_start3A_10, %dma_start3A_15, %dma_start3A_16] : memref<32x10x8x125xi32, #tpu.memory_space<hbm>> -> memref<1x1x8x125xi32, #tpu.memory_space<hbm>>
    %dma_start3A_18 = tpu.memref_squeeze %dma_start3A_17 : memref<1x1x8x125xi32, #tpu.memory_space<hbm>> -> memref<8x125xi32, #tpu.memory_space<hbm>>
    tpu.enqueue_dma source(%dma_start3A_18 : memref<8x125xi32, #tpu.memory_space<hbm>>) target(%arg10 : memref<8x125xi32, #tpu.memory_space<vmem>>) target_semaphore(%arg16 : memref<!tpu.dma_semaphore, #tpu.memory_space<semaphore_mem>>)
    %dma_start3A_19 = arith.constant 0 : i32
    %dma_start3A_20 = arith.constant 0 : i32
    %dma_start3A_21 = arith.constant 0 : i32
    %dma_start3A_22 = arith.constant 0 : i32
    %dma_start3A_23 = tpu.memref_slice %arg11[%dma_start3A_20, %dma_start3A_21, %dma_start3A_22] : memref<2x125x128xf32, #tpu.memory_space<vmem>> -> memref<1x125x128xf32, #tpu.memory_space<vmem>>
    %dma_start3A_24 = tpu.memref_squeeze %dma_start3A_23 : memref<1x125x128xf32, #tpu.memory_space<vmem>> -> memref<125x128xf32, #tpu.memory_space<vmem>>
    %dma_start3A_25 = arith.constant 0 : i32
    %dma_start3A_26 = tpu.memref_slice %arg7[%dma_start3A_19, %dma_start3A_25] : memref<8x125xi32, #tpu.memory_space<vmem>> -> memref<1x125xi32, #tpu.memory_space<vmem>>
    %dma_start3A_27 = tpu.memref_squeeze %dma_start3A_26 : memref<1x125xi32, #tpu.memory_space<vmem>> -> memref<125xi32, #tpu.memory_space<vmem>>
    %dma_start3A_28 = arith.constant 0 : i32
    %dma_start3A_29 = arith.constant 0 : i32
    %dma_start3A_30 = tpu.memref_slice %arg2[%dma_start3A_28, %dma_start3A_29] : memref<10000x128xf32, #tpu.memory_space<hbm>> -> memref<10000x128xf32, #tpu.memory_space<hbm>>
    tpu.enqueue_indirect_dma source(%dma_start3A_30 : memref<10000x128xf32, #tpu.memory_space<hbm>>) target(%dma_start3A_24 : memref<125x128xf32, #tpu.memory_space<vmem>>) offsets(%dma_start3A_27 : memref<125xi32, #tpu.memory_space<vmem>>) semaphore(%arg13 : memref<!tpu.dma_semaphore, #tpu.memory_space<semaphore_mem>>)
    %broadcast_in_dim3A = arith.constant 0.000000e+00 : f32
    %broadcast_in_dim3A_31 = vector.broadcast %broadcast_in_dim3A : f32 to vector<16xf32>
    %scan3A = arith.constant 0 : i32
    %scan3A_32 = arith.constant 120 : i32
    %scan3A_33 = arith.addi %scan3A, %scan3A_32 : i32
    %scan3A_34 = arith.constant 1 : i32
    scf.for %scan3A_88 = %scan3A to %scan3A_33 step %scan3A_34  : i32 {
      %mul3A_89 = arith.constant 1 : i32
      %mul3A_90 = arith.muli %scan3A_88, %mul3A_89 : i32
      %add3A_91 = arith.constant 0 : i32
      %add3A_92 = arith.addi %add3A_91, %mul3A_90 : i32
      %scan3A_93 = arith.constant 0 : i32
      %scan3A_94 = arith.constant 8 : i32
      %scan3A_95 = arith.addi %scan3A_93, %scan3A_94 : i32
      %scan3A_96 = arith.constant 1 : i32
      scf.for %scan3A_98 = %scan3A_93 to %scan3A_95 step %scan3A_96  : i32 {
        %mul3A_99 = arith.constant 1 : i32
        %mul3A_100 = arith.muli %scan3A_98, %mul3A_99 : i32
        %add3A_101 = arith.constant 0 : i32
        %add3A_102 = arith.addi %add3A_101, %mul3A_100 : i32
        %mul3A_103 = arith.constant 16 : i32
        %mul3A_104 = arith.muli %add3A_102, %mul3A_103 : i32
        %swap3A = arith.constant 1 : i32
        %swap3A_105 = arith.index_cast %swap3A : i32 to index
        %swap3A_106 = arith.index_cast %add3A_92 : i32 to index
        %swap3A_107 = arith.index_cast %mul3A_104 : i32 to index
        %swap3A_108 = tpu.vector_load %arg11[%swap3A_105, %swap3A_106, %swap3A_107] {strides = array<i32>} : memref<2x125x128xf32, #tpu.memory_space<vmem>>, vector<1x1x16xf32>,
        %swap3A_109 = vector.shape_cast %swap3A_108 : vector<1x1x16xf32> to vector<16xf32>
        %swap3A_110 = vector.shape_cast %broadcast_in_dim3A_31 : vector<16xf32> to vector<1x1x16xf32>
        tpu.vector_store %arg11[%swap3A_105, %swap3A_106, %swap3A_107], %swap3A_110 {strides = array<i32>} : memref<2x125x128xf32, #tpu.memory_space<vmem>>, vector<1x1x16xf32>,
      }
      %scan3A_97 = arith.constant 8 : i32
    }
    %scan3A_35 = arith.constant 120 : i32
    %scan3A_36 = arith.constant 0 : i32
    %scan3A_37 = arith.constant 5 : i32
    %scan3A_38 = arith.addi %scan3A_36, %scan3A_37 : i32
    %scan3A_39 = arith.constant 1 : i32
    scf.for %scan3A_88 = %scan3A_36 to %scan3A_38 step %scan3A_39  : i32 {
      %mul3A_89 = arith.constant 1 : i32
      %mul3A_90 = arith.muli %scan3A_88, %mul3A_89 : i32
      %add3A_91 = arith.constant 0 : i32
      %add3A_92 = arith.addi %add3A_91, %mul3A_90 : i32
      %mul3A_93 = arith.constant 640 : i32
      %mul3A_94 = arith.muli %arg1, %mul3A_93 : i32
      %mul3A_95 = arith.constant 120 : i32
      %mul3A_96 = arith.muli %add3A_92, %mul3A_95 : i32
      %add3A_97 = arith.addi %mul3A_94, %mul3A_96 : i32
      %run_scoped3A_98 = arith.constant 1 : i32
      "tpu.region"() ({
        %run_scoped3A_99 = tpu.sem_alloc : memref<!tpu.dma_semaphore, #tpu.memory_space<semaphore_mem>>
        %dma_start3A_100 = arith.constant 0 : i32
        %dma_start3A_101 = arith.constant 0 : i32
        %dma_start3A_102 = tpu.memref_slice %arg11[%run_scoped3A_98, %dma_start3A_100, %dma_start3A_101] : memref<2x125x128xf32, #tpu.memory_space<vmem>> -> memref<1x120x128xf32, #tpu.memory_space<vmem>>
        %dma_start3A_103 = tpu.memref_squeeze %dma_start3A_102 : memref<1x120x128xf32, #tpu.memory_space<vmem>> -> memref<120x128xf32, #tpu.memory_space<vmem>>
        %dma_start3A_104 = arith.constant 0 : i32
        %dma_start3A_105 = tpu.memref_slice %arg12[%add3A_97, %dma_start3A_104] : memref<10240x128xf32, #tpu.memory_space<vmem_shared>> -> memref<120x128xf32, #tpu.memory_space<vmem_shared>>
        %dma_start3A_106 = arith.constant 0 : i32
        %dma_start3A_107 = tpu.memref_slice %arg12[%add3A_97, %dma_start3A_106] : memref<10240x128xf32, #tpu.memory_space<vmem_shared>> -> memref<120x128xf32, #tpu.memory_space<vmem_shared>>
        %dma_start3A_108 = arith.constant 0 : i32
        %dma_start3A_109 = arith.constant 0 : i32
        %dma_start3A_110 = tpu.memref_slice %arg11[%run_scoped3A_98, %dma_start3A_108, %dma_start3A_109] : memref<2x125x128xf32, #tpu.memory_space<vmem>> -> memref<1x120x128xf32, #tpu.memory_space<vmem>>
        %dma_start3A_111 = tpu.memref_squeeze %dma_start3A_110 : memref<1x120x128xf32, #tpu.memory_space<vmem>> -> memref<120x128xf32, #tpu.memory_space<vmem>>
        tpu.enqueue_dma source(%dma_start3A_111 : memref<120x128xf32, #tpu.memory_space<vmem>>) target(%dma_start3A_107 : memref<120x128xf32, #tpu.memory_space<vmem_shared>>) target_semaphore(%run_scoped3A_99 : memref<!tpu.dma_semaphore, #tpu.memory_space<semaphore_mem>>)
        %dma_wait3A_112 = arith.constant 0 : i32
        %dma_wait3A_113 = arith.constant 0 : i32
        %dma_wait3A_114 = tpu.memref_slice %arg11[%run_scoped3A_98, %dma_wait3A_112, %dma_wait3A_113] : memref<2x125x128xf32, #tpu.memory_space<vmem>> -> memref<1x120x128xf32, #tpu.memory_space<vmem>>
        %dma_wait3A_115 = tpu.memref_squeeze %dma_wait3A_114 : memref<1x120x128xf32, #tpu.memory_space<vmem>> -> memref<120x128xf32, #tpu.memory_space<vmem>>
        %dma_wait3A_116 = arith.constant 0 : i32
        %dma_wait3A_117 = tpu.memref_slice %arg12[%add3A_97, %dma_wait3A_116] : memref<10240x128xf32, #tpu.memory_space<vmem_shared>> -> memref<120x128xf32, #tpu.memory_space<vmem_shared>>
        %dma_wait3A_118 = arith.constant 0 : i32
        %dma_wait3A_119 = tpu.memref_slice %arg12[%add3A_97, %dma_wait3A_118] : memref<10240x128xf32, #tpu.memory_space<vmem_shared>> -> memref<120x128xf32, #tpu.memory_space<vmem_shared>>
        %dma_wait3A_120 = arith.constant 0 : i32
        %dma_wait3A_121 = arith.constant 0 : i32
        %dma_wait3A_122 = tpu.memref_slice %arg11[%run_scoped3A_98, %dma_wait3A_120, %dma_wait3A_121] : memref<2x125x128xf32, #tpu.memory_space<vmem>> -> memref<1x120x128xf32, #tpu.memory_space<vmem>>
        %dma_wait3A_123 = tpu.memref_squeeze %dma_wait3A_122 : memref<1x120x128xf32, #tpu.memory_space<vmem>> -> memref<120x128xf32, #tpu.memory_space<vmem>>
        tpu.wait_dma2 semaphore(%run_scoped3A_99 : memref<!tpu.dma_semaphore, #tpu.memory_space<semaphore_mem>>) src(%dma_wait3A_123 : memref<120x128xf32, #tpu.memory_space<vmem>>) dst(%dma_wait3A_119 : memref<120x128xf32, #tpu.memory_space<vmem_shared>>)
        tpu.yield
      }) : () -> ()
    }
    %scan3A_40 = arith.constant 5 : i32
    %mul3A_41 = arith.constant 640 : i32
    %mul3A_42 = arith.muli %arg1, %mul3A_41 : i32
    %add3A_43 = arith.constant 600 : i32
    %add3A_44 = arith.addi %mul3A_42, %add3A_43 : i32
    %run_scoped3A_45 = arith.constant 1 : i32
    "tpu.region"() ({
      %run_scoped3A_88 = tpu.sem_alloc : memref<!tpu.dma_semaphore, #tpu.memory_space<semaphore_mem>>
      %dma_start3A_89 = arith.constant 0 : i32
      %dma_start3A_90 = arith.constant 0 : i32
      %dma_start3A_91 = tpu.memref_slice %arg11[%run_scoped3A_45, %dma_start3A_89, %dma_start3A_90] : memref<2x125x128xf32, #tpu.memory_space<vmem>> -> memref<1x40x128xf32, #tpu.memory_space<vmem>>
      %dma_start3A_92 = tpu.memref_squeeze %dma_start3A_91 : memref<1x40x128xf32, #tpu.memory_space<vmem>> -> memref<40x128xf32, #tpu.memory_space<vmem>>
      %dma_start3A_93 = arith.constant 0 : i32
      %dma_start3A_94 = tpu.memref_slice %arg12[%add3A_44, %dma_start3A_93] : memref<10240x128xf32, #tpu.memory_space<vmem_shared>> -> memref<40x128xf32, #tpu.memory_space<vmem_shared>>
      %dma_start3A_95 = arith.constant 0 : i32
      %dma_start3A_96 = tpu.memref_slice %arg12[%add3A_44, %dma_start3A_95] : memref<10240x128xf32, #tpu.memory_space<vmem_shared>> -> memref<40x128xf32, #tpu.memory_space<vmem_shared>>
      %dma_start3A_97 = arith.constant 0 : i32
      %dma_start3A_98 = arith.constant 0 : i32
      %dma_start3A_99 = tpu.memref_slice %arg11[%run_scoped3A_45, %dma_start3A_97, %dma_start3A_98] : memref<2x125x128xf32, #tpu.memory_space<vmem>> -> memref<1x40x128xf32, #tpu.memory_space<vmem>>
      %dma_start3A_100 = tpu.memref_squeeze %dma_start3A_99 : memref<1x40x128xf32, #tpu.memory_space<vmem>> -> memref<40x128xf32, #tpu.memory_space<vmem>>
      tpu.enqueue_dma source(%dma_start3A_100 : memref<40x128xf32, #tpu.memory_space<vmem>>) target(%dma_start3A_96 : memref<40x128xf32, #tpu.memory_space<vmem_shared>>) target_semaphore(%run_scoped3A_88 : memref<!tpu.dma_semaphore, #tpu.memory_space<semaphore_mem>>)
      %dma_wait3A_101 = arith.constant 0 : i32
      %dma_wait3A_102 = arith.constant 0 : i32
      %dma_wait3A_103 = tpu.memref_slice %arg11[%run_scoped3A_45, %dma_wait3A_101, %dma_wait3A_102] : memref<2x125x128xf32, #tpu.memory_space<vmem>> -> memref<1x40x128xf32, #tpu.memory_space<vmem>>
      %dma_wait3A_104 = tpu.memref_squeeze %dma_wait3A_103 : memref<1x40x128xf32, #tpu.memory_space<vmem>> -> memref<40x128xf32, #tpu.memory_space<vmem>>
      %dma_wait3A_105 = arith.constant 0 : i32
      %dma_wait3A_106 = tpu.memref_slice %arg12[%add3A_44, %dma_wait3A_105] : memref<10240x128xf32, #tpu.memory_space<vmem_shared>> -> memref<40x128xf32, #tpu.memory_space<vmem_shared>>
      %dma_wait3A_107 = arith.constant 0 : i32
      %dma_wait3A_108 = tpu.memref_slice %arg12[%add3A_44, %dma_wait3A_107] : memref<10240x128xf32, #tpu.memory_space<vmem_shared>> -> memref<40x128xf32, #tpu.memory_space<vmem_shared>>
      %dma_wait3A_109 = arith.constant 0 : i32
      %dma_wait3A_110 = arith.constant 0 : i32
      %dma_wait3A_111 = tpu.memref_slice %arg11[%run_scoped3A_45, %dma_wait3A_109, %dma_wait3A_110] : memref<2x125x128xf32, #tpu.memory_space<vmem>> -> memref<1x40x128xf32, #tpu.memory_space<vmem>>
      %dma_wait3A_112 = tpu.memref_squeeze %dma_wait3A_111 : memref<1x40x128xf32, #tpu.memory_space<vmem>> -> memref<40x128xf32, #tpu.memory_space<vmem>>
      tpu.wait_dma2 semaphore(%run_scoped3A_88 : memref<!tpu.dma_semaphore, #tpu.memory_space<semaphore_mem>>) src(%dma_wait3A_112 : memref<40x128xf32, #tpu.memory_space<vmem>>) dst(%dma_wait3A_108 : memref<40x128xf32, #tpu.memory_space<vmem_shared>>)
      tpu.yield
    }) : () -> ()
    %barrier3A = arith.constant 0 : index
    tpu.barrier barrier_id(%barrier3A)
    %scan3A_46 = arith.constant 0 : i32
    %scan3A_47 = arith.constant 5 : i32
    %scan3A_48 = arith.addi %scan3A_46, %scan3A_47 : i32
    %scan3A_49 = arith.constant 1 : i32
    scf.for %scan3A_88 = %scan3A_46 to %scan3A_48 step %scan3A_49  : i32 {
      %mul3A_89 = arith.constant 1 : i32
      %mul3A_90 = arith.muli %scan3A_88, %mul3A_89 : i32
      %add3A_91 = arith.constant 0 : i32
      %add3A_92 = arith.addi %add3A_91, %mul3A_90 : i32
      %dma_wait3A_93 = arith.constant 0 : i32
      %dma_wait3A_94 = arith.constant 0 : i32
      %dma_wait3A_95 = arith.constant 0 : i32
      %dma_wait3A_96 = arith.constant 0 : i32
      %dma_wait3A_97 = tpu.memref_slice %arg11[%dma_wait3A_94, %dma_wait3A_95, %dma_wait3A_96] : memref<2x125x128xf32, #tpu.memory_space<vmem>> -> memref<1x125x128xf32, #tpu.memory_space<vmem>>
      %dma_wait3A_98 = tpu.memref_squeeze %dma_wait3A_97 : memref<1x125x128xf32, #tpu.memory_space<vmem>> -> memref<125x128xf32, #tpu.memory_space<vmem>>
      %dma_wait3A_99 = arith.constant 0 : i32
      %dma_wait3A_100 = tpu.memref_slice %arg7[%dma_wait3A_93, %dma_wait3A_99] : memref<8x125xi32, #tpu.memory_space<vmem>> -> memref<1x125xi32, #tpu.memory_space<vmem>>
      %dma_wait3A_101 = tpu.memref_squeeze %dma_wait3A_100 : memref<1x125xi32, #tpu.memory_space<vmem>> -> memref<125xi32, #tpu.memory_space<vmem>>
      %dma_wait3A_102 = arith.constant 0 : i32
      %dma_wait3A_103 = arith.constant 0 : i32
      %dma_wait3A_104 = tpu.memref_slice %arg2[%dma_wait3A_102, %dma_wait3A_103] : memref<10000x128xf32, #tpu.memory_space<hbm>> -> memref<10000x128xf32, #tpu.memory_space<hbm>>
      tpu.wait_indirect_dma semaphore(%arg13 : memref<!tpu.dma_semaphore, #tpu.memory_space<semaphore_mem>>) src(%dma_wait3A_104 : memref<10000x128xf32, #tpu.memory_space<hbm>>) dst(%dma_wait3A_98 : memref<125x128xf32, #tpu.memory_space<vmem>>)
      %dma_start3A_105 = arith.constant 1 : i32
      %dma_start3A_106 = arith.constant 1 : i32
      %dma_start3A_107 = arith.constant 0 : i32
      %dma_start3A_108 = arith.constant 0 : i32
      %dma_start3A_109 = tpu.memref_slice %arg11[%dma_start3A_106, %dma_start3A_107, %dma_start3A_108] : memref<2x125x128xf32, #tpu.memory_space<vmem>> -> memref<1x125x128xf32, #tpu.memory_space<vmem>>
      %dma_start3A_110 = tpu.memref_squeeze %dma_start3A_109 : memref<1x125x128xf32, #tpu.memory_space<vmem>> -> memref<125x128xf32, #tpu.memory_space<vmem>>
      %dma_start3A_111 = arith.constant 0 : i32
      %dma_start3A_112 = tpu.memref_slice %arg7[%dma_start3A_105, %dma_start3A_111] : memref<8x125xi32, #tpu.memory_space<vmem>> -> memref<1x125xi32, #tpu.memory_space<vmem>>
      %dma_start3A_113 = tpu.memref_squeeze %dma_start3A_112 : memref<1x125xi32, #tpu.memory_space<vmem>> -> memref<125xi32, #tpu.memory_space<vmem>>
      %dma_start3A_114 = arith.constant 0 : i32
      %dma_start3A_115 = arith.constant 0 : i32
      %dma_start3A_116 = tpu.memref_slice %arg2[%dma_start3A_114, %dma_start3A_115] : memref<10000x128xf32, #tpu.memory_space<hbm>> -> memref<10000x128xf32, #tpu.memory_space<hbm>>
      tpu.enqueue_indirect_dma source(%dma_start3A_116 : memref<10000x128xf32, #tpu.memory_space<hbm>>) target(%dma_start3A_110 : memref<125x128xf32, #tpu.memory_space<vmem>>) offsets(%dma_start3A_113 : memref<125xi32, #tpu.memory_space<vmem>>) semaphore(%arg14 : memref<!tpu.dma_semaphore, #tpu.memory_space<semaphore_mem>>)
      %run_scoped3A_117 = arith.constant 0 : i32
      %run_scoped3A_118 = arith.constant 0 : i32
      "tpu.region"() ({
        %run_scoped3A_588 = tpu.sem_alloc : memref<!tpu.dma_semaphore, #tpu.memory_space<semaphore_mem>>
        %dma_start3A_589 = arith.constant 0 : i32
        %dma_start3A_590 = arith.constant 0 : i32
        %dma_start3A_591 = tpu.memref_slice %arg11[%run_scoped3A_117, %dma_start3A_589, %dma_start3A_590] : memref<2x125x128xf32, #tpu.memory_space<vmem>> -> memref<1x125x128xf32, #tpu.memory_space<vmem>>
        %dma_start3A_592 = tpu.memref_squeeze %dma_start3A_591 : memref<1x125x128xf32, #tpu.memory_space<vmem>> -> memref<125x128xf32, #tpu.memory_space<vmem>>
        %dma_start3A_593 = arith.constant 0 : i32
        %dma_start3A_594 = tpu.memref_slice %arg9[%run_scoped3A_118, %dma_start3A_593] : memref<8x125xi32, #tpu.memory_space<vmem>> -> memref<1x125xi32, #tpu.memory_space<vmem>>
        %dma_start3A_595 = tpu.memref_squeeze %dma_start3A_594 : memref<1x125xi32, #tpu.memory_space<vmem>> -> memref<125xi32, #tpu.memory_space<vmem>>
        %dma_start3A_596 = arith.constant 0 : i32
        %dma_start3A_597 = arith.constant 0 : i32
        %dma_start3A_598 = tpu.memref_slice %arg12[%dma_start3A_596, %dma_start3A_597] : memref<10240x128xf32, #tpu.memory_space<vmem_shared>> -> memref<10240x128xf32, #tpu.memory_space<vmem_shared>>
        tpu.enqueue_indirect_dma source(%dma_start3A_592 : memref<125x128xf32, #tpu.memory_space<vmem>>) target(%dma_start3A_598 : memref<10240x128xf32, #tpu.memory_space<vmem_shared>>) offsets(%dma_start3A_595 : memref<125xi32, #tpu.memory_space<vmem>>) semaphore(%run_scoped3A_588 : memref<!tpu.dma_semaphore, #tpu.memory_space<semaphore_mem>>) {add = true}
        %dma_wait3A_599 = arith.constant 0 : i32
        %dma_wait3A_600 = arith.constant 0 : i32
        %dma_wait3A_601 = tpu.memref_slice %arg11[%run_scoped3A_117, %dma_wait3A_599, %dma_wait3A_600] : memref<2x125x128xf32, #tpu.memory_space<vmem>> -> memref<1x125x128xf32, #tpu.memory_space<vmem>>
        %dma_wait3A_602 = tpu.memref_squeeze %dma_wait3A_601 : memref<1x125x128xf32, #tpu.memory_space<vmem>> -> memref<125x128xf32, #tpu.memory_space<vmem>>
        %dma_wait3A_603 = arith.constant 0 : i32
        %dma_wait3A_604 = tpu.memref_slice %arg9[%run_scoped3A_118, %dma_wait3A_603] : memref<8x125xi32, #tpu.memory_space<vmem>> -> memref<1x125xi32, #tpu.memory_space<vmem>>
        %dma_wait3A_605 = tpu.memref_squeeze %dma_wait3A_604 : memref<1x125xi32, #tpu.memory_space<vmem>> -> memref<125xi32, #tpu.memory_space<vmem>>
        %dma_wait3A_606 = arith.constant 0 : i32
        %dma_wait3A_607 = arith.constant 0 : i32
        %dma_wait3A_608 = tpu.memref_slice %arg12[%dma_wait3A_606, %dma_wait3A_607] : memref<10240x128xf32, #tpu.memory_space<vmem_shared>> -> memref<10240x128xf32, #tpu.memory_space<vmem_shared>>
        tpu.wait_indirect_dma semaphore(%run_scoped3A_588 : memref<!tpu.dma_semaphore, #tpu.memory_space<semaphore_mem>>) src(%dma_wait3A_602 : memref<125x128xf32, #tpu.memory_space<vmem>>) dst(%dma_wait3A_608 : memref<10240x128xf32, #tpu.memory_space<vmem_shared>>)
        tpu.yield
      }) : () -> ()
      %dma_wait3A_119 = arith.constant 1 : i32
      %dma_wait3A_120 = arith.constant 1 : i32
      %dma_wait3A_121 = arith.constant 0 : i32
      %dma_wait3A_122 = arith.constant 0 : i32
      %dma_wait3A_123 = tpu.memref_slice %arg11[%dma_wait3A_120, %dma_wait3A_121, %dma_wait3A_122] : memref<2x125x128xf32, #tpu.memory_space<vmem>> -> memref<1x125x128xf32, #tpu.memory_space<vmem>>
      %dma_wait3A_124 = tpu.memref_squeeze %dma_wait3A_123 : memref<1x125x128xf32, #tpu.memory_space<vmem>> -> memref<125x128xf32, #tpu.memory_space<vmem>>
      %dma_wait3A_125 = arith.constant 0 : i32
      %dma_wait3A_126 = tpu.memref_slice %arg7[%dma_wait3A_119, %dma_wait3A_125] : memref<8x125xi32, #tpu.memory_space<vmem>> -> memref<1x125xi32, #tpu.memory_space<vmem>>
      %dma_wait3A_127 = tpu.memref_squeeze %dma_wait3A_126 : memref<1x125xi32, #tpu.memory_space<vmem>> -> memref<125xi32, #tpu.memory_space<vmem>>
      %dma_wait3A_128 = arith.constant 0 : i32
      %dma_wait3A_129 = arith.constant 0 : i32
      %dma_wait3A_130 = tpu.memref_slice %arg2[%dma_wait3A_128, %dma_wait3A_129] : memref<10000x128xf32, #tpu.memory_space<hbm>> -> memref<10000x128xf32, #tpu.memory_space<hbm>>
      tpu.wait_indirect_dma semaphore(%arg14 : memref<!tpu.dma_semaphore, #tpu.memory_space<semaphore_mem>>) src(%dma_wait3A_130 : memref<10000x128xf32, #tpu.memory_space<hbm>>) dst(%dma_wait3A_124 : memref<125x128xf32, #tpu.memory_space<vmem>>)
      %dma_start3A_131 = arith.constant 2 : i32
      %dma_start3A_132 = arith.constant 0 : i32
      %dma_start3A_133 = arith.constant 0 : i32
      %dma_start3A_134 = arith.constant 0 : i32
      %dma_start3A_135 = tpu.memref_slice %arg11[%dma_start3A_132, %dma_start3A_133, %dma_start3A_134] : memref<2x125x128xf32, #tpu.memory_space<vmem>> -> memref<1x125x128xf32, #tpu.memory_space<vmem>>
      %dma_start3A_136 = tpu.memref_squeeze %dma_start3A_135 : memref<1x125x128xf32, #tpu.memory_space<vmem>> -> memref<125x128xf32, #tpu.memory_space<vmem>>
      %dma_start3A_137 = arith.constant 0 : i32
      %dma_start3A_138 = tpu.memref_slice %arg7[%dma_start3A_131, %dma_start3A_137] : memref<8x125xi32, #tpu.memory_space<vmem>> -> memref<1x125xi32, #tpu.memory_space<vmem>>
      %dma_start3A_139 = tpu.memref_squeeze %dma_start3A_138 : memref<1x125xi32, #tpu.memory_space<vmem>> -> memref<125xi32, #tpu.memory_space<vmem>>
      %dma_start3A_140 = arith.constant 0 : i32
      %dma_start3A_141 = arith.constant 0 : i32
      %dma_start3A_142 = tpu.memref_slice %arg2[%dma_start3A_140, %dma_start3A_141] : memref<10000x128xf32, #tpu.memory_space<hbm>> -> memref<10000x128xf32, #tpu.memory_space<hbm>>
      tpu.enqueue_indirect_dma source(%dma_start3A_142 : memref<10000x128xf32, #tpu.memory_space<hbm>>) target(%dma_start3A_136 : memref<125x128xf32, #tpu.memory_space<vmem>>) offsets(%dma_start3A_139 : memref<125xi32, #tpu.memory_space<vmem>>) semaphore(%arg13 : memref<!tpu.dma_semaphore, #tpu.memory_space<semaphore_mem>>)
      %run_scoped3A_143 = arith.constant 1 : i32
      %run_scoped3A_144 = arith.constant 1 : i32
      "tpu.region"() ({
        %run_scoped3A_588 = tpu.sem_alloc : memref<!tpu.dma_semaphore, #tpu.memory_space<semaphore_mem>>
        %dma_start3A_589 = arith.constant 0 : i32
        %dma_start3A_590 = arith.constant 0 : i32
        %dma_start3A_591 = tpu.memref_slice %arg11[%run_scoped3A_143, %dma_start3A_589, %dma_start3A_590] : memref<2x125x128xf32, #tpu.memory_space<vmem>> -> memref<1x125x128xf32, #tpu.memory_space<vmem>>
        %dma_start3A_592 = tpu.memref_squeeze %dma_start3A_591 : memref<1x125x128xf32, #tpu.memory_space<vmem>> -> memref<125x128xf32, #tpu.memory_space<vmem>>
        %dma_start3A_593 = arith.constant 0 : i32
        %dma_start3A_594 = tpu.memref_slice %arg9[%run_scoped3A_144, %dma_start3A_593] : memref<8x125xi32, #tpu.memory_space<vmem>> -> memref<1x125xi32, #tpu.memory_space<vmem>>
        %dma_start3A_595 = tpu.memref_squeeze %dma_start3A_594 : memref<1x125xi32, #tpu.memory_space<vmem>> -> memref<125xi32, #tpu.memory_space<vmem>>
        %dma_start3A_596 = arith.constant 0 : i32
        %dma_start3A_597 = arith.constant 0 : i32
        %dma_start3A_598 = tpu.memref_slice %arg12[%dma_start3A_596, %dma_start3A_597] : memref<10240x128xf32, #tpu.memory_space<vmem_shared>> -> memref<10240x128xf32, #tpu.memory_space<vmem_shared>>
        tpu.enqueue_indirect_dma source(%dma_start3A_592 : memref<125x128xf32, #tpu.memory_space<vmem>>) target(%dma_start3A_598 : memref<10240x128xf32, #tpu.memory_space<vmem_shared>>) offsets(%dma_start3A_595 : memref<125xi32, #tpu.memory_space<vmem>>) semaphore(%run_scoped3A_588 : memref<!tpu.dma_semaphore, #tpu.memory_space<semaphore_mem>>) {add = true}
        %dma_wait3A_599 = arith.constant 0 : i32
        %dma_wait3A_600 = arith.constant 0 : i32
        %dma_wait3A_601 = tpu.memref_slice %arg11[%run_scoped3A_143, %dma_wait3A_599, %dma_wait3A_600] : memref<2x125x128xf32, #tpu.memory_space<vmem>> -> memref<1x125x128xf32, #tpu.memory_space<vmem>>
        %dma_wait3A_602 = tpu.memref_squeeze %dma_wait3A_601 : memref<1x125x128xf32, #tpu.memory_space<vmem>> -> memref<125x128xf32, #tpu.memory_space<vmem>>
        %dma_wait3A_603 = arith.constant 0 : i32
        %dma_wait3A_604 = tpu.memref_slice %arg9[%run_scoped3A_144, %dma_wait3A_603] : memref<8x125xi32, #tpu.memory_space<vmem>> -> memref<1x125xi32, #tpu.memory_space<vmem>>
        %dma_wait3A_605 = tpu.memref_squeeze %dma_wait3A_604 : memref<1x125xi32, #tpu.memory_space<vmem>> -> memref<125xi32, #tpu.memory_space<vmem>>
        %dma_wait3A_606 = arith.constant 0 : i32
        %dma_wait3A_607 = arith.constant 0 : i32
        %dma_wait3A_608 = tpu.memref_slice %arg12[%dma_wait3A_606, %dma_wait3A_607] : memref<10240x128xf32, #tpu.memory_space<vmem_shared>> -> memref<10240x128xf32, #tpu.memory_space<vmem_shared>>
        tpu.wait_indirect_dma semaphore(%run_scoped3A_588 : memref<!tpu.dma_semaphore, #tpu.memory_space<semaphore_mem>>) src(%dma_wait3A_602 : memref<125x128xf32, #tpu.memory_space<vmem>>) dst(%dma_wait3A_608 : memref<10240x128xf32, #tpu.memory_space<vmem_shared>>)
        tpu.yield
      }) : () -> ()
      %dma_wait3A_145 = arith.constant 2 : i32
      %dma_wait3A_146 = arith.constant 0 : i32
      %dma_wait3A_147 = arith.constant 0 : i32
      %dma_wait3A_148 = arith.constant 0 : i32
      %dma_wait3A_149 = tpu.memref_slice %arg11[%dma_wait3A_146, %dma_wait3A_147, %dma_wait3A_148] : memref<2x125x128xf32, #tpu.memory_space<vmem>> -> memref<1x125x128xf32, #tpu.memory_space<vmem>>
      %dma_wait3A_150 = tpu.memref_squeeze %dma_wait3A_149 : memref<1x125x128xf32, #tpu.memory_space<vmem>> -> memref<125x128xf32, #tpu.memory_space<vmem>>
      %dma_wait3A_151 = arith.constant 0 : i32
      %dma_wait3A_152 = tpu.memref_slice %arg7[%dma_wait3A_145, %dma_wait3A_151] : memref<8x125xi32, #tpu.memory_space<vmem>> -> memref<1x125xi32, #tpu.memory_space<vmem>>
      %dma_wait3A_153 = tpu.memref_squeeze %dma_wait3A_152 : memref<1x125xi32, #tpu.memory_space<vmem>> -> memref<125xi32, #tpu.memory_space<vmem>>
      %dma_wait3A_154 = arith.constant 0 : i32
      %dma_wait3A_155 = arith.constant 0 : i32
      %dma_wait3A_156 = tpu.memref_slice %arg2[%dma_wait3A_154, %dma_wait3A_155] : memref<10000x128xf32, #tpu.memory_space<hbm>> -> memref<10000x128xf32, #tpu.memory_space<hbm>>
      tpu.wait_indirect_dma semaphore(%arg13 : memref<!tpu.dma_semaphore, #tpu.memory_space<semaphore_mem>>) src(%dma_wait3A_156 : memref<10000x128xf32, #tpu.memory_space<hbm>>) dst(%dma_wait3A_150 : memref<125x128xf32, #tpu.memory_space<vmem>>)
      %dma_start3A_157 = arith.constant 3 : i32
      %dma_start3A_158 = arith.constant 1 : i32
      %dma_start3A_159 = arith.constant 0 : i32
      %dma_start3A_160 = arith.constant 0 : i32
      %dma_start3A_161 = tpu.memref_slice %arg11[%dma_start3A_158, %dma_start3A_159, %dma_start3A_160] : memref<2x125x128xf32, #tpu.memory_space<vmem>> -> memref<1x125x128xf32, #tpu.memory_space<vmem>>
      %dma_start3A_162 = tpu.memref_squeeze %dma_start3A_161 : memref<1x125x128xf32, #tpu.memory_space<vmem>> -> memref<125x128xf32, #tpu.memory_space<vmem>>
      %dma_start3A_163 = arith.constant 0 : i32
      %dma_start3A_164 = tpu.memref_slice %arg7[%dma_start3A_157, %dma_start3A_163] : memref<8x125xi32, #tpu.memory_space<vmem>> -> memref<1x125xi32, #tpu.memory_space<vmem>>
      %dma_start3A_165 = tpu.memref_squeeze %dma_start3A_164 : memref<1x125xi32, #tpu.memory_space<vmem>> -> memref<125xi32, #tpu.memory_space<vmem>>
      %dma_start3A_166 = arith.constant 0 : i32
      %dma_start3A_167 = arith.constant 0 : i32
      %dma_start3A_168 = tpu.memref_slice %arg2[%dma_start3A_166, %dma_start3A_167] : memref<10000x128xf32, #tpu.memory_space<hbm>> -> memref<10000x128xf32, #tpu.memory_space<hbm>>
      tpu.enqueue_indirect_dma source(%dma_start3A_168 : memref<10000x128xf32, #tpu.memory_space<hbm>>) target(%dma_start3A_162 : memref<125x128xf32, #tpu.memory_space<vmem>>) offsets(%dma_start3A_165 : memref<125xi32, #tpu.memory_space<vmem>>) semaphore(%arg14 : memref<!tpu.dma_semaphore, #tpu.memory_space<semaphore_mem>>)
      %run_scoped3A_169 = arith.constant 0 : i32
      %run_scoped3A_170 = arith.constant 2 : i32
      "tpu.region"() ({
        %run_scoped3A_588 = tpu.sem_alloc : memref<!tpu.dma_semaphore, #tpu.memory_space<semaphore_mem>>
        %dma_start3A_589 = arith.constant 0 : i32
        %dma_start3A_590 = arith.constant 0 : i32
        %dma_start3A_591 = tpu.memref_slice %arg11[%run_scoped3A_169, %dma_start3A_589, %dma_start3A_590] : memref<2x125x128xf32, #tpu.memory_space<vmem>> -> memref<1x125x128xf32, #tpu.memory_space<vmem>>
        %dma_start3A_592 = tpu.memref_squeeze %dma_start3A_591 : memref<1x125x128xf32, #tpu.memory_space<vmem>> -> memref<125x128xf32, #tpu.memory_space<vmem>>
        %dma_start3A_593 = arith.constant 0 : i32
        %dma_start3A_594 = tpu.memref_slice %arg9[%run_scoped3A_170, %dma_start3A_593] : memref<8x125xi32, #tpu.memory_space<vmem>> -> memref<1x125xi32, #tpu.memory_space<vmem>>
        %dma_start3A_595 = tpu.memref_squeeze %dma_start3A_594 : memref<1x125xi32, #tpu.memory_space<vmem>> -> memref<125xi32, #tpu.memory_space<vmem>>
        %dma_start3A_596 = arith.constant 0 : i32
        %dma_start3A_597 = arith.constant 0 : i32
        %dma_start3A_598 = tpu.memref_slice %arg12[%dma_start3A_596, %dma_start3A_597] : memref<10240x128xf32, #tpu.memory_space<vmem_shared>> -> memref<10240x128xf32, #tpu.memory_space<vmem_shared>>
        tpu.enqueue_indirect_dma source(%dma_start3A_592 : memref<125x128xf32, #tpu.memory_space<vmem>>) target(%dma_start3A_598 : memref<10240x128xf32, #tpu.memory_space<vmem_shared>>) offsets(%dma_start3A_595 : memref<125xi32, #tpu.memory_space<vmem>>) semaphore(%run_scoped3A_588 : memref<!tpu.dma_semaphore, #tpu.memory_space<semaphore_mem>>) {add = true}
        %dma_wait3A_599 = arith.constant 0 : i32
        %dma_wait3A_600 = arith.constant 0 : i32
        %dma_wait3A_601 = tpu.memref_slice %arg11[%run_scoped3A_169, %dma_wait3A_599, %dma_wait3A_600] : memref<2x125x128xf32, #tpu.memory_space<vmem>> -> memref<1x125x128xf32, #tpu.memory_space<vmem>>
        %dma_wait3A_602 = tpu.memref_squeeze %dma_wait3A_601 : memref<1x125x128xf32, #tpu.memory_space<vmem>> -> memref<125x128xf32, #tpu.memory_space<vmem>>
        %dma_wait3A_603 = arith.constant 0 : i32
        %dma_wait3A_604 = tpu.memref_slice %arg9[%run_scoped3A_170, %dma_wait3A_603] : memref<8x125xi32, #tpu.memory_space<vmem>> -> memref<1x125xi32, #tpu.memory_space<vmem>>
        %dma_wait3A_605 = tpu.memref_squeeze %dma_wait3A_604 : memref<1x125xi32, #tpu.memory_space<vmem>> -> memref<125xi32, #tpu.memory_space<vmem>>
        %dma_wait3A_606 = arith.constant 0 : i32
        %dma_wait3A_607 = arith.constant 0 : i32
        %dma_wait3A_608 = tpu.memref_slice %arg12[%dma_wait3A_606, %dma_wait3A_607] : memref<10240x128xf32, #tpu.memory_space<vmem_shared>> -> memref<10240x128xf32, #tpu.memory_space<vmem_shared>>
        tpu.wait_indirect_dma semaphore(%run_scoped3A_588 : memref<!tpu.dma_semaphore, #tpu.memory_space<semaphore_mem>>) src(%dma_wait3A_602 : memref<125x128xf32, #tpu.memory_space<vmem>>) dst(%dma_wait3A_608 : memref<10240x128xf32, #tpu.memory_space<vmem_shared>>)
        tpu.yield
      }) : () -> ()
      %dma_wait3A_171 = arith.constant 3 : i32
      %dma_wait3A_172 = arith.constant 1 : i32
      %dma_wait3A_173 = arith.constant 0 : i32
      %dma_wait3A_174 = arith.constant 0 : i32
      %dma_wait3A_175 = tpu.memref_slice %arg11[%dma_wait3A_172, %dma_wait3A_173, %dma_wait3A_174] : memref<2x125x128xf32, #tpu.memory_space<vmem>> -> memref<1x125x128xf32, #tpu.memory_space<vmem>>
      %dma_wait3A_176 = tpu.memref_squeeze %dma_wait3A_175 : memref<1x125x128xf32, #tpu.memory_space<vmem>> -> memref<125x128xf32, #tpu.memory_space<vmem>>
      %dma_wait3A_177 = arith.constant 0 : i32
      %dma_wait3A_178 = tpu.memref_slice %arg7[%dma_wait3A_171, %dma_wait3A_177] : memref<8x125xi32, #tpu.memory_space<vmem>> -> memref<1x125xi32, #tpu.memory_space<vmem>>
      %dma_wait3A_179 = tpu.memref_squeeze %dma_wait3A_178 : memref<1x125xi32, #tpu.memory_space<vmem>> -> memref<125xi32, #tpu.memory_space<vmem>>
      %dma_wait3A_180 = arith.constant 0 : i32
      %dma_wait3A_181 = arith.constant 0 : i32
      %dma_wait3A_182 = tpu.memref_slice %arg2[%dma_wait3A_180, %dma_wait3A_181] : memref<10000x128xf32, #tpu.memory_space<hbm>> -> memref<10000x128xf32, #tpu.memory_space<hbm>>
      tpu.wait_indirect_dma semaphore(%arg14 : memref<!tpu.dma_semaphore, #tpu.memory_space<semaphore_mem>>) src(%dma_wait3A_182 : memref<10000x128xf32, #tpu.memory_space<hbm>>) dst(%dma_wait3A_176 : memref<125x128xf32, #tpu.memory_space<vmem>>)
      %dma_start3A_183 = arith.constant 4 : i32
      %dma_start3A_184 = arith.constant 0 : i32
      %dma_start3A_185 = arith.constant 0 : i32
      %dma_start3A_186 = arith.constant 0 : i32
      %dma_start3A_187 = tpu.memref_slice %arg11[%dma_start3A_184, %dma_start3A_185, %dma_start3A_186] : memref<2x125x128xf32, #tpu.memory_space<vmem>> -> memref<1x125x128xf32, #tpu.memory_space<vmem>>
      %dma_start3A_188 = tpu.memref_squeeze %dma_start3A_187 : memref<1x125x128xf32, #tpu.memory_space<vmem>> -> memref<125x128xf32, #tpu.memory_space<vmem>>
      %dma_start3A_189 = arith.constant 0 : i32
      %dma_start3A_190 = tpu.memref_slice %arg7[%dma_start3A_183, %dma_start3A_189] : memref<8x125xi32, #tpu.memory_space<vmem>> -> memref<1x125xi32, #tpu.memory_space<vmem>>
      %dma_start3A_191 = tpu.memref_squeeze %dma_start3A_190 : memref<1x125xi32, #tpu.memory_space<vmem>> -> memref<125xi32, #tpu.memory_space<vmem>>
      %dma_start3A_192 = arith.constant 0 : i32
      %dma_start3A_193 = arith.constant 0 : i32
      %dma_start3A_194 = tpu.memref_slice %arg2[%dma_start3A_192, %dma_start3A_193] : memref<10000x128xf32, #tpu.memory_space<hbm>> -> memref<10000x128xf32, #tpu.memory_space<hbm>>
      tpu.enqueue_indirect_dma source(%dma_start3A_194 : memref<10000x128xf32, #tpu.memory_space<hbm>>) target(%dma_start3A_188 : memref<125x128xf32, #tpu.memory_space<vmem>>) offsets(%dma_start3A_191 : memref<125xi32, #tpu.memory_space<vmem>>) semaphore(%arg13 : memref<!tpu.dma_semaphore, #tpu.memory_space<semaphore_mem>>)
      %run_scoped3A_195 = arith.constant 1 : i32
      %run_scoped3A_196 = arith.constant 3 : i32
      "tpu.region"() ({
        %run_scoped3A_588 = tpu.sem_alloc : memref<!tpu.dma_semaphore, #tpu.memory_space<semaphore_mem>>
        %dma_start3A_589 = arith.constant 0 : i32
        %dma_start3A_590 = arith.constant 0 : i32
        %dma_start3A_591 = tpu.memref_slice %arg11[%run_scoped3A_195, %dma_start3A_589, %dma_start3A_590] : memref<2x125x128xf32, #tpu.memory_space<vmem>> -> memref<1x125x128xf32, #tpu.memory_space<vmem>>
        %dma_start3A_592 = tpu.memref_squeeze %dma_start3A_591 : memref<1x125x128xf32, #tpu.memory_space<vmem>> -> memref<125x128xf32, #tpu.memory_space<vmem>>
        %dma_start3A_593 = arith.constant 0 : i32
        %dma_start3A_594 = tpu.memref_slice %arg9[%run_scoped3A_196, %dma_start3A_593] : memref<8x125xi32, #tpu.memory_space<vmem>> -> memref<1x125xi32, #tpu.memory_space<vmem>>
        %dma_start3A_595 = tpu.memref_squeeze %dma_start3A_594 : memref<1x125xi32, #tpu.memory_space<vmem>> -> memref<125xi32, #tpu.memory_space<vmem>>
        %dma_start3A_596 = arith.constant 0 : i32
        %dma_start3A_597 = arith.constant 0 : i32
        %dma_start3A_598 = tpu.memref_slice %arg12[%dma_start3A_596, %dma_start3A_597] : memref<10240x128xf32, #tpu.memory_space<vmem_shared>> -> memref<10240x128xf32, #tpu.memory_space<vmem_shared>>
        tpu.enqueue_indirect_dma source(%dma_start3A_592 : memref<125x128xf32, #tpu.memory_space<vmem>>) target(%dma_start3A_598 : memref<10240x128xf32, #tpu.memory_space<vmem_shared>>) offsets(%dma_start3A_595 : memref<125xi32, #tpu.memory_space<vmem>>) semaphore(%run_scoped3A_588 : memref<!tpu.dma_semaphore, #tpu.memory_space<semaphore_mem>>) {add = true}
        %dma_wait3A_599 = arith.constant 0 : i32
        %dma_wait3A_600 = arith.constant 0 : i32
        %dma_wait3A_601 = tpu.memref_slice %arg11[%run_scoped3A_195, %dma_wait3A_599, %dma_wait3A_600] : memref<2x125x128xf32, #tpu.memory_space<vmem>> -> memref<1x125x128xf32, #tpu.memory_space<vmem>>
        %dma_wait3A_602 = tpu.memref_squeeze %dma_wait3A_601 : memref<1x125x128xf32, #tpu.memory_space<vmem>> -> memref<125x128xf32, #tpu.memory_space<vmem>>
        %dma_wait3A_603 = arith.constant 0 : i32
        %dma_wait3A_604 = tpu.memref_slice %arg9[%run_scoped3A_196, %dma_wait3A_603] : memref<8x125xi32, #tpu.memory_space<vmem>> -> memref<1x125xi32, #tpu.memory_space<vmem>>
        %dma_wait3A_605 = tpu.memref_squeeze %dma_wait3A_604 : memref<1x125xi32, #tpu.memory_space<vmem>> -> memref<125xi32, #tpu.memory_space<vmem>>
        %dma_wait3A_606 = arith.constant 0 : i32
        %dma_wait3A_607 = arith.constant 0 : i32
        %dma_wait3A_608 = tpu.memref_slice %arg12[%dma_wait3A_606, %dma_wait3A_607] : memref<10240x128xf32, #tpu.memory_space<vmem_shared>> -> memref<10240x128xf32, #tpu.memory_space<vmem_shared>>
        tpu.wait_indirect_dma semaphore(%run_scoped3A_588 : memref<!tpu.dma_semaphore, #tpu.memory_space<semaphore_mem>>) src(%dma_wait3A_602 : memref<125x128xf32, #tpu.memory_space<vmem>>) dst(%dma_wait3A_608 : memref<10240x128xf32, #tpu.memory_space<vmem_shared>>)
        tpu.yield
      }) : () -> ()
      %dma_wait3A_197 = arith.constant 4 : i32
      %dma_wait3A_198 = arith.constant 0 : i32
      %dma_wait3A_199 = arith.constant 0 : i32
      %dma_wait3A_200 = arith.constant 0 : i32
      %dma_wait3A_201 = tpu.memref_slice %arg11[%dma_wait3A_198, %dma_wait3A_199, %dma_wait3A_200] : memref<2x125x128xf32, #tpu.memory_space<vmem>> -> memref<1x125x128xf32, #tpu.memory_space<vmem>>
      %dma_wait3A_202 = tpu.memref_squeeze %dma_wait3A_201 : memref<1x125x128xf32, #tpu.memory_space<vmem>> -> memref<125x128xf32, #tpu.memory_space<vmem>>
      %dma_wait3A_203 = arith.constant 0 : i32
      %dma_wait3A_204 = tpu.memref_slice %arg7[%dma_wait3A_197, %dma_wait3A_203] : memref<8x125xi32, #tpu.memory_space<vmem>> -> memref<1x125xi32, #tpu.memory_space<vmem>>
      %dma_wait3A_205 = tpu.memref_squeeze %dma_wait3A_204 : memref<1x125xi32, #tpu.memory_space<vmem>> -> memref<125xi32, #tpu.memory_space<vmem>>
      %dma_wait3A_206 = arith.constant 0 : i32
      %dma_wait3A_207 = arith.constant 0 : i32
      %dma_wait3A_208 = tpu.memref_slice %arg2[%dma_wait3A_206, %dma_wait3A_207] : memref<10000x128xf32, #tpu.memory_space<hbm>> -> memref<10000x128xf32, #tpu.memory_space<hbm>>
      tpu.wait_indirect_dma semaphore(%arg13 : memref<!tpu.dma_semaphore, #tpu.memory_space<semaphore_mem>>) src(%dma_wait3A_208 : memref<10000x128xf32, #tpu.memory_space<hbm>>) dst(%dma_wait3A_202 : memref<125x128xf32, #tpu.memory_space<vmem>>)
      %dma_start3A_209 = arith.constant 5 : i32
      %dma_start3A_210 = arith.constant 1 : i32
      %dma_start3A_211 = arith.constant 0 : i32
      %dma_start3A_212 = arith.constant 0 : i32
      %dma_start3A_213 = tpu.memref_slice %arg11[%dma_start3A_210, %dma_start3A_211, %dma_start3A_212] : memref<2x125x128xf32, #tpu.memory_space<vmem>> -> memref<1x125x128xf32, #tpu.memory_space<vmem>>
      %dma_start3A_214 = tpu.memref_squeeze %dma_start3A_213 : memref<1x125x128xf32, #tpu.memory_space<vmem>> -> memref<125x128xf32, #tpu.memory_space<vmem>>
      %dma_start3A_215 = arith.constant 0 : i32
      %dma_start3A_216 = tpu.memref_slice %arg7[%dma_start3A_209, %dma_start3A_215] : memref<8x125xi32, #tpu.memory_space<vmem>> -> memref<1x125xi32, #tpu.memory_space<vmem>>
      %dma_start3A_217 = tpu.memref_squeeze %dma_start3A_216 : memref<1x125xi32, #tpu.memory_space<vmem>> -> memref<125xi32, #tpu.memory_space<vmem>>
      %dma_start3A_218 = arith.constant 0 : i32
      %dma_start3A_219 = arith.constant 0 : i32
      %dma_start3A_220 = tpu.memref_slice %arg2[%dma_start3A_218, %dma_start3A_219] : memref<10000x128xf32, #tpu.memory_space<hbm>> -> memref<10000x128xf32, #tpu.memory_space<hbm>>
      tpu.enqueue_indirect_dma source(%dma_start3A_220 : memref<10000x128xf32, #tpu.memory_space<hbm>>) target(%dma_start3A_214 : memref<125x128xf32, #tpu.memory_space<vmem>>) offsets(%dma_start3A_217 : memref<125xi32, #tpu.memory_space<vmem>>) semaphore(%arg14 : memref<!tpu.dma_semaphore, #tpu.memory_space<semaphore_mem>>)
      %run_scoped3A_221 = arith.constant 0 : i32
      %run_scoped3A_222 = arith.constant 4 : i32
      "tpu.region"() ({
        %run_scoped3A_588 = tpu.sem_alloc : memref<!tpu.dma_semaphore, #tpu.memory_space<semaphore_mem>>
        %dma_start3A_589 = arith.constant 0 : i32
        %dma_start3A_590 = arith.constant 0 : i32
        %dma_start3A_591 = tpu.memref_slice %arg11[%run_scoped3A_221, %dma_start3A_589, %dma_start3A_590] : memref<2x125x128xf32, #tpu.memory_space<vmem>> -> memref<1x125x128xf32, #tpu.memory_space<vmem>>
        %dma_start3A_592 = tpu.memref_squeeze %dma_start3A_591 : memref<1x125x128xf32, #tpu.memory_space<vmem>> -> memref<125x128xf32, #tpu.memory_space<vmem>>
        %dma_start3A_593 = arith.constant 0 : i32
        %dma_start3A_594 = tpu.memref_slice %arg9[%run_scoped3A_222, %dma_start3A_593] : memref<8x125xi32, #tpu.memory_space<vmem>> -> memref<1x125xi32, #tpu.memory_space<vmem>>
        %dma_start3A_595 = tpu.memref_squeeze %dma_start3A_594 : memref<1x125xi32, #tpu.memory_space<vmem>> -> memref<125xi32, #tpu.memory_space<vmem>>
        %dma_start3A_596 = arith.constant 0 : i32
        %dma_start3A_597 = arith.constant 0 : i32
        %dma_start3A_598 = tpu.memref_slice %arg12[%dma_start3A_596, %dma_start3A_597] : memref<10240x128xf32, #tpu.memory_space<vmem_shared>> -> memref<10240x128xf32, #tpu.memory_space<vmem_shared>>
        tpu.enqueue_indirect_dma source(%dma_start3A_592 : memref<125x128xf32, #tpu.memory_space<vmem>>) target(%dma_start3A_598 : memref<10240x128xf32, #tpu.memory_space<vmem_shared>>) offsets(%dma_start3A_595 : memref<125xi32, #tpu.memory_space<vmem>>) semaphore(%run_scoped3A_588 : memref<!tpu.dma_semaphore, #tpu.memory_space<semaphore_mem>>) {add = true}
        %dma_wait3A_599 = arith.constant 0 : i32
        %dma_wait3A_600 = arith.constant 0 : i32
        %dma_wait3A_601 = tpu.memref_slice %arg11[%run_scoped3A_221, %dma_wait3A_599, %dma_wait3A_600] : memref<2x125x128xf32, #tpu.memory_space<vmem>> -> memref<1x125x128xf32, #tpu.memory_space<vmem>>
        %dma_wait3A_602 = tpu.memref_squeeze %dma_wait3A_601 : memref<1x125x128xf32, #tpu.memory_space<vmem>> -> memref<125x128xf32, #tpu.memory_space<vmem>>
        %dma_wait3A_603 = arith.constant 0 : i32
        %dma_wait3A_604 = tpu.memref_slice %arg9[%run_scoped3A_222, %dma_wait3A_603] : memref<8x125xi32, #tpu.memory_space<vmem>> -> memref<1x125xi32, #tpu.memory_space<vmem>>
        %dma_wait3A_605 = tpu.memref_squeeze %dma_wait3A_604 : memref<1x125xi32, #tpu.memory_space<vmem>> -> memref<125xi32, #tpu.memory_space<vmem>>
        %dma_wait3A_606 = arith.constant 0 : i32
        %dma_wait3A_607 = arith.constant 0 : i32
        %dma_wait3A_608 = tpu.memref_slice %arg12[%dma_wait3A_606, %dma_wait3A_607] : memref<10240x128xf32, #tpu.memory_space<vmem_shared>> -> memref<10240x128xf32, #tpu.memory_space<vmem_shared>>
        tpu.wait_indirect_dma semaphore(%run_scoped3A_588 : memref<!tpu.dma_semaphore, #tpu.memory_space<semaphore_mem>>) src(%dma_wait3A_602 : memref<125x128xf32, #tpu.memory_space<vmem>>) dst(%dma_wait3A_608 : memref<10240x128xf32, #tpu.memory_space<vmem_shared>>)
        tpu.yield
      }) : () -> ()
      %dma_wait3A_223 = arith.constant 5 : i32
      %dma_wait3A_224 = arith.constant 1 : i32
      %dma_wait3A_225 = arith.constant 0 : i32
      %dma_wait3A_226 = arith.constant 0 : i32
      %dma_wait3A_227 = tpu.memref_slice %arg11[%dma_wait3A_224, %dma_wait3A_225, %dma_wait3A_226] : memref<2x125x128xf32, #tpu.memory_space<vmem>> -> memref<1x125x128xf32, #tpu.memory_space<vmem>>
      %dma_wait3A_228 = tpu.memref_squeeze %dma_wait3A_227 : memref<1x125x128xf32, #tpu.memory_space<vmem>> -> memref<125x128xf32, #tpu.memory_space<vmem>>
      %dma_wait3A_229 = arith.constant 0 : i32
      %dma_wait3A_230 = tpu.memref_slice %arg7[%dma_wait3A_223, %dma_wait3A_229] : memref<8x125xi32, #tpu.memory_space<vmem>> -> memref<1x125xi32, #tpu.memory_space<vmem>>
      %dma_wait3A_231 = tpu.memref_squeeze %dma_wait3A_230 : memref<1x125xi32, #tpu.memory_space<vmem>> -> memref<125xi32, #tpu.memory_space<vmem>>
      %dma_wait3A_232 = arith.constant 0 : i32
      %dma_wait3A_233 = arith.constant 0 : i32
      %dma_wait3A_234 = tpu.memref_slice %arg2[%dma_wait3A_232, %dma_wait3A_233] : memref<10000x128xf32, #tpu.memory_space<hbm>> -> memref<10000x128xf32, #tpu.memory_space<hbm>>
      tpu.wait_indirect_dma semaphore(%arg14 : memref<!tpu.dma_semaphore, #tpu.memory_space<semaphore_mem>>) src(%dma_wait3A_234 : memref<10000x128xf32, #tpu.memory_space<hbm>>) dst(%dma_wait3A_228 : memref<125x128xf32, #tpu.memory_space<vmem>>)
      %dma_start3A_235 = arith.constant 6 : i32
      %dma_start3A_236 = arith.constant 0 : i32
      %dma_start3A_237 = arith.constant 0 : i32
      %dma_start3A_238 = arith.constant 0 : i32
      %dma_start3A_239 = tpu.memref_slice %arg11[%dma_start3A_236, %dma_start3A_237, %dma_start3A_238] : memref<2x125x128xf32, #tpu.memory_space<vmem>> -> memref<1x125x128xf32, #tpu.memory_space<vmem>>
      %dma_start3A_240 = tpu.memref_squeeze %dma_start3A_239 : memref<1x125x128xf32, #tpu.memory_space<vmem>> -> memref<125x128xf32, #tpu.memory_space<vmem>>
      %dma_start3A_241 = arith.constant 0 : i32
      %dma_start3A_242 = tpu.memref_slice %arg7[%dma_start3A_235, %dma_start3A_241] : memref<8x125xi32, #tpu.memory_space<vmem>> -> memref<1x125xi32, #tpu.memory_space<vmem>>
      %dma_start3A_243 = tpu.memref_squeeze %dma_start3A_242 : memref<1x125xi32, #tpu.memory_space<vmem>> -> memref<125xi32, #tpu.memory_space<vmem>>
      %dma_start3A_244 = arith.constant 0 : i32
      %dma_start3A_245 = arith.constant 0 : i32
      %dma_start3A_246 = tpu.memref_slice %arg2[%dma_start3A_244, %dma_start3A_245] : memref<10000x128xf32, #tpu.memory_space<hbm>> -> memref<10000x128xf32, #tpu.memory_space<hbm>>
      tpu.enqueue_indirect_dma source(%dma_start3A_246 : memref<10000x128xf32, #tpu.memory_space<hbm>>) target(%dma_start3A_240 : memref<125x128xf32, #tpu.memory_space<vmem>>) offsets(%dma_start3A_243 : memref<125xi32, #tpu.memory_space<vmem>>) semaphore(%arg13 : memref<!tpu.dma_semaphore, #tpu.memory_space<semaphore_mem>>)
      %run_scoped3A_247 = arith.constant 1 : i32
      %run_scoped3A_248 = arith.constant 5 : i32
      "tpu.region"() ({
        %run_scoped3A_588 = tpu.sem_alloc : memref<!tpu.dma_semaphore, #tpu.memory_space<semaphore_mem>>
        %dma_start3A_589 = arith.constant 0 : i32
        %dma_start3A_590 = arith.constant 0 : i32
        %dma_start3A_591 = tpu.memref_slice %arg11[%run_scoped3A_247, %dma_start3A_589, %dma_start3A_590] : memref<2x125x128xf32, #tpu.memory_space<vmem>> -> memref<1x125x128xf32, #tpu.memory_space<vmem>>
        %dma_start3A_592 = tpu.memref_squeeze %dma_start3A_591 : memref<1x125x128xf32, #tpu.memory_space<vmem>> -> memref<125x128xf32, #tpu.memory_space<vmem>>
        %dma_start3A_593 = arith.constant 0 : i32
        %dma_start3A_594 = tpu.memref_slice %arg9[%run_scoped3A_248, %dma_start3A_593] : memref<8x125xi32, #tpu.memory_space<vmem>> -> memref<1x125xi32, #tpu.memory_space<vmem>>
        %dma_start3A_595 = tpu.memref_squeeze %dma_start3A_594 : memref<1x125xi32, #tpu.memory_space<vmem>> -> memref<125xi32, #tpu.memory_space<vmem>>
        %dma_start3A_596 = arith.constant 0 : i32
        %dma_start3A_597 = arith.constant 0 : i32
        %dma_start3A_598 = tpu.memref_slice %arg12[%dma_start3A_596, %dma_start3A_597] : memref<10240x128xf32, #tpu.memory_space<vmem_shared>> -> memref<10240x128xf32, #tpu.memory_space<vmem_shared>>
        tpu.enqueue_indirect_dma source(%dma_start3A_592 : memref<125x128xf32, #tpu.memory_space<vmem>>) target(%dma_start3A_598 : memref<10240x128xf32, #tpu.memory_space<vmem_shared>>) offsets(%dma_start3A_595 : memref<125xi32, #tpu.memory_space<vmem>>) semaphore(%run_scoped3A_588 : memref<!tpu.dma_semaphore, #tpu.memory_space<semaphore_mem>>) {add = true}
        %dma_wait3A_599 = arith.constant 0 : i32
        %dma_wait3A_600 = arith.constant 0 : i32
        %dma_wait3A_601 = tpu.memref_slice %arg11[%run_scoped3A_247, %dma_wait3A_599, %dma_wait3A_600] : memref<2x125x128xf32, #tpu.memory_space<vmem>> -> memref<1x125x128xf32, #tpu.memory_space<vmem>>
        %dma_wait3A_602 = tpu.memref_squeeze %dma_wait3A_601 : memref<1x125x128xf32, #tpu.memory_space<vmem>> -> memref<125x128xf32, #tpu.memory_space<vmem>>
        %dma_wait3A_603 = arith.constant 0 : i32
        %dma_wait3A_604 = tpu.memref_slice %arg9[%run_scoped3A_248, %dma_wait3A_603] : memref<8x125xi32, #tpu.memory_space<vmem>> -> memref<1x125xi32, #tpu.memory_space<vmem>>
        %dma_wait3A_605 = tpu.memref_squeeze %dma_wait3A_604 : memref<1x125xi32, #tpu.memory_space<vmem>> -> memref<125xi32, #tpu.memory_space<vmem>>
        %dma_wait3A_606 = arith.constant 0 : i32
        %dma_wait3A_607 = arith.constant 0 : i32
        %dma_wait3A_608 = tpu.memref_slice %arg12[%dma_wait3A_606, %dma_wait3A_607] : memref<10240x128xf32, #tpu.memory_space<vmem_shared>> -> memref<10240x128xf32, #tpu.memory_space<vmem_shared>>
        tpu.wait_indirect_dma semaphore(%run_scoped3A_588 : memref<!tpu.dma_semaphore, #tpu.memory_space<semaphore_mem>>) src(%dma_wait3A_602 : memref<125x128xf32, #tpu.memory_space<vmem>>) dst(%dma_wait3A_608 : memref<10240x128xf32, #tpu.memory_space<vmem_shared>>)
        tpu.yield
      }) : () -> ()
      %dma_wait3A_249 = arith.constant 6 : i32
      %dma_wait3A_250 = arith.constant 0 : i32
      %dma_wait3A_251 = arith.constant 0 : i32
      %dma_wait3A_252 = arith.constant 0 : i32
      %dma_wait3A_253 = tpu.memref_slice %arg11[%dma_wait3A_250, %dma_wait3A_251, %dma_wait3A_252] : memref<2x125x128xf32, #tpu.memory_space<vmem>> -> memref<1x125x128xf32, #tpu.memory_space<vmem>>
      %dma_wait3A_254 = tpu.memref_squeeze %dma_wait3A_253 : memref<1x125x128xf32, #tpu.memory_space<vmem>> -> memref<125x128xf32, #tpu.memory_space<vmem>>
      %dma_wait3A_255 = arith.constant 0 : i32
      %dma_wait3A_256 = tpu.memref_slice %arg7[%dma_wait3A_249, %dma_wait3A_255] : memref<8x125xi32, #tpu.memory_space<vmem>> -> memref<1x125xi32, #tpu.memory_space<vmem>>
      %dma_wait3A_257 = tpu.memref_squeeze %dma_wait3A_256 : memref<1x125xi32, #tpu.memory_space<vmem>> -> memref<125xi32, #tpu.memory_space<vmem>>
      %dma_wait3A_258 = arith.constant 0 : i32
      %dma_wait3A_259 = arith.constant 0 : i32
      %dma_wait3A_260 = tpu.memref_slice %arg2[%dma_wait3A_258, %dma_wait3A_259] : memref<10000x128xf32, #tpu.memory_space<hbm>> -> memref<10000x128xf32, #tpu.memory_space<hbm>>
      tpu.wait_indirect_dma semaphore(%arg13 : memref<!tpu.dma_semaphore, #tpu.memory_space<semaphore_mem>>) src(%dma_wait3A_260 : memref<10000x128xf32, #tpu.memory_space<hbm>>) dst(%dma_wait3A_254 : memref<125x128xf32, #tpu.memory_space<vmem>>)
      %dma_start3A_261 = arith.constant 7 : i32
      %dma_start3A_262 = arith.constant 1 : i32
      %dma_start3A_263 = arith.constant 0 : i32
      %dma_start3A_264 = arith.constant 0 : i32
      %dma_start3A_265 = tpu.memref_slice %arg11[%dma_start3A_262, %dma_start3A_263, %dma_start3A_264] : memref<2x125x128xf32, #tpu.memory_space<vmem>> -> memref<1x125x128xf32, #tpu.memory_space<vmem>>
      %dma_start3A_266 = tpu.memref_squeeze %dma_start3A_265 : memref<1x125x128xf32, #tpu.memory_space<vmem>> -> memref<125x128xf32, #tpu.memory_space<vmem>>
      %dma_start3A_267 = arith.constant 0 : i32
      %dma_start3A_268 = tpu.memref_slice %arg7[%dma_start3A_261, %dma_start3A_267] : memref<8x125xi32, #tpu.memory_space<vmem>> -> memref<1x125xi32, #tpu.memory_space<vmem>>
      %dma_start3A_269 = tpu.memref_squeeze %dma_start3A_268 : memref<1x125xi32, #tpu.memory_space<vmem>> -> memref<125xi32, #tpu.memory_space<vmem>>
      %dma_start3A_270 = arith.constant 0 : i32
      %dma_start3A_271 = arith.constant 0 : i32
      %dma_start3A_272 = tpu.memref_slice %arg2[%dma_start3A_270, %dma_start3A_271] : memref<10000x128xf32, #tpu.memory_space<hbm>> -> memref<10000x128xf32, #tpu.memory_space<hbm>>
      tpu.enqueue_indirect_dma source(%dma_start3A_272 : memref<10000x128xf32, #tpu.memory_space<hbm>>) target(%dma_start3A_266 : memref<125x128xf32, #tpu.memory_space<vmem>>) offsets(%dma_start3A_269 : memref<125xi32, #tpu.memory_space<vmem>>) semaphore(%arg14 : memref<!tpu.dma_semaphore, #tpu.memory_space<semaphore_mem>>)
      %run_scoped3A_273 = arith.constant 0 : i32
      %run_scoped3A_274 = arith.constant 6 : i32
      "tpu.region"() ({
        %run_scoped3A_588 = tpu.sem_alloc : memref<!tpu.dma_semaphore, #tpu.memory_space<semaphore_mem>>
        %dma_start3A_589 = arith.constant 0 : i32
        %dma_start3A_590 = arith.constant 0 : i32
        %dma_start3A_591 = tpu.memref_slice %arg11[%run_scoped3A_273, %dma_start3A_589, %dma_start3A_590] : memref<2x125x128xf32, #tpu.memory_space<vmem>> -> memref<1x125x128xf32, #tpu.memory_space<vmem>>
        %dma_start3A_592 = tpu.memref_squeeze %dma_start3A_591 : memref<1x125x128xf32, #tpu.memory_space<vmem>> -> memref<125x128xf32, #tpu.memory_space<vmem>>
        %dma_start3A_593 = arith.constant 0 : i32
        %dma_start3A_594 = tpu.memref_slice %arg9[%run_scoped3A_274, %dma_start3A_593] : memref<8x125xi32, #tpu.memory_space<vmem>> -> memref<1x125xi32, #tpu.memory_space<vmem>>
        %dma_start3A_595 = tpu.memref_squeeze %dma_start3A_594 : memref<1x125xi32, #tpu.memory_space<vmem>> -> memref<125xi32, #tpu.memory_space<vmem>>
        %dma_start3A_596 = arith.constant 0 : i32
        %dma_start3A_597 = arith.constant 0 : i32
        %dma_start3A_598 = tpu.memref_slice %arg12[%dma_start3A_596, %dma_start3A_597] : memref<10240x128xf32, #tpu.memory_space<vmem_shared>> -> memref<10240x128xf32, #tpu.memory_space<vmem_shared>>
        tpu.enqueue_indirect_dma source(%dma_start3A_592 : memref<125x128xf32, #tpu.memory_space<vmem>>) target(%dma_start3A_598 : memref<10240x128xf32, #tpu.memory_space<vmem_shared>>) offsets(%dma_start3A_595 : memref<125xi32, #tpu.memory_space<vmem>>) semaphore(%run_scoped3A_588 : memref<!tpu.dma_semaphore, #tpu.memory_space<semaphore_mem>>) {add = true}
        %dma_wait3A_599 = arith.constant 0 : i32
        %dma_wait3A_600 = arith.constant 0 : i32
        %dma_wait3A_601 = tpu.memref_slice %arg11[%run_scoped3A_273, %dma_wait3A_599, %dma_wait3A_600] : memref<2x125x128xf32, #tpu.memory_space<vmem>> -> memref<1x125x128xf32, #tpu.memory_space<vmem>>
        %dma_wait3A_602 = tpu.memref_squeeze %dma_wait3A_601 : memref<1x125x128xf32, #tpu.memory_space<vmem>> -> memref<125x128xf32, #tpu.memory_space<vmem>>
        %dma_wait3A_603 = arith.constant 0 : i32
        %dma_wait3A_604 = tpu.memref_slice %arg9[%run_scoped3A_274, %dma_wait3A_603] : memref<8x125xi32, #tpu.memory_space<vmem>> -> memref<1x125xi32, #tpu.memory_space<vmem>>
        %dma_wait3A_605 = tpu.memref_squeeze %dma_wait3A_604 : memref<1x125xi32, #tpu.memory_space<vmem>> -> memref<125xi32, #tpu.memory_space<vmem>>
        %dma_wait3A_606 = arith.constant 0 : i32
        %dma_wait3A_607 = arith.constant 0 : i32
        %dma_wait3A_608 = tpu.memref_slice %arg12[%dma_wait3A_606, %dma_wait3A_607] : memref<10240x128xf32, #tpu.memory_space<vmem_shared>> -> memref<10240x128xf32, #tpu.memory_space<vmem_shared>>
        tpu.wait_indirect_dma semaphore(%run_scoped3A_588 : memref<!tpu.dma_semaphore, #tpu.memory_space<semaphore_mem>>) src(%dma_wait3A_602 : memref<125x128xf32, #tpu.memory_space<vmem>>) dst(%dma_wait3A_608 : memref<10240x128xf32, #tpu.memory_space<vmem_shared>>)
        tpu.yield
      }) : () -> ()
      %dma_wait3A_275 = arith.constant 7 : i32
      %dma_wait3A_276 = arith.constant 1 : i32
      %dma_wait3A_277 = arith.constant 0 : i32
      %dma_wait3A_278 = arith.constant 0 : i32
      %dma_wait3A_279 = tpu.memref_slice %arg11[%dma_wait3A_276, %dma_wait3A_277, %dma_wait3A_278] : memref<2x125x128xf32, #tpu.memory_space<vmem>> -> memref<1x125x128xf32, #tpu.memory_space<vmem>>
      %dma_wait3A_280 = tpu.memref_squeeze %dma_wait3A_279 : memref<1x125x128xf32, #tpu.memory_space<vmem>> -> memref<125x128xf32, #tpu.memory_space<vmem>>
      %dma_wait3A_281 = arith.constant 0 : i32
      %dma_wait3A_282 = tpu.memref_slice %arg7[%dma_wait3A_275, %dma_wait3A_281] : memref<8x125xi32, #tpu.memory_space<vmem>> -> memref<1x125xi32, #tpu.memory_space<vmem>>
      %dma_wait3A_283 = tpu.memref_squeeze %dma_wait3A_282 : memref<1x125xi32, #tpu.memory_space<vmem>> -> memref<125xi32, #tpu.memory_space<vmem>>
      %dma_wait3A_284 = arith.constant 0 : i32
      %dma_wait3A_285 = arith.constant 0 : i32
      %dma_wait3A_286 = tpu.memref_slice %arg2[%dma_wait3A_284, %dma_wait3A_285] : memref<10000x128xf32, #tpu.memory_space<hbm>> -> memref<10000x128xf32, #tpu.memory_space<hbm>>
      tpu.wait_indirect_dma semaphore(%arg14 : memref<!tpu.dma_semaphore, #tpu.memory_space<semaphore_mem>>) src(%dma_wait3A_286 : memref<10000x128xf32, #tpu.memory_space<hbm>>) dst(%dma_wait3A_280 : memref<125x128xf32, #tpu.memory_space<vmem>>)
      %dma_wait3A_287 = arith.constant 0 : i32
      %dma_wait3A_288 = arith.constant 0 : i32
      %dma_wait3A_289 = arith.constant 0 : i32
      %dma_wait3A_290 = tpu.memref_slice %arg3[%add3A, %dma_wait3A_287, %dma_wait3A_288, %dma_wait3A_289] : memref<32x10x8x125xi32, #tpu.memory_space<hbm>> -> memref<1x1x8x125xi32, #tpu.memory_space<hbm>>
      %dma_wait3A_291 = tpu.memref_squeeze %dma_wait3A_290 : memref<1x1x8x125xi32, #tpu.memory_space<hbm>> -> memref<8x125xi32, #tpu.memory_space<hbm>>
      %dma_wait3A_292 = arith.constant 0 : i32
      %dma_wait3A_293 = arith.constant 0 : i32
      %dma_wait3A_294 = tpu.memref_slice %arg3[%add3A, %dma_wait3A_287, %dma_wait3A_292, %dma_wait3A_293] : memref<32x10x8x125xi32, #tpu.memory_space<hbm>> -> memref<1x1x8x125xi32, #tpu.memory_space<hbm>>
      %dma_wait3A_295 = tpu.memref_squeeze %dma_wait3A_294 : memref<1x1x8x125xi32, #tpu.memory_space<hbm>> -> memref<8x125xi32, #tpu.memory_space<hbm>>
      tpu.wait_dma2 semaphore(%arg16 : memref<!tpu.dma_semaphore, #tpu.memory_space<semaphore_mem>>) src(%dma_wait3A_295 : memref<8x125xi32, #tpu.memory_space<hbm>>) dst(%arg8 : memref<8x125xi32, #tpu.memory_space<vmem>>)
      %dma_wait3A_296 = arith.constant 0 : i32
      %dma_wait3A_297 = arith.constant 0 : i32
      %dma_wait3A_298 = arith.constant 0 : i32
      %dma_wait3A_299 = tpu.memref_slice %arg4[%add3A, %dma_wait3A_296, %dma_wait3A_297, %dma_wait3A_298] : memref<32x10x8x125xi32, #tpu.memory_space<hbm>> -> memref<1x1x8x125xi32, #tpu.memory_space<hbm>>
      %dma_wait3A_300 = tpu.memref_squeeze %dma_wait3A_299 : memref<1x1x8x125xi32, #tpu.memory_space<hbm>> -> memref<8x125xi32, #tpu.memory_space<hbm>>
      %dma_wait3A_301 = arith.constant 0 : i32
      %dma_wait3A_302 = arith.constant 0 : i32
      %dma_wait3A_303 = tpu.memref_slice %arg4[%add3A, %dma_wait3A_296, %dma_wait3A_301, %dma_wait3A_302] : memref<32x10x8x125xi32, #tpu.memory_space<hbm>> -> memref<1x1x8x125xi32, #tpu.memory_space<hbm>>
      %dma_wait3A_304 = tpu.memref_squeeze %dma_wait3A_303 : memref<1x1x8x125xi32, #tpu.memory_space<hbm>> -> memref<8x125xi32, #tpu.memory_space<hbm>>
      tpu.wait_dma2 semaphore(%arg16 : memref<!tpu.dma_semaphore, #tpu.memory_space<semaphore_mem>>) src(%dma_wait3A_304 : memref<8x125xi32, #tpu.memory_space<hbm>>) dst(%arg10 : memref<8x125xi32, #tpu.memory_space<vmem>>)
      %dma_start3A_305 = arith.constant 0 : i32
      %dma_start3A_306 = arith.constant 0 : i32
      %dma_start3A_307 = arith.constant 0 : i32
      %dma_start3A_308 = arith.constant 0 : i32
      %dma_start3A_309 = tpu.memref_slice %arg11[%dma_start3A_306, %dma_start3A_307, %dma_start3A_308] : memref<2x125x128xf32, #tpu.memory_space<vmem>> -> memref<1x125x128xf32, #tpu.memory_space<vmem>>
      %dma_start3A_310 = tpu.memref_squeeze %dma_start3A_309 : memref<1x125x128xf32, #tpu.memory_space<vmem>> -> memref<125x128xf32, #tpu.memory_space<vmem>>
      %dma_start3A_311 = arith.constant 0 : i32
      %dma_start3A_312 = tpu.memref_slice %arg8[%dma_start3A_305, %dma_start3A_311] : memref<8x125xi32, #tpu.memory_space<vmem>> -> memref<1x125xi32, #tpu.memory_space<vmem>>
      %dma_start3A_313 = tpu.memref_squeeze %dma_start3A_312 : memref<1x125xi32, #tpu.memory_space<vmem>> -> memref<125xi32, #tpu.memory_space<vmem>>
      %dma_start3A_314 = arith.constant 0 : i32
      %dma_start3A_315 = arith.constant 0 : i32
      %dma_start3A_316 = tpu.memref_slice %arg2[%dma_start3A_314, %dma_start3A_315] : memref<10000x128xf32, #tpu.memory_space<hbm>> -> memref<10000x128xf32, #tpu.memory_space<hbm>>
      tpu.enqueue_indirect_dma source(%dma_start3A_316 : memref<10000x128xf32, #tpu.memory_space<hbm>>) target(%dma_start3A_310 : memref<125x128xf32, #tpu.memory_space<vmem>>) offsets(%dma_start3A_313 : memref<125xi32, #tpu.memory_space<vmem>>) semaphore(%arg13 : memref<!tpu.dma_semaphore, #tpu.memory_space<semaphore_mem>>)
      %run_scoped3A_317 = arith.constant 1 : i32
      %run_scoped3A_318 = arith.constant 7 : i32
      "tpu.region"() ({
        %run_scoped3A_588 = tpu.sem_alloc : memref<!tpu.dma_semaphore, #tpu.memory_space<semaphore_mem>>
        %dma_start3A_589 = arith.constant 0 : i32
        %dma_start3A_590 = arith.constant 0 : i32
        %dma_start3A_591 = tpu.memref_slice %arg11[%run_scoped3A_317, %dma_start3A_589, %dma_start3A_590] : memref<2x125x128xf32, #tpu.memory_space<vmem>> -> memref<1x125x128xf32, #tpu.memory_space<vmem>>
        %dma_start3A_592 = tpu.memref_squeeze %dma_start3A_591 : memref<1x125x128xf32, #tpu.memory_space<vmem>> -> memref<125x128xf32, #tpu.memory_space<vmem>>
        %dma_start3A_593 = arith.constant 0 : i32
        %dma_start3A_594 = tpu.memref_slice %arg9[%run_scoped3A_318, %dma_start3A_593] : memref<8x125xi32, #tpu.memory_space<vmem>> -> memref<1x125xi32, #tpu.memory_space<vmem>>
        %dma_start3A_595 = tpu.memref_squeeze %dma_start3A_594 : memref<1x125xi32, #tpu.memory_space<vmem>> -> memref<125xi32, #tpu.memory_space<vmem>>
        %dma_start3A_596 = arith.constant 0 : i32
        %dma_start3A_597 = arith.constant 0 : i32
        %dma_start3A_598 = tpu.memref_slice %arg12[%dma_start3A_596, %dma_start3A_597] : memref<10240x128xf32, #tpu.memory_space<vmem_shared>> -> memref<10240x128xf32, #tpu.memory_space<vmem_shared>>
        tpu.enqueue_indirect_dma source(%dma_start3A_592 : memref<125x128xf32, #tpu.memory_space<vmem>>) target(%dma_start3A_598 : memref<10240x128xf32, #tpu.memory_space<vmem_shared>>) offsets(%dma_start3A_595 : memref<125xi32, #tpu.memory_space<vmem>>) semaphore(%run_scoped3A_588 : memref<!tpu.dma_semaphore, #tpu.memory_space<semaphore_mem>>) {add = true}
        %dma_wait3A_599 = arith.constant 0 : i32
        %dma_wait3A_600 = arith.constant 0 : i32
        %dma_wait3A_601 = tpu.memref_slice %arg11[%run_scoped3A_317, %dma_wait3A_599, %dma_wait3A_600] : memref<2x125x128xf32, #tpu.memory_space<vmem>> -> memref<1x125x128xf32, #tpu.memory_space<vmem>>
        %dma_wait3A_602 = tpu.memref_squeeze %dma_wait3A_601 : memref<1x125x128xf32, #tpu.memory_space<vmem>> -> memref<125x128xf32, #tpu.memory_space<vmem>>
        %dma_wait3A_603 = arith.constant 0 : i32
        %dma_wait3A_604 = tpu.memref_slice %arg9[%run_scoped3A_318, %dma_wait3A_603] : memref<8x125xi32, #tpu.memory_space<vmem>> -> memref<1x125xi32, #tpu.memory_space<vmem>>
        %dma_wait3A_605 = tpu.memref_squeeze %dma_wait3A_604 : memref<1x125xi32, #tpu.memory_space<vmem>> -> memref<125xi32, #tpu.memory_space<vmem>>
        %dma_wait3A_606 = arith.constant 0 : i32
        %dma_wait3A_607 = arith.constant 0 : i32
        %dma_wait3A_608 = tpu.memref_slice %arg12[%dma_wait3A_606, %dma_wait3A_607] : memref<10240x128xf32, #tpu.memory_space<vmem_shared>> -> memref<10240x128xf32, #tpu.memory_space<vmem_shared>>
        tpu.wait_indirect_dma semaphore(%run_scoped3A_588 : memref<!tpu.dma_semaphore, #tpu.memory_space<semaphore_mem>>) src(%dma_wait3A_602 : memref<125x128xf32, #tpu.memory_space<vmem>>) dst(%dma_wait3A_608 : memref<10240x128xf32, #tpu.memory_space<vmem_shared>>)
        tpu.yield
      }) : () -> ()
      %mul3A_319 = arith.constant 2 : i32
      %mul3A_320 = arith.muli %mul3A_319, %add3A_92 : i32
      %add3A_321 = arith.constant 2 : i32
      %add3A_322 = arith.addi %mul3A_320, %add3A_321 : i32
      %min3A = arith.constant 9 : i32
      %min3A_323 = arith.minsi %add3A_322, %min3A : i32
      %dma_start3A_324 = arith.constant 0 : i32
      %dma_start3A_325 = arith.constant 0 : i32
      %dma_start3A_326 = tpu.memref_slice %arg3[%add3A, %min3A_323, %dma_start3A_324, %dma_start3A_325] : memref<32x10x8x125xi32, #tpu.memory_space<hbm>> -> memref<1x1x8x125xi32, #tpu.memory_space<hbm>>
      %dma_start3A_327 = tpu.memref_squeeze %dma_start3A_326 : memref<1x1x8x125xi32, #tpu.memory_space<hbm>> -> memref<8x125xi32, #tpu.memory_space<hbm>>
      %dma_start3A_328 = arith.constant 0 : i32
      %dma_start3A_329 = arith.constant 0 : i32
      %dma_start3A_330 = tpu.memref_slice %arg3[%add3A, %min3A_323, %dma_start3A_328, %dma_start3A_329] : memref<32x10x8x125xi32, #tpu.memory_space<hbm>> -> memref<1x1x8x125xi32, #tpu.memory_space<hbm>>
      %dma_start3A_331 = tpu.memref_squeeze %dma_start3A_330 : memref<1x1x8x125xi32, #tpu.memory_space<hbm>> -> memref<8x125xi32, #tpu.memory_space<hbm>>
      tpu.enqueue_dma source(%dma_start3A_331 : memref<8x125xi32, #tpu.memory_space<hbm>>) target(%arg7 : memref<8x125xi32, #tpu.memory_space<vmem>>) target_semaphore(%arg15 : memref<!tpu.dma_semaphore, #tpu.memory_space<semaphore_mem>>)
      %dma_start3A_332 = arith.constant 0 : i32
      %dma_start3A_333 = arith.constant 0 : i32
      %dma_start3A_334 = tpu.memref_slice %arg4[%add3A, %min3A_323, %dma_start3A_332, %dma_start3A_333] : memref<32x10x8x125xi32, #tpu.memory_space<hbm>> -> memref<1x1x8x125xi32, #tpu.memory_space<hbm>>
      %dma_start3A_335 = tpu.memref_squeeze %dma_start3A_334 : memref<1x1x8x125xi32, #tpu.memory_space<hbm>> -> memref<8x125xi32, #tpu.memory_space<hbm>>
      %dma_start3A_336 = arith.constant 0 : i32
      %dma_start3A_337 = arith.constant 0 : i32
      %dma_start3A_338 = tpu.memref_slice %arg4[%add3A, %min3A_323, %dma_start3A_336, %dma_start3A_337] : memref<32x10x8x125xi32, #tpu.memory_space<hbm>> -> memref<1x1x8x125xi32, #tpu.memory_space<hbm>>
      %dma_start3A_339 = tpu.memref_squeeze %dma_start3A_338 : memref<1x1x8x125xi32, #tpu.memory_space<hbm>> -> memref<8x125xi32, #tpu.memory_space<hbm>>
      tpu.enqueue_dma source(%dma_start3A_339 : memref<8x125xi32, #tpu.memory_space<hbm>>) target(%arg9 : memref<8x125xi32, #tpu.memory_space<vmem>>) target_semaphore(%arg15 : memref<!tpu.dma_semaphore, #tpu.memory_space<semaphore_mem>>)
      %dma_wait3A_340 = arith.constant 0 : i32
      %dma_wait3A_341 = arith.constant 0 : i32
      %dma_wait3A_342 = arith.constant 0 : i32
      %dma_wait3A_343 = arith.constant 0 : i32
      %dma_wait3A_344 = tpu.memref_slice %arg11[%dma_wait3A_341, %dma_wait3A_342, %dma_wait3A_343] : memref<2x125x128xf32, #tpu.memory_space<vmem>> -> memref<1x125x128xf32, #tpu.memory_space<vmem>>
      %dma_wait3A_345 = tpu.memref_squeeze %dma_wait3A_344 : memref<1x125x128xf32, #tpu.memory_space<vmem>> -> memref<125x128xf32, #tpu.memory_space<vmem>>
      %dma_wait3A_346 = arith.constant 0 : i32
      %dma_wait3A_347 = tpu.memref_slice %arg8[%dma_wait3A_340, %dma_wait3A_346] : memref<8x125xi32, #tpu.memory_space<vmem>> -> memref<1x125xi32, #tpu.memory_space<vmem>>
      %dma_wait3A_348 = tpu.memref_squeeze %dma_wait3A_347 : memref<1x125xi32, #tpu.memory_space<vmem>> -> memref<125xi32, #tpu.memory_space<vmem>>
      %dma_wait3A_349 = arith.constant 0 : i32
      %dma_wait3A_350 = arith.constant 0 : i32
      %dma_wait3A_351 = tpu.memref_slice %arg2[%dma_wait3A_349, %dma_wait3A_350] : memref<10000x128xf32, #tpu.memory_space<hbm>> -> memref<10000x128xf32, #tpu.memory_space<hbm>>
      tpu.wait_indirect_dma semaphore(%arg13 : memref<!tpu.dma_semaphore, #tpu.memory_space<semaphore_mem>>) src(%dma_wait3A_351 : memref<10000x128xf32, #tpu.memory_space<hbm>>) dst(%dma_wait3A_345 : memref<125x128xf32, #tpu.memory_space<vmem>>)
      %dma_start3A_352 = arith.constant 1 : i32
      %dma_start3A_353 = arith.constant 1 : i32
      %dma_start3A_354 = arith.constant 0 : i32
      %dma_start3A_355 = arith.constant 0 : i32
      %dma_start3A_356 = tpu.memref_slice %arg11[%dma_start3A_353, %dma_start3A_354, %dma_start3A_355] : memref<2x125x128xf32, #tpu.memory_space<vmem>> -> memref<1x125x128xf32, #tpu.memory_space<vmem>>
      %dma_start3A_357 = tpu.memref_squeeze %dma_start3A_356 : memref<1x125x128xf32, #tpu.memory_space<vmem>> -> memref<125x128xf32, #tpu.memory_space<vmem>>
      %dma_start3A_358 = arith.constant 0 : i32
      %dma_start3A_359 = tpu.memref_slice %arg8[%dma_start3A_352, %dma_start3A_358] : memref<8x125xi32, #tpu.memory_space<vmem>> -> memref<1x125xi32, #tpu.memory_space<vmem>>
      %dma_start3A_360 = tpu.memref_squeeze %dma_start3A_359 : memref<1x125xi32, #tpu.memory_space<vmem>> -> memref<125xi32, #tpu.memory_space<vmem>>
      %dma_start3A_361 = arith.constant 0 : i32
      %dma_start3A_362 = arith.constant 0 : i32
      %dma_start3A_363 = tpu.memref_slice %arg2[%dma_start3A_361, %dma_start3A_362] : memref<10000x128xf32, #tpu.memory_space<hbm>> -> memref<10000x128xf32, #tpu.memory_space<hbm>>
      tpu.enqueue_indirect_dma source(%dma_start3A_363 : memref<10000x128xf32, #tpu.memory_space<hbm>>) target(%dma_start3A_357 : memref<125x128xf32, #tpu.memory_space<vmem>>) offsets(%dma_start3A_360 : memref<125xi32, #tpu.memory_space<vmem>>) semaphore(%arg14 : memref<!tpu.dma_semaphore, #tpu.memory_space<semaphore_mem>>)
      %run_scoped3A_364 = arith.constant 0 : i32
      %run_scoped3A_365 = arith.constant 0 : i32
      "tpu.region"() ({
        %run_scoped3A_588 = tpu.sem_alloc : memref<!tpu.dma_semaphore, #tpu.memory_space<semaphore_mem>>
        %dma_start3A_589 = arith.constant 0 : i32
        %dma_start3A_590 = arith.constant 0 : i32
        %dma_start3A_591 = tpu.memref_slice %arg11[%run_scoped3A_364, %dma_start3A_589, %dma_start3A_590] : memref<2x125x128xf32, #tpu.memory_space<vmem>> -> memref<1x125x128xf32, #tpu.memory_space<vmem>>
        %dma_start3A_592 = tpu.memref_squeeze %dma_start3A_591 : memref<1x125x128xf32, #tpu.memory_space<vmem>> -> memref<125x128xf32, #tpu.memory_space<vmem>>
        %dma_start3A_593 = arith.constant 0 : i32
        %dma_start3A_594 = tpu.memref_slice %arg10[%run_scoped3A_365, %dma_start3A_593] : memref<8x125xi32, #tpu.memory_space<vmem>> -> memref<1x125xi32, #tpu.memory_space<vmem>>
        %dma_start3A_595 = tpu.memref_squeeze %dma_start3A_594 : memref<1x125xi32, #tpu.memory_space<vmem>> -> memref<125xi32, #tpu.memory_space<vmem>>
        %dma_start3A_596 = arith.constant 0 : i32
        %dma_start3A_597 = arith.constant 0 : i32
        %dma_start3A_598 = tpu.memref_slice %arg12[%dma_start3A_596, %dma_start3A_597] : memref<10240x128xf32, #tpu.memory_space<vmem_shared>> -> memref<10240x128xf32, #tpu.memory_space<vmem_shared>>
        tpu.enqueue_indirect_dma source(%dma_start3A_592 : memref<125x128xf32, #tpu.memory_space<vmem>>) target(%dma_start3A_598 : memref<10240x128xf32, #tpu.memory_space<vmem_shared>>) offsets(%dma_start3A_595 : memref<125xi32, #tpu.memory_space<vmem>>) semaphore(%run_scoped3A_588 : memref<!tpu.dma_semaphore, #tpu.memory_space<semaphore_mem>>) {add = true}
        %dma_wait3A_599 = arith.constant 0 : i32
        %dma_wait3A_600 = arith.constant 0 : i32
        %dma_wait3A_601 = tpu.memref_slice %arg11[%run_scoped3A_364, %dma_wait3A_599, %dma_wait3A_600] : memref<2x125x128xf32, #tpu.memory_space<vmem>> -> memref<1x125x128xf32, #tpu.memory_space<vmem>>
        %dma_wait3A_602 = tpu.memref_squeeze %dma_wait3A_601 : memref<1x125x128xf32, #tpu.memory_space<vmem>> -> memref<125x128xf32, #tpu.memory_space<vmem>>
        %dma_wait3A_603 = arith.constant 0 : i32
        %dma_wait3A_604 = tpu.memref_slice %arg10[%run_scoped3A_365, %dma_wait3A_603] : memref<8x125xi32, #tpu.memory_space<vmem>> -> memref<1x125xi32, #tpu.memory_space<vmem>>
        %dma_wait3A_605 = tpu.memref_squeeze %dma_wait3A_604 : memref<1x125xi32, #tpu.memory_space<vmem>> -> memref<125xi32, #tpu.memory_space<vmem>>
        %dma_wait3A_606 = arith.constant 0 : i32
        %dma_wait3A_607 = arith.constant 0 : i32
        %dma_wait3A_608 = tpu.memref_slice %arg12[%dma_wait3A_606, %dma_wait3A_607] : memref<10240x128xf32, #tpu.memory_space<vmem_shared>> -> memref<10240x128xf32, #tpu.memory_space<vmem_shared>>
        tpu.wait_indirect_dma semaphore(%run_scoped3A_588 : memref<!tpu.dma_semaphore, #tpu.memory_space<semaphore_mem>>) src(%dma_wait3A_602 : memref<125x128xf32, #tpu.memory_space<vmem>>) dst(%dma_wait3A_608 : memref<10240x128xf32, #tpu.memory_space<vmem_shared>>)
        tpu.yield
      }) : () -> ()
      %dma_wait3A_366 = arith.constant 1 : i32
      %dma_wait3A_367 = arith.constant 1 : i32
      %dma_wait3A_368 = arith.constant 0 : i32
      %dma_wait3A_369 = arith.constant 0 : i32
      %dma_wait3A_370 = tpu.memref_slice %arg11[%dma_wait3A_367, %dma_wait3A_368, %dma_wait3A_369] : memref<2x125x128xf32, #tpu.memory_space<vmem>> -> memref<1x125x128xf32, #tpu.memory_space<vmem>>
      %dma_wait3A_371 = tpu.memref_squeeze %dma_wait3A_370 : memref<1x125x128xf32, #tpu.memory_space<vmem>> -> memref<125x128xf32, #tpu.memory_space<vmem>>
      %dma_wait3A_372 = arith.constant 0 : i32
      %dma_wait3A_373 = tpu.memref_slice %arg8[%dma_wait3A_366, %dma_wait3A_372] : memref<8x125xi32, #tpu.memory_space<vmem>> -> memref<1x125xi32, #tpu.memory_space<vmem>>
      %dma_wait3A_374 = tpu.memref_squeeze %dma_wait3A_373 : memref<1x125xi32, #tpu.memory_space<vmem>> -> memref<125xi32, #tpu.memory_space<vmem>>
      %dma_wait3A_375 = arith.constant 0 : i32
      %dma_wait3A_376 = arith.constant 0 : i32
      %dma_wait3A_377 = tpu.memref_slice %arg2[%dma_wait3A_375, %dma_wait3A_376] : memref<10000x128xf32, #tpu.memory_space<hbm>> -> memref<10000x128xf32, #tpu.memory_space<hbm>>
      tpu.wait_indirect_dma semaphore(%arg14 : memref<!tpu.dma_semaphore, #tpu.memory_space<semaphore_mem>>) src(%dma_wait3A_377 : memref<10000x128xf32, #tpu.memory_space<hbm>>) dst(%dma_wait3A_371 : memref<125x128xf32, #tpu.memory_space<vmem>>)
      %dma_start3A_378 = arith.constant 2 : i32
      %dma_start3A_379 = arith.constant 0 : i32
      %dma_start3A_380 = arith.constant 0 : i32
      %dma_start3A_381 = arith.constant 0 : i32
      %dma_start3A_382 = tpu.memref_slice %arg11[%dma_start3A_379, %dma_start3A_380, %dma_start3A_381] : memref<2x125x128xf32, #tpu.memory_space<vmem>> -> memref<1x125x128xf32, #tpu.memory_space<vmem>>
      %dma_start3A_383 = tpu.memref_squeeze %dma_start3A_382 : memref<1x125x128xf32, #tpu.memory_space<vmem>> -> memref<125x128xf32, #tpu.memory_space<vmem>>
      %dma_start3A_384 = arith.constant 0 : i32
      %dma_start3A_385 = tpu.memref_slice %arg8[%dma_start3A_378, %dma_start3A_384] : memref<8x125xi32, #tpu.memory_space<vmem>> -> memref<1x125xi32, #tpu.memory_space<vmem>>
      %dma_start3A_386 = tpu.memref_squeeze %dma_start3A_385 : memref<1x125xi32, #tpu.memory_space<vmem>> -> memref<125xi32, #tpu.memory_space<vmem>>
      %dma_start3A_387 = arith.constant 0 : i32
      %dma_start3A_388 = arith.constant 0 : i32
      %dma_start3A_389 = tpu.memref_slice %arg2[%dma_start3A_387, %dma_start3A_388] : memref<10000x128xf32, #tpu.memory_space<hbm>> -> memref<10000x128xf32, #tpu.memory_space<hbm>>
      tpu.enqueue_indirect_dma source(%dma_start3A_389 : memref<10000x128xf32, #tpu.memory_space<hbm>>) target(%dma_start3A_383 : memref<125x128xf32, #tpu.memory_space<vmem>>) offsets(%dma_start3A_386 : memref<125xi32, #tpu.memory_space<vmem>>) semaphore(%arg13 : memref<!tpu.dma_semaphore, #tpu.memory_space<semaphore_mem>>)
      %run_scoped3A_390 = arith.constant 1 : i32
      %run_scoped3A_391 = arith.constant 1 : i32
      "tpu.region"() ({
        %run_scoped3A_588 = tpu.sem_alloc : memref<!tpu.dma_semaphore, #tpu.memory_space<semaphore_mem>>
        %dma_start3A_589 = arith.constant 0 : i32
        %dma_start3A_590 = arith.constant 0 : i32
        %dma_start3A_591 = tpu.memref_slice %arg11[%run_scoped3A_390, %dma_start3A_589, %dma_start3A_590] : memref<2x125x128xf32, #tpu.memory_space<vmem>> -> memref<1x125x128xf32, #tpu.memory_space<vmem>>
        %dma_start3A_592 = tpu.memref_squeeze %dma_start3A_591 : memref<1x125x128xf32, #tpu.memory_space<vmem>> -> memref<125x128xf32, #tpu.memory_space<vmem>>
        %dma_start3A_593 = arith.constant 0 : i32
        %dma_start3A_594 = tpu.memref_slice %arg10[%run_scoped3A_391, %dma_start3A_593] : memref<8x125xi32, #tpu.memory_space<vmem>> -> memref<1x125xi32, #tpu.memory_space<vmem>>
        %dma_start3A_595 = tpu.memref_squeeze %dma_start3A_594 : memref<1x125xi32, #tpu.memory_space<vmem>> -> memref<125xi32, #tpu.memory_space<vmem>>
        %dma_start3A_596 = arith.constant 0 : i32
        %dma_start3A_597 = arith.constant 0 : i32
        %dma_start3A_598 = tpu.memref_slice %arg12[%dma_start3A_596, %dma_start3A_597] : memref<10240x128xf32, #tpu.memory_space<vmem_shared>> -> memref<10240x128xf32, #tpu.memory_space<vmem_shared>>
        tpu.enqueue_indirect_dma source(%dma_start3A_592 : memref<125x128xf32, #tpu.memory_space<vmem>>) target(%dma_start3A_598 : memref<10240x128xf32, #tpu.memory_space<vmem_shared>>) offsets(%dma_start3A_595 : memref<125xi32, #tpu.memory_space<vmem>>) semaphore(%run_scoped3A_588 : memref<!tpu.dma_semaphore, #tpu.memory_space<semaphore_mem>>) {add = true}
        %dma_wait3A_599 = arith.constant 0 : i32
        %dma_wait3A_600 = arith.constant 0 : i32
        %dma_wait3A_601 = tpu.memref_slice %arg11[%run_scoped3A_390, %dma_wait3A_599, %dma_wait3A_600] : memref<2x125x128xf32, #tpu.memory_space<vmem>> -> memref<1x125x128xf32, #tpu.memory_space<vmem>>
        %dma_wait3A_602 = tpu.memref_squeeze %dma_wait3A_601 : memref<1x125x128xf32, #tpu.memory_space<vmem>> -> memref<125x128xf32, #tpu.memory_space<vmem>>
        %dma_wait3A_603 = arith.constant 0 : i32
        %dma_wait3A_604 = tpu.memref_slice %arg10[%run_scoped3A_391, %dma_wait3A_603] : memref<8x125xi32, #tpu.memory_space<vmem>> -> memref<1x125xi32, #tpu.memory_space<vmem>>
        %dma_wait3A_605 = tpu.memref_squeeze %dma_wait3A_604 : memref<1x125xi32, #tpu.memory_space<vmem>> -> memref<125xi32, #tpu.memory_space<vmem>>
        %dma_wait3A_606 = arith.constant 0 : i32
        %dma_wait3A_607 = arith.constant 0 : i32
        %dma_wait3A_608 = tpu.memref_slice %arg12[%dma_wait3A_606, %dma_wait3A_607] : memref<10240x128xf32, #tpu.memory_space<vmem_shared>> -> memref<10240x128xf32, #tpu.memory_space<vmem_shared>>
        tpu.wait_indirect_dma semaphore(%run_scoped3A_588 : memref<!tpu.dma_semaphore, #tpu.memory_space<semaphore_mem>>) src(%dma_wait3A_602 : memref<125x128xf32, #tpu.memory_space<vmem>>) dst(%dma_wait3A_608 : memref<10240x128xf32, #tpu.memory_space<vmem_shared>>)
        tpu.yield
      }) : () -> ()
      %dma_wait3A_392 = arith.constant 2 : i32
      %dma_wait3A_393 = arith.constant 0 : i32
      %dma_wait3A_394 = arith.constant 0 : i32
      %dma_wait3A_395 = arith.constant 0 : i32
      %dma_wait3A_396 = tpu.memref_slice %arg11[%dma_wait3A_393, %dma_wait3A_394, %dma_wait3A_395] : memref<2x125x128xf32, #tpu.memory_space<vmem>> -> memref<1x125x128xf32, #tpu.memory_space<vmem>>
      %dma_wait3A_397 = tpu.memref_squeeze %dma_wait3A_396 : memref<1x125x128xf32, #tpu.memory_space<vmem>> -> memref<125x128xf32, #tpu.memory_space<vmem>>
      %dma_wait3A_398 = arith.constant 0 : i32
      %dma_wait3A_399 = tpu.memref_slice %arg8[%dma_wait3A_392, %dma_wait3A_398] : memref<8x125xi32, #tpu.memory_space<vmem>> -> memref<1x125xi32, #tpu.memory_space<vmem>>
      %dma_wait3A_400 = tpu.memref_squeeze %dma_wait3A_399 : memref<1x125xi32, #tpu.memory_space<vmem>> -> memref<125xi32, #tpu.memory_space<vmem>>
      %dma_wait3A_401 = arith.constant 0 : i32
      %dma_wait3A_402 = arith.constant 0 : i32
      %dma_wait3A_403 = tpu.memref_slice %arg2[%dma_wait3A_401, %dma_wait3A_402] : memref<10000x128xf32, #tpu.memory_space<hbm>> -> memref<10000x128xf32, #tpu.memory_space<hbm>>
      tpu.wait_indirect_dma semaphore(%arg13 : memref<!tpu.dma_semaphore, #tpu.memory_space<semaphore_mem>>) src(%dma_wait3A_403 : memref<10000x128xf32, #tpu.memory_space<hbm>>) dst(%dma_wait3A_397 : memref<125x128xf32, #tpu.memory_space<vmem>>)
      %dma_start3A_404 = arith.constant 3 : i32
      %dma_start3A_405 = arith.constant 1 : i32
      %dma_start3A_406 = arith.constant 0 : i32
      %dma_start3A_407 = arith.constant 0 : i32
      %dma_start3A_408 = tpu.memref_slice %arg11[%dma_start3A_405, %dma_start3A_406, %dma_start3A_407] : memref<2x125x128xf32, #tpu.memory_space<vmem>> -> memref<1x125x128xf32, #tpu.memory_space<vmem>>
      %dma_start3A_409 = tpu.memref_squeeze %dma_start3A_408 : memref<1x125x128xf32, #tpu.memory_space<vmem>> -> memref<125x128xf32, #tpu.memory_space<vmem>>
      %dma_start3A_410 = arith.constant 0 : i32
      %dma_start3A_411 = tpu.memref_slice %arg8[%dma_start3A_404, %dma_start3A_410] : memref<8x125xi32, #tpu.memory_space<vmem>> -> memref<1x125xi32, #tpu.memory_space<vmem>>
      %dma_start3A_412 = tpu.memref_squeeze %dma_start3A_411 : memref<1x125xi32, #tpu.memory_space<vmem>> -> memref<125xi32, #tpu.memory_space<vmem>>
      %dma_start3A_413 = arith.constant 0 : i32
      %dma_start3A_414 = arith.constant 0 : i32
      %dma_start3A_415 = tpu.memref_slice %arg2[%dma_start3A_413, %dma_start3A_414] : memref<10000x128xf32, #tpu.memory_space<hbm>> -> memref<10000x128xf32, #tpu.memory_space<hbm>>
      tpu.enqueue_indirect_dma source(%dma_start3A_415 : memref<10000x128xf32, #tpu.memory_space<hbm>>) target(%dma_start3A_409 : memref<125x128xf32, #tpu.memory_space<vmem>>) offsets(%dma_start3A_412 : memref<125xi32, #tpu.memory_space<vmem>>) semaphore(%arg14 : memref<!tpu.dma_semaphore, #tpu.memory_space<semaphore_mem>>)
      %run_scoped3A_416 = arith.constant 0 : i32
      %run_scoped3A_417 = arith.constant 2 : i32
      "tpu.region"() ({
        %run_scoped3A_588 = tpu.sem_alloc : memref<!tpu.dma_semaphore, #tpu.memory_space<semaphore_mem>>
        %dma_start3A_589 = arith.constant 0 : i32
        %dma_start3A_590 = arith.constant 0 : i32
        %dma_start3A_591 = tpu.memref_slice %arg11[%run_scoped3A_416, %dma_start3A_589, %dma_start3A_590] : memref<2x125x128xf32, #tpu.memory_space<vmem>> -> memref<1x125x128xf32, #tpu.memory_space<vmem>>
        %dma_start3A_592 = tpu.memref_squeeze %dma_start3A_591 : memref<1x125x128xf32, #tpu.memory_space<vmem>> -> memref<125x128xf32, #tpu.memory_space<vmem>>
        %dma_start3A_593 = arith.constant 0 : i32
        %dma_start3A_594 = tpu.memref_slice %arg10[%run_scoped3A_417, %dma_start3A_593] : memref<8x125xi32, #tpu.memory_space<vmem>> -> memref<1x125xi32, #tpu.memory_space<vmem>>
        %dma_start3A_595 = tpu.memref_squeeze %dma_start3A_594 : memref<1x125xi32, #tpu.memory_space<vmem>> -> memref<125xi32, #tpu.memory_space<vmem>>
        %dma_start3A_596 = arith.constant 0 : i32
        %dma_start3A_597 = arith.constant 0 : i32
        %dma_start3A_598 = tpu.memref_slice %arg12[%dma_start3A_596, %dma_start3A_597] : memref<10240x128xf32, #tpu.memory_space<vmem_shared>> -> memref<10240x128xf32, #tpu.memory_space<vmem_shared>>
        tpu.enqueue_indirect_dma source(%dma_start3A_592 : memref<125x128xf32, #tpu.memory_space<vmem>>) target(%dma_start3A_598 : memref<10240x128xf32, #tpu.memory_space<vmem_shared>>) offsets(%dma_start3A_595 : memref<125xi32, #tpu.memory_space<vmem>>) semaphore(%run_scoped3A_588 : memref<!tpu.dma_semaphore, #tpu.memory_space<semaphore_mem>>) {add = true}
        %dma_wait3A_599 = arith.constant 0 : i32
        %dma_wait3A_600 = arith.constant 0 : i32
        %dma_wait3A_601 = tpu.memref_slice %arg11[%run_scoped3A_416, %dma_wait3A_599, %dma_wait3A_600] : memref<2x125x128xf32, #tpu.memory_space<vmem>> -> memref<1x125x128xf32, #tpu.memory_space<vmem>>
        %dma_wait3A_602 = tpu.memref_squeeze %dma_wait3A_601 : memref<1x125x128xf32, #tpu.memory_space<vmem>> -> memref<125x128xf32, #tpu.memory_space<vmem>>
        %dma_wait3A_603 = arith.constant 0 : i32
        %dma_wait3A_604 = tpu.memref_slice %arg10[%run_scoped3A_417, %dma_wait3A_603] : memref<8x125xi32, #tpu.memory_space<vmem>> -> memref<1x125xi32, #tpu.memory_space<vmem>>
        %dma_wait3A_605 = tpu.memref_squeeze %dma_wait3A_604 : memref<1x125xi32, #tpu.memory_space<vmem>> -> memref<125xi32, #tpu.memory_space<vmem>>
        %dma_wait3A_606 = arith.constant 0 : i32
        %dma_wait3A_607 = arith.constant 0 : i32
        %dma_wait3A_608 = tpu.memref_slice %arg12[%dma_wait3A_606, %dma_wait3A_607] : memref<10240x128xf32, #tpu.memory_space<vmem_shared>> -> memref<10240x128xf32, #tpu.memory_space<vmem_shared>>
        tpu.wait_indirect_dma semaphore(%run_scoped3A_588 : memref<!tpu.dma_semaphore, #tpu.memory_space<semaphore_mem>>) src(%dma_wait3A_602 : memref<125x128xf32, #tpu.memory_space<vmem>>) dst(%dma_wait3A_608 : memref<10240x128xf32, #tpu.memory_space<vmem_shared>>)
        tpu.yield
      }) : () -> ()
      %dma_wait3A_418 = arith.constant 3 : i32
      %dma_wait3A_419 = arith.constant 1 : i32
      %dma_wait3A_420 = arith.constant 0 : i32
      %dma_wait3A_421 = arith.constant 0 : i32
      %dma_wait3A_422 = tpu.memref_slice %arg11[%dma_wait3A_419, %dma_wait3A_420, %dma_wait3A_421] : memref<2x125x128xf32, #tpu.memory_space<vmem>> -> memref<1x125x128xf32, #tpu.memory_space<vmem>>
      %dma_wait3A_423 = tpu.memref_squeeze %dma_wait3A_422 : memref<1x125x128xf32, #tpu.memory_space<vmem>> -> memref<125x128xf32, #tpu.memory_space<vmem>>
      %dma_wait3A_424 = arith.constant 0 : i32
      %dma_wait3A_425 = tpu.memref_slice %arg8[%dma_wait3A_418, %dma_wait3A_424] : memref<8x125xi32, #tpu.memory_space<vmem>> -> memref<1x125xi32, #tpu.memory_space<vmem>>
      %dma_wait3A_426 = tpu.memref_squeeze %dma_wait3A_425 : memref<1x125xi32, #tpu.memory_space<vmem>> -> memref<125xi32, #tpu.memory_space<vmem>>
      %dma_wait3A_427 = arith.constant 0 : i32
      %dma_wait3A_428 = arith.constant 0 : i32
      %dma_wait3A_429 = tpu.memref_slice %arg2[%dma_wait3A_427, %dma_wait3A_428] : memref<10000x128xf32, #tpu.memory_space<hbm>> -> memref<10000x128xf32, #tpu.memory_space<hbm>>
      tpu.wait_indirect_dma semaphore(%arg14 : memref<!tpu.dma_semaphore, #tpu.memory_space<semaphore_mem>>) src(%dma_wait3A_429 : memref<10000x128xf32, #tpu.memory_space<hbm>>) dst(%dma_wait3A_423 : memref<125x128xf32, #tpu.memory_space<vmem>>)
      %dma_start3A_430 = arith.constant 4 : i32
      %dma_start3A_431 = arith.constant 0 : i32
      %dma_start3A_432 = arith.constant 0 : i32
      %dma_start3A_433 = arith.constant 0 : i32
      %dma_start3A_434 = tpu.memref_slice %arg11[%dma_start3A_431, %dma_start3A_432, %dma_start3A_433] : memref<2x125x128xf32, #tpu.memory_space<vmem>> -> memref<1x125x128xf32, #tpu.memory_space<vmem>>
      %dma_start3A_435 = tpu.memref_squeeze %dma_start3A_434 : memref<1x125x128xf32, #tpu.memory_space<vmem>> -> memref<125x128xf32, #tpu.memory_space<vmem>>
      %dma_start3A_436 = arith.constant 0 : i32
      %dma_start3A_437 = tpu.memref_slice %arg8[%dma_start3A_430, %dma_start3A_436] : memref<8x125xi32, #tpu.memory_space<vmem>> -> memref<1x125xi32, #tpu.memory_space<vmem>>
      %dma_start3A_438 = tpu.memref_squeeze %dma_start3A_437 : memref<1x125xi32, #tpu.memory_space<vmem>> -> memref<125xi32, #tpu.memory_space<vmem>>
      %dma_start3A_439 = arith.constant 0 : i32
      %dma_start3A_440 = arith.constant 0 : i32
      %dma_start3A_441 = tpu.memref_slice %arg2[%dma_start3A_439, %dma_start3A_440] : memref<10000x128xf32, #tpu.memory_space<hbm>> -> memref<10000x128xf32, #tpu.memory_space<hbm>>
      tpu.enqueue_indirect_dma source(%dma_start3A_441 : memref<10000x128xf32, #tpu.memory_space<hbm>>) target(%dma_start3A_435 : memref<125x128xf32, #tpu.memory_space<vmem>>) offsets(%dma_start3A_438 : memref<125xi32, #tpu.memory_space<vmem>>) semaphore(%arg13 : memref<!tpu.dma_semaphore, #tpu.memory_space<semaphore_mem>>)
      %run_scoped3A_442 = arith.constant 1 : i32
      %run_scoped3A_443 = arith.constant 3 : i32
      "tpu.region"() ({
        %run_scoped3A_588 = tpu.sem_alloc : memref<!tpu.dma_semaphore, #tpu.memory_space<semaphore_mem>>
        %dma_start3A_589 = arith.constant 0 : i32
        %dma_start3A_590 = arith.constant 0 : i32
        %dma_start3A_591 = tpu.memref_slice %arg11[%run_scoped3A_442, %dma_start3A_589, %dma_start3A_590] : memref<2x125x128xf32, #tpu.memory_space<vmem>> -> memref<1x125x128xf32, #tpu.memory_space<vmem>>
        %dma_start3A_592 = tpu.memref_squeeze %dma_start3A_591 : memref<1x125x128xf32, #tpu.memory_space<vmem>> -> memref<125x128xf32, #tpu.memory_space<vmem>>
        %dma_start3A_593 = arith.constant 0 : i32
        %dma_start3A_594 = tpu.memref_slice %arg10[%run_scoped3A_443, %dma_start3A_593] : memref<8x125xi32, #tpu.memory_space<vmem>> -> memref<1x125xi32, #tpu.memory_space<vmem>>
        %dma_start3A_595 = tpu.memref_squeeze %dma_start3A_594 : memref<1x125xi32, #tpu.memory_space<vmem>> -> memref<125xi32, #tpu.memory_space<vmem>>
        %dma_start3A_596 = arith.constant 0 : i32
        %dma_start3A_597 = arith.constant 0 : i32
        %dma_start3A_598 = tpu.memref_slice %arg12[%dma_start3A_596, %dma_start3A_597] : memref<10240x128xf32, #tpu.memory_space<vmem_shared>> -> memref<10240x128xf32, #tpu.memory_space<vmem_shared>>
        tpu.enqueue_indirect_dma source(%dma_start3A_592 : memref<125x128xf32, #tpu.memory_space<vmem>>) target(%dma_start3A_598 : memref<10240x128xf32, #tpu.memory_space<vmem_shared>>) offsets(%dma_start3A_595 : memref<125xi32, #tpu.memory_space<vmem>>) semaphore(%run_scoped3A_588 : memref<!tpu.dma_semaphore, #tpu.memory_space<semaphore_mem>>) {add = true}
        %dma_wait3A_599 = arith.constant 0 : i32
        %dma_wait3A_600 = arith.constant 0 : i32
        %dma_wait3A_601 = tpu.memref_slice %arg11[%run_scoped3A_442, %dma_wait3A_599, %dma_wait3A_600] : memref<2x125x128xf32, #tpu.memory_space<vmem>> -> memref<1x125x128xf32, #tpu.memory_space<vmem>>
        %dma_wait3A_602 = tpu.memref_squeeze %dma_wait3A_601 : memref<1x125x128xf32, #tpu.memory_space<vmem>> -> memref<125x128xf32, #tpu.memory_space<vmem>>
        %dma_wait3A_603 = arith.constant 0 : i32
        %dma_wait3A_604 = tpu.memref_slice %arg10[%run_scoped3A_443, %dma_wait3A_603] : memref<8x125xi32, #tpu.memory_space<vmem>> -> memref<1x125xi32, #tpu.memory_space<vmem>>
        %dma_wait3A_605 = tpu.memref_squeeze %dma_wait3A_604 : memref<1x125xi32, #tpu.memory_space<vmem>> -> memref<125xi32, #tpu.memory_space<vmem>>
        %dma_wait3A_606 = arith.constant 0 : i32
        %dma_wait3A_607 = arith.constant 0 : i32
        %dma_wait3A_608 = tpu.memref_slice %arg12[%dma_wait3A_606, %dma_wait3A_607] : memref<10240x128xf32, #tpu.memory_space<vmem_shared>> -> memref<10240x128xf32, #tpu.memory_space<vmem_shared>>
        tpu.wait_indirect_dma semaphore(%run_scoped3A_588 : memref<!tpu.dma_semaphore, #tpu.memory_space<semaphore_mem>>) src(%dma_wait3A_602 : memref<125x128xf32, #tpu.memory_space<vmem>>) dst(%dma_wait3A_608 : memref<10240x128xf32, #tpu.memory_space<vmem_shared>>)
        tpu.yield
      }) : () -> ()
      %dma_wait3A_444 = arith.constant 4 : i32
      %dma_wait3A_445 = arith.constant 0 : i32
      %dma_wait3A_446 = arith.constant 0 : i32
      %dma_wait3A_447 = arith.constant 0 : i32
      %dma_wait3A_448 = tpu.memref_slice %arg11[%dma_wait3A_445, %dma_wait3A_446, %dma_wait3A_447] : memref<2x125x128xf32, #tpu.memory_space<vmem>> -> memref<1x125x128xf32, #tpu.memory_space<vmem>>
      %dma_wait3A_449 = tpu.memref_squeeze %dma_wait3A_448 : memref<1x125x128xf32, #tpu.memory_space<vmem>> -> memref<125x128xf32, #tpu.memory_space<vmem>>
      %dma_wait3A_450 = arith.constant 0 : i32
      %dma_wait3A_451 = tpu.memref_slice %arg8[%dma_wait3A_444, %dma_wait3A_450] : memref<8x125xi32, #tpu.memory_space<vmem>> -> memref<1x125xi32, #tpu.memory_space<vmem>>
      %dma_wait3A_452 = tpu.memref_squeeze %dma_wait3A_451 : memref<1x125xi32, #tpu.memory_space<vmem>> -> memref<125xi32, #tpu.memory_space<vmem>>
      %dma_wait3A_453 = arith.constant 0 : i32
      %dma_wait3A_454 = arith.constant 0 : i32
      %dma_wait3A_455 = tpu.memref_slice %arg2[%dma_wait3A_453, %dma_wait3A_454] : memref<10000x128xf32, #tpu.memory_space<hbm>> -> memref<10000x128xf32, #tpu.memory_space<hbm>>
      tpu.wait_indirect_dma semaphore(%arg13 : memref<!tpu.dma_semaphore, #tpu.memory_space<semaphore_mem>>) src(%dma_wait3A_455 : memref<10000x128xf32, #tpu.memory_space<hbm>>) dst(%dma_wait3A_449 : memref<125x128xf32, #tpu.memory_space<vmem>>)
      %dma_start3A_456 = arith.constant 5 : i32
      %dma_start3A_457 = arith.constant 1 : i32
      %dma_start3A_458 = arith.constant 0 : i32
      %dma_start3A_459 = arith.constant 0 : i32
      %dma_start3A_460 = tpu.memref_slice %arg11[%dma_start3A_457, %dma_start3A_458, %dma_start3A_459] : memref<2x125x128xf32, #tpu.memory_space<vmem>> -> memref<1x125x128xf32, #tpu.memory_space<vmem>>
      %dma_start3A_461 = tpu.memref_squeeze %dma_start3A_460 : memref<1x125x128xf32, #tpu.memory_space<vmem>> -> memref<125x128xf32, #tpu.memory_space<vmem>>
      %dma_start3A_462 = arith.constant 0 : i32
      %dma_start3A_463 = tpu.memref_slice %arg8[%dma_start3A_456, %dma_start3A_462] : memref<8x125xi32, #tpu.memory_space<vmem>> -> memref<1x125xi32, #tpu.memory_space<vmem>>
      %dma_start3A_464 = tpu.memref_squeeze %dma_start3A_463 : memref<1x125xi32, #tpu.memory_space<vmem>> -> memref<125xi32, #tpu.memory_space<vmem>>
      %dma_start3A_465 = arith.constant 0 : i32
      %dma_start3A_466 = arith.constant 0 : i32
      %dma_start3A_467 = tpu.memref_slice %arg2[%dma_start3A_465, %dma_start3A_466] : memref<10000x128xf32, #tpu.memory_space<hbm>> -> memref<10000x128xf32, #tpu.memory_space<hbm>>
      tpu.enqueue_indirect_dma source(%dma_start3A_467 : memref<10000x128xf32, #tpu.memory_space<hbm>>) target(%dma_start3A_461 : memref<125x128xf32, #tpu.memory_space<vmem>>) offsets(%dma_start3A_464 : memref<125xi32, #tpu.memory_space<vmem>>) semaphore(%arg14 : memref<!tpu.dma_semaphore, #tpu.memory_space<semaphore_mem>>)
      %run_scoped3A_468 = arith.constant 0 : i32
      %run_scoped3A_469 = arith.constant 4 : i32
      "tpu.region"() ({
        %run_scoped3A_588 = tpu.sem_alloc : memref<!tpu.dma_semaphore, #tpu.memory_space<semaphore_mem>>
        %dma_start3A_589 = arith.constant 0 : i32
        %dma_start3A_590 = arith.constant 0 : i32
        %dma_start3A_591 = tpu.memref_slice %arg11[%run_scoped3A_468, %dma_start3A_589, %dma_start3A_590] : memref<2x125x128xf32, #tpu.memory_space<vmem>> -> memref<1x125x128xf32, #tpu.memory_space<vmem>>
        %dma_start3A_592 = tpu.memref_squeeze %dma_start3A_591 : memref<1x125x128xf32, #tpu.memory_space<vmem>> -> memref<125x128xf32, #tpu.memory_space<vmem>>
        %dma_start3A_593 = arith.constant 0 : i32
        %dma_start3A_594 = tpu.memref_slice %arg10[%run_scoped3A_469, %dma_start3A_593] : memref<8x125xi32, #tpu.memory_space<vmem>> -> memref<1x125xi32, #tpu.memory_space<vmem>>
        %dma_start3A_595 = tpu.memref_squeeze %dma_start3A_594 : memref<1x125xi32, #tpu.memory_space<vmem>> -> memref<125xi32, #tpu.memory_space<vmem>>
        %dma_start3A_596 = arith.constant 0 : i32
        %dma_start3A_597 = arith.constant 0 : i32
        %dma_start3A_598 = tpu.memref_slice %arg12[%dma_start3A_596, %dma_start3A_597] : memref<10240x128xf32, #tpu.memory_space<vmem_shared>> -> memref<10240x128xf32, #tpu.memory_space<vmem_shared>>
        tpu.enqueue_indirect_dma source(%dma_start3A_592 : memref<125x128xf32, #tpu.memory_space<vmem>>) target(%dma_start3A_598 : memref<10240x128xf32, #tpu.memory_space<vmem_shared>>) offsets(%dma_start3A_595 : memref<125xi32, #tpu.memory_space<vmem>>) semaphore(%run_scoped3A_588 : memref<!tpu.dma_semaphore, #tpu.memory_space<semaphore_mem>>) {add = true}
        %dma_wait3A_599 = arith.constant 0 : i32
        %dma_wait3A_600 = arith.constant 0 : i32
        %dma_wait3A_601 = tpu.memref_slice %arg11[%run_scoped3A_468, %dma_wait3A_599, %dma_wait3A_600] : memref<2x125x128xf32, #tpu.memory_space<vmem>> -> memref<1x125x128xf32, #tpu.memory_space<vmem>>
        %dma_wait3A_602 = tpu.memref_squeeze %dma_wait3A_601 : memref<1x125x128xf32, #tpu.memory_space<vmem>> -> memref<125x128xf32, #tpu.memory_space<vmem>>
        %dma_wait3A_603 = arith.constant 0 : i32
        %dma_wait3A_604 = tpu.memref_slice %arg10[%run_scoped3A_469, %dma_wait3A_603] : memref<8x125xi32, #tpu.memory_space<vmem>> -> memref<1x125xi32, #tpu.memory_space<vmem>>
        %dma_wait3A_605 = tpu.memref_squeeze %dma_wait3A_604 : memref<1x125xi32, #tpu.memory_space<vmem>> -> memref<125xi32, #tpu.memory_space<vmem>>
        %dma_wait3A_606 = arith.constant 0 : i32
        %dma_wait3A_607 = arith.constant 0 : i32
        %dma_wait3A_608 = tpu.memref_slice %arg12[%dma_wait3A_606, %dma_wait3A_607] : memref<10240x128xf32, #tpu.memory_space<vmem_shared>> -> memref<10240x128xf32, #tpu.memory_space<vmem_shared>>
        tpu.wait_indirect_dma semaphore(%run_scoped3A_588 : memref<!tpu.dma_semaphore, #tpu.memory_space<semaphore_mem>>) src(%dma_wait3A_602 : memref<125x128xf32, #tpu.memory_space<vmem>>) dst(%dma_wait3A_608 : memref<10240x128xf32, #tpu.memory_space<vmem_shared>>)
        tpu.yield
      }) : () -> ()
      %dma_wait3A_470 = arith.constant 5 : i32
      %dma_wait3A_471 = arith.constant 1 : i32
      %dma_wait3A_472 = arith.constant 0 : i32
      %dma_wait3A_473 = arith.constant 0 : i32
      %dma_wait3A_474 = tpu.memref_slice %arg11[%dma_wait3A_471, %dma_wait3A_472, %dma_wait3A_473] : memref<2x125x128xf32, #tpu.memory_space<vmem>> -> memref<1x125x128xf32, #tpu.memory_space<vmem>>
      %dma_wait3A_475 = tpu.memref_squeeze %dma_wait3A_474 : memref<1x125x128xf32, #tpu.memory_space<vmem>> -> memref<125x128xf32, #tpu.memory_space<vmem>>
      %dma_wait3A_476 = arith.constant 0 : i32
      %dma_wait3A_477 = tpu.memref_slice %arg8[%dma_wait3A_470, %dma_wait3A_476] : memref<8x125xi32, #tpu.memory_space<vmem>> -> memref<1x125xi32, #tpu.memory_space<vmem>>
      %dma_wait3A_478 = tpu.memref_squeeze %dma_wait3A_477 : memref<1x125xi32, #tpu.memory_space<vmem>> -> memref<125xi32, #tpu.memory_space<vmem>>
      %dma_wait3A_479 = arith.constant 0 : i32
      %dma_wait3A_480 = arith.constant 0 : i32
      %dma_wait3A_481 = tpu.memref_slice %arg2[%dma_wait3A_479, %dma_wait3A_480] : memref<10000x128xf32, #tpu.memory_space<hbm>> -> memref<10000x128xf32, #tpu.memory_space<hbm>>
      tpu.wait_indirect_dma semaphore(%arg14 : memref<!tpu.dma_semaphore, #tpu.memory_space<semaphore_mem>>) src(%dma_wait3A_481 : memref<10000x128xf32, #tpu.memory_space<hbm>>) dst(%dma_wait3A_475 : memref<125x128xf32, #tpu.memory_space<vmem>>)
      %dma_start3A_482 = arith.constant 6 : i32
      %dma_start3A_483 = arith.constant 0 : i32
      %dma_start3A_484 = arith.constant 0 : i32
      %dma_start3A_485 = arith.constant 0 : i32
      %dma_start3A_486 = tpu.memref_slice %arg11[%dma_start3A_483, %dma_start3A_484, %dma_start3A_485] : memref<2x125x128xf32, #tpu.memory_space<vmem>> -> memref<1x125x128xf32, #tpu.memory_space<vmem>>
      %dma_start3A_487 = tpu.memref_squeeze %dma_start3A_486 : memref<1x125x128xf32, #tpu.memory_space<vmem>> -> memref<125x128xf32, #tpu.memory_space<vmem>>
      %dma_start3A_488 = arith.constant 0 : i32
      %dma_start3A_489 = tpu.memref_slice %arg8[%dma_start3A_482, %dma_start3A_488] : memref<8x125xi32, #tpu.memory_space<vmem>> -> memref<1x125xi32, #tpu.memory_space<vmem>>
      %dma_start3A_490 = tpu.memref_squeeze %dma_start3A_489 : memref<1x125xi32, #tpu.memory_space<vmem>> -> memref<125xi32, #tpu.memory_space<vmem>>
      %dma_start3A_491 = arith.constant 0 : i32
      %dma_start3A_492 = arith.constant 0 : i32
      %dma_start3A_493 = tpu.memref_slice %arg2[%dma_start3A_491, %dma_start3A_492] : memref<10000x128xf32, #tpu.memory_space<hbm>> -> memref<10000x128xf32, #tpu.memory_space<hbm>>
      tpu.enqueue_indirect_dma source(%dma_start3A_493 : memref<10000x128xf32, #tpu.memory_space<hbm>>) target(%dma_start3A_487 : memref<125x128xf32, #tpu.memory_space<vmem>>) offsets(%dma_start3A_490 : memref<125xi32, #tpu.memory_space<vmem>>) semaphore(%arg13 : memref<!tpu.dma_semaphore, #tpu.memory_space<semaphore_mem>>)
      %run_scoped3A_494 = arith.constant 1 : i32
      %run_scoped3A_495 = arith.constant 5 : i32
      "tpu.region"() ({
        %run_scoped3A_588 = tpu.sem_alloc : memref<!tpu.dma_semaphore, #tpu.memory_space<semaphore_mem>>
        %dma_start3A_589 = arith.constant 0 : i32
        %dma_start3A_590 = arith.constant 0 : i32
        %dma_start3A_591 = tpu.memref_slice %arg11[%run_scoped3A_494, %dma_start3A_589, %dma_start3A_590] : memref<2x125x128xf32, #tpu.memory_space<vmem>> -> memref<1x125x128xf32, #tpu.memory_space<vmem>>
        %dma_start3A_592 = tpu.memref_squeeze %dma_start3A_591 : memref<1x125x128xf32, #tpu.memory_space<vmem>> -> memref<125x128xf32, #tpu.memory_space<vmem>>
        %dma_start3A_593 = arith.constant 0 : i32
        %dma_start3A_594 = tpu.memref_slice %arg10[%run_scoped3A_495, %dma_start3A_593] : memref<8x125xi32, #tpu.memory_space<vmem>> -> memref<1x125xi32, #tpu.memory_space<vmem>>
        %dma_start3A_595 = tpu.memref_squeeze %dma_start3A_594 : memref<1x125xi32, #tpu.memory_space<vmem>> -> memref<125xi32, #tpu.memory_space<vmem>>
        %dma_start3A_596 = arith.constant 0 : i32
        %dma_start3A_597 = arith.constant 0 : i32
        %dma_start3A_598 = tpu.memref_slice %arg12[%dma_start3A_596, %dma_start3A_597] : memref<10240x128xf32, #tpu.memory_space<vmem_shared>> -> memref<10240x128xf32, #tpu.memory_space<vmem_shared>>
        tpu.enqueue_indirect_dma source(%dma_start3A_592 : memref<125x128xf32, #tpu.memory_space<vmem>>) target(%dma_start3A_598 : memref<10240x128xf32, #tpu.memory_space<vmem_shared>>) offsets(%dma_start3A_595 : memref<125xi32, #tpu.memory_space<vmem>>) semaphore(%run_scoped3A_588 : memref<!tpu.dma_semaphore, #tpu.memory_space<semaphore_mem>>) {add = true}
        %dma_wait3A_599 = arith.constant 0 : i32
        %dma_wait3A_600 = arith.constant 0 : i32
        %dma_wait3A_601 = tpu.memref_slice %arg11[%run_scoped3A_494, %dma_wait3A_599, %dma_wait3A_600] : memref<2x125x128xf32, #tpu.memory_space<vmem>> -> memref<1x125x128xf32, #tpu.memory_space<vmem>>
        %dma_wait3A_602 = tpu.memref_squeeze %dma_wait3A_601 : memref<1x125x128xf32, #tpu.memory_space<vmem>> -> memref<125x128xf32, #tpu.memory_space<vmem>>
        %dma_wait3A_603 = arith.constant 0 : i32
        %dma_wait3A_604 = tpu.memref_slice %arg10[%run_scoped3A_495, %dma_wait3A_603] : memref<8x125xi32, #tpu.memory_space<vmem>> -> memref<1x125xi32, #tpu.memory_space<vmem>>
        %dma_wait3A_605 = tpu.memref_squeeze %dma_wait3A_604 : memref<1x125xi32, #tpu.memory_space<vmem>> -> memref<125xi32, #tpu.memory_space<vmem>>
        %dma_wait3A_606 = arith.constant 0 : i32
        %dma_wait3A_607 = arith.constant 0 : i32
        %dma_wait3A_608 = tpu.memref_slice %arg12[%dma_wait3A_606, %dma_wait3A_607] : memref<10240x128xf32, #tpu.memory_space<vmem_shared>> -> memref<10240x128xf32, #tpu.memory_space<vmem_shared>>
        tpu.wait_indirect_dma semaphore(%run_scoped3A_588 : memref<!tpu.dma_semaphore, #tpu.memory_space<semaphore_mem>>) src(%dma_wait3A_602 : memref<125x128xf32, #tpu.memory_space<vmem>>) dst(%dma_wait3A_608 : memref<10240x128xf32, #tpu.memory_space<vmem_shared>>)
        tpu.yield
      }) : () -> ()
      %dma_wait3A_496 = arith.constant 6 : i32
      %dma_wait3A_497 = arith.constant 0 : i32
      %dma_wait3A_498 = arith.constant 0 : i32
      %dma_wait3A_499 = arith.constant 0 : i32
      %dma_wait3A_500 = tpu.memref_slice %arg11[%dma_wait3A_497, %dma_wait3A_498, %dma_wait3A_499] : memref<2x125x128xf32, #tpu.memory_space<vmem>> -> memref<1x125x128xf32, #tpu.memory_space<vmem>>
      %dma_wait3A_501 = tpu.memref_squeeze %dma_wait3A_500 : memref<1x125x128xf32, #tpu.memory_space<vmem>> -> memref<125x128xf32, #tpu.memory_space<vmem>>
      %dma_wait3A_502 = arith.constant 0 : i32
      %dma_wait3A_503 = tpu.memref_slice %arg8[%dma_wait3A_496, %dma_wait3A_502] : memref<8x125xi32, #tpu.memory_space<vmem>> -> memref<1x125xi32, #tpu.memory_space<vmem>>
      %dma_wait3A_504 = tpu.memref_squeeze %dma_wait3A_503 : memref<1x125xi32, #tpu.memory_space<vmem>> -> memref<125xi32, #tpu.memory_space<vmem>>
      %dma_wait3A_505 = arith.constant 0 : i32
      %dma_wait3A_506 = arith.constant 0 : i32
      %dma_wait3A_507 = tpu.memref_slice %arg2[%dma_wait3A_505, %dma_wait3A_506] : memref<10000x128xf32, #tpu.memory_space<hbm>> -> memref<10000x128xf32, #tpu.memory_space<hbm>>
      tpu.wait_indirect_dma semaphore(%arg13 : memref<!tpu.dma_semaphore, #tpu.memory_space<semaphore_mem>>) src(%dma_wait3A_507 : memref<10000x128xf32, #tpu.memory_space<hbm>>) dst(%dma_wait3A_501 : memref<125x128xf32, #tpu.memory_space<vmem>>)
      %dma_start3A_508 = arith.constant 7 : i32
      %dma_start3A_509 = arith.constant 1 : i32
      %dma_start3A_510 = arith.constant 0 : i32
      %dma_start3A_511 = arith.constant 0 : i32
      %dma_start3A_512 = tpu.memref_slice %arg11[%dma_start3A_509, %dma_start3A_510, %dma_start3A_511] : memref<2x125x128xf32, #tpu.memory_space<vmem>> -> memref<1x125x128xf32, #tpu.memory_space<vmem>>
      %dma_start3A_513 = tpu.memref_squeeze %dma_start3A_512 : memref<1x125x128xf32, #tpu.memory_space<vmem>> -> memref<125x128xf32, #tpu.memory_space<vmem>>
      %dma_start3A_514 = arith.constant 0 : i32
      %dma_start3A_515 = tpu.memref_slice %arg8[%dma_start3A_508, %dma_start3A_514] : memref<8x125xi32, #tpu.memory_space<vmem>> -> memref<1x125xi32, #tpu.memory_space<vmem>>
      %dma_start3A_516 = tpu.memref_squeeze %dma_start3A_515 : memref<1x125xi32, #tpu.memory_space<vmem>> -> memref<125xi32, #tpu.memory_space<vmem>>
      %dma_start3A_517 = arith.constant 0 : i32
      %dma_start3A_518 = arith.constant 0 : i32
      %dma_start3A_519 = tpu.memref_slice %arg2[%dma_start3A_517, %dma_start3A_518] : memref<10000x128xf32, #tpu.memory_space<hbm>> -> memref<10000x128xf32, #tpu.memory_space<hbm>>
      tpu.enqueue_indirect_dma source(%dma_start3A_519 : memref<10000x128xf32, #tpu.memory_space<hbm>>) target(%dma_start3A_513 : memref<125x128xf32, #tpu.memory_space<vmem>>) offsets(%dma_start3A_516 : memref<125xi32, #tpu.memory_space<vmem>>) semaphore(%arg14 : memref<!tpu.dma_semaphore, #tpu.memory_space<semaphore_mem>>)
      %run_scoped3A_520 = arith.constant 0 : i32
      %run_scoped3A_521 = arith.constant 6 : i32
      "tpu.region"() ({
        %run_scoped3A_588 = tpu.sem_alloc : memref<!tpu.dma_semaphore, #tpu.memory_space<semaphore_mem>>
        %dma_start3A_589 = arith.constant 0 : i32
        %dma_start3A_590 = arith.constant 0 : i32
        %dma_start3A_591 = tpu.memref_slice %arg11[%run_scoped3A_520, %dma_start3A_589, %dma_start3A_590] : memref<2x125x128xf32, #tpu.memory_space<vmem>> -> memref<1x125x128xf32, #tpu.memory_space<vmem>>
        %dma_start3A_592 = tpu.memref_squeeze %dma_start3A_591 : memref<1x125x128xf32, #tpu.memory_space<vmem>> -> memref<125x128xf32, #tpu.memory_space<vmem>>
        %dma_start3A_593 = arith.constant 0 : i32
        %dma_start3A_594 = tpu.memref_slice %arg10[%run_scoped3A_521, %dma_start3A_593] : memref<8x125xi32, #tpu.memory_space<vmem>> -> memref<1x125xi32, #tpu.memory_space<vmem>>
        %dma_start3A_595 = tpu.memref_squeeze %dma_start3A_594 : memref<1x125xi32, #tpu.memory_space<vmem>> -> memref<125xi32, #tpu.memory_space<vmem>>
        %dma_start3A_596 = arith.constant 0 : i32
        %dma_start3A_597 = arith.constant 0 : i32
        %dma_start3A_598 = tpu.memref_slice %arg12[%dma_start3A_596, %dma_start3A_597] : memref<10240x128xf32, #tpu.memory_space<vmem_shared>> -> memref<10240x128xf32, #tpu.memory_space<vmem_shared>>
        tpu.enqueue_indirect_dma source(%dma_start3A_592 : memref<125x128xf32, #tpu.memory_space<vmem>>) target(%dma_start3A_598 : memref<10240x128xf32, #tpu.memory_space<vmem_shared>>) offsets(%dma_start3A_595 : memref<125xi32, #tpu.memory_space<vmem>>) semaphore(%run_scoped3A_588 : memref<!tpu.dma_semaphore, #tpu.memory_space<semaphore_mem>>) {add = true}
        %dma_wait3A_599 = arith.constant 0 : i32
        %dma_wait3A_600 = arith.constant 0 : i32
        %dma_wait3A_601 = tpu.memref_slice %arg11[%run_scoped3A_520, %dma_wait3A_599, %dma_wait3A_600] : memref<2x125x128xf32, #tpu.memory_space<vmem>> -> memref<1x125x128xf32, #tpu.memory_space<vmem>>
        %dma_wait3A_602 = tpu.memref_squeeze %dma_wait3A_601 : memref<1x125x128xf32, #tpu.memory_space<vmem>> -> memref<125x128xf32, #tpu.memory_space<vmem>>
        %dma_wait3A_603 = arith.constant 0 : i32
        %dma_wait3A_604 = tpu.memref_slice %arg10[%run_scoped3A_521, %dma_wait3A_603] : memref<8x125xi32, #tpu.memory_space<vmem>> -> memref<1x125xi32, #tpu.memory_space<vmem>>
        %dma_wait3A_605 = tpu.memref_squeeze %dma_wait3A_604 : memref<1x125xi32, #tpu.memory_space<vmem>> -> memref<125xi32, #tpu.memory_space<vmem>>
        %dma_wait3A_606 = arith.constant 0 : i32
        %dma_wait3A_607 = arith.constant 0 : i32
        %dma_wait3A_608 = tpu.memref_slice %arg12[%dma_wait3A_606, %dma_wait3A_607] : memref<10240x128xf32, #tpu.memory_space<vmem_shared>> -> memref<10240x128xf32, #tpu.memory_space<vmem_shared>>
        tpu.wait_indirect_dma semaphore(%run_scoped3A_588 : memref<!tpu.dma_semaphore, #tpu.memory_space<semaphore_mem>>) src(%dma_wait3A_602 : memref<125x128xf32, #tpu.memory_space<vmem>>) dst(%dma_wait3A_608 : memref<10240x128xf32, #tpu.memory_space<vmem_shared>>)
        tpu.yield
      }) : () -> ()
      %dma_wait3A_522 = arith.constant 7 : i32
      %dma_wait3A_523 = arith.constant 1 : i32
      %dma_wait3A_524 = arith.constant 0 : i32
      %dma_wait3A_525 = arith.constant 0 : i32
      %dma_wait3A_526 = tpu.memref_slice %arg11[%dma_wait3A_523, %dma_wait3A_524, %dma_wait3A_525] : memref<2x125x128xf32, #tpu.memory_space<vmem>> -> memref<1x125x128xf32, #tpu.memory_space<vmem>>
      %dma_wait3A_527 = tpu.memref_squeeze %dma_wait3A_526 : memref<1x125x128xf32, #tpu.memory_space<vmem>> -> memref<125x128xf32, #tpu.memory_space<vmem>>
      %dma_wait3A_528 = arith.constant 0 : i32
      %dma_wait3A_529 = tpu.memref_slice %arg8[%dma_wait3A_522, %dma_wait3A_528] : memref<8x125xi32, #tpu.memory_space<vmem>> -> memref<1x125xi32, #tpu.memory_space<vmem>>
      %dma_wait3A_530 = tpu.memref_squeeze %dma_wait3A_529 : memref<1x125xi32, #tpu.memory_space<vmem>> -> memref<125xi32, #tpu.memory_space<vmem>>
      %dma_wait3A_531 = arith.constant 0 : i32
      %dma_wait3A_532 = arith.constant 0 : i32
      %dma_wait3A_533 = tpu.memref_slice %arg2[%dma_wait3A_531, %dma_wait3A_532] : memref<10000x128xf32, #tpu.memory_space<hbm>> -> memref<10000x128xf32, #tpu.memory_space<hbm>>
      tpu.wait_indirect_dma semaphore(%arg14 : memref<!tpu.dma_semaphore, #tpu.memory_space<semaphore_mem>>) src(%dma_wait3A_533 : memref<10000x128xf32, #tpu.memory_space<hbm>>) dst(%dma_wait3A_527 : memref<125x128xf32, #tpu.memory_space<vmem>>)
      %dma_wait3A_534 = arith.constant 0 : i32
      %dma_wait3A_535 = arith.constant 0 : i32
      %dma_wait3A_536 = arith.constant 0 : i32
      %dma_wait3A_537 = tpu.memref_slice %arg3[%add3A, %dma_wait3A_534, %dma_wait3A_535, %dma_wait3A_536] : memref<32x10x8x125xi32, #tpu.memory_space<hbm>> -> memref<1x1x8x125xi32, #tpu.memory_space<hbm>>
      %dma_wait3A_538 = tpu.memref_squeeze %dma_wait3A_537 : memref<1x1x8x125xi32, #tpu.memory_space<hbm>> -> memref<8x125xi32, #tpu.memory_space<hbm>>
      %dma_wait3A_539 = arith.constant 0 : i32
      %dma_wait3A_540 = arith.constant 0 : i32
      %dma_wait3A_541 = tpu.memref_slice %arg3[%add3A, %dma_wait3A_534, %dma_wait3A_539, %dma_wait3A_540] : memref<32x10x8x125xi32, #tpu.memory_space<hbm>> -> memref<1x1x8x125xi32, #tpu.memory_space<hbm>>
      %dma_wait3A_542 = tpu.memref_squeeze %dma_wait3A_541 : memref<1x1x8x125xi32, #tpu.memory_space<hbm>> -> memref<8x125xi32, #tpu.memory_space<hbm>>
      tpu.wait_dma2 semaphore(%arg15 : memref<!tpu.dma_semaphore, #tpu.memory_space<semaphore_mem>>) src(%dma_wait3A_542 : memref<8x125xi32, #tpu.memory_space<hbm>>) dst(%arg7 : memref<8x125xi32, #tpu.memory_space<vmem>>)
      %dma_wait3A_543 = arith.constant 0 : i32
      %dma_wait3A_544 = arith.constant 0 : i32
      %dma_wait3A_545 = arith.constant 0 : i32
      %dma_wait3A_546 = tpu.memref_slice %arg4[%add3A, %dma_wait3A_543, %dma_wait3A_544, %dma_wait3A_545] : memref<32x10x8x125xi32, #tpu.memory_space<hbm>> -> memref<1x1x8x125xi32, #tpu.memory_space<hbm>>
      %dma_wait3A_547 = tpu.memref_squeeze %dma_wait3A_546 : memref<1x1x8x125xi32, #tpu.memory_space<hbm>> -> memref<8x125xi32, #tpu.memory_space<hbm>>
      %dma_wait3A_548 = arith.constant 0 : i32
      %dma_wait3A_549 = arith.constant 0 : i32
      %dma_wait3A_550 = tpu.memref_slice %arg4[%add3A, %dma_wait3A_543, %dma_wait3A_548, %dma_wait3A_549] : memref<32x10x8x125xi32, #tpu.memory_space<hbm>> -> memref<1x1x8x125xi32, #tpu.memory_space<hbm>>
      %dma_wait3A_551 = tpu.memref_squeeze %dma_wait3A_550 : memref<1x1x8x125xi32, #tpu.memory_space<hbm>> -> memref<8x125xi32, #tpu.memory_space<hbm>>
      tpu.wait_dma2 semaphore(%arg15 : memref<!tpu.dma_semaphore, #tpu.memory_space<semaphore_mem>>) src(%dma_wait3A_551 : memref<8x125xi32, #tpu.memory_space<hbm>>) dst(%arg9 : memref<8x125xi32, #tpu.memory_space<vmem>>)
      %dma_start3A_552 = arith.constant 0 : i32
      %dma_start3A_553 = arith.constant 0 : i32
      %dma_start3A_554 = arith.constant 0 : i32
      %dma_start3A_555 = arith.constant 0 : i32
      %dma_start3A_556 = tpu.memref_slice %arg11[%dma_start3A_553, %dma_start3A_554, %dma_start3A_555] : memref<2x125x128xf32, #tpu.memory_space<vmem>> -> memref<1x125x128xf32, #tpu.memory_space<vmem>>
      %dma_start3A_557 = tpu.memref_squeeze %dma_start3A_556 : memref<1x125x128xf32, #tpu.memory_space<vmem>> -> memref<125x128xf32, #tpu.memory_space<vmem>>
      %dma_start3A_558 = arith.constant 0 : i32
      %dma_start3A_559 = tpu.memref_slice %arg7[%dma_start3A_552, %dma_start3A_558] : memref<8x125xi32, #tpu.memory_space<vmem>> -> memref<1x125xi32, #tpu.memory_space<vmem>>
      %dma_start3A_560 = tpu.memref_squeeze %dma_start3A_559 : memref<1x125xi32, #tpu.memory_space<vmem>> -> memref<125xi32, #tpu.memory_space<vmem>>
      %dma_start3A_561 = arith.constant 0 : i32
      %dma_start3A_562 = arith.constant 0 : i32
      %dma_start3A_563 = tpu.memref_slice %arg2[%dma_start3A_561, %dma_start3A_562] : memref<10000x128xf32, #tpu.memory_space<hbm>> -> memref<10000x128xf32, #tpu.memory_space<hbm>>
      tpu.enqueue_indirect_dma source(%dma_start3A_563 : memref<10000x128xf32, #tpu.memory_space<hbm>>) target(%dma_start3A_557 : memref<125x128xf32, #tpu.memory_space<vmem>>) offsets(%dma_start3A_560 : memref<125xi32, #tpu.memory_space<vmem>>) semaphore(%arg13 : memref<!tpu.dma_semaphore, #tpu.memory_space<semaphore_mem>>)
      %run_scoped3A_564 = arith.constant 1 : i32
      %run_scoped3A_565 = arith.constant 7 : i32
      "tpu.region"() ({
        %run_scoped3A_588 = tpu.sem_alloc : memref<!tpu.dma_semaphore, #tpu.memory_space<semaphore_mem>>
        %dma_start3A_589 = arith.constant 0 : i32
        %dma_start3A_590 = arith.constant 0 : i32
        %dma_start3A_591 = tpu.memref_slice %arg11[%run_scoped3A_564, %dma_start3A_589, %dma_start3A_590] : memref<2x125x128xf32, #tpu.memory_space<vmem>> -> memref<1x125x128xf32, #tpu.memory_space<vmem>>
        %dma_start3A_592 = tpu.memref_squeeze %dma_start3A_591 : memref<1x125x128xf32, #tpu.memory_space<vmem>> -> memref<125x128xf32, #tpu.memory_space<vmem>>
        %dma_start3A_593 = arith.constant 0 : i32
        %dma_start3A_594 = tpu.memref_slice %arg10[%run_scoped3A_565, %dma_start3A_593] : memref<8x125xi32, #tpu.memory_space<vmem>> -> memref<1x125xi32, #tpu.memory_space<vmem>>
        %dma_start3A_595 = tpu.memref_squeeze %dma_start3A_594 : memref<1x125xi32, #tpu.memory_space<vmem>> -> memref<125xi32, #tpu.memory_space<vmem>>
        %dma_start3A_596 = arith.constant 0 : i32
        %dma_start3A_597 = arith.constant 0 : i32
        %dma_start3A_598 = tpu.memref_slice %arg12[%dma_start3A_596, %dma_start3A_597] : memref<10240x128xf32, #tpu.memory_space<vmem_shared>> -> memref<10240x128xf32, #tpu.memory_space<vmem_shared>>
        tpu.enqueue_indirect_dma source(%dma_start3A_592 : memref<125x128xf32, #tpu.memory_space<vmem>>) target(%dma_start3A_598 : memref<10240x128xf32, #tpu.memory_space<vmem_shared>>) offsets(%dma_start3A_595 : memref<125xi32, #tpu.memory_space<vmem>>) semaphore(%run_scoped3A_588 : memref<!tpu.dma_semaphore, #tpu.memory_space<semaphore_mem>>) {add = true}
        %dma_wait3A_599 = arith.constant 0 : i32
        %dma_wait3A_600 = arith.constant 0 : i32
        %dma_wait3A_601 = tpu.memref_slice %arg11[%run_scoped3A_564, %dma_wait3A_599, %dma_wait3A_600] : memref<2x125x128xf32, #tpu.memory_space<vmem>> -> memref<1x125x128xf32, #tpu.memory_space<vmem>>
        %dma_wait3A_602 = tpu.memref_squeeze %dma_wait3A_601 : memref<1x125x128xf32, #tpu.memory_space<vmem>> -> memref<125x128xf32, #tpu.memory_space<vmem>>
        %dma_wait3A_603 = arith.constant 0 : i32
        %dma_wait3A_604 = tpu.memref_slice %arg10[%run_scoped3A_565, %dma_wait3A_603] : memref<8x125xi32, #tpu.memory_space<vmem>> -> memref<1x125xi32, #tpu.memory_space<vmem>>
        %dma_wait3A_605 = tpu.memref_squeeze %dma_wait3A_604 : memref<1x125xi32, #tpu.memory_space<vmem>> -> memref<125xi32, #tpu.memory_space<vmem>>
        %dma_wait3A_606 = arith.constant 0 : i32
        %dma_wait3A_607 = arith.constant 0 : i32
        %dma_wait3A_608 = tpu.memref_slice %arg12[%dma_wait3A_606, %dma_wait3A_607] : memref<10240x128xf32, #tpu.memory_space<vmem_shared>> -> memref<10240x128xf32, #tpu.memory_space<vmem_shared>>
        tpu.wait_indirect_dma semaphore(%run_scoped3A_588 : memref<!tpu.dma_semaphore, #tpu.memory_space<semaphore_mem>>) src(%dma_wait3A_602 : memref<125x128xf32, #tpu.memory_space<vmem>>) dst(%dma_wait3A_608 : memref<10240x128xf32, #tpu.memory_space<vmem_shared>>)
        tpu.yield
      }) : () -> ()
      %mul3A_566 = arith.constant 2 : i32
      %mul3A_567 = arith.muli %mul3A_566, %add3A_92 : i32
      %add3A_568 = arith.constant 3 : i32
      %add3A_569 = arith.addi %mul3A_567, %add3A_568 : i32
      %min3A_570 = arith.constant 9 : i32
      %min3A_571 = arith.minsi %add3A_569, %min3A_570 : i32
      %dma_start3A_572 = arith.constant 0 : i32
      %dma_start3A_573 = arith.constant 0 : i32
      %dma_start3A_574 = tpu.memref_slice %arg3[%add3A, %min3A_571, %dma_start3A_572, %dma_start3A_573] : memref<32x10x8x125xi32, #tpu.memory_space<hbm>> -> memref<1x1x8x125xi32, #tpu.memory_space<hbm>>
      %dma_start3A_575 = tpu.memref_squeeze %dma_start3A_574 : memref<1x1x8x125xi32, #tpu.memory_space<hbm>> -> memref<8x125xi32, #tpu.memory_space<hbm>>
      %dma_start3A_576 = arith.constant 0 : i32
      %dma_start3A_577 = arith.constant 0 : i32
      %dma_start3A_578 = tpu.memref_slice %arg3[%add3A, %min3A_571, %dma_start3A_576, %dma_start3A_577] : memref<32x10x8x125xi32, #tpu.memory_space<hbm>> -> memref<1x1x8x125xi32, #tpu.memory_space<hbm>>
      %dma_start3A_579 = tpu.memref_squeeze %dma_start3A_578 : memref<1x1x8x125xi32, #tpu.memory_space<hbm>> -> memref<8x125xi32, #tpu.memory_space<hbm>>
      tpu.enqueue_dma source(%dma_start3A_579 : memref<8x125xi32, #tpu.memory_space<hbm>>) target(%arg8 : memref<8x125xi32, #tpu.memory_space<vmem>>) target_semaphore(%arg16 : memref<!tpu.dma_semaphore, #tpu.memory_space<semaphore_mem>>)
      %dma_start3A_580 = arith.constant 0 : i32
      %dma_start3A_581 = arith.constant 0 : i32
      %dma_start3A_582 = tpu.memref_slice %arg4[%add3A, %min3A_571, %dma_start3A_580, %dma_start3A_581] : memref<32x10x8x125xi32, #tpu.memory_space<hbm>> -> memref<1x1x8x125xi32, #tpu.memory_space<hbm>>
      %dma_start3A_583 = tpu.memref_squeeze %dma_start3A_582 : memref<1x1x8x125xi32, #tpu.memory_space<hbm>> -> memref<8x125xi32, #tpu.memory_space<hbm>>
      %dma_start3A_584 = arith.constant 0 : i32
      %dma_start3A_585 = arith.constant 0 : i32
      %dma_start3A_586 = tpu.memref_slice %arg4[%add3A, %min3A_571, %dma_start3A_584, %dma_start3A_585] : memref<32x10x8x125xi32, #tpu.memory_space<hbm>> -> memref<1x1x8x125xi32, #tpu.memory_space<hbm>>
      %dma_start3A_587 = tpu.memref_squeeze %dma_start3A_586 : memref<1x1x8x125xi32, #tpu.memory_space<hbm>> -> memref<8x125xi32, #tpu.memory_space<hbm>>
      tpu.enqueue_dma source(%dma_start3A_587 : memref<8x125xi32, #tpu.memory_space<hbm>>) target(%arg10 : memref<8x125xi32, #tpu.memory_space<vmem>>) target_semaphore(%arg16 : memref<!tpu.dma_semaphore, #tpu.memory_space<semaphore_mem>>)
    }
    %scan3A_50 = arith.constant 5 : i32
    %dma_wait3A = arith.constant 0 : i32
    %dma_wait3A_51 = arith.constant 0 : i32
    %dma_wait3A_52 = arith.constant 0 : i32
    %dma_wait3A_53 = arith.constant 0 : i32
    %dma_wait3A_54 = tpu.memref_slice %arg11[%dma_wait3A_51, %dma_wait3A_52, %dma_wait3A_53] : memref<2x125x128xf32, #tpu.memory_space<vmem>> -> memref<1x125x128xf32, #tpu.memory_space<vmem>>
    %dma_wait3A_55 = tpu.memref_squeeze %dma_wait3A_54 : memref<1x125x128xf32, #tpu.memory_space<vmem>> -> memref<125x128xf32, #tpu.memory_space<vmem>>
    %dma_wait3A_56 = arith.constant 0 : i32
    %dma_wait3A_57 = tpu.memref_slice %arg7[%dma_wait3A, %dma_wait3A_56] : memref<8x125xi32, #tpu.memory_space<vmem>> -> memref<1x125xi32, #tpu.memory_space<vmem>>
    %dma_wait3A_58 = tpu.memref_squeeze %dma_wait3A_57 : memref<1x125xi32, #tpu.memory_space<vmem>> -> memref<125xi32, #tpu.memory_space<vmem>>
    %dma_wait3A_59 = arith.constant 0 : i32
    %dma_wait3A_60 = arith.constant 0 : i32
    %dma_wait3A_61 = tpu.memref_slice %arg2[%dma_wait3A_59, %dma_wait3A_60] : memref<10000x128xf32, #tpu.memory_space<hbm>> -> memref<10000x128xf32, #tpu.memory_space<hbm>>
    tpu.wait_indirect_dma semaphore(%arg13 : memref<!tpu.dma_semaphore, #tpu.memory_space<semaphore_mem>>) src(%dma_wait3A_61 : memref<10000x128xf32, #tpu.memory_space<hbm>>) dst(%dma_wait3A_55 : memref<125x128xf32, #tpu.memory_space<vmem>>)
    %dma_wait3A_62 = arith.constant 0 : i32
    %dma_wait3A_63 = arith.constant 0 : i32
    %dma_wait3A_64 = arith.constant 0 : i32
    %dma_wait3A_65 = tpu.memref_slice %arg3[%add3A, %dma_wait3A_62, %dma_wait3A_63, %dma_wait3A_64] : memref<32x10x8x125xi32, #tpu.memory_space<hbm>> -> memref<1x1x8x125xi32, #tpu.memory_space<hbm>>
    %dma_wait3A_66 = tpu.memref_squeeze %dma_wait3A_65 : memref<1x1x8x125xi32, #tpu.memory_space<hbm>> -> memref<8x125xi32, #tpu.memory_space<hbm>>
    %dma_wait3A_67 = arith.constant 0 : i32
    %dma_wait3A_68 = arith.constant 0 : i32
    %dma_wait3A_69 = tpu.memref_slice %arg3[%add3A, %dma_wait3A_62, %dma_wait3A_67, %dma_wait3A_68] : memref<32x10x8x125xi32, #tpu.memory_space<hbm>> -> memref<1x1x8x125xi32, #tpu.memory_space<hbm>>
    %dma_wait3A_70 = tpu.memref_squeeze %dma_wait3A_69 : memref<1x1x8x125xi32, #tpu.memory_space<hbm>> -> memref<8x125xi32, #tpu.memory_space<hbm>>
    tpu.wait_dma2 semaphore(%arg16 : memref<!tpu.dma_semaphore, #tpu.memory_space<semaphore_mem>>) src(%dma_wait3A_70 : memref<8x125xi32, #tpu.memory_space<hbm>>) dst(%arg8 : memref<8x125xi32, #tpu.memory_space<vmem>>)
    %dma_wait3A_71 = arith.constant 0 : i32
    %dma_wait3A_72 = arith.constant 0 : i32
    %dma_wait3A_73 = arith.constant 0 : i32
    %dma_wait3A_74 = tpu.memref_slice %arg4[%add3A, %dma_wait3A_71, %dma_wait3A_72, %dma_wait3A_73] : memref<32x10x8x125xi32, #tpu.memory_space<hbm>> -> memref<1x1x8x125xi32, #tpu.memory_space<hbm>>
    %dma_wait3A_75 = tpu.memref_squeeze %dma_wait3A_74 : memref<1x1x8x125xi32, #tpu.memory_space<hbm>> -> memref<8x125xi32, #tpu.memory_space<hbm>>
    %dma_wait3A_76 = arith.constant 0 : i32
    %dma_wait3A_77 = arith.constant 0 : i32
    %dma_wait3A_78 = tpu.memref_slice %arg4[%add3A, %dma_wait3A_71, %dma_wait3A_76, %dma_wait3A_77] : memref<32x10x8x125xi32, #tpu.memory_space<hbm>> -> memref<1x1x8x125xi32, #tpu.memory_space<hbm>>
    %dma_wait3A_79 = tpu.memref_squeeze %dma_wait3A_78 : memref<1x1x8x125xi32, #tpu.memory_space<hbm>> -> memref<8x125xi32, #tpu.memory_space<hbm>>
    tpu.wait_dma2 semaphore(%arg16 : memref<!tpu.dma_semaphore, #tpu.memory_space<semaphore_mem>>) src(%dma_wait3A_79 : memref<8x125xi32, #tpu.memory_space<hbm>>) dst(%arg10 : memref<8x125xi32, #tpu.memory_space<vmem>>)
    %barrier3A_80 = arith.constant 0 : index
    tpu.barrier barrier_id(%barrier3A_80)
    %eq3A = arith.constant 0 : i32
    %eq3A_81 = arith.cmpi eq, %arg0, %eq3A : i32
    %convert_element_type3A = arith.extui %eq3A_81 : i1 to i32
    %cond3A = arith.constant 0 : i32
    %cond3A_82 = arith.cmpi ne, %convert_element_type3A, %cond3A : i32
    scf.if %cond3A_82 {
      %lt3A = arith.constant 15 : i32
      %lt3A_88 = arith.cmpi slt, %arg1, %lt3A : i32
      %convert_element_type3A_89 = arith.extui %lt3A_88 : i1 to i32
      %cond3A_90 = arith.constant 0 : i32
      %cond3A_91 = arith.cmpi ne, %convert_element_type3A_89, %cond3A_90 : i32
      scf.if %cond3A_91 {
        %mul3A_97 = arith.constant 624 : i32
        %mul3A_98 = arith.muli %arg1, %mul3A_97 : i32
        %mul3A_99 = arith.constant 624 : i32
        %mul3A_100 = arith.muli %arg1, %mul3A_99 : i32
        "tpu.region"() ({
          %run_scoped3A_101 = tpu.sem_alloc : memref<!tpu.dma_semaphore, #tpu.memory_space<semaphore_mem>>
          %dma_start3A_102 = arith.constant 0 : i32
          %dma_start3A_103 = tpu.memref_slice %arg5[%mul3A_100, %dma_start3A_102] : memref<10000x128xf32, #tpu.memory_space<hbm>> -> memref<624x128xf32, #tpu.memory_space<hbm>>
          %dma_start3A_104 = arith.constant 0 : i32
          %dma_start3A_105 = tpu.memref_slice %arg12[%mul3A_98, %dma_start3A_104] : memref<10240x128xf32, #tpu.memory_space<vmem_shared>> -> memref<624x128xf32, #tpu.memory_space<vmem_shared>>
          tpu.enqueue_dma source(%dma_start3A_105 : memref<624x128xf32, #tpu.memory_space<vmem_shared>>) target(%dma_start3A_103 : memref<624x128xf32, #tpu.memory_space<hbm>>) target_semaphore(%run_scoped3A_101 : memref<!tpu.dma_semaphore, #tpu.memory_space<semaphore_mem>>)
          %dma_wait3A_106 = arith.constant 0 : i32
          %dma_wait3A_107 = tpu.memref_slice %arg5[%mul3A_100, %dma_wait3A_106] : memref<10000x128xf32, #tpu.memory_space<hbm>> -> memref<624x128xf32, #tpu.memory_space<hbm>>
          %dma_wait3A_108 = arith.constant 0 : i32
          %dma_wait3A_109 = tpu.memref_slice %arg12[%mul3A_98, %dma_wait3A_108] : memref<10240x128xf32, #tpu.memory_space<vmem_shared>> -> memref<624x128xf32, #tpu.memory_space<vmem_shared>>
          tpu.wait_dma2 semaphore(%run_scoped3A_101 : memref<!tpu.dma_semaphore, #tpu.memory_space<semaphore_mem>>) src(%dma_wait3A_109 : memref<624x128xf32, #tpu.memory_space<vmem_shared>>) dst(%dma_wait3A_107 : memref<624x128xf32, #tpu.memory_space<hbm>>)
          tpu.yield
        }) : () -> ()
      } else {
      }
      %eq3A_92 = arith.constant 15 : i32
      %eq3A_93 = arith.cmpi eq, %arg1, %eq3A_92 : i32
      %convert_element_type3A_94 = arith.extui %eq3A_93 : i1 to i32
      %cond3A_95 = arith.constant 0 : i32
      %cond3A_96 = arith.cmpi ne, %convert_element_type3A_94, %cond3A_95 : i32
      scf.if %cond3A_96 {
        "tpu.region"() ({
          %run_scoped3A_97 = tpu.sem_alloc : memref<!tpu.dma_semaphore, #tpu.memory_space<semaphore_mem>>
          %dma_start3A_98 = arith.constant 9360 : i32
          %dma_start3A_99 = arith.constant 0 : i32
          %dma_start3A_100 = tpu.memref_slice %arg5[%dma_start3A_98, %dma_start3A_99] : memref<10000x128xf32, #tpu.memory_space<hbm>> -> memref<640x128xf32, #tpu.memory_space<hbm>>
          %dma_start3A_101 = arith.constant 9360 : i32
          %dma_start3A_102 = arith.constant 0 : i32
          %dma_start3A_103 = tpu.memref_slice %arg12[%dma_start3A_101, %dma_start3A_102] : memref<10240x128xf32, #tpu.memory_space<vmem_shared>> -> memref<640x128xf32, #tpu.memory_space<vmem_shared>>
          tpu.enqueue_dma source(%dma_start3A_103 : memref<640x128xf32, #tpu.memory_space<vmem_shared>>) target(%dma_start3A_100 : memref<640x128xf32, #tpu.memory_space<hbm>>) target_semaphore(%run_scoped3A_97 : memref<!tpu.dma_semaphore, #tpu.memory_space<semaphore_mem>>)
          %dma_wait3A_104 = arith.constant 9360 : i32
          %dma_wait3A_105 = arith.constant 0 : i32
          %dma_wait3A_106 = tpu.memref_slice %arg5[%dma_wait3A_104, %dma_wait3A_105] : memref<10000x128xf32, #tpu.memory_space<hbm>> -> memref<640x128xf32, #tpu.memory_space<hbm>>
          %dma_wait3A_107 = arith.constant 9360 : i32
          %dma_wait3A_108 = arith.constant 0 : i32
          %dma_wait3A_109 = tpu.memref_slice %arg12[%dma_wait3A_107, %dma_wait3A_108] : memref<10240x128xf32, #tpu.memory_space<vmem_shared>> -> memref<640x128xf32, #tpu.memory_space<vmem_shared>>
          tpu.wait_dma2 semaphore(%run_scoped3A_97 : memref<!tpu.dma_semaphore, #tpu.memory_space<semaphore_mem>>) src(%dma_wait3A_109 : memref<640x128xf32, #tpu.memory_space<vmem_shared>>) dst(%dma_wait3A_106 : memref<640x128xf32, #tpu.memory_space<hbm>>)
          tpu.yield
        }) : () -> ()
      } else {
      }
    } else {
    }
    %eq3A_83 = arith.constant 1 : i32
    %eq3A_84 = arith.cmpi eq, %arg0, %eq3A_83 : i32
    %convert_element_type3A_85 = arith.extui %eq3A_84 : i1 to i32
    %cond3A_86 = arith.constant 0 : i32
    %cond3A_87 = arith.cmpi ne, %convert_element_type3A_85, %cond3A_86 : i32
    scf.if %cond3A_87 {
      %lt3A = arith.constant 15 : i32
      %lt3A_88 = arith.cmpi slt, %arg1, %lt3A : i32
      %convert_element_type3A_89 = arith.extui %lt3A_88 : i1 to i32
      %cond3A_90 = arith.constant 0 : i32
      %cond3A_91 = arith.cmpi ne, %convert_element_type3A_89, %cond3A_90 : i32
      scf.if %cond3A_91 {
        %mul3A_97 = arith.constant 624 : i32
        %mul3A_98 = arith.muli %arg1, %mul3A_97 : i32
        %mul3A_99 = arith.constant 624 : i32
        %mul3A_100 = arith.muli %arg1, %mul3A_99 : i32
        "tpu.region"() ({
          %run_scoped3A_101 = tpu.sem_alloc : memref<!tpu.dma_semaphore, #tpu.memory_space<semaphore_mem>>
          %dma_start3A_102 = arith.constant 0 : i32
          %dma_start3A_103 = tpu.memref_slice %arg6[%mul3A_100, %dma_start3A_102] : memref<10000x128xf32, #tpu.memory_space<hbm>> -> memref<624x128xf32, #tpu.memory_space<hbm>>
          %dma_start3A_104 = arith.constant 0 : i32
          %dma_start3A_105 = tpu.memref_slice %arg12[%mul3A_98, %dma_start3A_104] : memref<10240x128xf32, #tpu.memory_space<vmem_shared>> -> memref<624x128xf32, #tpu.memory_space<vmem_shared>>
          tpu.enqueue_dma source(%dma_start3A_105 : memref<624x128xf32, #tpu.memory_space<vmem_shared>>) target(%dma_start3A_103 : memref<624x128xf32, #tpu.memory_space<hbm>>) target_semaphore(%run_scoped3A_101 : memref<!tpu.dma_semaphore, #tpu.memory_space<semaphore_mem>>)
          %dma_wait3A_106 = arith.constant 0 : i32
          %dma_wait3A_107 = tpu.memref_slice %arg6[%mul3A_100, %dma_wait3A_106] : memref<10000x128xf32, #tpu.memory_space<hbm>> -> memref<624x128xf32, #tpu.memory_space<hbm>>
          %dma_wait3A_108 = arith.constant 0 : i32
          %dma_wait3A_109 = tpu.memref_slice %arg12[%mul3A_98, %dma_wait3A_108] : memref<10240x128xf32, #tpu.memory_space<vmem_shared>> -> memref<624x128xf32, #tpu.memory_space<vmem_shared>>
          tpu.wait_dma2 semaphore(%run_scoped3A_101 : memref<!tpu.dma_semaphore, #tpu.memory_space<semaphore_mem>>) src(%dma_wait3A_109 : memref<624x128xf32, #tpu.memory_space<vmem_shared>>) dst(%dma_wait3A_107 : memref<624x128xf32, #tpu.memory_space<hbm>>)
          tpu.yield
        }) : () -> ()
      } else {
      }
      %eq3A_92 = arith.constant 15 : i32
      %eq3A_93 = arith.cmpi eq, %arg1, %eq3A_92 : i32
      %convert_element_type3A_94 = arith.extui %eq3A_93 : i1 to i32
      %cond3A_95 = arith.constant 0 : i32
      %cond3A_96 = arith.cmpi ne, %convert_element_type3A_94, %cond3A_95 : i32
      scf.if %cond3A_96 {
        "tpu.region"() ({
          %run_scoped3A_97 = tpu.sem_alloc : memref<!tpu.dma_semaphore, #tpu.memory_space<semaphore_mem>>
          %dma_start3A_98 = arith.constant 9360 : i32
          %dma_start3A_99 = arith.constant 0 : i32
          %dma_start3A_100 = tpu.memref_slice %arg6[%dma_start3A_98, %dma_start3A_99] : memref<10000x128xf32, #tpu.memory_space<hbm>> -> memref<640x128xf32, #tpu.memory_space<hbm>>
          %dma_start3A_101 = arith.constant 9360 : i32
          %dma_start3A_102 = arith.constant 0 : i32
          %dma_start3A_103 = tpu.memref_slice %arg12[%dma_start3A_101, %dma_start3A_102] : memref<10240x128xf32, #tpu.memory_space<vmem_shared>> -> memref<640x128xf32, #tpu.memory_space<vmem_shared>>
          tpu.enqueue_dma source(%dma_start3A_103 : memref<640x128xf32, #tpu.memory_space<vmem_shared>>) target(%dma_start3A_100 : memref<640x128xf32, #tpu.memory_space<hbm>>) target_semaphore(%run_scoped3A_97 : memref<!tpu.dma_semaphore, #tpu.memory_space<semaphore_mem>>)
          %dma_wait3A_104 = arith.constant 9360 : i32
          %dma_wait3A_105 = arith.constant 0 : i32
          %dma_wait3A_106 = tpu.memref_slice %arg6[%dma_wait3A_104, %dma_wait3A_105] : memref<10000x128xf32, #tpu.memory_space<hbm>> -> memref<640x128xf32, #tpu.memory_space<hbm>>
          %dma_wait3A_107 = arith.constant 9360 : i32
          %dma_wait3A_108 = arith.constant 0 : i32
          %dma_wait3A_109 = tpu.memref_slice %arg12[%dma_wait3A_107, %dma_wait3A_108] : memref<10240x128xf32, #tpu.memory_space<vmem_shared>> -> memref<640x128xf32, #tpu.memory_space<vmem_shared>>
          tpu.wait_dma2 semaphore(%run_scoped3A_97 : memref<!tpu.dma_semaphore, #tpu.memory_space<semaphore_mem>>) src(%dma_wait3A_109 : memref<640x128xf32, #tpu.memory_space<vmem_shared>>) dst(%dma_wait3A_106 : memref<640x128xf32, #tpu.memory_space<hbm>>)
          tpu.yield
        }) : () -> ()
      } else {
      }
    } else {
    }
    return
  }
}

#map = affine_map<(d0, d1) -> (0, 0, 0, 0)>
#map1 = affine_map<(d0, d1) -> (0, 0)>
module attributes {stable_mosaic.version = 14 : i64} {
  func.func @sc_edge_count(%arg0: i32, %arg1: i32, %arg2: memref<32x10x8x125xi32, #tpu.memory_space<hbm>>, %arg3: memref<125x128xf32, #tpu.memory_space<hbm>>, %arg4: memref<640x128xf32, #tpu.memory_space<hbm>>, %arg5: memref<10000x128xf32, #tpu.memory_space<hbm>>, %arg6: memref<10000x128xf32, #tpu.memory_space<hbm>>, %arg7: memref<8x125xi32, #tpu.memory_space<vmem>>, %arg8: memref<125x128xf32, #tpu.memory_space<vmem>>, %arg9: memref<10240x128xf32, #tpu.memory_space<vmem_shared>>, %arg10: memref<!tpu.dma_semaphore, #tpu.memory_space<semaphore_mem>>) attributes {dimension_semantics = [#tpu.dimension_semantics<core_parallel>, #tpu.dimension_semantics<subcore_parallel>], iteration_bounds = array<i64: 2, 16>, scalar_prefetch = 0 : i64, scratch_operands = 4 : i64, tpu.core_type = #tpu.core_type<sc_vector_subcore>, window_params = [{transform_indices = #map}, {transform_indices = #map1}, {transform_indices = #map1}, {transform_indices = #map1}, {transform_indices = #map1}]} {
    %mul3A = arith.constant 16 : i32
    %mul3A_0 = arith.muli %arg0, %mul3A : i32
    %add3A = arith.addi %mul3A_0, %arg1 : i32
    "tpu.region"() ({
      %run_scoped3A = tpu.sem_alloc : memref<!tpu.dma_semaphore, #tpu.memory_space<semaphore_mem>>
      tpu.enqueue_dma source(%arg3 : memref<125x128xf32, #tpu.memory_space<hbm>>) target(%arg8 : memref<125x128xf32, #tpu.memory_space<vmem>>) target_semaphore(%run_scoped3A : memref<!tpu.dma_semaphore, #tpu.memory_space<semaphore_mem>>)
      tpu.wait_dma2 semaphore(%run_scoped3A : memref<!tpu.dma_semaphore, #tpu.memory_space<semaphore_mem>>) src(%arg3 : memref<125x128xf32, #tpu.memory_space<hbm>>) dst(%arg8 : memref<125x128xf32, #tpu.memory_space<vmem>>)
      tpu.yield
    }) : () -> ()
    %mul3A_1 = arith.constant 640 : i32
    %mul3A_2 = arith.muli %arg1, %mul3A_1 : i32
    "tpu.region"() ({
      %run_scoped3A = tpu.sem_alloc : memref<!tpu.dma_semaphore, #tpu.memory_space<semaphore_mem>>
      %dma_start3A = arith.constant 0 : i32
      %dma_start3A_15 = tpu.memref_slice %arg9[%mul3A_2, %dma_start3A] : memref<10240x128xf32, #tpu.memory_space<vmem_shared>> -> memref<640x128xf32, #tpu.memory_space<vmem_shared>>
      tpu.enqueue_dma source(%arg4 : memref<640x128xf32, #tpu.memory_space<hbm>>) target(%dma_start3A_15 : memref<640x128xf32, #tpu.memory_space<vmem_shared>>) target_semaphore(%run_scoped3A : memref<!tpu.dma_semaphore, #tpu.memory_space<semaphore_mem>>)
      %dma_wait3A = arith.constant 0 : i32
      %dma_wait3A_16 = tpu.memref_slice %arg9[%mul3A_2, %dma_wait3A] : memref<10240x128xf32, #tpu.memory_space<vmem_shared>> -> memref<640x128xf32, #tpu.memory_space<vmem_shared>>
      tpu.wait_dma2 semaphore(%run_scoped3A : memref<!tpu.dma_semaphore, #tpu.memory_space<semaphore_mem>>) src(%arg4 : memref<640x128xf32, #tpu.memory_space<hbm>>) dst(%dma_wait3A_16 : memref<640x128xf32, #tpu.memory_space<vmem_shared>>)
      tpu.yield
    }) : () -> ()
    %barrier3A = arith.constant 0 : index
    tpu.barrier barrier_id(%barrier3A)
    %scan3A = arith.constant 0 : i32
    %scan3A_3 = arith.constant 10 : i32
    %scan3A_4 = arith.addi %scan3A, %scan3A_3 : i32
    %scan3A_5 = arith.constant 1 : i32
    scf.for %scan3A_15 = %scan3A to %scan3A_4 step %scan3A_5  : i32 {
      %mul3A_16 = arith.constant 1 : i32
      %mul3A_17 = arith.muli %scan3A_15, %mul3A_16 : i32
      %add3A_18 = arith.constant 0 : i32
      %add3A_19 = arith.addi %add3A_18, %mul3A_17 : i32
      "tpu.region"() ({
        %run_scoped3A_27 = tpu.sem_alloc : memref<!tpu.dma_semaphore, #tpu.memory_space<semaphore_mem>>
        %dma_start3A = arith.constant 0 : i32
        %dma_start3A_28 = arith.constant 0 : i32
        %dma_start3A_29 = tpu.memref_slice %arg2[%add3A, %add3A_19, %dma_start3A, %dma_start3A_28] : memref<32x10x8x125xi32, #tpu.memory_space<hbm>> -> memref<1x1x8x125xi32, #tpu.memory_space<hbm>>
        %dma_start3A_30 = tpu.memref_squeeze %dma_start3A_29 : memref<1x1x8x125xi32, #tpu.memory_space<hbm>> -> memref<8x125xi32, #tpu.memory_space<hbm>>
        %dma_start3A_31 = arith.constant 0 : i32
        %dma_start3A_32 = arith.constant 0 : i32
        %dma_start3A_33 = tpu.memref_slice %arg2[%add3A, %add3A_19, %dma_start3A_31, %dma_start3A_32] : memref<32x10x8x125xi32, #tpu.memory_space<hbm>> -> memref<1x1x8x125xi32, #tpu.memory_space<hbm>>
        %dma_start3A_34 = tpu.memref_squeeze %dma_start3A_33 : memref<1x1x8x125xi32, #tpu.memory_space<hbm>> -> memref<8x125xi32, #tpu.memory_space<hbm>>
        tpu.enqueue_dma source(%dma_start3A_34 : memref<8x125xi32, #tpu.memory_space<hbm>>) target(%arg7 : memref<8x125xi32, #tpu.memory_space<vmem>>) target_semaphore(%run_scoped3A_27 : memref<!tpu.dma_semaphore, #tpu.memory_space<semaphore_mem>>)
        %dma_wait3A = arith.constant 0 : i32
        %dma_wait3A_35 = arith.constant 0 : i32
        %dma_wait3A_36 = tpu.memref_slice %arg2[%add3A, %add3A_19, %dma_wait3A, %dma_wait3A_35] : memref<32x10x8x125xi32, #tpu.memory_space<hbm>> -> memref<1x1x8x125xi32, #tpu.memory_space<hbm>>
        %dma_wait3A_37 = tpu.memref_squeeze %dma_wait3A_36 : memref<1x1x8x125xi32, #tpu.memory_space<hbm>> -> memref<8x125xi32, #tpu.memory_space<hbm>>
        %dma_wait3A_38 = arith.constant 0 : i32
        %dma_wait3A_39 = arith.constant 0 : i32
        %dma_wait3A_40 = tpu.memref_slice %arg2[%add3A, %add3A_19, %dma_wait3A_38, %dma_wait3A_39] : memref<32x10x8x125xi32, #tpu.memory_space<hbm>> -> memref<1x1x8x125xi32, #tpu.memory_space<hbm>>
        %dma_wait3A_41 = tpu.memref_squeeze %dma_wait3A_40 : memref<1x1x8x125xi32, #tpu.memory_space<hbm>> -> memref<8x125xi32, #tpu.memory_space<hbm>>
        tpu.wait_dma2 semaphore(%run_scoped3A_27 : memref<!tpu.dma_semaphore, #tpu.memory_space<semaphore_mem>>) src(%dma_wait3A_41 : memref<8x125xi32, #tpu.memory_space<hbm>>) dst(%arg7 : memref<8x125xi32, #tpu.memory_space<vmem>>)
        tpu.yield
      }) : () -> ()
      %run_scoped3A = arith.constant 0 : i32
      "tpu.region"() ({
        %run_scoped3A_27 = tpu.sem_alloc : memref<!tpu.dma_semaphore, #tpu.memory_space<semaphore_mem>>
        %dma_start3A = arith.constant 0 : i32
        %dma_start3A_28 = tpu.memref_slice %arg7[%run_scoped3A, %dma_start3A] : memref<8x125xi32, #tpu.memory_space<vmem>> -> memref<1x125xi32, #tpu.memory_space<vmem>>
        %dma_start3A_29 = tpu.memref_squeeze %dma_start3A_28 : memref<1x125xi32, #tpu.memory_space<vmem>> -> memref<125xi32, #tpu.memory_space<vmem>>
        %dma_start3A_30 = arith.constant 0 : i32
        %dma_start3A_31 = arith.constant 0 : i32
        %dma_start3A_32 = tpu.memref_slice %arg9[%dma_start3A_30, %dma_start3A_31] : memref<10240x128xf32, #tpu.memory_space<vmem_shared>> -> memref<10240x128xf32, #tpu.memory_space<vmem_shared>>
        tpu.enqueue_indirect_dma source(%arg8 : memref<125x128xf32, #tpu.memory_space<vmem>>) target(%dma_start3A_32 : memref<10240x128xf32, #tpu.memory_space<vmem_shared>>) offsets(%dma_start3A_29 : memref<125xi32, #tpu.memory_space<vmem>>) semaphore(%run_scoped3A_27 : memref<!tpu.dma_semaphore, #tpu.memory_space<semaphore_mem>>) {add = true}
        %dma_wait3A = arith.constant 0 : i32
        %dma_wait3A_33 = tpu.memref_slice %arg7[%run_scoped3A, %dma_wait3A] : memref<8x125xi32, #tpu.memory_space<vmem>> -> memref<1x125xi32, #tpu.memory_space<vmem>>
        %dma_wait3A_34 = tpu.memref_squeeze %dma_wait3A_33 : memref<1x125xi32, #tpu.memory_space<vmem>> -> memref<125xi32, #tpu.memory_space<vmem>>
        %dma_wait3A_35 = arith.constant 0 : i32
        %dma_wait3A_36 = arith.constant 0 : i32
        %dma_wait3A_37 = tpu.memref_slice %arg9[%dma_wait3A_35, %dma_wait3A_36] : memref<10240x128xf32, #tpu.memory_space<vmem_shared>> -> memref<10240x128xf32, #tpu.memory_space<vmem_shared>>
        tpu.wait_indirect_dma semaphore(%run_scoped3A_27 : memref<!tpu.dma_semaphore, #tpu.memory_space<semaphore_mem>>) src(%arg8 : memref<125x128xf32, #tpu.memory_space<vmem>>) dst(%dma_wait3A_37 : memref<10240x128xf32, #tpu.memory_space<vmem_shared>>)
        tpu.yield
      }) : () -> ()
      %run_scoped3A_20 = arith.constant 1 : i32
      "tpu.region"() ({
        %run_scoped3A_27 = tpu.sem_alloc : memref<!tpu.dma_semaphore, #tpu.memory_space<semaphore_mem>>
        %dma_start3A = arith.constant 0 : i32
        %dma_start3A_28 = tpu.memref_slice %arg7[%run_scoped3A_20, %dma_start3A] : memref<8x125xi32, #tpu.memory_space<vmem>> -> memref<1x125xi32, #tpu.memory_space<vmem>>
        %dma_start3A_29 = tpu.memref_squeeze %dma_start3A_28 : memref<1x125xi32, #tpu.memory_space<vmem>> -> memref<125xi32, #tpu.memory_space<vmem>>
        %dma_start3A_30 = arith.constant 0 : i32
        %dma_start3A_31 = arith.constant 0 : i32
        %dma_start3A_32 = tpu.memref_slice %arg9[%dma_start3A_30, %dma_start3A_31] : memref<10240x128xf32, #tpu.memory_space<vmem_shared>> -> memref<10240x128xf32, #tpu.memory_space<vmem_shared>>
        tpu.enqueue_indirect_dma source(%arg8 : memref<125x128xf32, #tpu.memory_space<vmem>>) target(%dma_start3A_32 : memref<10240x128xf32, #tpu.memory_space<vmem_shared>>) offsets(%dma_start3A_29 : memref<125xi32, #tpu.memory_space<vmem>>) semaphore(%run_scoped3A_27 : memref<!tpu.dma_semaphore, #tpu.memory_space<semaphore_mem>>) {add = true}
        %dma_wait3A = arith.constant 0 : i32
        %dma_wait3A_33 = tpu.memref_slice %arg7[%run_scoped3A_20, %dma_wait3A] : memref<8x125xi32, #tpu.memory_space<vmem>> -> memref<1x125xi32, #tpu.memory_space<vmem>>
        %dma_wait3A_34 = tpu.memref_squeeze %dma_wait3A_33 : memref<1x125xi32, #tpu.memory_space<vmem>> -> memref<125xi32, #tpu.memory_space<vmem>>
        %dma_wait3A_35 = arith.constant 0 : i32
        %dma_wait3A_36 = arith.constant 0 : i32
        %dma_wait3A_37 = tpu.memref_slice %arg9[%dma_wait3A_35, %dma_wait3A_36] : memref<10240x128xf32, #tpu.memory_space<vmem_shared>> -> memref<10240x128xf32, #tpu.memory_space<vmem_shared>>
        tpu.wait_indirect_dma semaphore(%run_scoped3A_27 : memref<!tpu.dma_semaphore, #tpu.memory_space<semaphore_mem>>) src(%arg8 : memref<125x128xf32, #tpu.memory_space<vmem>>) dst(%dma_wait3A_37 : memref<10240x128xf32, #tpu.memory_space<vmem_shared>>)
        tpu.yield
      }) : () -> ()
      %run_scoped3A_21 = arith.constant 2 : i32
      "tpu.region"() ({
        %run_scoped3A_27 = tpu.sem_alloc : memref<!tpu.dma_semaphore, #tpu.memory_space<semaphore_mem>>
        %dma_start3A = arith.constant 0 : i32
        %dma_start3A_28 = tpu.memref_slice %arg7[%run_scoped3A_21, %dma_start3A] : memref<8x125xi32, #tpu.memory_space<vmem>> -> memref<1x125xi32, #tpu.memory_space<vmem>>
        %dma_start3A_29 = tpu.memref_squeeze %dma_start3A_28 : memref<1x125xi32, #tpu.memory_space<vmem>> -> memref<125xi32, #tpu.memory_space<vmem>>
        %dma_start3A_30 = arith.constant 0 : i32
        %dma_start3A_31 = arith.constant 0 : i32
        %dma_start3A_32 = tpu.memref_slice %arg9[%dma_start3A_30, %dma_start3A_31] : memref<10240x128xf32, #tpu.memory_space<vmem_shared>> -> memref<10240x128xf32, #tpu.memory_space<vmem_shared>>
        tpu.enqueue_indirect_dma source(%arg8 : memref<125x128xf32, #tpu.memory_space<vmem>>) target(%dma_start3A_32 : memref<10240x128xf32, #tpu.memory_space<vmem_shared>>) offsets(%dma_start3A_29 : memref<125xi32, #tpu.memory_space<vmem>>) semaphore(%run_scoped3A_27 : memref<!tpu.dma_semaphore, #tpu.memory_space<semaphore_mem>>) {add = true}
        %dma_wait3A = arith.constant 0 : i32
        %dma_wait3A_33 = tpu.memref_slice %arg7[%run_scoped3A_21, %dma_wait3A] : memref<8x125xi32, #tpu.memory_space<vmem>> -> memref<1x125xi32, #tpu.memory_space<vmem>>
        %dma_wait3A_34 = tpu.memref_squeeze %dma_wait3A_33 : memref<1x125xi32, #tpu.memory_space<vmem>> -> memref<125xi32, #tpu.memory_space<vmem>>
        %dma_wait3A_35 = arith.constant 0 : i32
        %dma_wait3A_36 = arith.constant 0 : i32
        %dma_wait3A_37 = tpu.memref_slice %arg9[%dma_wait3A_35, %dma_wait3A_36] : memref<10240x128xf32, #tpu.memory_space<vmem_shared>> -> memref<10240x128xf32, #tpu.memory_space<vmem_shared>>
        tpu.wait_indirect_dma semaphore(%run_scoped3A_27 : memref<!tpu.dma_semaphore, #tpu.memory_space<semaphore_mem>>) src(%arg8 : memref<125x128xf32, #tpu.memory_space<vmem>>) dst(%dma_wait3A_37 : memref<10240x128xf32, #tpu.memory_space<vmem_shared>>)
        tpu.yield
      }) : () -> ()
      %run_scoped3A_22 = arith.constant 3 : i32
      "tpu.region"() ({
        %run_scoped3A_27 = tpu.sem_alloc : memref<!tpu.dma_semaphore, #tpu.memory_space<semaphore_mem>>
        %dma_start3A = arith.constant 0 : i32
        %dma_start3A_28 = tpu.memref_slice %arg7[%run_scoped3A_22, %dma_start3A] : memref<8x125xi32, #tpu.memory_space<vmem>> -> memref<1x125xi32, #tpu.memory_space<vmem>>
        %dma_start3A_29 = tpu.memref_squeeze %dma_start3A_28 : memref<1x125xi32, #tpu.memory_space<vmem>> -> memref<125xi32, #tpu.memory_space<vmem>>
        %dma_start3A_30 = arith.constant 0 : i32
        %dma_start3A_31 = arith.constant 0 : i32
        %dma_start3A_32 = tpu.memref_slice %arg9[%dma_start3A_30, %dma_start3A_31] : memref<10240x128xf32, #tpu.memory_space<vmem_shared>> -> memref<10240x128xf32, #tpu.memory_space<vmem_shared>>
        tpu.enqueue_indirect_dma source(%arg8 : memref<125x128xf32, #tpu.memory_space<vmem>>) target(%dma_start3A_32 : memref<10240x128xf32, #tpu.memory_space<vmem_shared>>) offsets(%dma_start3A_29 : memref<125xi32, #tpu.memory_space<vmem>>) semaphore(%run_scoped3A_27 : memref<!tpu.dma_semaphore, #tpu.memory_space<semaphore_mem>>) {add = true}
        %dma_wait3A = arith.constant 0 : i32
        %dma_wait3A_33 = tpu.memref_slice %arg7[%run_scoped3A_22, %dma_wait3A] : memref<8x125xi32, #tpu.memory_space<vmem>> -> memref<1x125xi32, #tpu.memory_space<vmem>>
        %dma_wait3A_34 = tpu.memref_squeeze %dma_wait3A_33 : memref<1x125xi32, #tpu.memory_space<vmem>> -> memref<125xi32, #tpu.memory_space<vmem>>
        %dma_wait3A_35 = arith.constant 0 : i32
        %dma_wait3A_36 = arith.constant 0 : i32
        %dma_wait3A_37 = tpu.memref_slice %arg9[%dma_wait3A_35, %dma_wait3A_36] : memref<10240x128xf32, #tpu.memory_space<vmem_shared>> -> memref<10240x128xf32, #tpu.memory_space<vmem_shared>>
        tpu.wait_indirect_dma semaphore(%run_scoped3A_27 : memref<!tpu.dma_semaphore, #tpu.memory_space<semaphore_mem>>) src(%arg8 : memref<125x128xf32, #tpu.memory_space<vmem>>) dst(%dma_wait3A_37 : memref<10240x128xf32, #tpu.memory_space<vmem_shared>>)
        tpu.yield
      }) : () -> ()
      %run_scoped3A_23 = arith.constant 4 : i32
      "tpu.region"() ({
        %run_scoped3A_27 = tpu.sem_alloc : memref<!tpu.dma_semaphore, #tpu.memory_space<semaphore_mem>>
        %dma_start3A = arith.constant 0 : i32
        %dma_start3A_28 = tpu.memref_slice %arg7[%run_scoped3A_23, %dma_start3A] : memref<8x125xi32, #tpu.memory_space<vmem>> -> memref<1x125xi32, #tpu.memory_space<vmem>>
        %dma_start3A_29 = tpu.memref_squeeze %dma_start3A_28 : memref<1x125xi32, #tpu.memory_space<vmem>> -> memref<125xi32, #tpu.memory_space<vmem>>
        %dma_start3A_30 = arith.constant 0 : i32
        %dma_start3A_31 = arith.constant 0 : i32
        %dma_start3A_32 = tpu.memref_slice %arg9[%dma_start3A_30, %dma_start3A_31] : memref<10240x128xf32, #tpu.memory_space<vmem_shared>> -> memref<10240x128xf32, #tpu.memory_space<vmem_shared>>
        tpu.enqueue_indirect_dma source(%arg8 : memref<125x128xf32, #tpu.memory_space<vmem>>) target(%dma_start3A_32 : memref<10240x128xf32, #tpu.memory_space<vmem_shared>>) offsets(%dma_start3A_29 : memref<125xi32, #tpu.memory_space<vmem>>) semaphore(%run_scoped3A_27 : memref<!tpu.dma_semaphore, #tpu.memory_space<semaphore_mem>>) {add = true}
        %dma_wait3A = arith.constant 0 : i32
        %dma_wait3A_33 = tpu.memref_slice %arg7[%run_scoped3A_23, %dma_wait3A] : memref<8x125xi32, #tpu.memory_space<vmem>> -> memref<1x125xi32, #tpu.memory_space<vmem>>
        %dma_wait3A_34 = tpu.memref_squeeze %dma_wait3A_33 : memref<1x125xi32, #tpu.memory_space<vmem>> -> memref<125xi32, #tpu.memory_space<vmem>>
        %dma_wait3A_35 = arith.constant 0 : i32
        %dma_wait3A_36 = arith.constant 0 : i32
        %dma_wait3A_37 = tpu.memref_slice %arg9[%dma_wait3A_35, %dma_wait3A_36] : memref<10240x128xf32, #tpu.memory_space<vmem_shared>> -> memref<10240x128xf32, #tpu.memory_space<vmem_shared>>
        tpu.wait_indirect_dma semaphore(%run_scoped3A_27 : memref<!tpu.dma_semaphore, #tpu.memory_space<semaphore_mem>>) src(%arg8 : memref<125x128xf32, #tpu.memory_space<vmem>>) dst(%dma_wait3A_37 : memref<10240x128xf32, #tpu.memory_space<vmem_shared>>)
        tpu.yield
      }) : () -> ()
      %run_scoped3A_24 = arith.constant 5 : i32
      "tpu.region"() ({
        %run_scoped3A_27 = tpu.sem_alloc : memref<!tpu.dma_semaphore, #tpu.memory_space<semaphore_mem>>
        %dma_start3A = arith.constant 0 : i32
        %dma_start3A_28 = tpu.memref_slice %arg7[%run_scoped3A_24, %dma_start3A] : memref<8x125xi32, #tpu.memory_space<vmem>> -> memref<1x125xi32, #tpu.memory_space<vmem>>
        %dma_start3A_29 = tpu.memref_squeeze %dma_start3A_28 : memref<1x125xi32, #tpu.memory_space<vmem>> -> memref<125xi32, #tpu.memory_space<vmem>>
        %dma_start3A_30 = arith.constant 0 : i32
        %dma_start3A_31 = arith.constant 0 : i32
        %dma_start3A_32 = tpu.memref_slice %arg9[%dma_start3A_30, %dma_start3A_31] : memref<10240x128xf32, #tpu.memory_space<vmem_shared>> -> memref<10240x128xf32, #tpu.memory_space<vmem_shared>>
        tpu.enqueue_indirect_dma source(%arg8 : memref<125x128xf32, #tpu.memory_space<vmem>>) target(%dma_start3A_32 : memref<10240x128xf32, #tpu.memory_space<vmem_shared>>) offsets(%dma_start3A_29 : memref<125xi32, #tpu.memory_space<vmem>>) semaphore(%run_scoped3A_27 : memref<!tpu.dma_semaphore, #tpu.memory_space<semaphore_mem>>) {add = true}
        %dma_wait3A = arith.constant 0 : i32
        %dma_wait3A_33 = tpu.memref_slice %arg7[%run_scoped3A_24, %dma_wait3A] : memref<8x125xi32, #tpu.memory_space<vmem>> -> memref<1x125xi32, #tpu.memory_space<vmem>>
        %dma_wait3A_34 = tpu.memref_squeeze %dma_wait3A_33 : memref<1x125xi32, #tpu.memory_space<vmem>> -> memref<125xi32, #tpu.memory_space<vmem>>
        %dma_wait3A_35 = arith.constant 0 : i32
        %dma_wait3A_36 = arith.constant 0 : i32
        %dma_wait3A_37 = tpu.memref_slice %arg9[%dma_wait3A_35, %dma_wait3A_36] : memref<10240x128xf32, #tpu.memory_space<vmem_shared>> -> memref<10240x128xf32, #tpu.memory_space<vmem_shared>>
        tpu.wait_indirect_dma semaphore(%run_scoped3A_27 : memref<!tpu.dma_semaphore, #tpu.memory_space<semaphore_mem>>) src(%arg8 : memref<125x128xf32, #tpu.memory_space<vmem>>) dst(%dma_wait3A_37 : memref<10240x128xf32, #tpu.memory_space<vmem_shared>>)
        tpu.yield
      }) : () -> ()
      %run_scoped3A_25 = arith.constant 6 : i32
      "tpu.region"() ({
        %run_scoped3A_27 = tpu.sem_alloc : memref<!tpu.dma_semaphore, #tpu.memory_space<semaphore_mem>>
        %dma_start3A = arith.constant 0 : i32
        %dma_start3A_28 = tpu.memref_slice %arg7[%run_scoped3A_25, %dma_start3A] : memref<8x125xi32, #tpu.memory_space<vmem>> -> memref<1x125xi32, #tpu.memory_space<vmem>>
        %dma_start3A_29 = tpu.memref_squeeze %dma_start3A_28 : memref<1x125xi32, #tpu.memory_space<vmem>> -> memref<125xi32, #tpu.memory_space<vmem>>
        %dma_start3A_30 = arith.constant 0 : i32
        %dma_start3A_31 = arith.constant 0 : i32
        %dma_start3A_32 = tpu.memref_slice %arg9[%dma_start3A_30, %dma_start3A_31] : memref<10240x128xf32, #tpu.memory_space<vmem_shared>> -> memref<10240x128xf32, #tpu.memory_space<vmem_shared>>
        tpu.enqueue_indirect_dma source(%arg8 : memref<125x128xf32, #tpu.memory_space<vmem>>) target(%dma_start3A_32 : memref<10240x128xf32, #tpu.memory_space<vmem_shared>>) offsets(%dma_start3A_29 : memref<125xi32, #tpu.memory_space<vmem>>) semaphore(%run_scoped3A_27 : memref<!tpu.dma_semaphore, #tpu.memory_space<semaphore_mem>>) {add = true}
        %dma_wait3A = arith.constant 0 : i32
        %dma_wait3A_33 = tpu.memref_slice %arg7[%run_scoped3A_25, %dma_wait3A] : memref<8x125xi32, #tpu.memory_space<vmem>> -> memref<1x125xi32, #tpu.memory_space<vmem>>
        %dma_wait3A_34 = tpu.memref_squeeze %dma_wait3A_33 : memref<1x125xi32, #tpu.memory_space<vmem>> -> memref<125xi32, #tpu.memory_space<vmem>>
        %dma_wait3A_35 = arith.constant 0 : i32
        %dma_wait3A_36 = arith.constant 0 : i32
        %dma_wait3A_37 = tpu.memref_slice %arg9[%dma_wait3A_35, %dma_wait3A_36] : memref<10240x128xf32, #tpu.memory_space<vmem_shared>> -> memref<10240x128xf32, #tpu.memory_space<vmem_shared>>
        tpu.wait_indirect_dma semaphore(%run_scoped3A_27 : memref<!tpu.dma_semaphore, #tpu.memory_space<semaphore_mem>>) src(%arg8 : memref<125x128xf32, #tpu.memory_space<vmem>>) dst(%dma_wait3A_37 : memref<10240x128xf32, #tpu.memory_space<vmem_shared>>)
        tpu.yield
      }) : () -> ()
      %run_scoped3A_26 = arith.constant 7 : i32
      "tpu.region"() ({
        %run_scoped3A_27 = tpu.sem_alloc : memref<!tpu.dma_semaphore, #tpu.memory_space<semaphore_mem>>
        %dma_start3A = arith.constant 0 : i32
        %dma_start3A_28 = tpu.memref_slice %arg7[%run_scoped3A_26, %dma_start3A] : memref<8x125xi32, #tpu.memory_space<vmem>> -> memref<1x125xi32, #tpu.memory_space<vmem>>
        %dma_start3A_29 = tpu.memref_squeeze %dma_start3A_28 : memref<1x125xi32, #tpu.memory_space<vmem>> -> memref<125xi32, #tpu.memory_space<vmem>>
        %dma_start3A_30 = arith.constant 0 : i32
        %dma_start3A_31 = arith.constant 0 : i32
        %dma_start3A_32 = tpu.memref_slice %arg9[%dma_start3A_30, %dma_start3A_31] : memref<10240x128xf32, #tpu.memory_space<vmem_shared>> -> memref<10240x128xf32, #tpu.memory_space<vmem_shared>>
        tpu.enqueue_indirect_dma source(%arg8 : memref<125x128xf32, #tpu.memory_space<vmem>>) target(%dma_start3A_32 : memref<10240x128xf32, #tpu.memory_space<vmem_shared>>) offsets(%dma_start3A_29 : memref<125xi32, #tpu.memory_space<vmem>>) semaphore(%run_scoped3A_27 : memref<!tpu.dma_semaphore, #tpu.memory_space<semaphore_mem>>) {add = true}
        %dma_wait3A = arith.constant 0 : i32
        %dma_wait3A_33 = tpu.memref_slice %arg7[%run_scoped3A_26, %dma_wait3A] : memref<8x125xi32, #tpu.memory_space<vmem>> -> memref<1x125xi32, #tpu.memory_space<vmem>>
        %dma_wait3A_34 = tpu.memref_squeeze %dma_wait3A_33 : memref<1x125xi32, #tpu.memory_space<vmem>> -> memref<125xi32, #tpu.memory_space<vmem>>
        %dma_wait3A_35 = arith.constant 0 : i32
        %dma_wait3A_36 = arith.constant 0 : i32
        %dma_wait3A_37 = tpu.memref_slice %arg9[%dma_wait3A_35, %dma_wait3A_36] : memref<10240x128xf32, #tpu.memory_space<vmem_shared>> -> memref<10240x128xf32, #tpu.memory_space<vmem_shared>>
        tpu.wait_indirect_dma semaphore(%run_scoped3A_27 : memref<!tpu.dma_semaphore, #tpu.memory_space<semaphore_mem>>) src(%arg8 : memref<125x128xf32, #tpu.memory_space<vmem>>) dst(%dma_wait3A_37 : memref<10240x128xf32, #tpu.memory_space<vmem_shared>>)
        tpu.yield
      }) : () -> ()
    }
    %scan3A_6 = arith.constant 10 : i32
    %barrier3A_7 = arith.constant 0 : index
    tpu.barrier barrier_id(%barrier3A_7)
    %eq3A = arith.constant 0 : i32
    %eq3A_8 = arith.cmpi eq, %arg0, %eq3A : i32
    %convert_element_type3A = arith.extui %eq3A_8 : i1 to i32
    %cond3A = arith.constant 0 : i32
    %cond3A_9 = arith.cmpi ne, %convert_element_type3A, %cond3A : i32
    scf.if %cond3A_9 {
      %lt3A = arith.constant 15 : i32
      %lt3A_15 = arith.cmpi slt, %arg1, %lt3A : i32
      %convert_element_type3A_16 = arith.extui %lt3A_15 : i1 to i32
      %cond3A_17 = arith.constant 0 : i32
      %cond3A_18 = arith.cmpi ne, %convert_element_type3A_16, %cond3A_17 : i32
      scf.if %cond3A_18 {
        %mul3A_24 = arith.constant 624 : i32
        %mul3A_25 = arith.muli %arg1, %mul3A_24 : i32
        %mul3A_26 = arith.constant 624 : i32
        %mul3A_27 = arith.muli %arg1, %mul3A_26 : i32
        "tpu.region"() ({
          %run_scoped3A = tpu.sem_alloc : memref<!tpu.dma_semaphore, #tpu.memory_space<semaphore_mem>>
          %dma_start3A = arith.constant 0 : i32
          %dma_start3A_28 = tpu.memref_slice %arg5[%mul3A_27, %dma_start3A] : memref<10000x128xf32, #tpu.memory_space<hbm>> -> memref<624x128xf32, #tpu.memory_space<hbm>>
          %dma_start3A_29 = arith.constant 0 : i32
          %dma_start3A_30 = tpu.memref_slice %arg9[%mul3A_25, %dma_start3A_29] : memref<10240x128xf32, #tpu.memory_space<vmem_shared>> -> memref<624x128xf32, #tpu.memory_space<vmem_shared>>
          tpu.enqueue_dma source(%dma_start3A_30 : memref<624x128xf32, #tpu.memory_space<vmem_shared>>) target(%dma_start3A_28 : memref<624x128xf32, #tpu.memory_space<hbm>>) target_semaphore(%run_scoped3A : memref<!tpu.dma_semaphore, #tpu.memory_space<semaphore_mem>>)
          %dma_wait3A = arith.constant 0 : i32
          %dma_wait3A_31 = tpu.memref_slice %arg5[%mul3A_27, %dma_wait3A] : memref<10000x128xf32, #tpu.memory_space<hbm>> -> memref<624x128xf32, #tpu.memory_space<hbm>>
          %dma_wait3A_32 = arith.constant 0 : i32
          %dma_wait3A_33 = tpu.memref_slice %arg9[%mul3A_25, %dma_wait3A_32] : memref<10240x128xf32, #tpu.memory_space<vmem_shared>> -> memref<624x128xf32, #tpu.memory_space<vmem_shared>>
          tpu.wait_dma2 semaphore(%run_scoped3A : memref<!tpu.dma_semaphore, #tpu.memory_space<semaphore_mem>>) src(%dma_wait3A_33 : memref<624x128xf32, #tpu.memory_space<vmem_shared>>) dst(%dma_wait3A_31 : memref<624x128xf32, #tpu.memory_space<hbm>>)
          tpu.yield
        }) : () -> ()
      } else {
      }
      %eq3A_19 = arith.constant 15 : i32
      %eq3A_20 = arith.cmpi eq, %arg1, %eq3A_19 : i32
      %convert_element_type3A_21 = arith.extui %eq3A_20 : i1 to i32
      %cond3A_22 = arith.constant 0 : i32
      %cond3A_23 = arith.cmpi ne, %convert_element_type3A_21, %cond3A_22 : i32
      scf.if %cond3A_23 {
        "tpu.region"() ({
          %run_scoped3A = tpu.sem_alloc : memref<!tpu.dma_semaphore, #tpu.memory_space<semaphore_mem>>
          %dma_start3A = arith.constant 9360 : i32
          %dma_start3A_24 = arith.constant 0 : i32
          %dma_start3A_25 = tpu.memref_slice %arg5[%dma_start3A, %dma_start3A_24] : memref<10000x128xf32, #tpu.memory_space<hbm>> -> memref<640x128xf32, #tpu.memory_space<hbm>>
          %dma_start3A_26 = arith.constant 9360 : i32
          %dma_start3A_27 = arith.constant 0 : i32
          %dma_start3A_28 = tpu.memref_slice %arg9[%dma_start3A_26, %dma_start3A_27] : memref<10240x128xf32, #tpu.memory_space<vmem_shared>> -> memref<640x128xf32, #tpu.memory_space<vmem_shared>>
          tpu.enqueue_dma source(%dma_start3A_28 : memref<640x128xf32, #tpu.memory_space<vmem_shared>>) target(%dma_start3A_25 : memref<640x128xf32, #tpu.memory_space<hbm>>) target_semaphore(%run_scoped3A : memref<!tpu.dma_semaphore, #tpu.memory_space<semaphore_mem>>)
          %dma_wait3A = arith.constant 9360 : i32
          %dma_wait3A_29 = arith.constant 0 : i32
          %dma_wait3A_30 = tpu.memref_slice %arg5[%dma_wait3A, %dma_wait3A_29] : memref<10000x128xf32, #tpu.memory_space<hbm>> -> memref<640x128xf32, #tpu.memory_space<hbm>>
          %dma_wait3A_31 = arith.constant 9360 : i32
          %dma_wait3A_32 = arith.constant 0 : i32
          %dma_wait3A_33 = tpu.memref_slice %arg9[%dma_wait3A_31, %dma_wait3A_32] : memref<10240x128xf32, #tpu.memory_space<vmem_shared>> -> memref<640x128xf32, #tpu.memory_space<vmem_shared>>
          tpu.wait_dma2 semaphore(%run_scoped3A : memref<!tpu.dma_semaphore, #tpu.memory_space<semaphore_mem>>) src(%dma_wait3A_33 : memref<640x128xf32, #tpu.memory_space<vmem_shared>>) dst(%dma_wait3A_30 : memref<640x128xf32, #tpu.memory_space<hbm>>)
          tpu.yield
        }) : () -> ()
      } else {
      }
    } else {
    }
    %eq3A_10 = arith.constant 1 : i32
    %eq3A_11 = arith.cmpi eq, %arg0, %eq3A_10 : i32
    %convert_element_type3A_12 = arith.extui %eq3A_11 : i1 to i32
    %cond3A_13 = arith.constant 0 : i32
    %cond3A_14 = arith.cmpi ne, %convert_element_type3A_12, %cond3A_13 : i32
    scf.if %cond3A_14 {
      %lt3A = arith.constant 15 : i32
      %lt3A_15 = arith.cmpi slt, %arg1, %lt3A : i32
      %convert_element_type3A_16 = arith.extui %lt3A_15 : i1 to i32
      %cond3A_17 = arith.constant 0 : i32
      %cond3A_18 = arith.cmpi ne, %convert_element_type3A_16, %cond3A_17 : i32
      scf.if %cond3A_18 {
        %mul3A_24 = arith.constant 624 : i32
        %mul3A_25 = arith.muli %arg1, %mul3A_24 : i32
        %mul3A_26 = arith.constant 624 : i32
        %mul3A_27 = arith.muli %arg1, %mul3A_26 : i32
        "tpu.region"() ({
          %run_scoped3A = tpu.sem_alloc : memref<!tpu.dma_semaphore, #tpu.memory_space<semaphore_mem>>
          %dma_start3A = arith.constant 0 : i32
          %dma_start3A_28 = tpu.memref_slice %arg6[%mul3A_27, %dma_start3A] : memref<10000x128xf32, #tpu.memory_space<hbm>> -> memref<624x128xf32, #tpu.memory_space<hbm>>
          %dma_start3A_29 = arith.constant 0 : i32
          %dma_start3A_30 = tpu.memref_slice %arg9[%mul3A_25, %dma_start3A_29] : memref<10240x128xf32, #tpu.memory_space<vmem_shared>> -> memref<624x128xf32, #tpu.memory_space<vmem_shared>>
          tpu.enqueue_dma source(%dma_start3A_30 : memref<624x128xf32, #tpu.memory_space<vmem_shared>>) target(%dma_start3A_28 : memref<624x128xf32, #tpu.memory_space<hbm>>) target_semaphore(%run_scoped3A : memref<!tpu.dma_semaphore, #tpu.memory_space<semaphore_mem>>)
          %dma_wait3A = arith.constant 0 : i32
          %dma_wait3A_31 = tpu.memref_slice %arg6[%mul3A_27, %dma_wait3A] : memref<10000x128xf32, #tpu.memory_space<hbm>> -> memref<624x128xf32, #tpu.memory_space<hbm>>
          %dma_wait3A_32 = arith.constant 0 : i32
          %dma_wait3A_33 = tpu.memref_slice %arg9[%mul3A_25, %dma_wait3A_32] : memref<10240x128xf32, #tpu.memory_space<vmem_shared>> -> memref<624x128xf32, #tpu.memory_space<vmem_shared>>
          tpu.wait_dma2 semaphore(%run_scoped3A : memref<!tpu.dma_semaphore, #tpu.memory_space<semaphore_mem>>) src(%dma_wait3A_33 : memref<624x128xf32, #tpu.memory_space<vmem_shared>>) dst(%dma_wait3A_31 : memref<624x128xf32, #tpu.memory_space<hbm>>)
          tpu.yield
        }) : () -> ()
      } else {
      }
      %eq3A_19 = arith.constant 15 : i32
      %eq3A_20 = arith.cmpi eq, %arg1, %eq3A_19 : i32
      %convert_element_type3A_21 = arith.extui %eq3A_20 : i1 to i32
      %cond3A_22 = arith.constant 0 : i32
      %cond3A_23 = arith.cmpi ne, %convert_element_type3A_21, %cond3A_22 : i32
      scf.if %cond3A_23 {
        "tpu.region"() ({
          %run_scoped3A = tpu.sem_alloc : memref<!tpu.dma_semaphore, #tpu.memory_space<semaphore_mem>>
          %dma_start3A = arith.constant 9360 : i32
          %dma_start3A_24 = arith.constant 0 : i32
          %dma_start3A_25 = tpu.memref_slice %arg6[%dma_start3A, %dma_start3A_24] : memref<10000x128xf32, #tpu.memory_space<hbm>> -> memref<640x128xf32, #tpu.memory_space<hbm>>
          %dma_start3A_26 = arith.constant 9360 : i32
          %dma_start3A_27 = arith.constant 0 : i32
          %dma_start3A_28 = tpu.memref_slice %arg9[%dma_start3A_26, %dma_start3A_27] : memref<10240x128xf32, #tpu.memory_space<vmem_shared>> -> memref<640x128xf32, #tpu.memory_space<vmem_shared>>
          tpu.enqueue_dma source(%dma_start3A_28 : memref<640x128xf32, #tpu.memory_space<vmem_shared>>) target(%dma_start3A_25 : memref<640x128xf32, #tpu.memory_space<hbm>>) target_semaphore(%run_scoped3A : memref<!tpu.dma_semaphore, #tpu.memory_space<semaphore_mem>>)
          %dma_wait3A = arith.constant 9360 : i32
          %dma_wait3A_29 = arith.constant 0 : i32
          %dma_wait3A_30 = tpu.memref_slice %arg6[%dma_wait3A, %dma_wait3A_29] : memref<10000x128xf32, #tpu.memory_space<hbm>> -> memref<640x128xf32, #tpu.memory_space<hbm>>
          %dma_wait3A_31 = arith.constant 9360 : i32
          %dma_wait3A_32 = arith.constant 0 : i32
          %dma_wait3A_33 = tpu.memref_slice %arg9[%dma_wait3A_31, %dma_wait3A_32] : memref<10240x128xf32, #tpu.memory_space<vmem_shared>> -> memref<640x128xf32, #tpu.memory_space<vmem_shared>>
          tpu.wait_dma2 semaphore(%run_scoped3A : memref<!tpu.dma_semaphore, #tpu.memory_space<semaphore_mem>>) src(%dma_wait3A_33 : memref<640x128xf32, #tpu.memory_space<vmem_shared>>) dst(%dma_wait3A_30 : memref<640x128xf32, #tpu.memory_space<hbm>>)
          tpu.yield
        }) : () -> ()
      } else {
      }
    } else {
    }
    return
  }
}

module attributes {stable_mosaic.version = 14 : i64} {
  func.func @_dense1_body(%arg0: i32, %arg1: memref<1000x128xf32, #tpu.memory_space<vmem>>, %arg2: memref<1000x128xf32, #tpu.memory_space<vmem>>, %arg3: memref<1000x128xf32, #tpu.memory_space<vmem>>, %arg4: memref<1000x128xf32, #tpu.memory_space<vmem>>, %arg5: memref<1000x128xf32, #tpu.memory_space<vmem>>, %arg6: memref<256x128xf32, #tpu.memory_space<vmem>>, %arg7: memref<1x256xf32, #tpu.memory_space<vmem>>, %arg8: memref<256x128xf32, #tpu.memory_space<vmem>>, %arg9: memref<128x256xf32, #tpu.memory_space<vmem>>, %arg10: memref<128x256xf32, #tpu.memory_space<vmem>>, %arg11: memref<1x128xf32, #tpu.memory_space<vmem>>, %arg12: memref<1000x128xf32, #tpu.memory_space<vmem>>, %arg13: memref<1000x128xf32, #tpu.memory_space<vmem>>) attributes {dimension_semantics = [#tpu.dimension_semantics<arbitrary>], iteration_bounds = array<i64: 10>, scalar_prefetch = 0 : i64, scratch_operands = 0 : i64, tpu.core_type = #tpu.core_type<tc>, window_params = [{transform_indices = @transform_0, window_bounds = array<i64: 1000, 128>}, {transform_indices = @transform_1, window_bounds = array<i64: 1000, 128>}, {transform_indices = @transform_2, window_bounds = array<i64: 1000, 128>}, {transform_indices = @transform_3, window_bounds = array<i64: 1000, 128>}, {transform_indices = @transform_4, window_bounds = array<i64: 1000, 128>}, {pipeline_mode = #tpu.pipeline_mode<synchronous>, transform_indices = @transform_5, window_bounds = array<i64: 256, 128>}, {pipeline_mode = #tpu.pipeline_mode<synchronous>, transform_indices = @transform_6, window_bounds = array<i64: 1, 256>}, {pipeline_mode = #tpu.pipeline_mode<synchronous>, transform_indices = @transform_7, window_bounds = array<i64: 256, 128>}, {pipeline_mode = #tpu.pipeline_mode<synchronous>, transform_indices = @transform_8, window_bounds = array<i64: 128, 256>}, {pipeline_mode = #tpu.pipeline_mode<synchronous>, transform_indices = @transform_9, window_bounds = array<i64: 128, 256>}, {pipeline_mode = #tpu.pipeline_mode<synchronous>, transform_indices = @transform_10, window_bounds = array<i64: 1, 128>}, {transform_indices = @transform_11, window_bounds = array<i64: 1000, 128>}, {transform_indices = @transform_12, window_bounds = array<i64: 1000, 128>}]} {
    %get3A = arith.constant 0 : index
    %get3A_0 = arith.constant 0 : index
    %get3A_1 = vector.load %arg3[%get3A, %get3A_0] : memref<1000x128xf32, #tpu.memory_space<vmem>>, vector<1000x1xf32>
    %get3A_2 = arith.constant 0 : index
    %get3A_3 = arith.constant 0 : index
    %get3A_4 = vector.load %arg4[%get3A_2, %get3A_3] : memref<1000x128xf32, #tpu.memory_space<vmem>>, vector<1000x1xf32>
    %add3A = arith.addf %get3A_1, %get3A_4 : vector<1000x1xf32>
    %max3A = arith.constant 1.000000e+00 : f32
    %max3A_5 = vector.broadcast %max3A : f32 to vector<1000x1xf32>
    %max3A_6 = arith.maximumf %add3A, %max3A_5 : vector<1000x1xf32>
    %get3A_7 = arith.constant 0 : index
    %get3A_8 = arith.constant 0 : index
    %get3A_9 = vector.load %arg1[%get3A_7, %get3A_8] : memref<1000x128xf32, #tpu.memory_space<vmem>>, vector<1000x128xf32>
    %get3A_10 = arith.constant 0 : index
    %get3A_11 = arith.constant 0 : index
    %get3A_12 = vector.load %arg2[%get3A_10, %get3A_11] : memref<1000x128xf32, #tpu.memory_space<vmem>>, vector<1000x128xf32>
    %add3A_13 = arith.addf %get3A_9, %get3A_12 : vector<1000x128xf32>
    %div3A = vector.broadcast %max3A_6 : vector<1000x1xf32> to vector<1000x128xf32>
    %div3A_14 = arith.divf %add3A_13, %div3A : vector<1000x128xf32>
    %get3A_15 = arith.constant 0 : index
    %get3A_16 = arith.constant 0 : index
    %get3A_17 = vector.load %arg6[%get3A_15, %get3A_16] : memref<256x128xf32, #tpu.memory_space<vmem>>, vector<256x128xf32>
    %dot_general3A = arith.constant dense<0.000000e+00> : vector<1000x256xf32>
    %dot_general3A_18 = tpu.matmul %div3A_14, %get3A_17, %dot_general3A {dimension_numbers = #tpu.dot_dimension_numbers<[1], [1], [0], [0], [0, 0, 1, 0], [], []>, transpose_lhs_hint = false} : vector<1000x128xf32>, vector<256x128xf32>, vector<1000x256xf32> -> vector<1000x256xf32>
    %get3A_19 = arith.constant 0 : index
    %get3A_20 = arith.constant 0 : index
    %get3A_21 = vector.load %arg7[%get3A_19, %get3A_20] : memref<1x256xf32, #tpu.memory_space<vmem>>, vector<1x256xf32>
    %add3A_22 = vector.broadcast %get3A_21 : vector<1x256xf32> to vector<1000x256xf32>
    %add3A_23 = arith.addf %dot_general3A_18, %add3A_22 : vector<1000x256xf32>
    %get3A_24 = arith.constant 0 : index
    %get3A_25 = arith.constant 0 : index
    %get3A_26 = vector.load %arg5[%get3A_24, %get3A_25] : memref<1000x128xf32, #tpu.memory_space<vmem>>, vector<1000x128xf32>
    %get3A_27 = arith.constant 0 : index
    %get3A_28 = arith.constant 0 : index
    %get3A_29 = vector.load %arg8[%get3A_27, %get3A_28] : memref<256x128xf32, #tpu.memory_space<vmem>>, vector<256x128xf32>
    %dot_general3A_30 = arith.constant dense<0.000000e+00> : vector<1000x256xf32>
    %dot_general3A_31 = tpu.matmul %get3A_26, %get3A_29, %dot_general3A_30 {dimension_numbers = #tpu.dot_dimension_numbers<[1], [1], [0], [0], [0, 0, 1, 0], [], []>, transpose_lhs_hint = false} : vector<1000x128xf32>, vector<256x128xf32>, vector<1000x256xf32> -> vector<1000x256xf32>
    %add3A_32 = arith.addf %add3A_23, %dot_general3A_31 : vector<1000x256xf32>
    %max3A_33 = arith.constant 0.000000e+00 : f32
    %max3A_34 = vector.broadcast %max3A_33 : f32 to vector<1000x256xf32>
    %max3A_35 = arith.maximumf %add3A_32, %max3A_34 : vector<1000x256xf32>
    %get3A_36 = arith.constant 0 : index
    %get3A_37 = arith.constant 0 : index
    %get3A_38 = vector.load %arg9[%get3A_36, %get3A_37] : memref<128x256xf32, #tpu.memory_space<vmem>>, vector<128x256xf32>
    %dot_general3A_39 = arith.constant dense<0.000000e+00> : vector<1000x128xf32>
    %dot_general3A_40 = tpu.matmul %max3A_35, %get3A_38, %dot_general3A_39 {dimension_numbers = #tpu.dot_dimension_numbers<[1], [1], [0], [0], [0, 0, 1, 0], [], []>, transpose_lhs_hint = false} : vector<1000x256xf32>, vector<128x256xf32>, vector<1000x128xf32> -> vector<1000x128xf32>
    %swap3A = arith.constant 0 : index
    %swap3A_41 = arith.constant 0 : index
    %swap3A_42 = vector.load %arg12[%swap3A, %swap3A_41] : memref<1000x128xf32, #tpu.memory_space<vmem>>, vector<1000x128xf32>
    tpu.vector_store %arg12[%swap3A, %swap3A_41], %dot_general3A_40 {strides = array<i32>} : memref<1000x128xf32, #tpu.memory_space<vmem>>, vector<1000x128xf32>,
    %get3A_43 = arith.constant 0 : index
    %get3A_44 = arith.constant 0 : index
    %get3A_45 = vector.load %arg10[%get3A_43, %get3A_44] : memref<128x256xf32, #tpu.memory_space<vmem>>, vector<128x256xf32>
    %dot_general3A_46 = arith.constant dense<0.000000e+00> : vector<1000x128xf32>
    %dot_general3A_47 = tpu.matmul %max3A_35, %get3A_45, %dot_general3A_46 {dimension_numbers = #tpu.dot_dimension_numbers<[1], [1], [0], [0], [0, 0, 1, 0], [], []>, transpose_lhs_hint = false} : vector<1000x256xf32>, vector<128x256xf32>, vector<1000x128xf32> -> vector<1000x128xf32>
    %get3A_48 = arith.constant 0 : index
    %get3A_49 = arith.constant 0 : index
    %get3A_50 = vector.load %arg11[%get3A_48, %get3A_49] : memref<1x128xf32, #tpu.memory_space<vmem>>, vector<1x128xf32>
    %add3A_51 = vector.broadcast %get3A_50 : vector<1x128xf32> to vector<1000x128xf32>
    %add3A_52 = arith.addf %dot_general3A_47, %add3A_51 : vector<1000x128xf32>
    %swap3A_53 = arith.constant 0 : index
    %swap3A_54 = arith.constant 0 : index
    %swap3A_55 = vector.load %arg13[%swap3A_53, %swap3A_54] : memref<1000x128xf32, #tpu.memory_space<vmem>>, vector<1000x128xf32>
    tpu.vector_store %arg13[%swap3A_53, %swap3A_54], %add3A_52 {strides = array<i32>} : memref<1000x128xf32, #tpu.memory_space<vmem>>, vector<1000x128xf32>,
    return
  }
  func.func @transform_0(%arg0: i32) -> (i32, i32) {
    %c0_i32 = arith.constant 0 : i32
    %c0_i32_0 = arith.constant 0 : i32
    return %arg0, %c0_i32 : i32, i32
  }
  func.func @transform_1(%arg0: i32) -> (i32, i32) {
    %c0_i32 = arith.constant 0 : i32
    %c0_i32_0 = arith.constant 0 : i32
    return %arg0, %c0_i32 : i32, i32
  }
  func.func @transform_2(%arg0: i32) -> (i32, i32) {
    %c0_i32 = arith.constant 0 : i32
    %c0_i32_0 = arith.constant 0 : i32
    return %arg0, %c0_i32 : i32, i32
  }
  func.func @transform_3(%arg0: i32) -> (i32, i32) {
    %c0_i32 = arith.constant 0 : i32
    %c0_i32_0 = arith.constant 0 : i32
    return %arg0, %c0_i32 : i32, i32
  }
  func.func @transform_4(%arg0: i32) -> (i32, i32) {
    %c0_i32 = arith.constant 0 : i32
    %c0_i32_0 = arith.constant 0 : i32
    return %arg0, %c0_i32 : i32, i32
  }
  func.func @transform_5(%arg0: i32) -> (i32, i32) {
    %c0_i32 = arith.constant 0 : i32
    %c0_i32_0 = arith.constant 0 : i32
    %c0_i32_1 = arith.constant 0 : i32
    return %c0_i32, %c0_i32_0 : i32, i32
  }
  func.func @transform_6(%arg0: i32) -> (i32, i32) {
    %c0_i32 = arith.constant 0 : i32
    %c0_i32_0 = arith.constant 0 : i32
    %c0_i32_1 = arith.constant 0 : i32
    return %c0_i32, %c0_i32_0 : i32, i32
  }
  func.func @transform_7(%arg0: i32) -> (i32, i32) {
    %c0_i32 = arith.constant 0 : i32
    %c0_i32_0 = arith.constant 0 : i32
    %c0_i32_1 = arith.constant 0 : i32
    return %c0_i32, %c0_i32_0 : i32, i32
  }
  func.func @transform_8(%arg0: i32) -> (i32, i32) {
    %c0_i32 = arith.constant 0 : i32
    %c0_i32_0 = arith.constant 0 : i32
    %c0_i32_1 = arith.constant 0 : i32
    return %c0_i32, %c0_i32_0 : i32, i32
  }
  func.func @transform_9(%arg0: i32) -> (i32, i32) {
    %c0_i32 = arith.constant 0 : i32
    %c0_i32_0 = arith.constant 0 : i32
    %c0_i32_1 = arith.constant 0 : i32
    return %c0_i32, %c0_i32_0 : i32, i32
  }
  func.func @transform_10(%arg0: i32) -> (i32, i32) {
    %c0_i32 = arith.constant 0 : i32
    %c0_i32_0 = arith.constant 0 : i32
    %c0_i32_1 = arith.constant 0 : i32
    return %c0_i32, %c0_i32_0 : i32, i32
  }
  func.func @transform_11(%arg0: i32) -> (i32, i32) {
    %c0_i32 = arith.constant 0 : i32
    %c0_i32_0 = arith.constant 0 : i32
    return %arg0, %c0_i32 : i32, i32
  }
  func.func @transform_12(%arg0: i32) -> (i32, i32) {
    %c0_i32 = arith.constant 0 : i32
    %c0_i32_0 = arith.constant 0 : i32
    return %arg0, %c0_i32 : i32, i32
  }
}

module attributes {stable_mosaic.version = 14 : i64} {
  func.func @_dense2_body(%arg0: i32, %arg1: memref<1000x128xf32, #tpu.memory_space<vmem>>, %arg2: memref<1000x128xf32, #tpu.memory_space<vmem>>, %arg3: memref<1000x128xf32, #tpu.memory_space<vmem>>, %arg4: memref<1000x128xf32, #tpu.memory_space<vmem>>, %arg5: memref<1000x128xf32, #tpu.memory_space<vmem>>, %arg6: memref<1x1x1000xi32, #tpu.memory_space<vmem>>, %arg7: memref<16x128xf32, #tpu.memory_space<vmem>>, %arg8: memref<1x16xf32, #tpu.memory_space<vmem>>, %arg9: memref<64x16xf32, #tpu.memory_space<vmem>>, %arg10: memref<64x128xf32, #tpu.memory_space<vmem>>, %arg11: memref<64x1xf32, #tpu.memory_space<vmem>>) attributes {dimension_semantics = [#tpu.dimension_semantics<arbitrary>], iteration_bounds = array<i64: 10>, scalar_prefetch = 0 : i64, scratch_operands = 2 : i64, tpu.core_type = #tpu.core_type<tc>, window_params = [{transform_indices = @transform_0, window_bounds = array<i64: 1000, 128>}, {transform_indices = @transform_1, window_bounds = array<i64: 1000, 128>}, {transform_indices = @transform_2, window_bounds = array<i64: 1000, 128>}, {transform_indices = @transform_3, window_bounds = array<i64: 1000, 128>}, {transform_indices = @transform_4, window_bounds = array<i64: 1000, 128>}, {transform_indices = @transform_5, window_bounds = array<i64: 1, 1, 1000>}, {pipeline_mode = #tpu.pipeline_mode<synchronous>, transform_indices = @transform_6, window_bounds = array<i64: 16, 128>}, {pipeline_mode = #tpu.pipeline_mode<synchronous>, transform_indices = @transform_7, window_bounds = array<i64: 1, 16>}, {pipeline_mode = #tpu.pipeline_mode<synchronous>, transform_indices = @transform_8, window_bounds = array<i64: 64, 16>}]} {
    %eq3A = arith.constant 0 : i32
    %eq3A_0 = arith.cmpi eq, %arg0, %eq3A : i32
    %convert_element_type3A = arith.extui %eq3A_0 : i1 to i32
    %cond3A = arith.constant 0 : i32
    %cond3A_1 = arith.cmpi ne, %convert_element_type3A, %cond3A : i32
    scf.if %cond3A_1 {
      %broadcast_in_dim3A_53 = arith.constant 0.000000e+00 : f32
      %broadcast_in_dim3A_54 = vector.broadcast %broadcast_in_dim3A_53 : f32 to vector<64x128xf32>
      %swap3A_55 = arith.constant 0 : index
      %swap3A_56 = arith.constant 0 : index
      %swap3A_57 = vector.load %arg10[%swap3A_55, %swap3A_56] : memref<64x128xf32, #tpu.memory_space<vmem>>, vector<64x128xf32>
      tpu.vector_store %arg10[%swap3A_55, %swap3A_56], %broadcast_in_dim3A_54 {strides = array<i32>} : memref<64x128xf32, #tpu.memory_space<vmem>>, vector<64x128xf32>,
      %broadcast_in_dim3A_58 = arith.constant 0.000000e+00 : f32
      %broadcast_in_dim3A_59 = vector.broadcast %broadcast_in_dim3A_58 : f32 to vector<64x1xf32>
      %swap3A_60 = arith.constant 0 : index
      %swap3A_61 = arith.constant 0 : index
      %swap3A_62 = vector.load %arg11[%swap3A_60, %swap3A_61] : memref<64x1xf32, #tpu.memory_space<vmem>>, vector<64x1xf32>
      tpu.vector_store %arg11[%swap3A_60, %swap3A_61], %broadcast_in_dim3A_59 {strides = array<i32>} : memref<64x1xf32, #tpu.memory_space<vmem>>, vector<64x1xf32>,
    } else {
    }
    %get3A = arith.constant 0 : index
    %get3A_2 = arith.constant 0 : index
    %get3A_3 = vector.load %arg3[%get3A, %get3A_2] : memref<1000x128xf32, #tpu.memory_space<vmem>>, vector<1000x1xf32>
    %get3A_4 = arith.constant 0 : index
    %get3A_5 = arith.constant 0 : index
    %get3A_6 = vector.load %arg4[%get3A_4, %get3A_5] : memref<1000x128xf32, #tpu.memory_space<vmem>>, vector<1000x1xf32>
    %add3A = arith.addf %get3A_3, %get3A_6 : vector<1000x1xf32>
    %max3A = arith.constant 1.000000e+00 : f32
    %max3A_7 = vector.broadcast %max3A : f32 to vector<1000x1xf32>
    %max3A_8 = arith.maximumf %add3A, %max3A_7 : vector<1000x1xf32>
    %get3A_9 = arith.constant 0 : index
    %get3A_10 = arith.constant 0 : index
    %get3A_11 = vector.load %arg1[%get3A_9, %get3A_10] : memref<1000x128xf32, #tpu.memory_space<vmem>>, vector<1000x128xf32>
    %get3A_12 = arith.constant 0 : index
    %get3A_13 = arith.constant 0 : index
    %get3A_14 = vector.load %arg2[%get3A_12, %get3A_13] : memref<1000x128xf32, #tpu.memory_space<vmem>>, vector<1000x128xf32>
    %add3A_15 = arith.addf %get3A_11, %get3A_14 : vector<1000x128xf32>
    %div3A = vector.broadcast %max3A_8 : vector<1000x1xf32> to vector<1000x128xf32>
    %div3A_16 = arith.divf %add3A_15, %div3A : vector<1000x128xf32>
    %get3A_17 = arith.constant 0 : index
    %get3A_18 = arith.constant 0 : index
    %get3A_19 = vector.load %arg5[%get3A_17, %get3A_18] : memref<1000x128xf32, #tpu.memory_space<vmem>>, vector<1000x128xf32>
    %add3A_20 = arith.addf %div3A_16, %get3A_19 : vector<1000x128xf32>
    %max3A_21 = arith.constant 0.000000e+00 : f32
    %max3A_22 = vector.broadcast %max3A_21 : f32 to vector<1000x128xf32>
    %max3A_23 = arith.maximumf %add3A_20, %max3A_22 : vector<1000x128xf32>
    %get3A_24 = arith.constant 0 : index
    %get3A_25 = arith.constant 0 : index
    %get3A_26 = arith.constant 0 : index
    %get3A_27 = vector.load %arg6[%get3A_24, %get3A_25, %get3A_26] : memref<1x1x1000xi32, #tpu.memory_space<vmem>>, vector<1x1x1000xi32>
    %get3A_28 = vector.shape_cast %get3A_27 : vector<1x1x1000xi32> to vector<1x1000xi32>
    %iota3A = tpu.iota {dimensions = array<i32: 0>} : vector<64x1000xi32>
    %eq3A_29 = vector.broadcast %get3A_28 : vector<1x1000xi32> to vector<64x1000xi32>
    %eq3A_30 = arith.cmpi eq, %iota3A, %eq3A_29 : vector<64x1000xi32>
    %convert_element_type3A_31 = arith.extui %eq3A_30 : vector<64x1000xi1> to vector<64x1000xi32>
    %convert_element_type3A_32 = arith.sitofp %convert_element_type3A_31 : vector<64x1000xi32> to vector<64x1000xf32>
    %get3A_33 = arith.constant 0 : index
    %get3A_34 = arith.constant 0 : index
    %get3A_35 = vector.load %arg10[%get3A_33, %get3A_34] : memref<64x128xf32, #tpu.memory_space<vmem>>, vector<64x128xf32>
    %dot_general3A = arith.constant dense<0.000000e+00> : vector<64x128xf32>
    %dot_general3A_36 = tpu.matmul %convert_element_type3A_32, %max3A_23, %dot_general3A {dimension_numbers = #tpu.dot_dimension_numbers<[1], [0], [0], [1], [0, 0, 1, 1], [], []>, transpose_lhs_hint = false} : vector<64x1000xf32>, vector<1000x128xf32>, vector<64x128xf32> -> vector<64x128xf32>
    %add3A_37 = arith.addf %get3A_35, %dot_general3A_36 : vector<64x128xf32>
    %swap3A = arith.constant 0 : index
    %swap3A_38 = arith.constant 0 : index
    %swap3A_39 = vector.load %arg10[%swap3A, %swap3A_38] : memref<64x128xf32, #tpu.memory_space<vmem>>, vector<64x128xf32>
    tpu.vector_store %arg10[%swap3A, %swap3A_38], %add3A_37 {strides = array<i32>} : memref<64x128xf32, #tpu.memory_space<vmem>>, vector<64x128xf32>,
    %get3A_40 = arith.constant 0 : index
    %get3A_41 = arith.constant 0 : index
    %get3A_42 = vector.load %arg11[%get3A_40, %get3A_41] : memref<64x1xf32, #tpu.memory_space<vmem>>, vector<64x1xf32>
    %reduce_sum3A = arith.constant dense<0.000000e+00> : vector<64xf32>
    %reduce_sum3A_43 = vector.multi_reduction <add>, %convert_element_type3A_32, %reduce_sum3A [1] : vector<64x1000xf32> to vector<64xf32>
    %broadcast_in_dim3A = vector.shape_cast %reduce_sum3A_43 : vector<64xf32> to vector<64x1xf32>
    %add3A_44 = arith.addf %get3A_42, %broadcast_in_dim3A : vector<64x1xf32>
    %swap3A_45 = arith.constant 0 : index
    %swap3A_46 = arith.constant 0 : index
    %swap3A_47 = vector.load %arg11[%swap3A_45, %swap3A_46] : memref<64x1xf32, #tpu.memory_space<vmem>>, vector<64x1xf32>
    tpu.vector_store %arg11[%swap3A_45, %swap3A_46], %add3A_44 {strides = array<i32>} : memref<64x1xf32, #tpu.memory_space<vmem>>, vector<64x1xf32>,
    %eq3A_48 = arith.constant 9 : i32
    %eq3A_49 = arith.cmpi eq, %arg0, %eq3A_48 : i32
    %convert_element_type3A_50 = arith.extui %eq3A_49 : i1 to i32
    %cond3A_51 = arith.constant 0 : i32
    %cond3A_52 = arith.cmpi ne, %convert_element_type3A_50, %cond3A_51 : i32
    scf.if %cond3A_52 {
      %get3A_53 = arith.constant 0 : index
      %get3A_54 = arith.constant 0 : index
      %get3A_55 = vector.load %arg10[%get3A_53, %get3A_54] : memref<64x128xf32, #tpu.memory_space<vmem>>, vector<64x128xf32>
      %get3A_56 = arith.constant 0 : index
      %get3A_57 = arith.constant 0 : index
      %get3A_58 = vector.load %arg11[%get3A_56, %get3A_57] : memref<64x1xf32, #tpu.memory_space<vmem>>, vector<64x1xf32>
      %max3A_59 = arith.constant 1.000000e+00 : f32
      %max3A_60 = vector.broadcast %max3A_59 : f32 to vector<64x1xf32>
      %max3A_61 = arith.maximumf %get3A_58, %max3A_60 : vector<64x1xf32>
      %div3A_62 = vector.broadcast %max3A_61 : vector<64x1xf32> to vector<64x128xf32>
      %div3A_63 = arith.divf %get3A_55, %div3A_62 : vector<64x128xf32>
      %get3A_64 = arith.constant 0 : index
      %get3A_65 = arith.constant 0 : index
      %get3A_66 = vector.load %arg7[%get3A_64, %get3A_65] : memref<16x128xf32, #tpu.memory_space<vmem>>, vector<16x128xf32>
      %dot_general3A_67 = arith.constant dense<0.000000e+00> : vector<64x16xf32>
      %dot_general3A_68 = tpu.matmul %div3A_63, %get3A_66, %dot_general3A_67 {dimension_numbers = #tpu.dot_dimension_numbers<[1], [1], [0], [0], [0, 0, 1, 0], [], []>, transpose_lhs_hint = false} : vector<64x128xf32>, vector<16x128xf32>, vector<64x16xf32> -> vector<64x16xf32>
      %get3A_69 = arith.constant 0 : index
      %get3A_70 = arith.constant 0 : index
      %get3A_71 = vector.load %arg8[%get3A_69, %get3A_70] : memref<1x16xf32, #tpu.memory_space<vmem>>, vector<1x16xf32>
      %add3A_72 = vector.broadcast %get3A_71 : vector<1x16xf32> to vector<64x16xf32>
      %add3A_73 = arith.addf %dot_general3A_68, %add3A_72 : vector<64x16xf32>
      %swap3A_74 = arith.constant 0 : index
      %swap3A_75 = arith.constant 0 : index
      %swap3A_76 = vector.load %arg9[%swap3A_74, %swap3A_75] : memref<64x16xf32, #tpu.memory_space<vmem>>, vector<64x16xf32>
      tpu.vector_store %arg9[%swap3A_74, %swap3A_75], %add3A_73 {strides = array<i32>} : memref<64x16xf32, #tpu.memory_space<vmem>>, vector<64x16xf32>,
    } else {
    }
    return
  }
  func.func @transform_0(%arg0: i32) -> (i32, i32) {
    %c0_i32 = arith.constant 0 : i32
    %c0_i32_0 = arith.constant 0 : i32
    return %arg0, %c0_i32 : i32, i32
  }
  func.func @transform_1(%arg0: i32) -> (i32, i32) {
    %c0_i32 = arith.constant 0 : i32
    %c0_i32_0 = arith.constant 0 : i32
    return %arg0, %c0_i32 : i32, i32
  }
  func.func @transform_2(%arg0: i32) -> (i32, i32) {
    %c0_i32 = arith.constant 0 : i32
    %c0_i32_0 = arith.constant 0 : i32
    return %arg0, %c0_i32 : i32, i32
  }
  func.func @transform_3(%arg0: i32) -> (i32, i32) {
    %c0_i32 = arith.constant 0 : i32
    %c0_i32_0 = arith.constant 0 : i32
    return %arg0, %c0_i32 : i32, i32
  }
  func.func @transform_4(%arg0: i32) -> (i32, i32) {
    %c0_i32 = arith.constant 0 : i32
    %c0_i32_0 = arith.constant 0 : i32
    return %arg0, %c0_i32 : i32, i32
  }
  func.func @transform_5(%arg0: i32) -> (i32, i32, i32) {
    %c0_i32 = arith.constant 0 : i32
    %c0_i32_0 = arith.constant 0 : i32
    %c0_i32_1 = arith.constant 0 : i32
    return %arg0, %c0_i32, %c0_i32_0 : i32, i32, i32
  }
  func.func @transform_6(%arg0: i32) -> (i32, i32) {
    %c0_i32 = arith.constant 0 : i32
    %c0_i32_0 = arith.constant 0 : i32
    %c0_i32_1 = arith.constant 0 : i32
    return %c0_i32, %c0_i32_0 : i32, i32
  }
  func.func @transform_7(%arg0: i32) -> (i32, i32) {
    %c0_i32 = arith.constant 0 : i32
    %c0_i32_0 = arith.constant 0 : i32
    %c0_i32_1 = arith.constant 0 : i32
    return %c0_i32, %c0_i32_0 : i32, i32
  }
  func.func @transform_8(%arg0: i32) -> (i32, i32) {
    %c0_i32 = arith.constant 0 : i32
    %c0_i32_0 = arith.constant 0 : i32
    %c0_i32_1 = arith.constant 0 : i32
    return %c0_i32, %c0_i32_0 : i32, i32
  }
}

</mosaic_0001>

<sc_bundles>
// kernel: sc_edge_agg.4.cloned.1.call-start
scs
__scs_entry_jumppad:
0x0: {  	(pc) =	sbr.rel $0x88, $3  }
0x1: {  	(tag) =	ssettag $0x0;
	lr =	simm.s32 $0x1  }
0x2: {  	[smem:$0x3F96] =	sst lr;
	_ =	strace $0xD0000000  }
0x3: {  	_ = 	snop  }
0x4: {  	_ = 	snop  }
0x5: {  	_ = 	snop  }
0x6: {  	_ = 	snop  }
0x7: {  	_ = 	snop  }
__scs_overlays_trampoline_lowered:
0x8: {  	[smem:$0x3FA5] =	sst s0  }
0x9: {  	[smem:$0x3FA6] =	sst s1  }
0xa: {  	[smem:$0x3FA7] =	sst s2  }
0xb: {  	[smem:$0x3FA8] =	sst s3  }
0xc: {  	[smem:$0x3FA9] =	sst s4  }
0xd: {  	[smem:$0x3FAA] =	sst s5  }
0xe: {  	[smem:$0x3FAB] =	sst s6  }
0xf: {  	[smem:$0x3FAC] =	sst s7  }
0x10: {  	[smem:$0x3FAD] =	sst s8  }
0x11: {  	[smem:$0x3FAE] =	sst s9;
	s0 =	simm.s32 @!p0 $0x0  }
0x12: {  	s1 =	sld [smem:$0x3F94];
	s0 =	simm.s32 @p0 $0x1  }
0x13: {  	[smem:$0x3FAF] =	sst s0;
	s0 =	simm.s32 @!p1 $0x0  }
0x14: {  	s2 =	sld [smem:$0x3F93];
	s0 =	simm.s32 @p1 $0x1  }
0x15: {  	[smem:$0x3FB0] =	sst s0;
	s0 =	simm.s32 @!p2 $0x0  }
0x16: {  	s3 =	sld [smem:$0x3FDB];
	s0 =	simm.s32 @p2 $0x1  }
0x17: {  	s4 =	simm.s32 $0x1BF5;
	[smem:$0x3FB2] =	sst s0  }
0x18: {  	s0 =	sld [smem:$0x3F95];
	_ =	swait.ge [sflag:s4], $0x0  }
0x19: {  	s7 =	sld [smem:$0x3F96]  }
0x1a: {  	s8 =	sadd.s32 $0xFFFFE003, lr  }
0x1b: {  	s9 =	sadd.s32 $0xFFFFFEF7, lr;
	s5 =	simm.s32 $0xFFFFFFFF;
	p2 =	slt.u32 s8, $0xFFFFF086  }
0x1c: {  	p1 =	slt.u32 s9, $0xF7A;
	s5 =	simm.s32 @!p2 $0x0  }
0x1d: {  	s5 =	simm.s32 @p1 $0x1;
	p0 =	seq.s32 s7, s2  }
0x1e: {  	s7 =	smul.u32 @!p0 $0xF7A, s2;
	p2 =	seq.s32 @!p0 s5, $0x0  }
0x1f: {  	s9 =	smul.u32 $0xF7A, s1;
	s8 =	simm.s32 @!p0 $0x1BF5;
	p2 =	por !p2, p0  }
0x20: {  	[sflag:s8] =	ssyncset.s32 @!p0 $0xFFFFF086;
	s6 =	sadd.s32 @!p0 s3, s7;
	s7 =	simm.s32 @!p0 $0x108  }
0x21: {  	s3 =	sadd.s32 s3, s9;
	s6 =	sadd.s32 @!p0 $0x88, s6;
	s7 =	simm.s32 @p2 $0x1082  }
0x22: {  	[simem:s7], [sflag:s8] =	dma.local @!p0 [hbm:s6], $0xF7A  }
0x23: {  	s9 =	sor.u32 $0xD0000000, s2;
	s6 =	simm.s32 $0x108;
	_ =	swait.ge @!p0 [sflag:s8], $0x0  }
0x24: {  	s3 =	sadd.s32 $0x88, s3;
	s6 =	simm.s32 @!p1 $0x1082;
	[sflag:s4] =	ssyncset.s32 $0xFFFFF086  }
0x25: {  	[simem:s6], [sflag:s4] =	dma.local [hbm:s3], $0xF7A  }
0x26: {  	[smem:$0x3F96] =	sst s1;
	(tag) =	ssettag s2;
	_ =	strace s9  }
0x27: {  	s1 =	sld [smem:$0x3FA6]  }
0x28: {  	s2 =	sld [smem:$0x3FA7]  }
0x29: {  	s4 =	sld [smem:$0x3FA9]  }
0x2a: {  	p0 =	seq.s32 s5, $0x0;
	s5 =	sld [smem:$0x3FAA]  }
0x2b: {  	s6 =	sld [smem:$0x3FAB]  }
0x2c: {  	s7 =	sld [smem:$0x3FAC]  }
0x2d: {  	s3 =	simm.s32 $0x108;
	s8 =	sld [smem:$0x3FAD]  }
0x2e: {  	s3 =	simm.s32 @!p0 $0x1082;
	s9 =	sld [smem:$0x3FAE]  }
0x2f: {  	lr =	sadd.s32 s0, s3;
	s0 =	sld [smem:$0x3FA5]  }
0x30: {  	s3 =	sld [smem:$0x3FA8]  }
0x31: {  	[smem:$0x3FB1] =	sst s10  }
0x32: {  	s10 =	sld [smem:$0x3FAF];
	_ =	sdelay $0x3  }
0x33: {  	p0 =	seq.s32 s10, $0x1;
	s10 =	sld [smem:$0x3FB1];
	_ =	sdelay $0x3  }
0x34: {  	[smem:$0x3FB1] =	sst s10  }
0x35: {  	s10 =	sld [smem:$0x3FB0];
	_ =	sdelay $0x3  }
0x36: {  	p1 =	seq.s32 s10, $0x1;
	s10 =	sld [smem:$0x3FB1];
	_ =	sdelay $0x3  }
0x37: {  	[smem:$0x3FB1] =	sst s10  }
0x38: {  	s10 =	sld [smem:$0x3FB2]  }
0x39: {  	_ = 	snop;
	(pc) =	sbr.ind lr, $3  }
0x3a: {  	_ = 	snop  }
0x3b: {  	_ = 	snop  }
0x3c: {  	p2 =	seq.s32 s10, $0x1;
	s10 =	sld [smem:$0x3FB1]  }
0x3d: {  	_ =	shalt  }
0x3e: {  	_ =	shalt  }
0x3f: {  	_ =	shalt  }
0x40: {  	_ =	shalt  }
0x41: {  	_ =	shalt  }
0x42: {  	_ =	shalt  }
0x43: {  	_ =	shalt  }
0x44: {  	_ =	shalt  }
0x45: {  	_ =	shalt  }
0x46: {  	_ =	shalt  }
0x47: {  	_ =	shalt  }
0x48: {  	_ =	shalt  }
0x49: {  	_ =	shalt  }
0x4a: {  	_ =	shalt  }
0x4b: {  	_ =	shalt  }
0x4c: {  	_ =	shalt  }
0x4d: {  	_ =	shalt  }
0x4e: {  	_ =	shalt  }
0x4f: {  	_ =	shalt  }
0x50: {  	_ =	shalt  }
0x51: {  	_ =	shalt  }
0x52: {  	_ =	shalt  }
0x53: {  	_ =	shalt  }
0x54: {  	_ =	shalt  }
0x55: {  	_ =	shalt  }
0x56: {  	_ =	shalt  }
0x57: {  	_ =	shalt  }
0x58: {  	_ =	shalt  }
0x59: {  	_ =	shalt  }
0x5a: {  	_ =	shalt  }
0x5b: {  	_ =	shalt  }
0x5c: {  	_ =	shalt  }
0x5d: {  	_ =	shalt  }
0x5e: {  	_ =	shalt  }
0x5f: {  	_ =	shalt  }
0x60: {  	_ =	shalt  }
0x61: {  	_ =	shalt  }
0x62: {  	_ =	shalt  }
0x63: {  	_ =	shalt  }
0x64: {  	_ =	shalt  }
0x65: {  	_ =	shalt  }
0x66: {  	_ =	shalt  }
0x67: {  	_ =	shalt  }
0x68: {  	_ =	shalt  }
0x69: {  	_ =	shalt  }
0x6a: {  	_ =	shalt  }
0x6b: {  	_ =	shalt  }
0x6c: {  	_ =	shalt  }
0x6d: {  	_ =	shalt  }
0x6e: {  	_ =	shalt  }
0x6f: {  	_ =	shalt  }
0x70: {  	_ =	shalt  }
0x71: {  	_ =	shalt  }
0x72: {  	_ =	shalt  }
0x73: {  	_ =	shalt  }
0x74: {  	_ =	shalt  }
0x75: {  	_ =	shalt  }
0x76: {  	_ =	shalt  }
0x77: {  	_ =	shalt  }
0x78: {  	_ =	shalt  }
0x79: {  	_ =	shalt  }
0x7a: {  	_ =	shalt  }
0x7b: {  	_ =	shalt  }
0x7c: {  	_ =	shalt  }
0x7d: {  	_ =	shalt  }
0x7e: {  	_ =	shalt  }
0x7f: {  	_ =	shalt  }
0x80: {  	_ =	shalt  }
0x81: {  	_ =	shalt  }
0x82: {  	_ =	shalt  }
0x83: {  	_ =	shalt  }
0x84: {  	_ =	shalt  }
0x85: {  	_ =	shalt  }
0x86: {  	_ =	shalt  }
0x87: {  	_ =	shalt  }
.Lfunc_end0:
.L_simem_size_0:
called_computation.1_lowered:
.L_overlay_start_0:
0x88: {  	s2 =	sld [smem:$0x3FD9]  }
0x89: {  	s3 =	sld [smem:$0x3FFE];
	_ =	sdelay $0x1  }
0x8a: {  	s1 =	srdreg.scid  }
0x8b: {  	s0 =	sand.u32 $0x1, s1  }
0x8c: {  	s17 =	sshll.u32 s0, $0xA;
	s2 =	sadd.s32 s3, s2  }
0x8d: {  	s2 =	sadd.s32 s2, s17  }
0x8e: {  	[smem:$0x3FBD] =	sst s2  }
0x8f: {  	_ = 	snop  }
0x90: {  	s2 =	sld [smem:$0x3FC9];
	(tm) =	ssettm $0x1  }
0x91: {  	s18 =	sld [smem:$0x3FFB];
	_ =	sdelay $0x3  }
0x92: {  	_ =	strace s18  }
0x93: {  	s3 =	sld [smem:$0x3FFC];
	_ =	sdelay $0x3  }
0x94: {  	_ =	strace s3  }
0x95: {  	s3 =	sld [smem:$0x3FFD];
	_ =	sdelay $0x3  }
0x96: {  	_ =	strace s3  }
0x97: {  	_ =	strace $0x8FFFFFFF  }
0x98: {  	s19 =	sld [smem:$0x3FDB];
	_ =	sdelay $0x1  }
0x99: {  	s4 =	simm.s32 $_scs_section_size  }
0x9a: {  	s5 =	simm.s32 $_size__tile_overlayer_lowered;
	s6 =	simm.s32 $_tile_overlayer_lowered  }
0x9b: {  	s22 =	simm.s32 $0x1BFF;
	s21 =	sshll.u32 s6, $0x1;
	s3 =	sadd.s32 s4, s19  }
0x9c: {  	s7 =	simm.s32 $0x0;
	s20 =	sshll.u32 s5, $0x1;
	s5 =	sadd.s32 s21, s3  }
0x9d: {  	[timem:s7], [sflag:s22] =	dma.local [hbm:s5], s20  }
0x9e: {  	_ =	swait.ge [sflag:s22], s20  }
0x9f: {  	s4 =	ssub.s32 $0x0, s20;
	[sflag:s22] =	ssyncset.done $0x0  }
0xa0: {  	[sflag:s22] =	ssyncadd.s32 s4;
	_ =	sdelay $0x1  }
0xa1: {  	s23 =	simm.s32 $0x1B8B  }
0xa2: {  	_ =	swait.ge [sflag:s23], $0x1  }
0xa3: {  	[sflag:s23] =	ssyncset.done $0x0  }
0xa4: {  	s25 =	simm.s32 $0x1B8E;
	s24 =	sld [smem:$0x3FFE];
	[sflag:s23] =	ssyncadd.s32 $0xFFFFFFFF  }
0xa5: {  	s26 =	simm.s32 $execute0_lowered;
	[smem:$0x3FD2] =	sst s25  }
0xa6: {  	s5 =	sshll.u32 s26, $0x1;
	_ =	strace $0x80000046;
	[dreg:$0x1] =	wrdreg $0xFFFFFFFF  }
0xa7: {  	s28 =	simm.s32 $_size_execute0_lowered;
	s3 =	sadd.s32 s3, s5;
	[dreg:$0x0] =	wrdreg $0x0  }
0xa8: {  	s5 =	sshll.u32 s28, $0x1;
	[dreg:$0x2] =	wrdreg s3  }
0xa9: {  	[dreg:$0x3] =	wrdreg s5  }
0xaa: {  	[dreg:$0x4] =	wrdreg $0xC0  }
0xab: {  	_ =	task [dreg:s7], $0x5FFFF  }
0xac: {  	[dreg:$0x1] =	wrdreg $0xFFFFFFFF  }
0xad: {  	[dreg:$0x0] =	wrdreg $0x60  }
0xae: {  	[dreg:$0x2] =	wrdreg s2  }
0xaf: {  	[dreg:$0x3] =	wrdreg s24  }
0xb0: {  	[dreg:$0x4] =	wrdreg $0x90000  }
0xb1: {  	[dreg:$0x5] =	wrdreg $0xA  }
0xb2: {  	_ =	task.clear_ibuf [dreg:s7], $0x6FFFF;
	_ =	strace $0x90000046  }
0xb3: {  	s29 =	simm.s32 $0xA;
	_ =	strace $0x80000048  }
0xb4: {  	_ =	swait.ge [sflag:s29], $0x1  }
0xb5: {  	[sflag:s29] =	ssyncadd.s32 $0xFFFFFFFF  }
0xb6: {  	_ =	strace $0x90000048  }
0xb7: {  	_ =	sfence  }
0xb8: {  	s30 =	sld [smem:$0x0];
	_ =	sdelay $0x2  }
0xb9: {  	s31 =	sshll.u32 s1, $0xD;
	s1 =	sshrl.u32 s1, $0x2  }
0xba: {  	s3 =	sand.u32 $0x4000, s31;
	s1 =	sadd.s32 s1, s30  }
0xbb: {  	s0 =	sor.u32 s3, s0;
	s1 =	sshll.u32 s1, $0x11  }
0xbc: {  	s0 =	sor.u32 s1, s0  }
0xbd: {  	s0 =	sadd.s32 $0x8F2B, s0  }
0xbe: {  	[sflag:s0] =	ssyncadd.remote.s32 $0x1  }
0xbf: {  	_ =	sfence.sel $0xFFFF  }
0xc0: {  	[dreg:$0x0] =	wrdreg $0xFFFFFFFF;
	(pc) =	sbr.abs _section_cstart, $3  }
0xc1: {  	[dreg:$0x1] =	wrdreg $0xFFFFFFFF  }
0xc2: {  	_ =	task.clear_ibuf [dreg:s7], $0x2FFFF;
	_ =	strace $0x9FFFFFFF  }
0xc3: {  	(tm) =	ssettm $0x7FFFFFFF  }
tec
execute0_lowered:
.L_overlay_start_1:
0x0: {  	(tag) =	ssettag $0x1  }
0x1: {  	s1 =	rddreg [dreg:$0x0]  }
0x2: {  	s0 =	rddreg [dreg:$0x1]  }
0x3: {  	s2 =	rddreg [dreg:$0x2];
	s3 =	srdreg.scid;
	s4 =	simm.s32 $0x0  }
0x4: {  	s12 =	stileid.u32;
	s20 =	simm.s32 $0x80;
	s22 =	simm.s32 $0x100  }
0x5: {  	s24 =	simm.s32 $0x880;
	s25 =	simm.s32 $0x180;
	[smem:$0x7FF] =	sst s4  }
0x6: {  	s14 =	simm.s32 $0x200;
	_ =	strace $0x80000047;
	[dreg:$0x6] =	wrdreg s20  }
0x7: {  	s15 =	simm.s32 $0x980;
	s17 =	simm.s32 $0x280;
	[dreg:$0x7] =	wrdreg s22  }
0x8: {  	s18 =	simm.s32 $0xA00;
	s28 =	simm.s32 $0xC00;
	[dreg:$0x8] =	wrdreg s24  }
0x9: {  	s29 =	simm.s32 $0x7D;
	s30 =	simm.s32 $0x1000;
	[dreg:$0x9] =	wrdreg s25  }
0xa: {  	s31 =	simm.s32 $0x5000;
	s3 =	sand.u32 $0x1, s3;
	[dreg:$0xb] =	wrdreg s14  }
0xb: {  	s7 =	smul.u32 $0x2700, s12;
	s6 =	sadd.s32 $0x4000, s0;
	[dreg:$0xc] =	wrdreg s15  }
0xc: {  	s13 =	smul.u32 $0x50000, s12;
	s5 =	sshll.u32 s3, $0x4;
	[dreg:$0xd] =	wrdreg s17  }
0xd: {  	s9 =	ssub.s32 $0x2, s3;
	[dreg:$0xe] =	wrdreg s18;
	s20 =	smul.u32 $0x4E000, s12  }
0xe: {  	p3 =	seq.s32 s3, $0x1;
	s22 =	simm.s32 $0x380;
	s24 =	simm.s32 $0xB00  }
0xf: {  	s25 =	simm.s32 $0xB80;
	s15 =	sadd.s32 $0x124800, s2;
	[dreg:$0x11] =	wrdreg s22  }
0x10: {  	s14 =	simm.s32 $0x500;
	s17 =	simm.s32 $0xC80;
	[dreg:$0x12] =	wrdreg s24  }
0x11: {  	s18 =	simm.s32 $0x580;
	s3 =	simm.s32 $0x0;
	[dreg:$0x13] =	wrdreg s25  }
0x12: {  	s5 =	sor.u32 s12, s5;
	s7 =	sadd.s32 s7, s0;
	[dreg:$0x15] =	wrdreg s14  }
0x13: {  	s10 =	sshrl.u32 s9, $0x1;
	s16 =	sshrl.u32 s13, $0x2;
	[dreg:$0x16] =	wrdreg s17  }
0x14: {  	[dreg:$0x17] =	wrdreg s18;
	s22 =	simm.s32 $0xD80;
	s24 =	simm.s32 $0xE00  }
0x15: {  	s25 =	simm.s32 $0x700;
	p1 =	seq.s32 @p3 s12, $0xF;
	p4 =	seq.s32 @!p3 s12, $0xF  }
0x16: {  	s12 =	simm.s32 $0x3;
	s8 =	smul.u32 $0x2800, s5;
	[dreg:$0x1a] =	wrdreg s22  }
0x17: {  	s14 =	simm.s32 $0xF80;
	s5 =	sadd.s32 $0xE000, s0;
	[dreg:$0x1c] =	wrdreg s24  }
0x18: {  	s9 =	ssub.s32 s9, s10;
	[dreg:$0x1d] =	wrdreg s25;
	s11 =	sadd.s32 $0x800, s8  }
0x19: {  	s19 =	sadd.s32 $0xC00, s8;
	s8 =	sshrl.u32 s8, $0x3;
	[dreg:$0x4] =	wrdreg s11  }
0x1a: {  	s24 =	simm.s32 $0x5;
	[dreg:$0x5] =	wrdreg s19;
	s21 =	sadd.s32 s5, s8  }
0x1b: {  	s25 =	simm.s32 $0x800;
	s23 =	sadd.s32 s6, s8;
	[dreg:$0x1f] =	wrdreg s21  }
0x1c: {  	p0 =	por !p1, !p3;
	s11 =	simm.s32 $0x900;
	[smem:$0x7F5] =	sst s23  }
0x1d: {  	s8 =	sor.u32 $0x80, s8;
	s19 =	simm.s32 $0x300;
	[dreg:$0xa] =	wrdreg s11  }
0x1e: {  	p1 =	por p1, !p3;
	s26 =	sadd.s32 s5, s8;
	[dreg:$0xf] =	wrdreg s19  }
0x1f: {  	p2 =	por !p4, p3;
	s8 =	sadd.s32 s6, s8;
	[smem:$0x7F6] =	sst s26  }
0x20: {  	p3 =	por p4, p3;
	s21 =	simm.s32 $0xA80;
	[smem:$0x7F7] =	sst s8  }
0x21: {  	s11 =	sadd.s32 s16, s2;
	s16 =	sadd.s32 $0x3C900, s0;
	[dreg:$0x10] =	wrdreg s21  }
0x22: {  	s23 =	sshrl.u32 s20, $0x2;
	s0 =	sadd.s32 $0x63B00, s0;
	[smem:$0x7FA] =	sst s16  }
0x23: {  	s19 =	simm.s32 $0xD00;
	s20 =	smax.u32 s9, $0x1;
	[smem:$0x7FC] =	sst s0  }
0x24: {  	s9 =	simm.s32 $0x780;
	s10 =	sadd.s32 $0x12C00, s11;
	[smem:$0x7FD] =	sst s20  }
0x25: {  	s13 =	sadd.s32 s23, s2;
	s26 =	sadd.s32 $0x18000, s7;
	[dreg:$0x18] =	wrdreg s19  }
0x26: {  	s7 =	sadd.s32 $0x3F200, s7;
	s21 =	simm.s32 $0x600;
	[smem:$0x7F8] =	sst s10  }
0x27: {  	s20 =	sadd.s32 $0x3C00, s11;
	s23 =	simm.s32 $0x680;
	[smem:$0x7F9] =	sst s26  }
0x28: {  	s22 =	sadd.s32 $0xB400, s11;
	s0 =	simm.s32 $0x1;
	[smem:$0x7FB] =	sst s7  }
0x29: {  	s8 =	simm.s32 $0x4;
	s10 =	simm.s32 $0x480;
	[dreg:$0x19] =	wrdreg s21  }
0x2a: {  	s21 =	sadd.s32 $0x7800, s11;
	[dreg:$0x1b] =	wrdreg s23;
	s23 =	sadd.s32 $0xF000, s11  }
0x2b: {  	s26 =	simm.s32 $0xE80;
	s7 =	simm.s32 $0x2;
	[dreg:$0x14] =	wrdreg s10  }
0x2c: {  	v0 =	vimm.f32 $0.0e+00;
	[dreg:$0x1e] =	wrdreg s26;
	s26 =	simm.s32 $0x400;
	s10 =	simm.s32 $0xF00  }
.LBB2_1:
0x2d: {  	s16 =	rddreg [dreg:$0x1f]  }
0x2e: {  	[tilespmem:s4], [sflag:$0x5] =	stream.linear.gather [hbm4b:s16+s4], $0x400, $0x38;
	[tilespmem:$0x1D000] =	vst v63  }
0x2f: {  	_ =	swait.ge [sflag:s24], $0x400  }
0x30: {  	s17 =	sld [smem:$0x7F5]  }
0x31: {  	[sflag:s24] =	ssyncset.done $0x0  }
0x32: {  	[sflag:s24] =	ssyncadd.s32 $0xFFFFFC00  }
0x33: {  	[tilespmem:s25], [sflag:$0x5] =	stream.linear.gather [hbm4b:s17+s4], $0x400, $0x38;
	[tilespmem:$0x1D000] =	vst v63  }
0x34: {  	_ =	swait.ge [sflag:s24], $0x400  }
0x35: {  	s18 =	sld [smem:$0x7F6]  }
0x36: {  	[sflag:s24] =	ssyncset.done $0x0  }
0x37: {  	s19 =	sld [smem:$0x7F7];
	[sflag:s24] =	ssyncadd.s32 $0xFFFFFC00  }
0x38: {  	[tilespmem:s26], [sflag:$0x4] =	stream.linear.gather [hbm4b:s18+s4], $0x400, $0x38;
	[tilespmem:$0x1D000] =	vst v63  }
0x39: {  	_ = 	snop  }
0x3a: {  	[tilespmem:s28], [sflag:$0x4] =	stream.linear.gather [hbm4b:s19+s4], $0x400, $0x38;
	[tilespmem:$0x1D000] =	vst v63  }
0x3b: {  	s16 =	simm.s32 $0x0;
	s17 =	simm.s32 $0x200  }
0x3c: {  	[tilespmem:s30], [sflag:$0x1] =	stream.indirect.gather [hbm4b:s1+s29], $0x80, s4, s29, $0xb8;
	[tilespmem:$0x1D000] =	vst v63  }
.LBB2_2:
0x3d: {  	p4 =	sne.s32 s17, $0xEE00;
	[tilespmem:s16+$0x5070] =	vst v0  }
0x3e: {  	[tilespmem:s16+$0x5000] =	vst v0  }
0x3f: {  	[tilespmem:s16+$0x5010] =	vst v0  }
.Ltmp0:
0x40: {  	[tilespmem:s16+$0x5020] =	vst v0;
	(pc) =	sbr.rel @p4 .LBB2_2-.Ltmp0, $4  }
0x41: {  	[tilespmem:s16+$0x5030] =	vst v0  }
0x42: {  	[tilespmem:s16+$0x5040] =	vst v0  }
0x43: {  	[tilespmem:s16+$0x5050] =	vst v0  }
0x44: {  	[tilespmem:s16+$0x5060] =	vst v0;
	s16 =	sshra.s32 s17, $0x2;
	s17 =	sadd.s32 $0x200, s17  }
0x45: {  	[tilespmem:s16+$0x5070] =	vst v0  }
0x46: {  	[tilespmem:s16+$0x5000] =	vst v0  }
0x47: {  	[tilespmem:s16+$0x5010] =	vst v0  }
0x48: {  	[tilespmem:s16+$0x5020] =	vst v0  }
0x49: {  	[tilespmem:s16+$0x5030] =	vst v0  }
0x4a: {  	[tilespmem:s16+$0x5040] =	vst v0  }
0x4b: {  	[tilespmem:s16+$0x5050] =	vst v0  }
0x4c: {  	[tilespmem:s16+$0x5060] =	vst v0  }
0x4d: {  	[spmem:s11] =	stream.linear.scatter [tilespmem:s31], [sflag:$0x5], $0x3C00, $0x38;
	[tilespmem:$0x1D000] =	vst v63  }
0x4e: {  	_ =	swait.ge [sflag:s24], $0x3C00  }
0x4f: {  	[sflag:s24] =	ssyncset.done $0x0  }
0x50: {  	[sflag:s24] =	ssyncadd.s32 $0xFFFFC400  }
0x51: {  	[spmem:s20] =	stream.linear.scatter [tilespmem:s31], [sflag:$0x5], $0x3C00, $0x38;
	[tilespmem:$0x1D000] =	vst v63  }
0x52: {  	_ =	swait.ge [sflag:s24], $0x3C00  }
0x53: {  	[sflag:s24] =	ssyncset.done $0x0  }
0x54: {  	[sflag:s24] =	ssyncadd.s32 $0xFFFFC400  }
0x55: {  	[spmem:s21] =	stream.linear.scatter [tilespmem:s31], [sflag:$0x5], $0x3C00, $0x38;
	[tilespmem:$0x1D000] =	vst v63  }
0x56: {  	_ =	swait.ge [sflag:s24], $0x3C00  }
0x57: {  	[sflag:s24] =	ssyncset.done $0x0  }
0x58: {  	[sflag:s24] =	ssyncadd.s32 $0xFFFFC400  }
0x59: {  	[spmem:s22] =	stream.linear.scatter [tilespmem:s31], [sflag:$0x5], $0x3C00, $0x38;
	[tilespmem:$0x1D000] =	vst v63  }
0x5a: {  	_ =	swait.ge [sflag:s24], $0x3C00  }
0x5b: {  	[sflag:s24] =	ssyncset.done $0x0  }
0x5c: {  	[sflag:s24] =	ssyncadd.s32 $0xFFFFC400  }
0x5d: {  	[spmem:s23] =	stream.linear.scatter [tilespmem:s31], [sflag:$0x5], $0x3C00, $0x38;
	[tilespmem:$0x1D000] =	vst v63  }
0x5e: {  	_ =	swait.ge [sflag:s24], $0x3C00  }
0x5f: {  	s17 =	sld [smem:$0x7F8]  }
0x60: {  	[sflag:s24] =	ssyncset.done $0x0  }
0x61: {  	[sflag:s24] =	ssyncadd.s32 $0xFFFFC400  }
0x62: {  	[spmem:s17] =	stream.linear.scatter [tilespmem:s31], [sflag:$0x5], $0x1400, $0x38;
	[tilespmem:$0x1D000] =	vst v63  }
0x63: {  	_ =	swait.ge [sflag:s24], $0x1400  }
0x64: {  	[sflag:s24] =	ssyncset.done $0x0  }
0x65: {  	[sflag:s24] =	ssyncadd.s32 $0xFFFFEC00  }
0x66: {  	[bflag:$0x0] =	sbarrier.arrive $0xFFFF  }
0x67: {  	_ =	swait.ge [sflag:s0], $0x3E80  }
0x68: {  	[sflag:s0] =	ssyncset.done $0x0  }
0x69: {  	s18 =	rddreg [dreg:$0x6];
	[sflag:s0] =	ssyncadd.s32 $0xFFFFC180  }
0x6a: {  	[tilespmem:s31], [sflag:$0x2] =	stream.indirect.gather [hbm4b:s1+s29], $0x80, s18, s29, $0xb8;
	[tilespmem:$0x1D000] =	vst v63  }
0x6b: {  	_ = 	snop  }
0x6c: {  	[spmem:s2] =	stream.indirect.scatter.add.f32 [tilespmem:s30], [sflag:$0x5], $0x80, s25, s29, $0xb8;
	[tilespmem:$0x1D000] =	vst v63  }
0x6d: {  	_ =	swait.ge [sflag:s24], $0x3E80  }
0x6e: {  	[sflag:s24] =	ssyncset.done $0x0  }
0x6f: {  	[sflag:s24] =	ssyncadd.s32 $0xFFFFC180  }
0x70: {  	_ =	swait.ge [sflag:s7], $0x3E80  }
0x71: {  	[sflag:s7] =	ssyncset.done $0x0  }
0x72: {  	s19 =	rddreg [dreg:$0x7];
	[sflag:s7] =	ssyncadd.s32 $0xFFFFC180  }
0x73: {  	[tilespmem:s30], [sflag:$0x1] =	stream.indirect.gather [hbm4b:s1+s29], $0x80, s19, s29, $0xb8;
	[tilespmem:$0x1D000] =	vst v63  }
0x74: {  	s17 =	rddreg [dreg:$0x8]  }
0x75: {  	[spmem:s2] =	stream.indirect.scatter.add.f32 [tilespmem:s31], [sflag:$0x5], $0x80, s17, s29, $0xb8;
	[tilespmem:$0x1D000] =	vst v63  }
0x76: {  	_ =	swait.ge [sflag:s24], $0x3E80  }
0x77: {  	[sflag:s24] =	ssyncset.done $0x0  }
0x78: {  	[sflag:s24] =	ssyncadd.s32 $0xFFFFC180  }
0x79: {  	_ =	swait.ge [sflag:s0], $0x3E80  }
0x7a: {  	[sflag:s0] =	ssyncset.done $0x0  }
0x7b: {  	s18 =	rddreg [dreg:$0x9];
	[sflag:s0] =	ssyncadd.s32 $0xFFFFC180  }
0x7c: {  	[tilespmem:s31], [sflag:$0x2] =	stream.indirect.gather [hbm4b:s1+s29], $0x80, s18, s29, $0xb8;
	[tilespmem:$0x1D000] =	vst v63  }
0x7d: {  	s19 =	rddreg [dreg:$0xa]  }
0x7e: {  	[spmem:s2] =	stream.indirect.scatter.add.f32 [tilespmem:s30], [sflag:$0x5], $0x80, s19, s29, $0xb8;
	[tilespmem:$0x1D000] =	vst v63  }
0x7f: {  	_ =	swait.ge [sflag:s24], $0x3E80  }
0x80: {  	[sflag:s24] =	ssyncset.done $0x0  }
0x81: {  	[sflag:s24] =	ssyncadd.s32 $0xFFFFC180  }
0x82: {  	_ =	swait.ge [sflag:s7], $0x3E80  }
0x83: {  	[sflag:s7] =	ssyncset.done $0x0  }
0x84: {  	s18 =	rddreg [dreg:$0xb];
	[sflag:s7] =	ssyncadd.s32 $0xFFFFC180  }
0x85: {  	[tilespmem:s30], [sflag:$0x1] =	stream.indirect.gather [hbm4b:s1+s29], $0x80, s18, s29, $0xb8;
	[tilespmem:$0x1D000] =	vst v63  }
0x86: {  	s19 =	rddreg [dreg:$0xc]  }
0x87: {  	[spmem:s2] =	stream.indirect.scatter.add.f32 [tilespmem:s31], [sflag:$0x5], $0x80, s19, s29, $0xb8;
	[tilespmem:$0x1D000] =	vst v63  }
0x88: {  	_ =	swait.ge [sflag:s24], $0x3E80  }
0x89: {  	[sflag:s24] =	ssyncset.done $0x0  }
0x8a: {  	[sflag:s24] =	ssyncadd.s32 $0xFFFFC180  }
0x8b: {  	_ =	swait.ge [sflag:s0], $0x3E80  }
0x8c: {  	[sflag:s0] =	ssyncset.done $0x0  }
0x8d: {  	s18 =	rddreg [dreg:$0xd];
	[sflag:s0] =	ssyncadd.s32 $0xFFFFC180  }
0x8e: {  	[tilespmem:s31], [sflag:$0x2] =	stream.indirect.gather [hbm4b:s1+s29], $0x80, s18, s29, $0xb8;
	[tilespmem:$0x1D000] =	vst v63  }
0x8f: {  	s19 =	rddreg [dreg:$0xe]  }
0x90: {  	[spmem:s2] =	stream.indirect.scatter.add.f32 [tilespmem:s30], [sflag:$0x5], $0x80, s19, s29, $0xb8;
	[tilespmem:$0x1D000] =	vst v63  }
0x91: {  	_ =	swait.ge [sflag:s24], $0x3E80  }
0x92: {  	[sflag:s24] =	ssyncset.done $0x0  }
0x93: {  	[sflag:s24] =	ssyncadd.s32 $0xFFFFC180  }
0x94: {  	_ =	swait.ge [sflag:s7], $0x3E80  }
0x95: {  	[sflag:s7] =	ssyncset.done $0x0  }
0x96: {  	s18 =	rddreg [dreg:$0xf];
	[sflag:s7] =	ssyncadd.s32 $0xFFFFC180  }
0x97: {  	[tilespmem:s30], [sflag:$0x1] =	stream.indirect.gather [hbm4b:s1+s29], $0x80, s18, s29, $0xb8;
	[tilespmem:$0x1D000] =	vst v63  }
0x98: {  	s19 =	rddreg [dreg:$0x10]  }
0x99: {  	[spmem:s2] =	stream.indirect.scatter.add.f32 [tilespmem:s31], [sflag:$0x5], $0x80, s19, s29, $0xb8;
	[tilespmem:$0x1D000] =	vst v63  }
0x9a: {  	_ =	swait.ge [sflag:s24], $0x3E80  }
0x9b: {  	[sflag:s24] =	ssyncset.done $0x0  }
0x9c: {  	[sflag:s24] =	ssyncadd.s32 $0xFFFFC180  }
0x9d: {  	_ =	swait.ge [sflag:s0], $0x3E80  }
0x9e: {  	[sflag:s0] =	ssyncset.done $0x0  }
0x9f: {  	s18 =	rddreg [dreg:$0x11];
	[sflag:s0] =	ssyncadd.s32 $0xFFFFC180  }
0xa0: {  	[tilespmem:s31], [sflag:$0x2] =	stream.indirect.gather [hbm4b:s1+s29], $0x80, s18, s29, $0xb8;
	[tilespmem:$0x1D000] =	vst v63  }
0xa1: {  	s19 =	rddreg [dreg:$0x12]  }
0xa2: {  	[spmem:s2] =	stream.indirect.scatter.add.f32 [tilespmem:s30], [sflag:$0x5], $0x80, s19, s29, $0xb8;
	[tilespmem:$0x1D000] =	vst v63  }
0xa3: {  	_ =	swait.ge [sflag:s24], $0x3E80  }
0xa4: {  	[sflag:s24] =	ssyncset.done $0x0  }
0xa5: {  	[sflag:s24] =	ssyncadd.s32 $0xFFFFC180  }
0xa6: {  	_ =	swait.ge [sflag:s7], $0x3E80  }
0xa7: {  	[sflag:s7] =	ssyncset.done $0x0  }
0xa8: {  	[sflag:s7] =	ssyncadd.s32 $0xFFFFC180  }
0xa9: {  	_ =	swait.ge [sflag:s8], $0x400  }
0xaa: {  	[sflag:s8] =	ssyncset.done $0x0  }
0xab: {  	[sflag:s8] =	ssyncadd.s32 $0xFFFFFC00  }
0xac: {  	_ =	swait.ge [sflag:s8], $0x400  }
0xad: {  	[sflag:s8] =	ssyncset.done $0x0  }
0xae: {  	[sflag:s8] =	ssyncadd.s32 $0xFFFFFC00  }
0xaf: {  	[tilespmem:s30], [sflag:$0x1] =	stream.indirect.gather [hbm4b:s1+s29], $0x80, s26, s29, $0xb8;
	[tilespmem:$0x1D000] =	vst v63  }
0xb0: {  	s16 =	simm.s32 $0x0;
	s18 =	rddreg [dreg:$0x13]  }
0xb1: {  	[spmem:s2] =	stream.indirect.scatter.add.f32 [tilespmem:s31], [sflag:$0x5], $0x80, s18, s29, $0xb8;
	[tilespmem:$0x1D000] =	vst v63  }
0xb2: {  	s18 =	smin.u32 s16, $0x7;
	_ =	swait.ge [sflag:s24], $0x3E80  }
0xb3: {  	s18 =	sshll.u32 s18, $0xA;
	s19 =	rddreg [dreg:$0x4]  }
0xb4: {  	s17 =	sadd.s32 s18, s19  }
0xb5: {  	[sflag:s24] =	ssyncset.done $0x0;
	s17 =	sshrl.u32 s17, $0x3  }
0xb6: {  	[sflag:s24] =	ssyncadd.s32 $0xFFFFC180;
	s19 =	sadd.s32 s5, s17  }
0xb7: {  	[tilespmem:s4], [sflag:$0x3] =	stream.linear.gather [hbm4b:s19+s4], $0x400, $0x38;
	[tilespmem:$0x1D000] =	vst v63  }
0xb8: {  	s17 =	sadd.s32 s6, s17  }
0xb9: {  	[tilespmem:s25], [sflag:$0x3] =	stream.linear.gather [hbm4b:s17+s4], $0x400, $0x38;
	[tilespmem:$0x1D000] =	vst v63  }
0xba: {  	_ =	swait.ge [sflag:s0], $0x3E80  }
0xbb: {  	[sflag:s0] =	ssyncset.done $0x0  }
0xbc: {  	s19 =	rddreg [dreg:$0x14];
	[sflag:s0] =	ssyncadd.s32 $0xFFFFC180  }
0xbd: {  	[tilespmem:s31], [sflag:$0x2] =	stream.indirect.gather [hbm4b:s1+s29], $0x80, s19, s29, $0xb8;
	[tilespmem:$0x1D000] =	vst v63  }
0xbe: {  	_ = 	snop  }
0xbf: {  	[spmem:s2] =	stream.indirect.scatter.add.f32 [tilespmem:s30], [sflag:$0x5], $0x80, s28, s29, $0xb8;
	[tilespmem:$0x1D000] =	vst v63  }
0xc0: {  	_ =	swait.ge [sflag:s24], $0x3E80  }
0xc1: {  	[sflag:s24] =	ssyncset.done $0x0  }
0xc2: {  	[sflag:s24] =	ssyncadd.s32 $0xFFFFC180  }
0xc3: {  	_ =	swait.ge [sflag:s7], $0x3E80  }
0xc4: {  	[sflag:s7] =	ssyncset.done $0x0  }
0xc5: {  	s18 =	rddreg [dreg:$0x15];
	[sflag:s7] =	ssyncadd.s32 $0xFFFFC180  }
0xc6: {  	[tilespmem:s30], [sflag:$0x1] =	stream.indirect.gather [hbm4b:s1+s29], $0x80, s18, s29, $0xb8;
	[tilespmem:$0x1D000] =	vst v63  }
0xc7: {  	s19 =	rddreg [dreg:$0x16]  }
0xc8: {  	[spmem:s2] =	stream.indirect.scatter.add.f32 [tilespmem:s31], [sflag:$0x5], $0x80, s19, s29, $0xb8;
	[tilespmem:$0x1D000] =	vst v63  }
0xc9: {  	_ =	swait.ge [sflag:s24], $0x3E80  }
0xca: {  	[sflag:s24] =	ssyncset.done $0x0  }
0xcb: {  	[sflag:s24] =	ssyncadd.s32 $0xFFFFC180  }
0xcc: {  	_ =	swait.ge [sflag:s0], $0x3E80  }
0xcd: {  	[sflag:s0] =	ssyncset.done $0x0  }
0xce: {  	s18 =	rddreg [dreg:$0x17];
	[sflag:s0] =	ssyncadd.s32 $0xFFFFC180  }
0xcf: {  	[tilespmem:s31], [sflag:$0x2] =	stream.indirect.gather [hbm4b:s1+s29], $0x80, s18, s29, $0xb8;
	[tilespmem:$0x1D000] =	vst v63  }
0xd0: {  	s19 =	rddreg [dreg:$0x18]  }
0xd1: {  	[spmem:s2] =	stream.indirect.scatter.add.f32 [tilespmem:s30], [sflag:$0x5], $0x80, s19, s29, $0xb8;
	[tilespmem:$0x1D000] =	vst v63  }
0xd2: {  	_ =	swait.ge [sflag:s24], $0x3E80  }
0xd3: {  	[sflag:s24] =	ssyncset.done $0x0  }
0xd4: {  	[sflag:s24] =	ssyncadd.s32 $0xFFFFC180  }
0xd5: {  	_ =	swait.ge [sflag:s7], $0x3E80  }
0xd6: {  	[sflag:s7] =	ssyncset.done $0x0  }
0xd7: {  	s18 =	rddreg [dreg:$0x19];
	[sflag:s7] =	ssyncadd.s32 $0xFFFFC180  }
0xd8: {  	[tilespmem:s30], [sflag:$0x1] =	stream.indirect.gather [hbm4b:s1+s29], $0x80, s18, s29, $0xb8;
	[tilespmem:$0x1D000] =	vst v63  }
0xd9: {  	s19 =	rddreg [dreg:$0x1a]  }
0xda: {  	[spmem:s2] =	stream.indirect.scatter.add.f32 [tilespmem:s31], [sflag:$0x5], $0x80, s19, s29, $0xb8;
	[tilespmem:$0x1D000] =	vst v63  }
0xdb: {  	_ =	swait.ge [sflag:s24], $0x3E80  }
0xdc: {  	[sflag:s24] =	ssyncset.done $0x0  }
0xdd: {  	[sflag:s24] =	ssyncadd.s32 $0xFFFFC180  }
0xde: {  	_ =	swait.ge [sflag:s0], $0x3E80  }
0xdf: {  	[sflag:s0] =	ssyncset.done $0x0  }
0xe0: {  	s18 =	rddreg [dreg:$0x1b];
	[sflag:s0] =	ssyncadd.s32 $0xFFFFC180  }
0xe1: {  	[tilespmem:s31], [sflag:$0x2] =	stream.indirect.gather [hbm4b:s1+s29], $0x80, s18, s29, $0xb8;
	[tilespmem:$0x1D000] =	vst v63  }
0xe2: {  	s19 =	rddreg [dreg:$0x1c]  }
0xe3: {  	[spmem:s2] =	stream.indirect.scatter.add.f32 [tilespmem:s30], [sflag:$0x5], $0x80, s19, s29, $0xb8;
	[tilespmem:$0x1D000] =	vst v63  }
0xe4: {  	_ =	swait.ge [sflag:s24], $0x3E80  }
0xe5: {  	[sflag:s24] =	ssyncset.done $0x0  }
0xe6: {  	[sflag:s24] =	ssyncadd.s32 $0xFFFFC180  }
0xe7: {  	_ =	swait.ge [sflag:s7], $0x3E80  }
0xe8: {  	[sflag:s7] =	ssyncset.done $0x0  }
0xe9: {  	s18 =	rddreg [dreg:$0x1d];
	[sflag:s7] =	ssyncadd.s32 $0xFFFFC180  }
0xea: {  	[tilespmem:s30], [sflag:$0x1] =	stream.indirect.gather [hbm4b:s1+s29], $0x80, s18, s29, $0xb8;
	[tilespmem:$0x1D000] =	vst v63  }
0xeb: {  	s19 =	rddreg [dreg:$0x1e]  }
0xec: {  	[spmem:s2] =	stream.indirect.scatter.add.f32 [tilespmem:s31], [sflag:$0x5], $0x80, s19, s29, $0xb8;
	[tilespmem:$0x1D000] =	vst v63  }
0xed: {  	_ =	swait.ge [sflag:s24], $0x3E80  }
0xee: {  	[sflag:s24] =	ssyncset.done $0x0  }
0xef: {  	[sflag:s24] =	ssyncadd.s32 $0xFFFFC180  }
0xf0: {  	_ =	swait.ge [sflag:s0], $0x3E80  }
0xf1: {  	[sflag:s0] =	ssyncset.done $0x0  }
0xf2: {  	[sflag:s0] =	ssyncadd.s32 $0xFFFFC180  }
0xf3: {  	[tilespmem:s31], [sflag:$0x2] =	stream.indirect.gather [hbm4b:s1+s29], $0x80, s9, s29, $0xb8;
	[tilespmem:$0x1D000] =	vst v63  }
0xf4: {  	_ = 	snop  }
0xf5: {  	[spmem:s2] =	stream.indirect.scatter.add.f32 [tilespmem:s30], [sflag:$0x5], $0x80, s10, s29, $0xb8;
	[tilespmem:$0x1D000] =	vst v63  }
0xf6: {  	_ =	swait.ge [sflag:s24], $0x3E80  }
0xf7: {  	[sflag:s24] =	ssyncset.done $0x0  }
0xf8: {  	[sflag:s24] =	ssyncadd.s32 $0xFFFFC180  }
0xf9: {  	_ =	swait.ge [sflag:s7], $0x3E80  }
0xfa: {  	[sflag:s7] =	ssyncset.done $0x0  }
0xfb: {  	[sflag:s7] =	ssyncadd.s32 $0xFFFFC180  }
0xfc: {  	_ =	swait.ge [sflag:s12], $0x400  }
0xfd: {  	[sflag:s12] =	ssyncset.done $0x0  }
0xfe: {  	[sflag:s12] =	ssyncadd.s32 $0xFFFFFC00  }
0xff: {  	_ =	swait.ge [sflag:s12], $0x400  }
0x100: {  	[sflag:s12] =	ssyncset.done $0x0  }
0x101: {  	[sflag:s12] =	ssyncadd.s32 $0xFFFFFC00  }
0x102: {  	[tilespmem:s30], [sflag:$0x1] =	stream.indirect.gather [hbm4b:s1+s29], $0x80, s4, s29, $0xb8;
	[tilespmem:$0x1D000] =	vst v63  }
0x103: {  	_ = 	snop  }
0x104: {  	[spmem:s2] =	stream.indirect.scatter.add.f32 [tilespmem:s31], [sflag:$0x5], $0x80, s14, s29, $0xb8;
	[tilespmem:$0x1D000] =	vst v63  }
0x105: {  	s16 =	smin.u32 s16, $0x6;
	_ =	swait.ge [sflag:s24], $0x3E80  }
0x106: {  	s16 =	sshll.u32 s16, $0xA;
	s19 =	rddreg [dreg:$0x5]  }
0x107: {  	s16 =	sadd.s32 s16, s19  }
0x108: {  	[sflag:s24] =	ssyncset.done $0x0;
	s17 =	sshrl.u32 s16, $0x3  }
0x109: {  	[sflag:s24] =	ssyncadd.s32 $0xFFFFC180;
	s16 =	sadd.s32 s5, s17  }
0x10a: {  	[tilespmem:s26], [sflag:$0x4] =	stream.linear.gather [hbm4b:s16+s4], $0x400, $0x38;
	[tilespmem:$0x1D000] =	vst v63  }
0x10b: {  	s17 =	sadd.s32 s6, s17;
	s16 =	simm.s32 $0x2  }
.LBB2_4:
0x10c: {  	[tilespmem:s28], [sflag:$0x4] =	stream.linear.gather [hbm4b:s17+s4], $0x400, $0x38;
	[tilespmem:$0x1D000] =	vst v63  }
0x10d: {  	_ =	swait.ge [sflag:s0], $0x3E80  }
0x10e: {  	[sflag:s0] =	ssyncset.done $0x0  }
0x10f: {  	s18 =	rddreg [dreg:$0x6];
	[sflag:s0] =	ssyncadd.s32 $0xFFFFC180  }
0x110: {  	[tilespmem:s31], [sflag:$0x2] =	stream.indirect.gather [hbm4b:s1+s29], $0x80, s18, s29, $0xb8;
	[tilespmem:$0x1D000] =	vst v63  }
0x111: {  	_ = 	snop  }
0x112: {  	[spmem:s2] =	stream.indirect.scatter.add.f32 [tilespmem:s30], [sflag:$0x5], $0x80, s25, s29, $0xb8;
	[tilespmem:$0x1D000] =	vst v63  }
0x113: {  	_ =	swait.ge [sflag:s24], $0x3E80  }
0x114: {  	[sflag:s24] =	ssyncset.done $0x0  }
0x115: {  	[sflag:s24] =	ssyncadd.s32 $0xFFFFC180  }
0x116: {  	_ =	swait.ge [sflag:s7], $0x3E80  }
0x117: {  	[sflag:s7] =	ssyncset.done $0x0  }
0x118: {  	s18 =	rddreg [dreg:$0x7];
	[sflag:s7] =	ssyncadd.s32 $0xFFFFC180  }
0x119: {  	[tilespmem:s30], [sflag:$0x1] =	stream.indirect.gather [hbm4b:s1+s29], $0x80, s18, s29, $0xb8;
	[tilespmem:$0x1D000] =	vst v63  }
0x11a: {  	s19 =	rddreg [dreg:$0x8]  }
0x11b: {  	[spmem:s2] =	stream.indirect.scatter.add.f32 [tilespmem:s31], [sflag:$0x5], $0x80, s19, s29, $0xb8;
	[tilespmem:$0x1D000] =	vst v63  }
0x11c: {  	_ =	swait.ge [sflag:s24], $0x3E80  }
0x11d: {  	[sflag:s24] =	ssyncset.done $0x0  }
0x11e: {  	[sflag:s24] =	ssyncadd.s32 $0xFFFFC180  }
0x11f: {  	_ =	swait.ge [sflag:s0], $0x3E80  }
0x120: {  	[sflag:s0] =	ssyncset.done $0x0  }
0x121: {  	s18 =	rddreg [dreg:$0x9];
	[sflag:s0] =	ssyncadd.s32 $0xFFFFC180  }
0x122: {  	[tilespmem:s31], [sflag:$0x2] =	stream.indirect.gather [hbm4b:s1+s29], $0x80, s18, s29, $0xb8;
	[tilespmem:$0x1D000] =	vst v63  }
0x123: {  	s19 =	rddreg [dreg:$0xa]  }
0x124: {  	[spmem:s2] =	stream.indirect.scatter.add.f32 [tilespmem:s30], [sflag:$0x5], $0x80, s19, s29, $0xb8;
	[tilespmem:$0x1D000] =	vst v63  }
0x125: {  	_ =	swait.ge [sflag:s24], $0x3E80  }
0x126: {  	[sflag:s24] =	ssyncset.done $0x0  }
0x127: {  	[sflag:s24] =	ssyncadd.s32 $0xFFFFC180  }
0x128: {  	_ =	swait.ge [sflag:s7], $0x3E80  }
0x129: {  	[sflag:s7] =	ssyncset.done $0x0  }
0x12a: {  	s18 =	rddreg [dreg:$0xb];
	[sflag:s7] =	ssyncadd.s32 $0xFFFFC180  }
0x12b: {  	[tilespmem:s30], [sflag:$0x1] =	stream.indirect.gather [hbm4b:s1+s29], $0x80, s18, s29, $0xb8;
	[tilespmem:$0x1D000] =	vst v63  }
0x12c: {  	s19 =	rddreg [dreg:$0xc]  }
0x12d: {  	[spmem:s2] =	stream.indirect.scatter.add.f32 [tilespmem:s31], [sflag:$0x5], $0x80, s19, s29, $0xb8;
	[tilespmem:$0x1D000] =	vst v63  }
0x12e: {  	_ =	swait.ge [sflag:s24], $0x3E80  }
0x12f: {  	[sflag:s24] =	ssyncset.done $0x0  }
0x130: {  	[sflag:s24] =	ssyncadd.s32 $0xFFFFC180  }
0x131: {  	_ =	swait.ge [sflag:s0], $0x3E80  }
0x132: {  	[sflag:s0] =	ssyncset.done $0x0  }
0x133: {  	s18 =	rddreg [dreg:$0xd];
	[sflag:s0] =	ssyncadd.s32 $0xFFFFC180  }
0x134: {  	[tilespmem:s31], [sflag:$0x2] =	stream.indirect.gather [hbm4b:s1+s29], $0x80, s18, s29, $0xb8;
	[tilespmem:$0x1D000] =	vst v63  }
0x135: {  	s19 =	rddreg [dreg:$0xe]  }
0x136: {  	[spmem:s2] =	stream.indirect.scatter.add.f32 [tilespmem:s30], [sflag:$0x5], $0x80, s19, s29, $0xb8;
	[tilespmem:$0x1D000] =	vst v63  }
0x137: {  	_ =	swait.ge [sflag:s24], $0x3E80  }
0x138: {  	[sflag:s24] =	ssyncset.done $0x0  }
0x139: {  	[sflag:s24] =	ssyncadd.s32 $0xFFFFC180  }
0x13a: {  	_ =	swait.ge [sflag:s7], $0x3E80  }
0x13b: {  	[sflag:s7] =	ssyncset.done $0x0  }
0x13c: {  	s18 =	rddreg [dreg:$0xf];
	[sflag:s7] =	ssyncadd.s32 $0xFFFFC180  }
0x13d: {  	[tilespmem:s30], [sflag:$0x1] =	stream.indirect.gather [hbm4b:s1+s29], $0x80, s18, s29, $0xb8;
	[tilespmem:$0x1D000] =	vst v63  }
0x13e: {  	s19 =	rddreg [dreg:$0x10]  }
0x13f: {  	[spmem:s2] =	stream.indirect.scatter.add.f32 [tilespmem:s31], [sflag:$0x5], $0x80, s19, s29, $0xb8;
	[tilespmem:$0x1D000] =	vst v63  }
0x140: {  	_ =	swait.ge [sflag:s24], $0x3E80  }
0x141: {  	[sflag:s24] =	ssyncset.done $0x0  }
0x142: {  	[sflag:s24] =	ssyncadd.s32 $0xFFFFC180  }
0x143: {  	_ =	swait.ge [sflag:s0], $0x3E80  }
0x144: {  	[sflag:s0] =	ssyncset.done $0x0  }
0x145: {  	s18 =	rddreg [dreg:$0x11];
	[sflag:s0] =	ssyncadd.s32 $0xFFFFC180  }
0x146: {  	[tilespmem:s31], [sflag:$0x2] =	stream.indirect.gather [hbm4b:s1+s29], $0x80, s18, s29, $0xb8;
	[tilespmem:$0x1D000] =	vst v63  }
0x147: {  	s19 =	rddreg [dreg:$0x12]  }
0x148: {  	[spmem:s2] =	stream.indirect.scatter.add.f32 [tilespmem:s30], [sflag:$0x5], $0x80, s19, s29, $0xb8;
	[tilespmem:$0x1D000] =	vst v63  }
0x149: {  	_ =	swait.ge [sflag:s24], $0x3E80  }
0x14a: {  	[sflag:s24] =	ssyncset.done $0x0  }
0x14b: {  	[sflag:s24] =	ssyncadd.s32 $0xFFFFC180  }
0x14c: {  	_ =	swait.ge [sflag:s7], $0x3E80  }
0x14d: {  	[sflag:s7] =	ssyncset.done $0x0  }
0x14e: {  	[sflag:s7] =	ssyncadd.s32 $0xFFFFC180  }
0x14f: {  	_ =	swait.ge [sflag:s8], $0x400  }
0x150: {  	[sflag:s8] =	ssyncset.done $0x0  }
0x151: {  	[sflag:s8] =	ssyncadd.s32 $0xFFFFFC00  }
0x152: {  	_ =	swait.ge [sflag:s8], $0x400  }
0x153: {  	[sflag:s8] =	ssyncset.done $0x0  }
0x154: {  	[sflag:s8] =	ssyncadd.s32 $0xFFFFFC00  }
0x155: {  	[tilespmem:s30], [sflag:$0x1] =	stream.indirect.gather [hbm4b:s1+s29], $0x80, s26, s29, $0xb8;
	[tilespmem:$0x1D000] =	vst v63  }
0x156: {  	s17 =	smov.u32 s16;
	s19 =	rddreg [dreg:$0x13]  }
0x157: {  	[spmem:s2] =	stream.indirect.scatter.add.f32 [tilespmem:s31], [sflag:$0x5], $0x80, s19, s29, $0xb8;
	[tilespmem:$0x1D000] =	vst v63  }
0x158: {  	s19 =	smin.u32 s17, $0x7;
	_ =	swait.ge [sflag:s24], $0x3E80  }
0x159: {  	s19 =	sshll.u32 s19, $0xA;
	s18 =	rddreg [dreg:$0x4]  }
0x15a: {  	s18 =	sadd.s32 s19, s18  }
0x15b: {  	[sflag:s24] =	ssyncset.done $0x0;
	s18 =	sshrl.u32 s18, $0x3  }
0x15c: {  	[sflag:s24] =	ssyncadd.s32 $0xFFFFC180;
	s19 =	sadd.s32 s5, s18  }
0x15d: {  	[tilespmem:s4], [sflag:$0x3] =	stream.linear.gather [hbm4b:s19+s4], $0x400, $0x38;
	[tilespmem:$0x1D000] =	vst v63  }
0x15e: {  	s18 =	sadd.s32 s6, s18  }
0x15f: {  	[tilespmem:s25], [sflag:$0x3] =	stream.linear.gather [hbm4b:s18+s4], $0x400, $0x38;
	[tilespmem:$0x1D000] =	vst v63  }
0x160: {  	_ =	swait.ge [sflag:s0], $0x3E80  }
0x161: {  	[sflag:s0] =	ssyncset.done $0x0  }
0x162: {  	s19 =	rddreg [dreg:$0x14];
	[sflag:s0] =	ssyncadd.s32 $0xFFFFC180  }
0x163: {  	[tilespmem:s31], [sflag:$0x2] =	stream.indirect.gather [hbm4b:s1+s29], $0x80, s19, s29, $0xb8;
	[tilespmem:$0x1D000] =	vst v63  }
0x164: {  	_ = 	snop  }
0x165: {  	[spmem:s2] =	stream.indirect.scatter.add.f32 [tilespmem:s30], [sflag:$0x5], $0x80, s28, s29, $0xb8;
	[tilespmem:$0x1D000] =	vst v63  }
0x166: {  	_ =	swait.ge [sflag:s24], $0x3E80  }
0x167: {  	[sflag:s24] =	ssyncset.done $0x0  }
0x168: {  	[sflag:s24] =	ssyncadd.s32 $0xFFFFC180  }
0x169: {  	_ =	swait.ge [sflag:s7], $0x3E80  }
0x16a: {  	[sflag:s7] =	ssyncset.done $0x0  }
0x16b: {  	s18 =	rddreg [dreg:$0x15];
	[sflag:s7] =	ssyncadd.s32 $0xFFFFC180  }
0x16c: {  	[tilespmem:s30], [sflag:$0x1] =	stream.indirect.gather [hbm4b:s1+s29], $0x80, s18, s29, $0xb8;
	[tilespmem:$0x1D000] =	vst v63  }
0x16d: {  	s19 =	rddreg [dreg:$0x16]  }
0x16e: {  	[spmem:s2] =	stream.indirect.scatter.add.f32 [tilespmem:s31], [sflag:$0x5], $0x80, s19, s29, $0xb8;
	[tilespmem:$0x1D000] =	vst v63  }
0x16f: {  	_ =	swait.ge [sflag:s24], $0x3E80  }
0x170: {  	[sflag:s24] =	ssyncset.done $0x0  }
0x171: {  	[sflag:s24] =	ssyncadd.s32 $0xFFFFC180  }
0x172: {  	_ =	swait.ge [sflag:s0], $0x3E80  }
0x173: {  	[sflag:s0] =	ssyncset.done $0x0  }
0x174: {  	s18 =	rddreg [dreg:$0x17];
	[sflag:s0] =	ssyncadd.s32 $0xFFFFC180  }
0x175: {  	[tilespmem:s31], [sflag:$0x2] =	stream.indirect.gather [hbm4b:s1+s29], $0x80, s18, s29, $0xb8;
	[tilespmem:$0x1D000] =	vst v63  }
0x176: {  	s19 =	rddreg [dreg:$0x18]  }
0x177: {  	[spmem:s2] =	stream.indirect.scatter.add.f32 [tilespmem:s30], [sflag:$0x5], $0x80, s19, s29, $0xb8;
	[tilespmem:$0x1D000] =	vst v63  }
0x178: {  	_ =	swait.ge [sflag:s24], $0x3E80  }
0x179: {  	[sflag:s24] =	ssyncset.done $0x0  }
0x17a: {  	[sflag:s24] =	ssyncadd.s32 $0xFFFFC180  }
0x17b: {  	_ =	swait.ge [sflag:s7], $0x3E80  }
0x17c: {  	[sflag:s7] =	ssyncset.done $0x0  }
0x17d: {  	s18 =	rddreg [dreg:$0x19];
	[sflag:s7] =	ssyncadd.s32 $0xFFFFC180  }
0x17e: {  	[tilespmem:s30], [sflag:$0x1] =	stream.indirect.gather [hbm4b:s1+s29], $0x80, s18, s29, $0xb8;
	[tilespmem:$0x1D000] =	vst v63  }
0x17f: {  	s19 =	rddreg [dreg:$0x1a]  }
0x180: {  	[spmem:s2] =	stream.indirect.scatter.add.f32 [tilespmem:s31], [sflag:$0x5], $0x80, s19, s29, $0xb8;
	[tilespmem:$0x1D000] =	vst v63  }
0x181: {  	_ =	swait.ge [sflag:s24], $0x3E80  }
0x182: {  	[sflag:s24] =	ssyncset.done $0x0  }
0x183: {  	[sflag:s24] =	ssyncadd.s32 $0xFFFFC180  }
0x184: {  	_ =	swait.ge [sflag:s0], $0x3E80  }
0x185: {  	[sflag:s0] =	ssyncset.done $0x0  }
0x186: {  	s18 =	rddreg [dreg:$0x1b];
	[sflag:s0] =	ssyncadd.s32 $0xFFFFC180  }
0x187: {  	[tilespmem:s31], [sflag:$0x2] =	stream.indirect.gather [hbm4b:s1+s29], $0x80, s18, s29, $0xb8;
	[tilespmem:$0x1D000] =	vst v63  }
0x188: {  	s19 =	rddreg [dreg:$0x1c]  }
0x189: {  	[spmem:s2] =	stream.indirect.scatter.add.f32 [tilespmem:s30], [sflag:$0x5], $0x80, s19, s29, $0xb8;
	[tilespmem:$0x1D000] =	vst v63  }
0x18a: {  	_ =	swait.ge [sflag:s24], $0x3E80  }
0x18b: {  	[sflag:s24] =	ssyncset.done $0x0  }
0x18c: {  	[sflag:s24] =	ssyncadd.s32 $0xFFFFC180  }
0x18d: {  	_ =	swait.ge [sflag:s7], $0x3E80  }
0x18e: {  	[sflag:s7] =	ssyncset.done $0x0  }
0x18f: {  	s18 =	rddreg [dreg:$0x1d];
	[sflag:s7] =	ssyncadd.s32 $0xFFFFC180  }
0x190: {  	[tilespmem:s30], [sflag:$0x1] =	stream.indirect.gather [hbm4b:s1+s29], $0x80, s18, s29, $0xb8;
	[tilespmem:$0x1D000] =	vst v63  }
0x191: {  	s19 =	rddreg [dreg:$0x1e]  }
0x192: {  	[spmem:s2] =	stream.indirect.scatter.add.f32 [tilespmem:s31], [sflag:$0x5], $0x80, s19, s29, $0xb8;
	[tilespmem:$0x1D000] =	vst v63  }
0x193: {  	_ =	swait.ge [sflag:s24], $0x3E80  }
0x194: {  	[sflag:s24] =	ssyncset.done $0x0  }
0x195: {  	[sflag:s24] =	ssyncadd.s32 $0xFFFFC180  }
0x196: {  	_ =	swait.ge [sflag:s0], $0x3E80  }
0x197: {  	[sflag:s0] =	ssyncset.done $0x0  }
0x198: {  	[sflag:s0] =	ssyncadd.s32 $0xFFFFC180  }
0x199: {  	[tilespmem:s31], [sflag:$0x2] =	stream.indirect.gather [hbm4b:s1+s29], $0x80, s9, s29, $0xb8;
	[tilespmem:$0x1D000] =	vst v63  }
0x19a: {  	_ = 	snop  }
0x19b: {  	[spmem:s2] =	stream.indirect.scatter.add.f32 [tilespmem:s30], [sflag:$0x5], $0x80, s10, s29, $0xb8;
	[tilespmem:$0x1D000] =	vst v63  }
0x19c: {  	_ =	swait.ge [sflag:s24], $0x3E80  }
0x19d: {  	[sflag:s24] =	ssyncset.done $0x0  }
0x19e: {  	[sflag:s24] =	ssyncadd.s32 $0xFFFFC180  }
0x19f: {  	_ =	swait.ge [sflag:s7], $0x3E80  }
0x1a0: {  	[sflag:s7] =	ssyncset.done $0x0  }
0x1a1: {  	[sflag:s7] =	ssyncadd.s32 $0xFFFFC180  }
0x1a2: {  	_ =	swait.ge [sflag:s12], $0x400  }
0x1a3: {  	[sflag:s12] =	ssyncset.done $0x0  }
0x1a4: {  	[sflag:s12] =	ssyncadd.s32 $0xFFFFFC00  }
0x1a5: {  	_ =	swait.ge [sflag:s12], $0x400  }
0x1a6: {  	[sflag:s12] =	ssyncset.done $0x0  }
0x1a7: {  	[sflag:s12] =	ssyncadd.s32 $0xFFFFFC00  }
0x1a8: {  	[tilespmem:s30], [sflag:$0x1] =	stream.indirect.gather [hbm4b:s1+s29], $0x80, s4, s29, $0xb8;
	[tilespmem:$0x1D000] =	vst v63  }
0x1a9: {  	_ = 	snop  }
0x1aa: {  	[spmem:s2] =	stream.indirect.scatter.add.f32 [tilespmem:s31], [sflag:$0x5], $0x80, s14, s29, $0xb8;
	[tilespmem:$0x1D000] =	vst v63  }
0x1ab: {  	p4 =	sne.s32 s16, $0x8;
	s17 =	smin.u32 s17, $0x6;
	_ =	swait.ge [sflag:s24], $0x3E80  }
.Ltmp1:
0x1ac: {  	s17 =	sshll.u32 s17, $0xA;
	s19 =	rddreg [dreg:$0x5];
	(pc) =	sbr.rel @p4 .LBB2_4-.Ltmp1, $4  }
0x1ad: {  	s17 =	sadd.s32 s17, s19  }
0x1ae: {  	s16 =	sadd.s32 $0x2, s16;
	[sflag:s24] =	ssyncset.done $0x0;
	s17 =	sshrl.u32 s17, $0x3  }
0x1af: {  	[sflag:s24] =	ssyncadd.s32 $0xFFFFC180;
	s19 =	sadd.s32 s5, s17;
	s17 =	sadd.s32 s6, s17  }
0x1b0: {  	[tilespmem:s26], [sflag:$0x4] =	stream.linear.gather [hbm4b:s19+s4], $0x400, $0x38;
	[tilespmem:$0x1D000] =	vst v63  }
0x1b1: {  	[tilespmem:s28], [sflag:$0x4] =	stream.linear.gather [hbm4b:s17+s4], $0x400, $0x38;
	[tilespmem:$0x1D000] =	vst v63  }
0x1b2: {  	_ =	swait.ge [sflag:s0], $0x3E80  }
0x1b3: {  	[sflag:s0] =	ssyncset.done $0x0  }
0x1b4: {  	[sflag:s0] =	ssyncadd.s32 $0xFFFFC180  }
0x1b5: {  	_ =	swait.ge [sflag:s8], $0x400  }
0x1b6: {  	[sflag:s8] =	ssyncset.done $0x0  }
0x1b7: {  	[sflag:s8] =	ssyncadd.s32 $0xFFFFFC00  }
0x1b8: {  	_ =	swait.ge [sflag:s8], $0x400  }
0x1b9: {  	[sflag:s8] =	ssyncset.done $0x0  }
0x1ba: {  	[sflag:s8] =	ssyncadd.s32 $0xFFFFFC00  }
0x1bb: {  	[bflag:$0x0] =	sbarrier.arrive $0xFFFF  }
0x1bc: {  	s18 =	sld [smem:$0x7FC];
	_ =	sdelay $0x1  }
0x1bd: {  	s16 =	sshrl.u32 @!p0 s15, $0x3;
	s17 =	simm.s32 @!p0 $0x1FC5  }
0x1be: {  	[hbm:s18], [sflag:s17] =	dma.local @!p0 [spmem:s16], $0x2800  }
0x1bf: {  	s16 =	simm.s32 @!p0 $0x5  }
0x1c0: {  	_ =	swait.ge @!p0 [sflag:s16], $0x2800  }
0x1c1: {  	s19 =	stileid.u32;
	s18 =	sld [smem:$0x7FB]  }
0x1c2: {  	s17 =	sshll.u32 @!p1 s19, $0x6;
	[sflag:s16] =	ssyncset.done @!p0 $0x0  }
0x1c3: {  	[sflag:s16] =	ssyncadd.s32 @!p0 $0xFFFFD800;
	s16 =	sor.u32 @!p1 $0x1C05, s17;
	s17 =	sshrl.u32 @!p1 s13, $0x3  }
0x1c4: {  	[hbm:s18], [sflag:s16] =	dma.local @!p1 [spmem:s17], $0x2700  }
0x1c5: {  	s16 =	simm.s32 @!p1 $0x5  }
0x1c6: {  	_ =	swait.ge @!p1 [sflag:s16], $0x2700  }
0x1c7: {  	s18 =	sld [smem:$0x7FA]  }
0x1c8: {  	[sflag:s16] =	ssyncset.done @!p1 $0x0  }
0x1c9: {  	s17 =	simm.s32 @!p2 $0x1FC5;
	[sflag:s16] =	ssyncadd.s32 @!p1 $0xFFFFD900;
	s16 =	sshrl.u32 @!p2 s15, $0x3  }
0x1ca: {  	[hbm:s18], [sflag:s17] =	dma.local @!p2 [spmem:s16], $0x2800  }
0x1cb: {  	s16 =	simm.s32 @!p2 $0x5  }
0x1cc: {  	_ =	swait.ge @!p2 [sflag:s16], $0x2800  }
0x1cd: {  	s17 =	sshll.u32 @!p3 s19, $0x6;
	s19 =	sld [smem:$0x7F9]  }
0x1ce: {  	[sflag:s16] =	ssyncset.done @!p2 $0x0  }
0x1cf: {  	[sflag:s16] =	ssyncadd.s32 @!p2 $0xFFFFD800;
	s16 =	sor.u32 @!p3 $0x1C05, s17;
	s17 =	sshrl.u32 @!p3 s13, $0x3  }
0x1d0: {  	[hbm:s19], [sflag:s16] =	dma.local @!p3 [spmem:s17], $0x2700  }
0x1d1: {  	s16 =	simm.s32 @!p3 $0x5  }
0x1d2: {  	_ =	swait.ge @!p3 [sflag:s16], $0x2700  }
0x1d3: {  	s19 =	sld [smem:$0x7FD];
	_ =	sdelay $0x1  }
0x1d4: {  	s3 =	sadd.s32 $0x1, s3  }
0x1d5: {  	p4 =	sne.s32 s3, s19  }
.Ltmp2:
0x1d6: {  	_ = 	snop;
	(pc) =	sbr.rel @p4 .LBB2_1-.Ltmp2, $3  }
0x1d7: {  	_ =	sdelay $0x1  }
0x1d8: {  	[sflag:s16] =	ssyncset.done @!p3 $0x0  }
0x1d9: {  	s18 =	stileid.u32;
	[sflag:s16] =	ssyncadd.s32 @!p3 $0xFFFFD900  }
0x1da: {  	_ =	sfence.sel $0x180000  }
0x1db: {  	[bflag:$0x0] =	sbarrier.arrive $0xFFFF  }
0x1dc: {  	_ =	strace $0x90000047  }
0x1dd: {  	[bflag:$0x2] =	sbarrier.arrive $0xFFFF  }
0x1de: {  	p0 =	sne.s32 s18, $0x0;
	s0 =	rddreg [dreg:$0x3]  }
0x1df: {  	s0 =	sadd.s32 @!p0 $0x100000, s0  }
0x1e0: {  	[sflag:s0] =	ssyncadd.tile.s32 @!p0 $0x1;
	_ =	shalt  }
.Lfunc_end2:
_tile_overlayer_lowered:
.L_overlay_start_2:
0x1e1: {  	(tag) =	ssettag $0x2  }
0x1e2: {  	s0 =	rddreg [dreg:$0x0];
	s2 =	stileid.u32  }
0x1e3: {  	s1 =	rddreg [dreg:$0x1];
	p0 =	sne.s32 s2, $0x0  }
0x1e4: {  	s3 =	rddreg [dreg:$0x2];
	[bflag:$0x3] =	sbarrier.arrive $0xFFFF;
	s2 =	simm.s32 @!p0 $0x1C05  }
0x1e5: {  	[timem:s3], [sflag:s2] =	dma.local @!p0 [hbm:s0], s1  }
0x1e6: {  	s0 =	simm.s32 @!p0 $0x5  }
0x1e7: {  	_ =	swait.ge @!p0 [sflag:s0], s1  }
0x1e8: {  	s1 =	ssub.s32 @!p0 $0x0, s1;
	[sflag:s0] =	ssyncset.done @!p0 $0x0  }
0x1e9: {  	[sflag:s0] =	ssyncadd.s32 @!p0 s1  }
0x1ea: {  	[bflag:$0x3] =	sbarrier.arrive $0xFFFF  }
0x1eb: {  	_ =	shalt  }

// kernel: sc_edge_agg.7.cloned.1.call-start
scs
__scs_entry_jumppad:
0x0: {  	(pc) =	sbr.rel $0x88, $3  }
0x1: {  	(tag) =	ssettag $0x0;
	lr =	simm.s32 $0x1  }
0x2: {  	[smem:$0x3F96] =	sst lr;
	_ =	strace $0xD0000000  }
0x3: {  	_ = 	snop  }
0x4: {  	_ = 	snop  }
0x5: {  	_ = 	snop  }
0x6: {  	_ = 	snop  }
0x7: {  	_ = 	snop  }
__scs_overlays_trampoline_lowered:
0x8: {  	[smem:$0x3FA5] =	sst s0  }
0x9: {  	[smem:$0x3FA6] =	sst s1  }
0xa: {  	[smem:$0x3FA7] =	sst s2  }
0xb: {  	[smem:$0x3FA8] =	sst s3  }
0xc: {  	[smem:$0x3FA9] =	sst s4  }
0xd: {  	[smem:$0x3FAA] =	sst s5  }
0xe: {  	[smem:$0x3FAB] =	sst s6  }
0xf: {  	[smem:$0x3FAC] =	sst s7  }
0x10: {  	[smem:$0x3FAD] =	sst s8  }
0x11: {  	[smem:$0x3FAE] =	sst s9;
	s0 =	simm.s32 @!p0 $0x0  }
0x12: {  	s1 =	sld [smem:$0x3F94];
	s0 =	simm.s32 @p0 $0x1  }
0x13: {  	[smem:$0x3FAF] =	sst s0;
	s0 =	simm.s32 @!p1 $0x0  }
0x14: {  	s2 =	sld [smem:$0x3F93];
	s0 =	simm.s32 @p1 $0x1  }
0x15: {  	[smem:$0x3FB0] =	sst s0;
	s0 =	simm.s32 @!p2 $0x0  }
0x16: {  	s3 =	sld [smem:$0x3FDB];
	s0 =	simm.s32 @p2 $0x1  }
0x17: {  	s4 =	simm.s32 $0x1BF5;
	[smem:$0x3FB2] =	sst s0  }
0x18: {  	s0 =	sld [smem:$0x3F95];
	_ =	swait.ge [sflag:s4], $0x0  }
0x19: {  	s7 =	sld [smem:$0x3F96]  }
0x1a: {  	s8 =	sadd.s32 $0xFFFFE003, lr  }
0x1b: {  	s9 =	sadd.s32 $0xFFFFFEF7, lr;
	s5 =	simm.s32 $0xFFFFFFFF;
	p2 =	slt.u32 s8, $0xFFFFF086  }
0x1c: {  	p1 =	slt.u32 s9, $0xF7A;
	s5 =	simm.s32 @!p2 $0x0  }
0x1d: {  	s5 =	simm.s32 @p1 $0x1;
	p0 =	seq.s32 s7, s2  }
0x1e: {  	s7 =	smul.u32 @!p0 $0xF7A, s2;
	p2 =	seq.s32 @!p0 s5, $0x0  }
0x1f: {  	s9 =	smul.u32 $0xF7A, s1;
	s8 =	simm.s32 @!p0 $0x1BF5;
	p2 =	por !p2, p0  }
0x20: {  	[sflag:s8] =	ssyncset.s32 @!p0 $0xFFFFF086;
	s6 =	sadd.s32 @!p0 s3, s7;
	s7 =	simm.s32 @!p0 $0x108  }
0x21: {  	s3 =	sadd.s32 s3, s9;
	s6 =	sadd.s32 @!p0 $0x88, s6;
	s7 =	simm.s32 @p2 $0x1082  }
0x22: {  	[simem:s7], [sflag:s8] =	dma.local @!p0 [hbm:s6], $0xF7A  }
0x23: {  	s9 =	sor.u32 $0xD0000000, s2;
	s6 =	simm.s32 $0x108;
	_ =	swait.ge @!p0 [sflag:s8], $0x0  }
0x24: {  	s3 =	sadd.s32 $0x88, s3;
	s6 =	simm.s32 @!p1 $0x1082;
	[sflag:s4] =	ssyncset.s32 $0xFFFFF086  }
0x25: {  	[simem:s6], [sflag:s4] =	dma.local [hbm:s3], $0xF7A  }
0x26: {  	[smem:$0x3F96] =	sst s1;
	(tag) =	ssettag s2;
	_ =	strace s9  }
0x27: {  	s1 =	sld [smem:$0x3FA6]  }
0x28: {  	s2 =	sld [smem:$0x3FA7]  }
0x29: {  	s4 =	sld [smem:$0x3FA9]  }
0x2a: {  	p0 =	seq.s32 s5, $0x0;
	s5 =	sld [smem:$0x3FAA]  }
0x2b: {  	s6 =	sld [smem:$0x3FAB]  }
0x2c: {  	s7 =	sld [smem:$0x3FAC]  }
0x2d: {  	s3 =	simm.s32 $0x108;
	s8 =	sld [smem:$0x3FAD]  }
0x2e: {  	s3 =	simm.s32 @!p0 $0x1082;
	s9 =	sld [smem:$0x3FAE]  }
0x2f: {  	lr =	sadd.s32 s0, s3;
	s0 =	sld [smem:$0x3FA5]  }
0x30: {  	s3 =	sld [smem:$0x3FA8]  }
0x31: {  	[smem:$0x3FB1] =	sst s10  }
0x32: {  	s10 =	sld [smem:$0x3FAF];
	_ =	sdelay $0x3  }
0x33: {  	p0 =	seq.s32 s10, $0x1;
	s10 =	sld [smem:$0x3FB1];
	_ =	sdelay $0x3  }
0x34: {  	[smem:$0x3FB1] =	sst s10  }
0x35: {  	s10 =	sld [smem:$0x3FB0];
	_ =	sdelay $0x3  }
0x36: {  	p1 =	seq.s32 s10, $0x1;
	s10 =	sld [smem:$0x3FB1];
	_ =	sdelay $0x3  }
0x37: {  	[smem:$0x3FB1] =	sst s10  }
0x38: {  	s10 =	sld [smem:$0x3FB2]  }
0x39: {  	_ = 	snop;
	(pc) =	sbr.ind lr, $3  }
0x3a: {  	_ = 	snop  }
0x3b: {  	_ = 	snop  }
0x3c: {  	p2 =	seq.s32 s10, $0x1;
	s10 =	sld [smem:$0x3FB1]  }
0x3d: {  	_ =	shalt  }
0x3e: {  	_ =	shalt  }
0x3f: {  	_ =	shalt  }
0x40: {  	_ =	shalt  }
0x41: {  	_ =	shalt  }
0x42: {  	_ =	shalt  }
0x43: {  	_ =	shalt  }
0x44: {  	_ =	shalt  }
0x45: {  	_ =	shalt  }
0x46: {  	_ =	shalt  }
0x47: {  	_ =	shalt  }
0x48: {  	_ =	shalt  }
0x49: {  	_ =	shalt  }
0x4a: {  	_ =	shalt  }
0x4b: {  	_ =	shalt  }
0x4c: {  	_ =	shalt  }
0x4d: {  	_ =	shalt  }
0x4e: {  	_ =	shalt  }
0x4f: {  	_ =	shalt  }
0x50: {  	_ =	shalt  }
0x51: {  	_ =	shalt  }
0x52: {  	_ =	shalt  }
0x53: {  	_ =	shalt  }
0x54: {  	_ =	shalt  }
0x55: {  	_ =	shalt  }
0x56: {  	_ =	shalt  }
0x57: {  	_ =	shalt  }
0x58: {  	_ =	shalt  }
0x59: {  	_ =	shalt  }
0x5a: {  	_ =	shalt  }
0x5b: {  	_ =	shalt  }
0x5c: {  	_ =	shalt  }
0x5d: {  	_ =	shalt  }
0x5e: {  	_ =	shalt  }
0x5f: {  	_ =	shalt  }
0x60: {  	_ =	shalt  }
0x61: {  	_ =	shalt  }
0x62: {  	_ =	shalt  }
0x63: {  	_ =	shalt  }
0x64: {  	_ =	shalt  }
0x65: {  	_ =	shalt  }
0x66: {  	_ =	shalt  }
0x67: {  	_ =	shalt  }
0x68: {  	_ =	shalt  }
0x69: {  	_ =	shalt  }
0x6a: {  	_ =	shalt  }
0x6b: {  	_ =	shalt  }
0x6c: {  	_ =	shalt  }
0x6d: {  	_ =	shalt  }
0x6e: {  	_ =	shalt  }
0x6f: {  	_ =	shalt  }
0x70: {  	_ =	shalt  }
0x71: {  	_ =	shalt  }
0x72: {  	_ =	shalt  }
0x73: {  	_ =	shalt  }
0x74: {  	_ =	shalt  }
0x75: {  	_ =	shalt  }
0x76: {  	_ =	shalt  }
0x77: {  	_ =	shalt  }
0x78: {  	_ =	shalt  }
0x79: {  	_ =	shalt  }
0x7a: {  	_ =	shalt  }
0x7b: {  	_ =	shalt  }
0x7c: {  	_ =	shalt  }
0x7d: {  	_ =	shalt  }
0x7e: {  	_ =	shalt  }
0x7f: {  	_ =	shalt  }
0x80: {  	_ =	shalt  }
0x81: {  	_ =	shalt  }
0x82: {  	_ =	shalt  }
0x83: {  	_ =	shalt  }
0x84: {  	_ =	shalt  }
0x85: {  	_ =	shalt  }
0x86: {  	_ =	shalt  }
0x87: {  	_ =	shalt  }
.Lfunc_end0:
.L_simem_size_0:
called_computation.2_lowered:
.L_overlay_start_0:
0x88: {  	s2 =	sld [smem:$0x3FD9]  }
0x89: {  	s3 =	sld [smem:$0x3FFE];
	_ =	sdelay $0x1  }
0x8a: {  	s1 =	srdreg.scid  }
0x8b: {  	s0 =	sand.u32 $0x1, s1  }
0x8c: {  	s16 =	sshll.u32 s0, $0xA;
	s2 =	sadd.s32 s3, s2  }
0x8d: {  	s2 =	sadd.s32 s2, s16  }
0x8e: {  	[smem:$0x3FBD] =	sst s2  }
0x8f: {  	_ = 	snop  }
0x90: {  	(tm) =	ssettm $0x1  }
0x91: {  	s17 =	sld [smem:$0x3FFB];
	_ =	sdelay $0x3  }
0x92: {  	_ =	strace s17  }
0x93: {  	s2 =	sld [smem:$0x3FFC];
	_ =	sdelay $0x3  }
0x94: {  	_ =	strace s2  }
0x95: {  	s2 =	sld [smem:$0x3FFD];
	_ =	sdelay $0x3  }
0x96: {  	_ =	strace s2  }
0x97: {  	_ =	strace $0x8FFFFFFF  }
0x98: {  	s18 =	sld [smem:$0x3FDB];
	_ =	sdelay $0x1  }
0x99: {  	s19 =	simm.s32 $_scs_section_size  }
0x9a: {  	s4 =	simm.s32 $_size__tile_overlayer_lowered;
	s5 =	simm.s32 $_tile_overlayer_lowered  }
0x9b: {  	s22 =	simm.s32 $0x1BFF;
	s21 =	sshll.u32 s5, $0x1;
	s2 =	sadd.s32 s19, s18  }
0x9c: {  	s6 =	simm.s32 $0x0;
	s20 =	sshll.u32 s4, $0x1;
	s4 =	sadd.s32 s21, s2  }
0x9d: {  	[timem:s6], [sflag:s22] =	dma.local [hbm:s4], s20  }
0x9e: {  	_ =	swait.ge [sflag:s22], s20  }
0x9f: {  	s3 =	ssub.s32 $0x0, s20;
	[sflag:s22] =	ssyncset.done $0x0  }
0xa0: {  	[sflag:s22] =	ssyncadd.s32 s3;
	_ =	sdelay $0x1  }
0xa1: {  	s23 =	simm.s32 $0x1B8B  }
0xa2: {  	_ =	swait.ge [sflag:s23], $0x1  }
0xa3: {  	[sflag:s23] =	ssyncset.done $0x0  }
0xa4: {  	s25 =	simm.s32 $0x1B8E;
	s24 =	sld [smem:$0x3FFE];
	[sflag:s23] =	ssyncadd.s32 $0xFFFFFFFF  }
0xa5: {  	s26 =	simm.s32 $execute0_lowered;
	[smem:$0x3FD2] =	sst s25  }
0xa6: {  	s4 =	sshll.u32 s26, $0x1;
	_ =	strace $0x8000004C;
	[dreg:$0x1] =	wrdreg $0xFFFFFFFF  }
0xa7: {  	s28 =	simm.s32 $_size_execute0_lowered;
	s2 =	sadd.s32 s2, s4;
	[dreg:$0x0] =	wrdreg $0x0  }
0xa8: {  	s4 =	sshll.u32 s28, $0x1;
	[dreg:$0x2] =	wrdreg s2  }
0xa9: {  	[dreg:$0x3] =	wrdreg s4  }
0xaa: {  	[dreg:$0x4] =	wrdreg $0xC0  }
0xab: {  	_ =	task [dreg:s6], $0x5FFFF  }
0xac: {  	[dreg:$0x1] =	wrdreg $0xFFFFFFFF  }
0xad: {  	[dreg:$0x0] =	wrdreg $0x60  }
0xae: {  	[dreg:$0x2] =	wrdreg s24  }
0xaf: {  	[dreg:$0x3] =	wrdreg $0x90000  }
0xb0: {  	[dreg:$0x4] =	wrdreg $0x9  }
0xb1: {  	_ =	task.clear_ibuf [dreg:s6], $0x5FFFF;
	_ =	strace $0x9000004C  }
0xb2: {  	s29 =	simm.s32 $0x9;
	_ =	strace $0x8000004E  }
0xb3: {  	_ =	swait.ge [sflag:s29], $0x1  }
0xb4: {  	[sflag:s29] =	ssyncadd.s32 $0xFFFFFFFF  }
0xb5: {  	_ =	strace $0x9000004E  }
0xb6: {  	_ =	sfence  }
0xb7: {  	s30 =	sld [smem:$0x0];
	_ =	sdelay $0x2  }
0xb8: {  	s31 =	sshll.u32 s1, $0xD;
	s1 =	sshrl.u32 s1, $0x2  }
0xb9: {  	s3 =	sand.u32 $0x4000, s31;
	s1 =	sadd.s32 s1, s30  }
0xba: {  	s0 =	sor.u32 s3, s0;
	s1 =	sshll.u32 s1, $0x11  }
0xbb: {  	s0 =	sor.u32 s1, s0  }
0xbc: {  	s0 =	sadd.s32 $0x8F2B, s0  }
0xbd: {  	[sflag:s0] =	ssyncadd.remote.s32 $0x1  }
0xbe: {  	_ =	sfence.sel $0xFFFF  }
0xbf: {  	[dreg:$0x0] =	wrdreg $0xFFFFFFFF;
	(pc) =	sbr.abs _section_cstart, $3  }
0xc0: {  	[dreg:$0x1] =	wrdreg $0xFFFFFFFF  }
0xc1: {  	_ =	task.clear_ibuf [dreg:s6], $0x2FFFF;
	_ =	strace $0x9FFFFFFF  }
0xc2: {  	(tm) =	ssettm $0x7FFFFFFF  }
0xc3: {  	_ =	shalt  }
tec
execute0_lowered:
.L_overlay_start_1:
0x0: {  	(tag) =	ssettag $0x1  }
0x1: {  	s0 =	rddreg [dreg:$0x0]  }
0x2: {  	s1 =	rddreg [dreg:$0x1]  }
0x3: {  	s2 =	srdreg.scid;
	s3 =	simm.s32 $0x0;
	s12 =	stileid.u32  }
0x4: {  	s20 =	simm.s32 $0x80;
	s22 =	simm.s32 $0x100;
	s24 =	simm.s32 $0x880  }
0x5: {  	s25 =	simm.s32 $0x180;
	s14 =	simm.s32 $0x200;
	[smem:$0x7FF] =	sst s3  }
0x6: {  	s15 =	simm.s32 $0x980;
	_ =	strace $0x8000004D;
	[dreg:$0x5] =	wrdreg s20  }
0x7: {  	s17 =	simm.s32 $0x280;
	s18 =	simm.s32 $0xA00;
	[dreg:$0x6] =	wrdreg s22  }
0x8: {  	s28 =	simm.s32 $0xC00;
	s29 =	simm.s32 $0x7D;
	[dreg:$0x7] =	wrdreg s24  }
0x9: {  	s30 =	simm.s32 $0x1000;
	s31 =	simm.s32 $0x5000;
	[dreg:$0x8] =	wrdreg s25  }
0xa: {  	s2 =	sand.u32 $0x1, s2;
	s7 =	smul.u32 $0x2700, s12;
	[dreg:$0xa] =	wrdreg s14  }
0xb: {  	s6 =	sadd.s32 $0x4000, s0;
	s13 =	smul.u32 $0x50000, s12;
	[dreg:$0xb] =	wrdreg s15  }
0xc: {  	s4 =	sshll.u32 s2, $0x4;
	s9 =	ssub.s32 $0x2, s2;
	[dreg:$0xc] =	wrdreg s17  }
0xd: {  	[dreg:$0xd] =	wrdreg s18;
	s20 =	smul.u32 $0x4E000, s12;
	p3 =	seq.s32 s2, $0x1  }
0xe: {  	s22 =	simm.s32 $0x380;
	s24 =	simm.s32 $0xB00;
	s25 =	simm.s32 $0xB80  }
0xf: {  	s15 =	sadd.s32 $0x124800, s1;
	s14 =	simm.s32 $0x500;
	[dreg:$0x10] =	wrdreg s22  }
0x10: {  	s17 =	simm.s32 $0xC80;
	s18 =	simm.s32 $0x580;
	[dreg:$0x11] =	wrdreg s24  }
0x11: {  	s2 =	simm.s32 $0x0;
	s5 =	sor.u32 s12, s4;
	[dreg:$0x12] =	wrdreg s25  }
0x12: {  	s4 =	sadd.s32 $0x18000, s0;
	s7 =	sadd.s32 s7, s0;
	[dreg:$0x14] =	wrdreg s14  }
0x13: {  	s10 =	sshrl.u32 s9, $0x1;
	s16 =	sshrl.u32 s13, $0x2;
	[dreg:$0x15] =	wrdreg s17  }
0x14: {  	[dreg:$0x16] =	wrdreg s18;
	s22 =	simm.s32 $0xD80;
	s24 =	simm.s32 $0xE00  }
0x15: {  	s25 =	simm.s32 $0x700;
	p1 =	seq.s32 @p3 s12, $0xF;
	p4 =	seq.s32 @!p3 s12, $0xF  }
0x16: {  	s12 =	simm.s32 $0x3;
	s8 =	smul.u32 $0x2800, s5;
	[dreg:$0x19] =	wrdreg s22  }
0x17: {  	s14 =	simm.s32 $0xF80;
	s5 =	sadd.s32 $0xE000, s0;
	[dreg:$0x1b] =	wrdreg s24  }
0x18: {  	s9 =	ssub.s32 s9, s10;
	[dreg:$0x1c] =	wrdreg s25;
	s11 =	sadd.s32 $0x800, s8  }
0x19: {  	s19 =	sadd.s32 $0xC00, s8;
	s8 =	sshrl.u32 s8, $0x3;
	[dreg:$0x3] =	wrdreg s11  }
0x1a: {  	s24 =	simm.s32 $0x5;
	[dreg:$0x4] =	wrdreg s19;
	s21 =	sadd.s32 s5, s8  }
0x1b: {  	s25 =	simm.s32 $0x800;
	s23 =	sadd.s32 s6, s8;
	[dreg:$0x1e] =	wrdreg s21  }
0x1c: {  	p0 =	por !p1, !p3;
	s11 =	simm.s32 $0x900;
	[dreg:$0x1f] =	wrdreg s23  }
0x1d: {  	s8 =	sor.u32 $0x80, s8;
	s19 =	simm.s32 $0x300;
	[dreg:$0x9] =	wrdreg s11  }
0x1e: {  	p1 =	por p1, !p3;
	s26 =	sadd.s32 s5, s8;
	[dreg:$0xe] =	wrdreg s19  }
0x1f: {  	p2 =	por !p4, p3;
	s8 =	sadd.s32 s6, s8;
	[smem:$0x7F6] =	sst s26  }
0x20: {  	p3 =	por p4, p3;
	s21 =	simm.s32 $0xA80;
	[smem:$0x7F7] =	sst s8  }
0x21: {  	s11 =	sadd.s32 s16, s1;
	s16 =	sadd.s32 $0xDC100, s0;
	[dreg:$0xf] =	wrdreg s21  }
0x22: {  	s23 =	sshrl.u32 s20, $0x2;
	s0 =	sadd.s32 $0x103300, s0;
	[smem:$0x7FA] =	sst s16  }
0x23: {  	s19 =	simm.s32 $0xD00;
	s20 =	smax.u32 s9, $0x1;
	[smem:$0x7FC] =	sst s0  }
0x24: {  	s9 =	simm.s32 $0x780;
	s10 =	sadd.s32 $0x12C00, s11;
	[smem:$0x7FD] =	sst s20  }
0x25: {  	s13 =	sadd.s32 s23, s1;
	s26 =	sadd.s32 $0xB7800, s7;
	[dreg:$0x17] =	wrdreg s19  }
0x26: {  	s7 =	sadd.s32 $0xDEA00, s7;
	s21 =	simm.s32 $0x600;
	[smem:$0x7F8] =	sst s10  }
0x27: {  	s20 =	sadd.s32 $0x3C00, s11;
	s23 =	simm.s32 $0x680;
	[smem:$0x7F9] =	sst s26  }
0x28: {  	s22 =	sadd.s32 $0xB400, s11;
	s0 =	simm.s32 $0x1;
	[smem:$0x7FB] =	sst s7  }
0x29: {  	s8 =	simm.s32 $0x4;
	s10 =	simm.s32 $0x480;
	[dreg:$0x18] =	wrdreg s21  }
0x2a: {  	s21 =	sadd.s32 $0x7800, s11;
	[dreg:$0x1a] =	wrdreg s23;
	s23 =	sadd.s32 $0xF000, s11  }
0x2b: {  	s26 =	simm.s32 $0xE80;
	s7 =	simm.s32 $0x2;
	[dreg:$0x13] =	wrdreg s10  }
0x2c: {  	v0 =	vimm.f32 $0.0e+00;
	[dreg:$0x1d] =	wrdreg s26;
	s26 =	simm.s32 $0x400;
	s10 =	simm.s32 $0xF00  }
.LBB2_1:
0x2d: {  	s16 =	rddreg [dreg:$0x1e]  }
0x2e: {  	[tilespmem:s3], [sflag:$0x5] =	stream.linear.gather [hbm4b:s16+s3], $0x400, $0x38;
	[tilespmem:$0x1D000] =	vst v63  }
0x2f: {  	_ =	swait.ge [sflag:s24], $0x400  }
0x30: {  	[sflag:s24] =	ssyncset.done $0x0  }
0x31: {  	s17 =	rddreg [dreg:$0x1f];
	[sflag:s24] =	ssyncadd.s32 $0xFFFFFC00  }
0x32: {  	[tilespmem:s25], [sflag:$0x5] =	stream.linear.gather [hbm4b:s17+s3], $0x400, $0x38;
	[tilespmem:$0x1D000] =	vst v63  }
0x33: {  	_ =	swait.ge [sflag:s24], $0x400  }
0x34: {  	s18 =	sld [smem:$0x7F6]  }
0x35: {  	[sflag:s24] =	ssyncset.done $0x0  }
0x36: {  	s19 =	sld [smem:$0x7F7];
	[sflag:s24] =	ssyncadd.s32 $0xFFFFFC00  }
0x37: {  	[tilespmem:s26], [sflag:$0x4] =	stream.linear.gather [hbm4b:s18+s3], $0x400, $0x38;
	[tilespmem:$0x1D000] =	vst v63  }
0x38: {  	_ = 	snop  }
0x39: {  	[tilespmem:s28], [sflag:$0x4] =	stream.linear.gather [hbm4b:s19+s3], $0x400, $0x38;
	[tilespmem:$0x1D000] =	vst v63  }
0x3a: {  	s16 =	simm.s32 $0x0;
	s17 =	simm.s32 $0x200  }
0x3b: {  	[tilespmem:s30], [sflag:$0x1] =	stream.indirect.gather [hbm4b:s4+s29], $0x80, s3, s29, $0xb8;
	[tilespmem:$0x1D000] =	vst v63  }
.LBB2_2:
0x3c: {  	p4 =	sne.s32 s17, $0xEE00;
	[tilespmem:s16+$0x5070] =	vst v0  }
0x3d: {  	[tilespmem:s16+$0x5000] =	vst v0  }
0x3e: {  	[tilespmem:s16+$0x5010] =	vst v0  }
.Ltmp0:
0x3f: {  	[tilespmem:s16+$0x5020] =	vst v0;
	(pc) =	sbr.rel @p4 .LBB2_2-.Ltmp0, $4  }
0x40: {  	[tilespmem:s16+$0x5030] =	vst v0  }
0x41: {  	[tilespmem:s16+$0x5040] =	vst v0  }
0x42: {  	[tilespmem:s16+$0x5050] =	vst v0  }
0x43: {  	[tilespmem:s16+$0x5060] =	vst v0;
	s16 =	sshra.s32 s17, $0x2;
	s17 =	sadd.s32 $0x200, s17  }
0x44: {  	[tilespmem:s16+$0x5070] =	vst v0  }
0x45: {  	[tilespmem:s16+$0x5000] =	vst v0  }
0x46: {  	[tilespmem:s16+$0x5010] =	vst v0  }
0x47: {  	[tilespmem:s16+$0x5020] =	vst v0  }
0x48: {  	[tilespmem:s16+$0x5030] =	vst v0  }
0x49: {  	[tilespmem:s16+$0x5040] =	vst v0  }
0x4a: {  	[tilespmem:s16+$0x5050] =	vst v0  }
0x4b: {  	[tilespmem:s16+$0x5060] =	vst v0  }
0x4c: {  	[spmem:s11] =	stream.linear.scatter [tilespmem:s31], [sflag:$0x5], $0x3C00, $0x38;
	[tilespmem:$0x1D000] =	vst v63  }
0x4d: {  	_ =	swait.ge [sflag:s24], $0x3C00  }
0x4e: {  	[sflag:s24] =	ssyncset.done $0x0  }
0x4f: {  	[sflag:s24] =	ssyncadd.s32 $0xFFFFC400  }
0x50: {  	[spmem:s20] =	stream.linear.scatter [tilespmem:s31], [sflag:$0x5], $0x3C00, $0x38;
	[tilespmem:$0x1D000] =	vst v63  }
0x51: {  	_ =	swait.ge [sflag:s24], $0x3C00  }
0x52: {  	[sflag:s24] =	ssyncset.done $0x0  }
0x53: {  	[sflag:s24] =	ssyncadd.s32 $0xFFFFC400  }
0x54: {  	[spmem:s21] =	stream.linear.scatter [tilespmem:s31], [sflag:$0x5], $0x3C00, $0x38;
	[tilespmem:$0x1D000] =	vst v63  }
0x55: {  	_ =	swait.ge [sflag:s24], $0x3C00  }
0x56: {  	[sflag:s24] =	ssyncset.done $0x0  }
0x57: {  	[sflag:s24] =	ssyncadd.s32 $0xFFFFC400  }
0x58: {  	[spmem:s22] =	stream.linear.scatter [tilespmem:s31], [sflag:$0x5], $0x3C00, $0x38;
	[tilespmem:$0x1D000] =	vst v63  }
0x59: {  	_ =	swait.ge [sflag:s24], $0x3C00  }
0x5a: {  	[sflag:s24] =	ssyncset.done $0x0  }
0x5b: {  	[sflag:s24] =	ssyncadd.s32 $0xFFFFC400  }
0x5c: {  	[spmem:s23] =	stream.linear.scatter [tilespmem:s31], [sflag:$0x5], $0x3C00, $0x38;
	[tilespmem:$0x1D000] =	vst v63  }
0x5d: {  	_ =	swait.ge [sflag:s24], $0x3C00  }
0x5e: {  	s17 =	sld [smem:$0x7F8]  }
0x5f: {  	[sflag:s24] =	ssyncset.done $0x0  }
0x60: {  	[sflag:s24] =	ssyncadd.s32 $0xFFFFC400  }
0x61: {  	[spmem:s17] =	stream.linear.scatter [tilespmem:s31], [sflag:$0x5], $0x1400, $0x38;
	[tilespmem:$0x1D000] =	vst v63  }
0x62: {  	_ =	swait.ge [sflag:s24], $0x1400  }
0x63: {  	[sflag:s24] =	ssyncset.done $0x0  }
0x64: {  	[sflag:s24] =	ssyncadd.s32 $0xFFFFEC00  }
0x65: {  	[bflag:$0x0] =	sbarrier.arrive $0xFFFF  }
0x66: {  	_ =	swait.ge [sflag:s0], $0x3E80  }
0x67: {  	[sflag:s0] =	ssyncset.done $0x0  }
0x68: {  	s18 =	rddreg [dreg:$0x5];
	[sflag:s0] =	ssyncadd.s32 $0xFFFFC180  }
0x69: {  	[tilespmem:s31], [sflag:$0x2] =	stream.indirect.gather [hbm4b:s4+s29], $0x80, s18, s29, $0xb8;
	[tilespmem:$0x1D000] =	vst v63  }
0x6a: {  	_ = 	snop  }
0x6b: {  	[spmem:s1] =	stream.indirect.scatter.add.f32 [tilespmem:s30], [sflag:$0x5], $0x80, s25, s29, $0xb8;
	[tilespmem:$0x1D000] =	vst v63  }
0x6c: {  	_ =	swait.ge [sflag:s24], $0x3E80  }
0x6d: {  	[sflag:s24] =	ssyncset.done $0x0  }
0x6e: {  	[sflag:s24] =	ssyncadd.s32 $0xFFFFC180  }
0x6f: {  	_ =	swait.ge [sflag:s7], $0x3E80  }
0x70: {  	[sflag:s7] =	ssyncset.done $0x0  }
0x71: {  	s19 =	rddreg [dreg:$0x6];
	[sflag:s7] =	ssyncadd.s32 $0xFFFFC180  }
0x72: {  	[tilespmem:s30], [sflag:$0x1] =	stream.indirect.gather [hbm4b:s4+s29], $0x80, s19, s29, $0xb8;
	[tilespmem:$0x1D000] =	vst v63  }
0x73: {  	s17 =	rddreg [dreg:$0x7]  }
0x74: {  	[spmem:s1] =	stream.indirect.scatter.add.f32 [tilespmem:s31], [sflag:$0x5], $0x80, s17, s29, $0xb8;
	[tilespmem:$0x1D000] =	vst v63  }
0x75: {  	_ =	swait.ge [sflag:s24], $0x3E80  }
0x76: {  	[sflag:s24] =	ssyncset.done $0x0  }
0x77: {  	[sflag:s24] =	ssyncadd.s32 $0xFFFFC180  }
0x78: {  	_ =	swait.ge [sflag:s0], $0x3E80  }
0x79: {  	[sflag:s0] =	ssyncset.done $0x0  }
0x7a: {  	s18 =	rddreg [dreg:$0x8];
	[sflag:s0] =	ssyncadd.s32 $0xFFFFC180  }
0x7b: {  	[tilespmem:s31], [sflag:$0x2] =	stream.indirect.gather [hbm4b:s4+s29], $0x80, s18, s29, $0xb8;
	[tilespmem:$0x1D000] =	vst v63  }
0x7c: {  	s19 =	rddreg [dreg:$0x9]  }
0x7d: {  	[spmem:s1] =	stream.indirect.scatter.add.f32 [tilespmem:s30], [sflag:$0x5], $0x80, s19, s29, $0xb8;
	[tilespmem:$0x1D000] =	vst v63  }
0x7e: {  	_ =	swait.ge [sflag:s24], $0x3E80  }
0x7f: {  	[sflag:s24] =	ssyncset.done $0x0  }
0x80: {  	[sflag:s24] =	ssyncadd.s32 $0xFFFFC180  }
0x81: {  	_ =	swait.ge [sflag:s7], $0x3E80  }
0x82: {  	[sflag:s7] =	ssyncset.done $0x0  }
0x83: {  	s18 =	rddreg [dreg:$0xa];
	[sflag:s7] =	ssyncadd.s32 $0xFFFFC180  }
0x84: {  	[tilespmem:s30], [sflag:$0x1] =	stream.indirect.gather [hbm4b:s4+s29], $0x80, s18, s29, $0xb8;
	[tilespmem:$0x1D000] =	vst v63  }
0x85: {  	s19 =	rddreg [dreg:$0xb]  }
0x86: {  	[spmem:s1] =	stream.indirect.scatter.add.f32 [tilespmem:s31], [sflag:$0x5], $0x80, s19, s29, $0xb8;
	[tilespmem:$0x1D000] =	vst v63  }
0x87: {  	_ =	swait.ge [sflag:s24], $0x3E80  }
0x88: {  	[sflag:s24] =	ssyncset.done $0x0  }
0x89: {  	[sflag:s24] =	ssyncadd.s32 $0xFFFFC180  }
0x8a: {  	_ =	swait.ge [sflag:s0], $0x3E80  }
0x8b: {  	[sflag:s0] =	ssyncset.done $0x0  }
0x8c: {  	s18 =	rddreg [dreg:$0xc];
	[sflag:s0] =	ssyncadd.s32 $0xFFFFC180  }
0x8d: {  	[tilespmem:s31], [sflag:$0x2] =	stream.indirect.gather [hbm4b:s4+s29], $0x80, s18, s29, $0xb8;
	[tilespmem:$0x1D000] =	vst v63  }
0x8e: {  	s19 =	rddreg [dreg:$0xd]  }
0x8f: {  	[spmem:s1] =	stream.indirect.scatter.add.f32 [tilespmem:s30], [sflag:$0x5], $0x80, s19, s29, $0xb8;
	[tilespmem:$0x1D000] =	vst v63  }
0x90: {  	_ =	swait.ge [sflag:s24], $0x3E80  }
0x91: {  	[sflag:s24] =	ssyncset.done $0x0  }
0x92: {  	[sflag:s24] =	ssyncadd.s32 $0xFFFFC180  }
0x93: {  	_ =	swait.ge [sflag:s7], $0x3E80  }
0x94: {  	[sflag:s7] =	ssyncset.done $0x0  }
0x95: {  	s18 =	rddreg [dreg:$0xe];
	[sflag:s7] =	ssyncadd.s32 $0xFFFFC180  }
0x96: {  	[tilespmem:s30], [sflag:$0x1] =	stream.indirect.gather [hbm4b:s4+s29], $0x80, s18, s29, $0xb8;
	[tilespmem:$0x1D000] =	vst v63  }
0x97: {  	s19 =	rddreg [dreg:$0xf]  }
0x98: {  	[spmem:s1] =	stream.indirect.scatter.add.f32 [tilespmem:s31], [sflag:$0x5], $0x80, s19, s29, $0xb8;
	[tilespmem:$0x1D000] =	vst v63  }
0x99: {  	_ =	swait.ge [sflag:s24], $0x3E80  }
0x9a: {  	[sflag:s24] =	ssyncset.done $0x0  }
0x9b: {  	[sflag:s24] =	ssyncadd.s32 $0xFFFFC180  }
0x9c: {  	_ =	swait.ge [sflag:s0], $0x3E80  }
0x9d: {  	[sflag:s0] =	ssyncset.done $0x0  }
0x9e: {  	s18 =	rddreg [dreg:$0x10];
	[sflag:s0] =	ssyncadd.s32 $0xFFFFC180  }
0x9f: {  	[tilespmem:s31], [sflag:$0x2] =	stream.indirect.gather [hbm4b:s4+s29], $0x80, s18, s29, $0xb8;
	[tilespmem:$0x1D000] =	vst v63  }
0xa0: {  	s19 =	rddreg [dreg:$0x11]  }
0xa1: {  	[spmem:s1] =	stream.indirect.scatter.add.f32 [tilespmem:s30], [sflag:$0x5], $0x80, s19, s29, $0xb8;
	[tilespmem:$0x1D000] =	vst v63  }
0xa2: {  	_ =	swait.ge [sflag:s24], $0x3E80  }
0xa3: {  	[sflag:s24] =	ssyncset.done $0x0  }
0xa4: {  	[sflag:s24] =	ssyncadd.s32 $0xFFFFC180  }
0xa5: {  	_ =	swait.ge [sflag:s7], $0x3E80  }
0xa6: {  	[sflag:s7] =	ssyncset.done $0x0  }
0xa7: {  	[sflag:s7] =	ssyncadd.s32 $0xFFFFC180  }
0xa8: {  	_ =	swait.ge [sflag:s8], $0x400  }
0xa9: {  	[sflag:s8] =	ssyncset.done $0x0  }
0xaa: {  	[sflag:s8] =	ssyncadd.s32 $0xFFFFFC00  }
0xab: {  	_ =	swait.ge [sflag:s8], $0x400  }
0xac: {  	[sflag:s8] =	ssyncset.done $0x0  }
0xad: {  	[sflag:s8] =	ssyncadd.s32 $0xFFFFFC00  }
0xae: {  	[tilespmem:s30], [sflag:$0x1] =	stream.indirect.gather [hbm4b:s4+s29], $0x80, s26, s29, $0xb8;
	[tilespmem:$0x1D000] =	vst v63  }
0xaf: {  	s16 =	simm.s32 $0x0;
	s18 =	rddreg [dreg:$0x12]  }
0xb0: {  	[spmem:s1] =	stream.indirect.scatter.add.f32 [tilespmem:s31], [sflag:$0x5], $0x80, s18, s29, $0xb8;
	[tilespmem:$0x1D000] =	vst v63  }
0xb1: {  	s18 =	smin.u32 s16, $0x7;
	_ =	swait.ge [sflag:s24], $0x3E80  }
0xb2: {  	s18 =	sshll.u32 s18, $0xA;
	s19 =	rddreg [dreg:$0x3]  }
0xb3: {  	s17 =	sadd.s32 s18, s19  }
0xb4: {  	[sflag:s24] =	ssyncset.done $0x0;
	s17 =	sshrl.u32 s17, $0x3  }
0xb5: {  	[sflag:s24] =	ssyncadd.s32 $0xFFFFC180;
	s19 =	sadd.s32 s5, s17  }
0xb6: {  	[tilespmem:s3], [sflag:$0x3] =	stream.linear.gather [hbm4b:s19+s3], $0x400, $0x38;
	[tilespmem:$0x1D000] =	vst v63  }
0xb7: {  	s17 =	sadd.s32 s6, s17  }
0xb8: {  	[tilespmem:s25], [sflag:$0x3] =	stream.linear.gather [hbm4b:s17+s3], $0x400, $0x38;
	[tilespmem:$0x1D000] =	vst v63  }
0xb9: {  	_ =	swait.ge [sflag:s0], $0x3E80  }
0xba: {  	[sflag:s0] =	ssyncset.done $0x0  }
0xbb: {  	s19 =	rddreg [dreg:$0x13];
	[sflag:s0] =	ssyncadd.s32 $0xFFFFC180  }
0xbc: {  	[tilespmem:s31], [sflag:$0x2] =	stream.indirect.gather [hbm4b:s4+s29], $0x80, s19, s29, $0xb8;
	[tilespmem:$0x1D000] =	vst v63  }
0xbd: {  	_ = 	snop  }
0xbe: {  	[spmem:s1] =	stream.indirect.scatter.add.f32 [tilespmem:s30], [sflag:$0x5], $0x80, s28, s29, $0xb8;
	[tilespmem:$0x1D000] =	vst v63  }
0xbf: {  	_ =	swait.ge [sflag:s24], $0x3E80  }
0xc0: {  	[sflag:s24] =	ssyncset.done $0x0  }
0xc1: {  	[sflag:s24] =	ssyncadd.s32 $0xFFFFC180  }
0xc2: {  	_ =	swait.ge [sflag:s7], $0x3E80  }
0xc3: {  	[sflag:s7] =	ssyncset.done $0x0  }
0xc4: {  	s18 =	rddreg [dreg:$0x14];
	[sflag:s7] =	ssyncadd.s32 $0xFFFFC180  }
0xc5: {  	[tilespmem:s30], [sflag:$0x1] =	stream.indirect.gather [hbm4b:s4+s29], $0x80, s18, s29, $0xb8;
	[tilespmem:$0x1D000] =	vst v63  }
0xc6: {  	s19 =	rddreg [dreg:$0x15]  }
0xc7: {  	[spmem:s1] =	stream.indirect.scatter.add.f32 [tilespmem:s31], [sflag:$0x5], $0x80, s19, s29, $0xb8;
	[tilespmem:$0x1D000] =	vst v63  }
0xc8: {  	_ =	swait.ge [sflag:s24], $0x3E80  }
0xc9: {  	[sflag:s24] =	ssyncset.done $0x0  }
0xca: {  	[sflag:s24] =	ssyncadd.s32 $0xFFFFC180  }
0xcb: {  	_ =	swait.ge [sflag:s0], $0x3E80  }
0xcc: {  	[sflag:s0] =	ssyncset.done $0x0  }
0xcd: {  	s18 =	rddreg [dreg:$0x16];
	[sflag:s0] =	ssyncadd.s32 $0xFFFFC180  }
0xce: {  	[tilespmem:s31], [sflag:$0x2] =	stream.indirect.gather [hbm4b:s4+s29], $0x80, s18, s29, $0xb8;
	[tilespmem:$0x1D000] =	vst v63  }
0xcf: {  	s19 =	rddreg [dreg:$0x17]  }
0xd0: {  	[spmem:s1] =	stream.indirect.scatter.add.f32 [tilespmem:s30], [sflag:$0x5], $0x80, s19, s29, $0xb8;
	[tilespmem:$0x1D000] =	vst v63  }
0xd1: {  	_ =	swait.ge [sflag:s24], $0x3E80  }
0xd2: {  	[sflag:s24] =	ssyncset.done $0x0  }
0xd3: {  	[sflag:s24] =	ssyncadd.s32 $0xFFFFC180  }
0xd4: {  	_ =	swait.ge [sflag:s7], $0x3E80  }
0xd5: {  	[sflag:s7] =	ssyncset.done $0x0  }
0xd6: {  	s18 =	rddreg [dreg:$0x18];
	[sflag:s7] =	ssyncadd.s32 $0xFFFFC180  }
0xd7: {  	[tilespmem:s30], [sflag:$0x1] =	stream.indirect.gather [hbm4b:s4+s29], $0x80, s18, s29, $0xb8;
	[tilespmem:$0x1D000] =	vst v63  }
0xd8: {  	s19 =	rddreg [dreg:$0x19]  }
0xd9: {  	[spmem:s1] =	stream.indirect.scatter.add.f32 [tilespmem:s31], [sflag:$0x5], $0x80, s19, s29, $0xb8;
	[tilespmem:$0x1D000] =	vst v63  }
0xda: {  	_ =	swait.ge [sflag:s24], $0x3E80  }
0xdb: {  	[sflag:s24] =	ssyncset.done $0x0  }
0xdc: {  	[sflag:s24] =	ssyncadd.s32 $0xFFFFC180  }
0xdd: {  	_ =	swait.ge [sflag:s0], $0x3E80  }
0xde: {  	[sflag:s0] =	ssyncset.done $0x0  }
0xdf: {  	s18 =	rddreg [dreg:$0x1a];
	[sflag:s0] =	ssyncadd.s32 $0xFFFFC180  }
0xe0: {  	[tilespmem:s31], [sflag:$0x2] =	stream.indirect.gather [hbm4b:s4+s29], $0x80, s18, s29, $0xb8;
	[tilespmem:$0x1D000] =	vst v63  }
0xe1: {  	s19 =	rddreg [dreg:$0x1b]  }
0xe2: {  	[spmem:s1] =	stream.indirect.scatter.add.f32 [tilespmem:s30], [sflag:$0x5], $0x80, s19, s29, $0xb8;
	[tilespmem:$0x1D000] =	vst v63  }
0xe3: {  	_ =	swait.ge [sflag:s24], $0x3E80  }
0xe4: {  	[sflag:s24] =	ssyncset.done $0x0  }
0xe5: {  	[sflag:s24] =	ssyncadd.s32 $0xFFFFC180  }
0xe6: {  	_ =	swait.ge [sflag:s7], $0x3E80  }
0xe7: {  	[sflag:s7] =	ssyncset.done $0x0  }
0xe8: {  	s18 =	rddreg [dreg:$0x1c];
	[sflag:s7] =	ssyncadd.s32 $0xFFFFC180  }
0xe9: {  	[tilespmem:s30], [sflag:$0x1] =	stream.indirect.gather [hbm4b:s4+s29], $0x80, s18, s29, $0xb8;
	[tilespmem:$0x1D000] =	vst v63  }
0xea: {  	s19 =	rddreg [dreg:$0x1d]  }
0xeb: {  	[spmem:s1] =	stream.indirect.scatter.add.f32 [tilespmem:s31], [sflag:$0x5], $0x80, s19, s29, $0xb8;
	[tilespmem:$0x1D000] =	vst v63  }
0xec: {  	_ =	swait.ge [sflag:s24], $0x3E80  }
0xed: {  	[sflag:s24] =	ssyncset.done $0x0  }
0xee: {  	[sflag:s24] =	ssyncadd.s32 $0xFFFFC180  }
0xef: {  	_ =	swait.ge [sflag:s0], $0x3E80  }
0xf0: {  	[sflag:s0] =	ssyncset.done $0x0  }
0xf1: {  	[sflag:s0] =	ssyncadd.s32 $0xFFFFC180  }
0xf2: {  	[tilespmem:s31], [sflag:$0x2] =	stream.indirect.gather [hbm4b:s4+s29], $0x80, s9, s29, $0xb8;
	[tilespmem:$0x1D000] =	vst v63  }
0xf3: {  	_ = 	snop  }
0xf4: {  	[spmem:s1] =	stream.indirect.scatter.add.f32 [tilespmem:s30], [sflag:$0x5], $0x80, s10, s29, $0xb8;
	[tilespmem:$0x1D000] =	vst v63  }
0xf5: {  	_ =	swait.ge [sflag:s24], $0x3E80  }
0xf6: {  	[sflag:s24] =	ssyncset.done $0x0  }
0xf7: {  	[sflag:s24] =	ssyncadd.s32 $0xFFFFC180  }
0xf8: {  	_ =	swait.ge [sflag:s7], $0x3E80  }
0xf9: {  	[sflag:s7] =	ssyncset.done $0x0  }
0xfa: {  	[sflag:s7] =	ssyncadd.s32 $0xFFFFC180  }
0xfb: {  	_ =	swait.ge [sflag:s12], $0x400  }
0xfc: {  	[sflag:s12] =	ssyncset.done $0x0  }
0xfd: {  	[sflag:s12] =	ssyncadd.s32 $0xFFFFFC00  }
0xfe: {  	_ =	swait.ge [sflag:s12], $0x400  }
0xff: {  	[sflag:s12] =	ssyncset.done $0x0  }
0x100: {  	[sflag:s12] =	ssyncadd.s32 $0xFFFFFC00  }
0x101: {  	[tilespmem:s30], [sflag:$0x1] =	stream.indirect.gather [hbm4b:s4+s29], $0x80, s3, s29, $0xb8;
	[tilespmem:$0x1D000] =	vst v63  }
0x102: {  	_ = 	snop  }
0x103: {  	[spmem:s1] =	stream.indirect.scatter.add.f32 [tilespmem:s31], [sflag:$0x5], $0x80, s14, s29, $0xb8;
	[tilespmem:$0x1D000] =	vst v63  }
0x104: {  	s16 =	smin.u32 s16, $0x6;
	_ =	swait.ge [sflag:s24], $0x3E80  }
0x105: {  	s16 =	sshll.u32 s16, $0xA;
	s19 =	rddreg [dreg:$0x4]  }
0x106: {  	s16 =	sadd.s32 s16, s19  }
0x107: {  	[sflag:s24] =	ssyncset.done $0x0;
	s17 =	sshrl.u32 s16, $0x3  }
0x108: {  	[sflag:s24] =	ssyncadd.s32 $0xFFFFC180;
	s16 =	sadd.s32 s5, s17  }
0x109: {  	[tilespmem:s26], [sflag:$0x4] =	stream.linear.gather [hbm4b:s16+s3], $0x400, $0x38;
	[tilespmem:$0x1D000] =	vst v63  }
0x10a: {  	s17 =	sadd.s32 s6, s17;
	s16 =	simm.s32 $0x2  }
.LBB2_4:
0x10b: {  	[tilespmem:s28], [sflag:$0x4] =	stream.linear.gather [hbm4b:s17+s3], $0x400, $0x38;
	[tilespmem:$0x1D000] =	vst v63  }
0x10c: {  	_ =	swait.ge [sflag:s0], $0x3E80  }
0x10d: {  	[sflag:s0] =	ssyncset.done $0x0  }
0x10e: {  	s18 =	rddreg [dreg:$0x5];
	[sflag:s0] =	ssyncadd.s32 $0xFFFFC180  }
0x10f: {  	[tilespmem:s31], [sflag:$0x2] =	stream.indirect.gather [hbm4b:s4+s29], $0x80, s18, s29, $0xb8;
	[tilespmem:$0x1D000] =	vst v63  }
0x110: {  	_ = 	snop  }
0x111: {  	[spmem:s1] =	stream.indirect.scatter.add.f32 [tilespmem:s30], [sflag:$0x5], $0x80, s25, s29, $0xb8;
	[tilespmem:$0x1D000] =	vst v63  }
0x112: {  	_ =	swait.ge [sflag:s24], $0x3E80  }
0x113: {  	[sflag:s24] =	ssyncset.done $0x0  }
0x114: {  	[sflag:s24] =	ssyncadd.s32 $0xFFFFC180  }
0x115: {  	_ =	swait.ge [sflag:s7], $0x3E80  }
0x116: {  	[sflag:s7] =	ssyncset.done $0x0  }
0x117: {  	s18 =	rddreg [dreg:$0x6];
	[sflag:s7] =	ssyncadd.s32 $0xFFFFC180  }
0x118: {  	[tilespmem:s30], [sflag:$0x1] =	stream.indirect.gather [hbm4b:s4+s29], $0x80, s18, s29, $0xb8;
	[tilespmem:$0x1D000] =	vst v63  }
0x119: {  	s19 =	rddreg [dreg:$0x7]  }
0x11a: {  	[spmem:s1] =	stream.indirect.scatter.add.f32 [tilespmem:s31], [sflag:$0x5], $0x80, s19, s29, $0xb8;
	[tilespmem:$0x1D000] =	vst v63  }
0x11b: {  	_ =	swait.ge [sflag:s24], $0x3E80  }
0x11c: {  	[sflag:s24] =	ssyncset.done $0x0  }
0x11d: {  	[sflag:s24] =	ssyncadd.s32 $0xFFFFC180  }
0x11e: {  	_ =	swait.ge [sflag:s0], $0x3E80  }
0x11f: {  	[sflag:s0] =	ssyncset.done $0x0  }
0x120: {  	s18 =	rddreg [dreg:$0x8];
	[sflag:s0] =	ssyncadd.s32 $0xFFFFC180  }
0x121: {  	[tilespmem:s31], [sflag:$0x2] =	stream.indirect.gather [hbm4b:s4+s29], $0x80, s18, s29, $0xb8;
	[tilespmem:$0x1D000] =	vst v63  }
0x122: {  	s19 =	rddreg [dreg:$0x9]  }
0x123: {  	[spmem:s1] =	stream.indirect.scatter.add.f32 [tilespmem:s30], [sflag:$0x5], $0x80, s19, s29, $0xb8;
	[tilespmem:$0x1D000] =	vst v63  }
0x124: {  	_ =	swait.ge [sflag:s24], $0x3E80  }
0x125: {  	[sflag:s24] =	ssyncset.done $0x0  }
0x126: {  	[sflag:s24] =	ssyncadd.s32 $0xFFFFC180  }
0x127: {  	_ =	swait.ge [sflag:s7], $0x3E80  }
0x128: {  	[sflag:s7] =	ssyncset.done $0x0  }
0x129: {  	s18 =	rddreg [dreg:$0xa];
	[sflag:s7] =	ssyncadd.s32 $0xFFFFC180  }
0x12a: {  	[tilespmem:s30], [sflag:$0x1] =	stream.indirect.gather [hbm4b:s4+s29], $0x80, s18, s29, $0xb8;
	[tilespmem:$0x1D000] =	vst v63  }
0x12b: {  	s19 =	rddreg [dreg:$0xb]  }
0x12c: {  	[spmem:s1] =	stream.indirect.scatter.add.f32 [tilespmem:s31], [sflag:$0x5], $0x80, s19, s29, $0xb8;
	[tilespmem:$0x1D000] =	vst v63  }
0x12d: {  	_ =	swait.ge [sflag:s24], $0x3E80  }
0x12e: {  	[sflag:s24] =	ssyncset.done $0x0  }
0x12f: {  	[sflag:s24] =	ssyncadd.s32 $0xFFFFC180  }
0x130: {  	_ =	swait.ge [sflag:s0], $0x3E80  }
0x131: {  	[sflag:s0] =	ssyncset.done $0x0  }
0x132: {  	s18 =	rddreg [dreg:$0xc];
	[sflag:s0] =	ssyncadd.s32 $0xFFFFC180  }
0x133: {  	[tilespmem:s31], [sflag:$0x2] =	stream.indirect.gather [hbm4b:s4+s29], $0x80, s18, s29, $0xb8;
	[tilespmem:$0x1D000] =	vst v63  }
0x134: {  	s19 =	rddreg [dreg:$0xd]  }
0x135: {  	[spmem:s1] =	stream.indirect.scatter.add.f32 [tilespmem:s30], [sflag:$0x5], $0x80, s19, s29, $0xb8;
	[tilespmem:$0x1D000] =	vst v63  }
0x136: {  	_ =	swait.ge [sflag:s24], $0x3E80  }
0x137: {  	[sflag:s24] =	ssyncset.done $0x0  }
0x138: {  	[sflag:s24] =	ssyncadd.s32 $0xFFFFC180  }
0x139: {  	_ =	swait.ge [sflag:s7], $0x3E80  }
0x13a: {  	[sflag:s7] =	ssyncset.done $0x0  }
0x13b: {  	s18 =	rddreg [dreg:$0xe];
	[sflag:s7] =	ssyncadd.s32 $0xFFFFC180  }
0x13c: {  	[tilespmem:s30], [sflag:$0x1] =	stream.indirect.gather [hbm4b:s4+s29], $0x80, s18, s29, $0xb8;
	[tilespmem:$0x1D000] =	vst v63  }
0x13d: {  	s19 =	rddreg [dreg:$0xf]  }
0x13e: {  	[spmem:s1] =	stream.indirect.scatter.add.f32 [tilespmem:s31], [sflag:$0x5], $0x80, s19, s29, $0xb8;
	[tilespmem:$0x1D000] =	vst v63  }
0x13f: {  	_ =	swait.ge [sflag:s24], $0x3E80  }
0x140: {  	[sflag:s24] =	ssyncset.done $0x0  }
0x141: {  	[sflag:s24] =	ssyncadd.s32 $0xFFFFC180  }
0x142: {  	_ =	swait.ge [sflag:s0], $0x3E80  }
0x143: {  	[sflag:s0] =	ssyncset.done $0x0  }
0x144: {  	s18 =	rddreg [dreg:$0x10];
	[sflag:s0] =	ssyncadd.s32 $0xFFFFC180  }
0x145: {  	[tilespmem:s31], [sflag:$0x2] =	stream.indirect.gather [hbm4b:s4+s29], $0x80, s18, s29, $0xb8;
	[tilespmem:$0x1D000] =	vst v63  }
0x146: {  	s19 =	rddreg [dreg:$0x11]  }
0x147: {  	[spmem:s1] =	stream.indirect.scatter.add.f32 [tilespmem:s30], [sflag:$0x5], $0x80, s19, s29, $0xb8;
	[tilespmem:$0x1D000] =	vst v63  }
0x148: {  	_ =	swait.ge [sflag:s24], $0x3E80  }
0x149: {  	[sflag:s24] =	ssyncset.done $0x0  }
0x14a: {  	[sflag:s24] =	ssyncadd.s32 $0xFFFFC180  }
0x14b: {  	_ =	swait.ge [sflag:s7], $0x3E80  }
0x14c: {  	[sflag:s7] =	ssyncset.done $0x0  }
0x14d: {  	[sflag:s7] =	ssyncadd.s32 $0xFFFFC180  }
0x14e: {  	_ =	swait.ge [sflag:s8], $0x400  }
0x14f: {  	[sflag:s8] =	ssyncset.done $0x0  }
0x150: {  	[sflag:s8] =	ssyncadd.s32 $0xFFFFFC00  }
0x151: {  	_ =	swait.ge [sflag:s8], $0x400  }
0x152: {  	[sflag:s8] =	ssyncset.done $0x0  }
0x153: {  	[sflag:s8] =	ssyncadd.s32 $0xFFFFFC00  }
0x154: {  	[tilespmem:s30], [sflag:$0x1] =	stream.indirect.gather [hbm4b:s4+s29], $0x80, s26, s29, $0xb8;
	[tilespmem:$0x1D000] =	vst v63  }
0x155: {  	s17 =	smov.u32 s16;
	s19 =	rddreg [dreg:$0x12]  }
0x156: {  	[spmem:s1] =	stream.indirect.scatter.add.f32 [tilespmem:s31], [sflag:$0x5], $0x80, s19, s29, $0xb8;
	[tilespmem:$0x1D000] =	vst v63  }
0x157: {  	s19 =	smin.u32 s17, $0x7;
	_ =	swait.ge [sflag:s24], $0x3E80  }
0x158: {  	s19 =	sshll.u32 s19, $0xA;
	s18 =	rddreg [dreg:$0x3]  }
0x159: {  	s18 =	sadd.s32 s19, s18  }
0x15a: {  	[sflag:s24] =	ssyncset.done $0x0;
	s18 =	sshrl.u32 s18, $0x3  }
0x15b: {  	[sflag:s24] =	ssyncadd.s32 $0xFFFFC180;
	s19 =	sadd.s32 s5, s18  }
0x15c: {  	[tilespmem:s3], [sflag:$0x3] =	stream.linear.gather [hbm4b:s19+s3], $0x400, $0x38;
	[tilespmem:$0x1D000] =	vst v63  }
0x15d: {  	s18 =	sadd.s32 s6, s18  }
0x15e: {  	[tilespmem:s25], [sflag:$0x3] =	stream.linear.gather [hbm4b:s18+s3], $0x400, $0x38;
	[tilespmem:$0x1D000] =	vst v63  }
0x15f: {  	_ =	swait.ge [sflag:s0], $0x3E80  }
0x160: {  	[sflag:s0] =	ssyncset.done $0x0  }
0x161: {  	s19 =	rddreg [dreg:$0x13];
	[sflag:s0] =	ssyncadd.s32 $0xFFFFC180  }
0x162: {  	[tilespmem:s31], [sflag:$0x2] =	stream.indirect.gather [hbm4b:s4+s29], $0x80, s19, s29, $0xb8;
	[tilespmem:$0x1D000] =	vst v63  }
0x163: {  	_ = 	snop  }
0x164: {  	[spmem:s1] =	stream.indirect.scatter.add.f32 [tilespmem:s30], [sflag:$0x5], $0x80, s28, s29, $0xb8;
	[tilespmem:$0x1D000] =	vst v63  }
0x165: {  	_ =	swait.ge [sflag:s24], $0x3E80  }
0x166: {  	[sflag:s24] =	ssyncset.done $0x0  }
0x167: {  	[sflag:s24] =	ssyncadd.s32 $0xFFFFC180  }
0x168: {  	_ =	swait.ge [sflag:s7], $0x3E80  }
0x169: {  	[sflag:s7] =	ssyncset.done $0x0  }
0x16a: {  	s18 =	rddreg [dreg:$0x14];
	[sflag:s7] =	ssyncadd.s32 $0xFFFFC180  }
0x16b: {  	[tilespmem:s30], [sflag:$0x1] =	stream.indirect.gather [hbm4b:s4+s29], $0x80, s18, s29, $0xb8;
	[tilespmem:$0x1D000] =	vst v63  }
0x16c: {  	s19 =	rddreg [dreg:$0x15]  }
0x16d: {  	[spmem:s1] =	stream.indirect.scatter.add.f32 [tilespmem:s31], [sflag:$0x5], $0x80, s19, s29, $0xb8;
	[tilespmem:$0x1D000] =	vst v63  }
0x16e: {  	_ =	swait.ge [sflag:s24], $0x3E80  }
0x16f: {  	[sflag:s24] =	ssyncset.done $0x0  }
0x170: {  	[sflag:s24] =	ssyncadd.s32 $0xFFFFC180  }
0x171: {  	_ =	swait.ge [sflag:s0], $0x3E80  }
0x172: {  	[sflag:s0] =	ssyncset.done $0x0  }
0x173: {  	s18 =	rddreg [dreg:$0x16];
	[sflag:s0] =	ssyncadd.s32 $0xFFFFC180  }
0x174: {  	[tilespmem:s31], [sflag:$0x2] =	stream.indirect.gather [hbm4b:s4+s29], $0x80, s18, s29, $0xb8;
	[tilespmem:$0x1D000] =	vst v63  }
0x175: {  	s19 =	rddreg [dreg:$0x17]  }
0x176: {  	[spmem:s1] =	stream.indirect.scatter.add.f32 [tilespmem:s30], [sflag:$0x5], $0x80, s19, s29, $0xb8;
	[tilespmem:$0x1D000] =	vst v63  }
0x177: {  	_ =	swait.ge [sflag:s24], $0x3E80  }
0x178: {  	[sflag:s24] =	ssyncset.done $0x0  }
0x179: {  	[sflag:s24] =	ssyncadd.s32 $0xFFFFC180  }
0x17a: {  	_ =	swait.ge [sflag:s7], $0x3E80  }
0x17b: {  	[sflag:s7] =	ssyncset.done $0x0  }
0x17c: {  	s18 =	rddreg [dreg:$0x18];
	[sflag:s7] =	ssyncadd.s32 $0xFFFFC180  }
0x17d: {  	[tilespmem:s30], [sflag:$0x1] =	stream.indirect.gather [hbm4b:s4+s29], $0x80, s18, s29, $0xb8;
	[tilespmem:$0x1D000] =	vst v63  }
0x17e: {  	s19 =	rddreg [dreg:$0x19]  }
0x17f: {  	[spmem:s1] =	stream.indirect.scatter.add.f32 [tilespmem:s31], [sflag:$0x5], $0x80, s19, s29, $0xb8;
	[tilespmem:$0x1D000] =	vst v63  }
0x180: {  	_ =	swait.ge [sflag:s24], $0x3E80  }
0x181: {  	[sflag:s24] =	ssyncset.done $0x0  }
0x182: {  	[sflag:s24] =	ssyncadd.s32 $0xFFFFC180  }
0x183: {  	_ =	swait.ge [sflag:s0], $0x3E80  }
0x184: {  	[sflag:s0] =	ssyncset.done $0x0  }
0x185: {  	s18 =	rddreg [dreg:$0x1a];
	[sflag:s0] =	ssyncadd.s32 $0xFFFFC180  }
0x186: {  	[tilespmem:s31], [sflag:$0x2] =	stream.indirect.gather [hbm4b:s4+s29], $0x80, s18, s29, $0xb8;
	[tilespmem:$0x1D000] =	vst v63  }
0x187: {  	s19 =	rddreg [dreg:$0x1b]  }
0x188: {  	[spmem:s1] =	stream.indirect.scatter.add.f32 [tilespmem:s30], [sflag:$0x5], $0x80, s19, s29, $0xb8;
	[tilespmem:$0x1D000] =	vst v63  }
0x189: {  	_ =	swait.ge [sflag:s24], $0x3E80  }
0x18a: {  	[sflag:s24] =	ssyncset.done $0x0  }
0x18b: {  	[sflag:s24] =	ssyncadd.s32 $0xFFFFC180  }
0x18c: {  	_ =	swait.ge [sflag:s7], $0x3E80  }
0x18d: {  	[sflag:s7] =	ssyncset.done $0x0  }
0x18e: {  	s18 =	rddreg [dreg:$0x1c];
	[sflag:s7] =	ssyncadd.s32 $0xFFFFC180  }
0x18f: {  	[tilespmem:s30], [sflag:$0x1] =	stream.indirect.gather [hbm4b:s4+s29], $0x80, s18, s29, $0xb8;
	[tilespmem:$0x1D000] =	vst v63  }
0x190: {  	s19 =	rddreg [dreg:$0x1d]  }
0x191: {  	[spmem:s1] =	stream.indirect.scatter.add.f32 [tilespmem:s31], [sflag:$0x5], $0x80, s19, s29, $0xb8;
	[tilespmem:$0x1D000] =	vst v63  }
0x192: {  	_ =	swait.ge [sflag:s24], $0x3E80  }
0x193: {  	[sflag:s24] =	ssyncset.done $0x0  }
0x194: {  	[sflag:s24] =	ssyncadd.s32 $0xFFFFC180  }
0x195: {  	_ =	swait.ge [sflag:s0], $0x3E80  }
0x196: {  	[sflag:s0] =	ssyncset.done $0x0  }
0x197: {  	[sflag:s0] =	ssyncadd.s32 $0xFFFFC180  }
0x198: {  	[tilespmem:s31], [sflag:$0x2] =	stream.indirect.gather [hbm4b:s4+s29], $0x80, s9, s29, $0xb8;
	[tilespmem:$0x1D000] =	vst v63  }
0x199: {  	_ = 	snop  }
0x19a: {  	[spmem:s1] =	stream.indirect.scatter.add.f32 [tilespmem:s30], [sflag:$0x5], $0x80, s10, s29, $0xb8;
	[tilespmem:$0x1D000] =	vst v63  }
0x19b: {  	_ =	swait.ge [sflag:s24], $0x3E80  }
0x19c: {  	[sflag:s24] =	ssyncset.done $0x0  }
0x19d: {  	[sflag:s24] =	ssyncadd.s32 $0xFFFFC180  }
0x19e: {  	_ =	swait.ge [sflag:s7], $0x3E80  }
0x19f: {  	[sflag:s7] =	ssyncset.done $0x0  }
0x1a0: {  	[sflag:s7] =	ssyncadd.s32 $0xFFFFC180  }
0x1a1: {  	_ =	swait.ge [sflag:s12], $0x400  }
0x1a2: {  	[sflag:s12] =	ssyncset.done $0x0  }
0x1a3: {  	[sflag:s12] =	ssyncadd.s32 $0xFFFFFC00  }
0x1a4: {  	_ =	swait.ge [sflag:s12], $0x400  }
0x1a5: {  	[sflag:s12] =	ssyncset.done $0x0  }
0x1a6: {  	[sflag:s12] =	ssyncadd.s32 $0xFFFFFC00  }
0x1a7: {  	[tilespmem:s30], [sflag:$0x1] =	stream.indirect.gather [hbm4b:s4+s29], $0x80, s3, s29, $0xb8;
	[tilespmem:$0x1D000] =	vst v63  }
0x1a8: {  	_ = 	snop  }
0x1a9: {  	[spmem:s1] =	stream.indirect.scatter.add.f32 [tilespmem:s31], [sflag:$0x5], $0x80, s14, s29, $0xb8;
	[tilespmem:$0x1D000] =	vst v63  }
0x1aa: {  	p4 =	sne.s32 s16, $0x8;
	s17 =	smin.u32 s17, $0x6;
	_ =	swait.ge [sflag:s24], $0x3E80  }
.Ltmp1:
0x1ab: {  	s17 =	sshll.u32 s17, $0xA;
	s19 =	rddreg [dreg:$0x4];
	(pc) =	sbr.rel @p4 .LBB2_4-.Ltmp1, $4  }
0x1ac: {  	s17 =	sadd.s32 s17, s19  }
0x1ad: {  	s16 =	sadd.s32 $0x2, s16;
	[sflag:s24] =	ssyncset.done $0x0;
	s17 =	sshrl.u32 s17, $0x3  }
0x1ae: {  	[sflag:s24] =	ssyncadd.s32 $0xFFFFC180;
	s19 =	sadd.s32 s5, s17;
	s17 =	sadd.s32 s6, s17  }
0x1af: {  	[tilespmem:s26], [sflag:$0x4] =	stream.linear.gather [hbm4b:s19+s3], $0x400, $0x38;
	[tilespmem:$0x1D000] =	vst v63  }
0x1b0: {  	[tilespmem:s28], [sflag:$0x4] =	stream.linear.gather [hbm4b:s17+s3], $0x400, $0x38;
	[tilespmem:$0x1D000] =	vst v63  }
0x1b1: {  	_ =	swait.ge [sflag:s0], $0x3E80  }
0x1b2: {  	[sflag:s0] =	ssyncset.done $0x0  }
0x1b3: {  	[sflag:s0] =	ssyncadd.s32 $0xFFFFC180  }
0x1b4: {  	_ =	swait.ge [sflag:s8], $0x400  }
0x1b5: {  	[sflag:s8] =	ssyncset.done $0x0  }
0x1b6: {  	[sflag:s8] =	ssyncadd.s32 $0xFFFFFC00  }
0x1b7: {  	_ =	swait.ge [sflag:s8], $0x400  }
0x1b8: {  	[sflag:s8] =	ssyncset.done $0x0  }
0x1b9: {  	[sflag:s8] =	ssyncadd.s32 $0xFFFFFC00  }
0x1ba: {  	[bflag:$0x0] =	sbarrier.arrive $0xFFFF  }
0x1bb: {  	s18 =	sld [smem:$0x7FC];
	_ =	sdelay $0x1  }
0x1bc: {  	s16 =	sshrl.u32 @!p0 s15, $0x3;
	s17 =	simm.s32 @!p0 $0x1FC5  }
0x1bd: {  	[hbm:s18], [sflag:s17] =	dma.local @!p0 [spmem:s16], $0x2800  }
0x1be: {  	s16 =	simm.s32 @!p0 $0x5  }
0x1bf: {  	_ =	swait.ge @!p0 [sflag:s16], $0x2800  }
0x1c0: {  	s19 =	stileid.u32;
	s18 =	sld [smem:$0x7FB]  }
0x1c1: {  	s17 =	sshll.u32 @!p1 s19, $0x6;
	[sflag:s16] =	ssyncset.done @!p0 $0x0  }
0x1c2: {  	[sflag:s16] =	ssyncadd.s32 @!p0 $0xFFFFD800;
	s16 =	sor.u32 @!p1 $0x1C05, s17;
	s17 =	sshrl.u32 @!p1 s13, $0x3  }
0x1c3: {  	[hbm:s18], [sflag:s16] =	dma.local @!p1 [spmem:s17], $0x2700  }
0x1c4: {  	s16 =	simm.s32 @!p1 $0x5  }
0x1c5: {  	_ =	swait.ge @!p1 [sflag:s16], $0x2700  }
0x1c6: {  	s18 =	sld [smem:$0x7FA]  }
0x1c7: {  	[sflag:s16] =	ssyncset.done @!p1 $0x0  }
0x1c8: {  	s17 =	simm.s32 @!p2 $0x1FC5;
	[sflag:s16] =	ssyncadd.s32 @!p1 $0xFFFFD900;
	s16 =	sshrl.u32 @!p2 s15, $0x3  }
0x1c9: {  	[hbm:s18], [sflag:s17] =	dma.local @!p2 [spmem:s16], $0x2800  }
0x1ca: {  	s16 =	simm.s32 @!p2 $0x5  }
0x1cb: {  	_ =	swait.ge @!p2 [sflag:s16], $0x2800  }
0x1cc: {  	s17 =	sshll.u32 @!p3 s19, $0x6;
	s19 =	sld [smem:$0x7F9]  }
0x1cd: {  	[sflag:s16] =	ssyncset.done @!p2 $0x0  }
0x1ce: {  	[sflag:s16] =	ssyncadd.s32 @!p2 $0xFFFFD800;
	s16 =	sor.u32 @!p3 $0x1C05, s17;
	s17 =	sshrl.u32 @!p3 s13, $0x3  }
0x1cf: {  	[hbm:s19], [sflag:s16] =	dma.local @!p3 [spmem:s17], $0x2700  }
0x1d0: {  	s16 =	simm.s32 @!p3 $0x5  }
0x1d1: {  	_ =	swait.ge @!p3 [sflag:s16], $0x2700  }
0x1d2: {  	s19 =	sld [smem:$0x7FD];
	_ =	sdelay $0x1  }
0x1d3: {  	s2 =	sadd.s32 $0x1, s2  }
0x1d4: {  	p4 =	sne.s32 s2, s19  }
.Ltmp2:
0x1d5: {  	_ = 	snop;
	(pc) =	sbr.rel @p4 .LBB2_1-.Ltmp2, $3  }
0x1d6: {  	_ =	sdelay $0x1  }
0x1d7: {  	[sflag:s16] =	ssyncset.done @!p3 $0x0  }
0x1d8: {  	s18 =	stileid.u32;
	[sflag:s16] =	ssyncadd.s32 @!p3 $0xFFFFD900  }
0x1d9: {  	_ =	sfence.sel $0x180000  }
0x1da: {  	[bflag:$0x0] =	sbarrier.arrive $0xFFFF  }
0x1db: {  	_ =	strace $0x9000004D  }
0x1dc: {  	[bflag:$0x2] =	sbarrier.arrive $0xFFFF  }
0x1dd: {  	p0 =	sne.s32 s18, $0x0;
	s0 =	rddreg [dreg:$0x2]  }
0x1de: {  	s0 =	sadd.s32 @!p0 $0x100000, s0  }
0x1df: {  	[sflag:s0] =	ssyncadd.tile.s32 @!p0 $0x1;
	_ =	shalt  }
.Lfunc_end2:
_tile_overlayer_lowered:
.L_overlay_start_2:
0x1e0: {  	(tag) =	ssettag $0x2  }
0x1e1: {  	s0 =	rddreg [dreg:$0x0];
	s2 =	stileid.u32  }
0x1e2: {  	s1 =	rddreg [dreg:$0x1];
	p0 =	sne.s32 s2, $0x0  }
0x1e3: {  	s3 =	rddreg [dreg:$0x2];
	[bflag:$0x3] =	sbarrier.arrive $0xFFFF;
	s2 =	simm.s32 @!p0 $0x1C05  }
0x1e4: {  	[timem:s3], [sflag:s2] =	dma.local @!p0 [hbm:s0], s1  }
0x1e5: {  	s0 =	simm.s32 @!p0 $0x5  }
0x1e6: {  	_ =	swait.ge @!p0 [sflag:s0], s1  }
0x1e7: {  	s1 =	ssub.s32 @!p0 $0x0, s1;
	[sflag:s0] =	ssyncset.done @!p0 $0x0  }
0x1e8: {  	[sflag:s0] =	ssyncadd.s32 @!p0 s1  }
0x1e9: {  	[bflag:$0x3] =	sbarrier.arrive $0xFFFF  }
0x1ea: {  	_ =	shalt  }

// kernel: sc_edge_count.3.cloned.1.call-start
scs
__scs_entry_jumppad:
0x0: {  	(pc) =	sbr.rel $0x88, $3  }
0x1: {  	(tag) =	ssettag $0x0;
	lr =	simm.s32 $0x1  }
0x2: {  	[smem:$0x3F96] =	sst lr;
	_ =	strace $0xD0000000  }
0x3: {  	_ = 	snop  }
0x4: {  	_ = 	snop  }
0x5: {  	_ = 	snop  }
0x6: {  	_ = 	snop  }
0x7: {  	_ = 	snop  }
__scs_overlays_trampoline_lowered:
0x8: {  	[smem:$0x3FA5] =	sst s0  }
0x9: {  	[smem:$0x3FA6] =	sst s1  }
0xa: {  	[smem:$0x3FA7] =	sst s2  }
0xb: {  	[smem:$0x3FA8] =	sst s3  }
0xc: {  	[smem:$0x3FA9] =	sst s4  }
0xd: {  	[smem:$0x3FAA] =	sst s5  }
0xe: {  	[smem:$0x3FAB] =	sst s6  }
0xf: {  	[smem:$0x3FAC] =	sst s7  }
0x10: {  	[smem:$0x3FAD] =	sst s8  }
0x11: {  	[smem:$0x3FAE] =	sst s9;
	s0 =	simm.s32 @!p0 $0x0  }
0x12: {  	s1 =	sld [smem:$0x3F94];
	s0 =	simm.s32 @p0 $0x1  }
0x13: {  	[smem:$0x3FAF] =	sst s0;
	s0 =	simm.s32 @!p1 $0x0  }
0x14: {  	s2 =	sld [smem:$0x3F93];
	s0 =	simm.s32 @p1 $0x1  }
0x15: {  	[smem:$0x3FB0] =	sst s0;
	s0 =	simm.s32 @!p2 $0x0  }
0x16: {  	s3 =	sld [smem:$0x3FDB];
	s0 =	simm.s32 @p2 $0x1  }
0x17: {  	s4 =	simm.s32 $0x1BF5;
	[smem:$0x3FB2] =	sst s0  }
0x18: {  	s0 =	sld [smem:$0x3F95];
	_ =	swait.ge [sflag:s4], $0x0  }
0x19: {  	s7 =	sld [smem:$0x3F96]  }
0x1a: {  	s8 =	sadd.s32 $0xFFFFE003, lr  }
0x1b: {  	s9 =	sadd.s32 $0xFFFFFEF7, lr;
	s5 =	simm.s32 $0xFFFFFFFF;
	p2 =	slt.u32 s8, $0xFFFFF086  }
0x1c: {  	p1 =	slt.u32 s9, $0xF7A;
	s5 =	simm.s32 @!p2 $0x0  }
0x1d: {  	s5 =	simm.s32 @p1 $0x1;
	p0 =	seq.s32 s7, s2  }
0x1e: {  	s7 =	smul.u32 @!p0 $0xF7A, s2;
	p2 =	seq.s32 @!p0 s5, $0x0  }
0x1f: {  	s9 =	smul.u32 $0xF7A, s1;
	s8 =	simm.s32 @!p0 $0x1BF5;
	p2 =	por !p2, p0  }
0x20: {  	[sflag:s8] =	ssyncset.s32 @!p0 $0xFFFFF086;
	s6 =	sadd.s32 @!p0 s3, s7;
	s7 =	simm.s32 @!p0 $0x108  }
0x21: {  	s3 =	sadd.s32 s3, s9;
	s6 =	sadd.s32 @!p0 $0x88, s6;
	s7 =	simm.s32 @p2 $0x1082  }
0x22: {  	[simem:s7], [sflag:s8] =	dma.local @!p0 [hbm:s6], $0xF7A  }
0x23: {  	s9 =	sor.u32 $0xD0000000, s2;
	s6 =	simm.s32 $0x108;
	_ =	swait.ge @!p0 [sflag:s8], $0x0  }
0x24: {  	s3 =	sadd.s32 $0x88, s3;
	s6 =	simm.s32 @!p1 $0x1082;
	[sflag:s4] =	ssyncset.s32 $0xFFFFF086  }
0x25: {  	[simem:s6], [sflag:s4] =	dma.local [hbm:s3], $0xF7A  }
0x26: {  	[smem:$0x3F96] =	sst s1;
	(tag) =	ssettag s2;
	_ =	strace s9  }
0x27: {  	s1 =	sld [smem:$0x3FA6]  }
0x28: {  	s2 =	sld [smem:$0x3FA7]  }
0x29: {  	s4 =	sld [smem:$0x3FA9]  }
0x2a: {  	p0 =	seq.s32 s5, $0x0;
	s5 =	sld [smem:$0x3FAA]  }
0x2b: {  	s6 =	sld [smem:$0x3FAB]  }
0x2c: {  	s7 =	sld [smem:$0x3FAC]  }
0x2d: {  	s3 =	simm.s32 $0x108;
	s8 =	sld [smem:$0x3FAD]  }
0x2e: {  	s3 =	simm.s32 @!p0 $0x1082;
	s9 =	sld [smem:$0x3FAE]  }
0x2f: {  	lr =	sadd.s32 s0, s3;
	s0 =	sld [smem:$0x3FA5]  }
0x30: {  	s3 =	sld [smem:$0x3FA8]  }
0x31: {  	[smem:$0x3FB1] =	sst s10  }
0x32: {  	s10 =	sld [smem:$0x3FAF];
	_ =	sdelay $0x3  }
0x33: {  	p0 =	seq.s32 s10, $0x1;
	s10 =	sld [smem:$0x3FB1];
	_ =	sdelay $0x3  }
0x34: {  	[smem:$0x3FB1] =	sst s10  }
0x35: {  	s10 =	sld [smem:$0x3FB0];
	_ =	sdelay $0x3  }
0x36: {  	p1 =	seq.s32 s10, $0x1;
	s10 =	sld [smem:$0x3FB1];
	_ =	sdelay $0x3  }
0x37: {  	[smem:$0x3FB1] =	sst s10  }
0x38: {  	s10 =	sld [smem:$0x3FB2]  }
0x39: {  	_ = 	snop;
	(pc) =	sbr.ind lr, $3  }
0x3a: {  	_ = 	snop  }
0x3b: {  	_ = 	snop  }
0x3c: {  	p2 =	seq.s32 s10, $0x1;
	s10 =	sld [smem:$0x3FB1]  }
0x3d: {  	_ =	shalt  }
0x3e: {  	_ =	shalt  }
0x3f: {  	_ =	shalt  }
0x40: {  	_ =	shalt  }
0x41: {  	_ =	shalt  }
0x42: {  	_ =	shalt  }
0x43: {  	_ =	shalt  }
0x44: {  	_ =	shalt  }
0x45: {  	_ =	shalt  }
0x46: {  	_ =	shalt  }
0x47: {  	_ =	shalt  }
0x48: {  	_ =	shalt  }
0x49: {  	_ =	shalt  }
0x4a: {  	_ =	shalt  }
0x4b: {  	_ =	shalt  }
0x4c: {  	_ =	shalt  }
0x4d: {  	_ =	shalt  }
0x4e: {  	_ =	shalt  }
0x4f: {  	_ =	shalt  }
0x50: {  	_ =	shalt  }
0x51: {  	_ =	shalt  }
0x52: {  	_ =	shalt  }
0x53: {  	_ =	shalt  }
0x54: {  	_ =	shalt  }
0x55: {  	_ =	shalt  }
0x56: {  	_ =	shalt  }
0x57: {  	_ =	shalt  }
0x58: {  	_ =	shalt  }
0x59: {  	_ =	shalt  }
0x5a: {  	_ =	shalt  }
0x5b: {  	_ =	shalt  }
0x5c: {  	_ =	shalt  }
0x5d: {  	_ =	shalt  }
0x5e: {  	_ =	shalt  }
0x5f: {  	_ =	shalt  }
0x60: {  	_ =	shalt  }
0x61: {  	_ =	shalt  }
0x62: {  	_ =	shalt  }
0x63: {  	_ =	shalt  }
0x64: {  	_ =	shalt  }
0x65: {  	_ =	shalt  }
0x66: {  	_ =	shalt  }
0x67: {  	_ =	shalt  }
0x68: {  	_ =	shalt  }
0x69: {  	_ =	shalt  }
0x6a: {  	_ =	shalt  }
0x6b: {  	_ =	shalt  }
0x6c: {  	_ =	shalt  }
0x6d: {  	_ =	shalt  }
0x6e: {  	_ =	shalt  }
0x6f: {  	_ =	shalt  }
0x70: {  	_ =	shalt  }
0x71: {  	_ =	shalt  }
0x72: {  	_ =	shalt  }
0x73: {  	_ =	shalt  }
0x74: {  	_ =	shalt  }
0x75: {  	_ =	shalt  }
0x76: {  	_ =	shalt  }
0x77: {  	_ =	shalt  }
0x78: {  	_ =	shalt  }
0x79: {  	_ =	shalt  }
0x7a: {  	_ =	shalt  }
0x7b: {  	_ =	shalt  }
0x7c: {  	_ =	shalt  }
0x7d: {  	_ =	shalt  }
0x7e: {  	_ =	shalt  }
0x7f: {  	_ =	shalt  }
0x80: {  	_ =	shalt  }
0x81: {  	_ =	shalt  }
0x82: {  	_ =	shalt  }
0x83: {  	_ =	shalt  }
0x84: {  	_ =	shalt  }
0x85: {  	_ =	shalt  }
0x86: {  	_ =	shalt  }
0x87: {  	_ =	shalt  }
.Lfunc_end0:
.L_simem_size_0:
called_computation_lowered:
.L_overlay_start_0:
0x88: {  	s2 =	sld [smem:$0x3FD9]  }
0x89: {  	s3 =	sld [smem:$0x3FFE];
	_ =	sdelay $0x1  }
0x8a: {  	s1 =	srdreg.scid  }
0x8b: {  	s0 =	sand.u32 $0x1, s1  }
0x8c: {  	s17 =	sshll.u32 s0, $0xA;
	s2 =	sadd.s32 s3, s2  }
0x8d: {  	s2 =	sadd.s32 s2, s17  }
0x8e: {  	[smem:$0x3FBD] =	sst s2  }
0x8f: {  	_ = 	snop  }
0x90: {  	(tm) =	ssettm $0x1  }
0x91: {  	s18 =	sld [smem:$0x3FFB];
	_ =	sdelay $0x3  }
0x92: {  	_ =	strace s18  }
0x93: {  	s2 =	sld [smem:$0x3FFC];
	_ =	sdelay $0x3  }
0x94: {  	_ =	strace s2  }
0x95: {  	s2 =	sld [smem:$0x3FFD];
	_ =	sdelay $0x3  }
0x96: {  	_ =	strace s2  }
0x97: {  	_ =	strace $0x8FFFFFFF  }
0x98: {  	s19 =	sld [smem:$0x3FDB];
	_ =	sdelay $0x1  }
0x99: {  	s20 =	simm.s32 $_scs_section_size  }
0x9a: {  	s4 =	simm.s32 $_size__tile_overlayer_lowered;
	s5 =	simm.s32 $_tile_overlayer_lowered  }
0x9b: {  	s6 =	simm.s32 $0x1BFF;
	s21 =	sshll.u32 s5, $0x1;
	s3 =	sadd.s32 s20, s19  }
0x9c: {  	s22 =	simm.s32 $0x0;
	s4 =	sshll.u32 s4, $0x1;
	s5 =	sadd.s32 s21, s3  }
0x9d: {  	[timem:s22], [sflag:s6] =	dma.local [hbm:s5], s4  }
0x9e: {  	_ =	swait.ge [sflag:s6], s4  }
0x9f: {  	s4 =	ssub.s32 $0x0, s4;
	[sflag:s6] =	ssyncset.done $0x0  }
0xa0: {  	[sflag:s6] =	ssyncadd.s32 s4;
	_ =	sdelay $0x1  }
0xa1: {  	s23 =	simm.s32 $0x1B8B  }
0xa2: {  	_ =	swait.ge [sflag:s23], $0x1  }
0xa3: {  	[sflag:s23] =	ssyncset.done $0x0  }
0xa4: {  	[sflag:s23] =	ssyncadd.s32 $0xFFFFFFFF  }
0xa5: {  	s4 =	sld [smem:$0x0]  }
0xa6: {  	s5 =	sand.u32 $0xFFFFFFFE, s1  }
0xa7: {  	p0 =	sne.s32 s1, s5  }
0xa8: {  	s5 =	sshll.u32 @p0 s5, $0xE  }
0xa9: {  	s5 =	sadd.s32 @p0 $0x11B8D, s5;
	s6 =	sshll.u32 @p0 s4, $0x11  }
0xaa: {  	s5 =	sor.u32 @p0 s6, s5  }
0xab: {  	[sflag:s5] =	ssyncadd.remote.s32 @p0 $0x1;
	_ =	sdelay $0x1  }
0xac: {  	s5 =	simm.s32 @p0 $0x1B8D  }
0xad: {  	_ =	swait.eq @p0 [sflag:s5], $0x1  }
0xae: {  	[sflag:s5] =	ssyncadd.s32 @p0 $0xFFFFFFFF  }
0xaf: {  	s6 =	sshll.u32 @!p0 s1, $0xE  }
0xb0: {  	s6 =	sor.u32 @!p0 $0x4000, s6;
	s5 =	simm.s32 @!p0 $0x1B8D  }
0xb1: {  	s4 =	sshll.u32 @!p0 s4, $0x11;
	s6 =	sadd.s32 @!p0 $0x11B8D, s6;
	_ =	swait.eq @!p0 [sflag:s5], $0x1  }
0xb2: {  	s4 =	sor.u32 @!p0 s4, s6;
	[sflag:s5] =	ssyncadd.s32 @!p0 $0xFFFFFFFF  }
0xb3: {  	s25 =	simm.s32 $0x1B8E;
	s24 =	sld [smem:$0x3FFE];
	[sflag:s4] =	ssyncadd.remote.s32 @!p0 $0x1  }
0xb4: {  	s26 =	simm.s32 $execute0_lowered;
	[smem:$0x3FD2] =	sst s25  }
0xb5: {  	s5 =	sshll.u32 s26, $0x1;
	_ =	strace $0x80000049;
	[dreg:$0x1] =	wrdreg $0xFFFFFFFF  }
0xb6: {  	s28 =	simm.s32 $_size_execute0_lowered;
	s3 =	sadd.s32 s3, s5;
	[dreg:$0x0] =	wrdreg $0x0  }
0xb7: {  	s5 =	sshll.u32 s28, $0x1;
	[dreg:$0x2] =	wrdreg s3  }
0xb8: {  	[dreg:$0x3] =	wrdreg s5  }
0xb9: {  	[dreg:$0x4] =	wrdreg $0xC0  }
0xba: {  	_ =	task [dreg:s22], $0x5FFFF  }
0xbb: {  	[dreg:$0x1] =	wrdreg $0xFFFFFFFF  }
0xbc: {  	[dreg:$0x0] =	wrdreg $0x60  }
0xbd: {  	[dreg:$0x2] =	wrdreg s24  }
0xbe: {  	[dreg:$0x3] =	wrdreg $0x44000  }
0xbf: {  	[dreg:$0x4] =	wrdreg $0x9  }
0xc0: {  	_ =	task.clear_ibuf [dreg:s22], $0x5FFFF;
	_ =	strace $0x90000049  }
0xc1: {  	s29 =	simm.s32 $0x9;
	_ =	strace $0x8000004B  }
0xc2: {  	_ =	swait.ge [sflag:s29], $0x1  }
0xc3: {  	[sflag:s29] =	ssyncadd.s32 $0xFFFFFFFF  }
0xc4: {  	_ =	strace $0x9000004B  }
0xc5: {  	_ =	sfence  }
0xc6: {  	s30 =	sld [smem:$0x0];
	_ =	sdelay $0x2  }
0xc7: {  	s31 =	sshll.u32 s1, $0xD;
	s1 =	sshrl.u32 s1, $0x2  }
0xc8: {  	s4 =	sand.u32 $0x4000, s31;
	s1 =	sadd.s32 s1, s30  }
0xc9: {  	s0 =	sor.u32 s4, s0;
	s1 =	sshll.u32 s1, $0x11  }
0xca: {  	s0 =	sor.u32 s1, s0  }
0xcb: {  	s0 =	sadd.s32 $0x8F2B, s0  }
0xcc: {  	[sflag:s0] =	ssyncadd.remote.s32 $0x1  }
0xcd: {  	_ =	sfence.sel $0xFFFF  }
0xce: {  	[dreg:$0x0] =	wrdreg $0xFFFFFFFF;
	(pc) =	sbr.abs _section_cstart, $3  }
0xcf: {  	[dreg:$0x1] =	wrdreg $0xFFFFFFFF  }
0xd0: {  	_ =	task.clear_ibuf [dreg:s22], $0x2FFFF;
	_ =	strace $0x9FFFFFFF  }
0xd1: {  	(tm) =	ssettm $0x7FFFFFFF  }
tec
execute0_lowered:
.L_overlay_start_1:
0x0: {  	(tag) =	ssettag $0x1  }
0x1: {  	s11 =	rddreg [dreg:$0x0]  }
0x2: {  	s2 =	rddreg [dreg:$0x1]  }
0x3: {  	s0 =	srdreg.scid;
	s1 =	rddreg [dreg:$0x2]  }
0x4: {  	s3 =	simm.s32 $0x0;
	s15 =	simm.s32 $0x1;
	s18 =	simm.s32 $0x7D  }
0x5: {  	s19 =	simm.s32 $0x80;
	s20 =	simm.s32 $0x100;
	s6 =	sand.u32 $0x1, s0  }
0x6: {  	s21 =	simm.s32 $0x180;
	s0 =	stileid.u32;
	s4 =	smul.u32 $0x28000, s6  }
0x7: {  	s22 =	simm.s32 $0x200;
	s23 =	simm.s32 $0x280;
	s5 =	smul.u32 $0x2800, s0  }
0x8: {  	s24 =	simm.s32 $0x300;
	s25 =	simm.s32 $0x380;
	s7 =	smul.u32 $0x2700, s0  }
0x9: {  	s26 =	simm.s32 $0x0;
	[smem:$0x7FF] =	sst s3;
	s8 =	smul.u32 $0x50000, s0  }
0xa: {  	_ =	strace $0x8000004A;
	s9 =	ssub.s32 $0x2, s6;
	s10 =	smul.u32 $0x4E000, s0  }
0xb: {  	p3 =	seq.s32 s6, $0x1;
	s16 =	sshll.u32 s0, $0x6;
	s29 =	sshrl.u32 s9, $0x1  }
0xc: {  	s16 =	sor.u32 $0x1C01, s16;
	p1 =	seq.s32 @p3 s0, $0xF;
	p4 =	seq.s32 @!p3 s0, $0xF  }
0xd: {  	s4 =	sadd.s32 s5, s4;
	s5 =	sadd.s32 $0x66400, s11;
	s12 =	sadd.s32 s7, s11  }
0xe: {  	s14 =	ssub.s32 s9, s29;
	s30 =	sshrl.u32 s8, $0x2;
	s31 =	sshrl.u32 s10, $0x2  }
0xf: {  	s8 =	sadd.s32 $0x124800, s2;
	s9 =	sadd.s32 $0x8DD00, s11;
	p0 =	por !p1, !p3  }
0x10: {  	p1 =	por p1, !p3;
	p2 =	por !p4, p3;
	p3 =	por p4, p3  }
0x11: {  	s4 =	sshrl.u32 s4, $0x3;
	s17 =	sadd.s32 s30, s2;
	s6 =	sadd.s32 s31, s2  }
0x12: {  	s7 =	sadd.s32 $0x69400, s12;
	s10 =	sadd.s32 $0x90600, s12;
	s12 =	smax.u32 s14, $0x1  }
0x13: {  	s14 =	simm.s32 $0x400;
	s13 =	sadd.s32 s4, s11;
	s4 =	sadd.s32 $0x68C00, s11  }
0x14: {  	s11 =	sadd.s32 $0xB4F00, s11;
	s17 =	sshrl.u32 s17, $0x3;
	s13 =	sadd.s32 $0x4000, s13  }
.LBB2_1:
0x15: {  	[tilespmem:s14], [sflag:$0x1] =	stream.linear.gather [hbm4b:s4+s3], $0x3E80, $0x38;
	[tilespmem:$0x18400] =	vst v63  }
0x16: {  	_ =	swait.ge [sflag:s15], $0x3E80  }
0x17: {  	[sflag:s15] =	ssyncset.done $0x0  }
0x18: {  	[sflag:s15] =	ssyncadd.s32 $0xFFFFC180  }
0x19: {  	[spmem:s17], [sflag:s16] =	dma.local [hbm:s5], $0x2800  }
0x1a: {  	_ =	swait.ge [sflag:s15], $0x2800  }
0x1b: {  	[sflag:s15] =	ssyncset.done $0x0  }
0x1c: {  	[sflag:s15] =	ssyncadd.s32 $0xFFFFD800  }
0x1d: {  	s28 =	sadd.s32 $0x0, s13;
	[bflag:$0x0] =	sbarrier.arrive $0xFFFF  }
0x1e: {  	[tilespmem:s3], [sflag:$0x1] =	stream.linear.gather [hbm4b:s28+s3], $0x400, $0x38;
	[tilespmem:$0x18400] =	vst v63  }
0x1f: {  	_ =	swait.ge [sflag:s15], $0x400  }
0x20: {  	[sflag:s15] =	ssyncset.done $0x0  }
0x21: {  	[sflag:s15] =	ssyncadd.s32 $0xFFFFFC00  }
0x22: {  	[spmem:s2] =	stream.indirect.scatter.add.f32 [tilespmem:s14], [sflag:$0x1], $0x80, s3, s18, $0xb8;
	[tilespmem:$0x18400] =	vst v63  }
0x23: {  	_ =	swait.ge [sflag:s15], $0x3E80  }
0x24: {  	[sflag:s15] =	ssyncset.done $0x0  }
0x25: {  	[sflag:s15] =	ssyncadd.s32 $0xFFFFC180  }
0x26: {  	[spmem:s2] =	stream.indirect.scatter.add.f32 [tilespmem:s14], [sflag:$0x1], $0x80, s19, s18, $0xb8;
	[tilespmem:$0x18400] =	vst v63  }
0x27: {  	_ =	swait.ge [sflag:s15], $0x3E80  }
0x28: {  	[sflag:s15] =	ssyncset.done $0x0  }
0x29: {  	[sflag:s15] =	ssyncadd.s32 $0xFFFFC180  }
0x2a: {  	[spmem:s2] =	stream.indirect.scatter.add.f32 [tilespmem:s14], [sflag:$0x1], $0x80, s20, s18, $0xb8;
	[tilespmem:$0x18400] =	vst v63  }
0x2b: {  	_ =	swait.ge [sflag:s15], $0x3E80  }
0x2c: {  	[sflag:s15] =	ssyncset.done $0x0  }
0x2d: {  	[sflag:s15] =	ssyncadd.s32 $0xFFFFC180  }
0x2e: {  	[spmem:s2] =	stream.indirect.scatter.add.f32 [tilespmem:s14], [sflag:$0x1], $0x80, s21, s18, $0xb8;
	[tilespmem:$0x18400] =	vst v63  }
0x2f: {  	_ =	swait.ge [sflag:s15], $0x3E80  }
0x30: {  	[sflag:s15] =	ssyncset.done $0x0  }
0x31: {  	[sflag:s15] =	ssyncadd.s32 $0xFFFFC180  }
0x32: {  	[spmem:s2] =	stream.indirect.scatter.add.f32 [tilespmem:s14], [sflag:$0x1], $0x80, s22, s18, $0xb8;
	[tilespmem:$0x18400] =	vst v63  }
0x33: {  	_ =	swait.ge [sflag:s15], $0x3E80  }
0x34: {  	[sflag:s15] =	ssyncset.done $0x0  }
0x35: {  	[sflag:s15] =	ssyncadd.s32 $0xFFFFC180  }
0x36: {  	[spmem:s2] =	stream.indirect.scatter.add.f32 [tilespmem:s14], [sflag:$0x1], $0x80, s23, s18, $0xb8;
	[tilespmem:$0x18400] =	vst v63  }
0x37: {  	_ =	swait.ge [sflag:s15], $0x3E80  }
0x38: {  	[sflag:s15] =	ssyncset.done $0x0  }
0x39: {  	[sflag:s15] =	ssyncadd.s32 $0xFFFFC180  }
0x3a: {  	[spmem:s2] =	stream.indirect.scatter.add.f32 [tilespmem:s14], [sflag:$0x1], $0x80, s24, s18, $0xb8;
	[tilespmem:$0x18400] =	vst v63  }
0x3b: {  	_ =	swait.ge [sflag:s15], $0x3E80  }
0x3c: {  	[sflag:s15] =	ssyncset.done $0x0  }
0x3d: {  	[sflag:s15] =	ssyncadd.s32 $0xFFFFC180  }
0x3e: {  	[spmem:s2] =	stream.indirect.scatter.add.f32 [tilespmem:s14], [sflag:$0x1], $0x80, s25, s18, $0xb8;
	[tilespmem:$0x18400] =	vst v63  }
0x3f: {  	_ =	swait.ge [sflag:s15], $0x3E80  }
0x40: {  	s30 =	simm.s32 $0x100;
	s28 =	simm.s32 $0x80;
	[sflag:s15] =	ssyncset.done $0x0  }
.LBB2_2:
0x41: {  	s31 =	sadd.s32 s28, s13  }
0x42: {  	[sflag:s15] =	ssyncadd.s32 $0xFFFFC180;
	s28 =	smov.u32 s30;
	s29 =	sadd.s32 $0x80, s30  }
0x43: {  	[tilespmem:s3], [sflag:$0x1] =	stream.linear.gather [hbm4b:s31+s3], $0x400, $0x38;
	[tilespmem:$0x18400] =	vst v63  }
0x44: {  	p4 =	sne.s32 s30, $0x480;
	_ =	swait.ge [sflag:s15], $0x400  }
0x45: {  	[sflag:s15] =	ssyncset.done $0x0  }
0x46: {  	[sflag:s15] =	ssyncadd.s32 $0xFFFFFC00  }
0x47: {  	[spmem:s2] =	stream.indirect.scatter.add.f32 [tilespmem:s14], [sflag:$0x1], $0x80, s3, s18, $0xb8;
	[tilespmem:$0x18400] =	vst v63  }
0x48: {  	_ =	swait.ge [sflag:s15], $0x3E80  }
0x49: {  	[sflag:s15] =	ssyncset.done $0x0  }
0x4a: {  	[sflag:s15] =	ssyncadd.s32 $0xFFFFC180  }
0x4b: {  	[spmem:s2] =	stream.indirect.scatter.add.f32 [tilespmem:s14], [sflag:$0x1], $0x80, s19, s18, $0xb8;
	[tilespmem:$0x18400] =	vst v63  }
0x4c: {  	_ =	swait.ge [sflag:s15], $0x3E80  }
0x4d: {  	[sflag:s15] =	ssyncset.done $0x0  }
0x4e: {  	[sflag:s15] =	ssyncadd.s32 $0xFFFFC180  }
0x4f: {  	[spmem:s2] =	stream.indirect.scatter.add.f32 [tilespmem:s14], [sflag:$0x1], $0x80, s20, s18, $0xb8;
	[tilespmem:$0x18400] =	vst v63  }
0x50: {  	_ =	swait.ge [sflag:s15], $0x3E80  }
0x51: {  	[sflag:s15] =	ssyncset.done $0x0  }
0x52: {  	[sflag:s15] =	ssyncadd.s32 $0xFFFFC180  }
0x53: {  	[spmem:s2] =	stream.indirect.scatter.add.f32 [tilespmem:s14], [sflag:$0x1], $0x80, s21, s18, $0xb8;
	[tilespmem:$0x18400] =	vst v63  }
0x54: {  	_ =	swait.ge [sflag:s15], $0x3E80  }
0x55: {  	[sflag:s15] =	ssyncset.done $0x0  }
0x56: {  	[sflag:s15] =	ssyncadd.s32 $0xFFFFC180  }
0x57: {  	[spmem:s2] =	stream.indirect.scatter.add.f32 [tilespmem:s14], [sflag:$0x1], $0x80, s22, s18, $0xb8;
	[tilespmem:$0x18400] =	vst v63  }
0x58: {  	_ =	swait.ge [sflag:s15], $0x3E80  }
0x59: {  	[sflag:s15] =	ssyncset.done $0x0  }
0x5a: {  	[sflag:s15] =	ssyncadd.s32 $0xFFFFC180  }
0x5b: {  	[spmem:s2] =	stream.indirect.scatter.add.f32 [tilespmem:s14], [sflag:$0x1], $0x80, s23, s18, $0xb8;
	[tilespmem:$0x18400] =	vst v63  }
0x5c: {  	_ =	swait.ge [sflag:s15], $0x3E80  }
0x5d: {  	[sflag:s15] =	ssyncset.done $0x0  }
0x5e: {  	[sflag:s15] =	ssyncadd.s32 $0xFFFFC180  }
0x5f: {  	[spmem:s2] =	stream.indirect.scatter.add.f32 [tilespmem:s14], [sflag:$0x1], $0x80, s24, s18, $0xb8;
	[tilespmem:$0x18400] =	vst v63  }
0x60: {  	_ =	swait.ge [sflag:s15], $0x3E80  }
.Ltmp0:
0x61: {  	[sflag:s15] =	ssyncset.done $0x0;
	(pc) =	sbr.rel @p4 .LBB2_2-.Ltmp0, $4  }
0x62: {  	[sflag:s15] =	ssyncadd.s32 $0xFFFFC180  }
0x63: {  	[spmem:s2] =	stream.indirect.scatter.add.f32 [tilespmem:s14], [sflag:$0x1], $0x80, s25, s18, $0xb8;
	[tilespmem:$0x18400] =	vst v63  }
0x64: {  	_ =	swait.ge [sflag:s15], $0x3E80  }
0x65: {  	s30 =	smov.u32 s29;
	[sflag:s15] =	ssyncset.done $0x0  }
0x66: {  	s28 =	sadd.s32 s28, s13;
	[sflag:s15] =	ssyncadd.s32 $0xFFFFC180  }
0x67: {  	[tilespmem:s3], [sflag:$0x1] =	stream.linear.gather [hbm4b:s28+s3], $0x400, $0x38;
	[tilespmem:$0x18400] =	vst v63  }
0x68: {  	_ =	swait.ge [sflag:s15], $0x400  }
0x69: {  	[sflag:s15] =	ssyncset.done $0x0  }
0x6a: {  	[sflag:s15] =	ssyncadd.s32 $0xFFFFFC00  }
0x6b: {  	[spmem:s2] =	stream.indirect.scatter.add.f32 [tilespmem:s14], [sflag:$0x1], $0x80, s3, s18, $0xb8;
	[tilespmem:$0x18400] =	vst v63  }
0x6c: {  	_ =	swait.ge [sflag:s15], $0x3E80  }
0x6d: {  	[sflag:s15] =	ssyncset.done $0x0  }
0x6e: {  	[sflag:s15] =	ssyncadd.s32 $0xFFFFC180  }
0x6f: {  	[spmem:s2] =	stream.indirect.scatter.add.f32 [tilespmem:s14], [sflag:$0x1], $0x80, s19, s18, $0xb8;
	[tilespmem:$0x18400] =	vst v63  }
0x70: {  	_ =	swait.ge [sflag:s15], $0x3E80  }
0x71: {  	[sflag:s15] =	ssyncset.done $0x0  }
0x72: {  	[sflag:s15] =	ssyncadd.s32 $0xFFFFC180  }
0x73: {  	[spmem:s2] =	stream.indirect.scatter.add.f32 [tilespmem:s14], [sflag:$0x1], $0x80, s20, s18, $0xb8;
	[tilespmem:$0x18400] =	vst v63  }
0x74: {  	_ =	swait.ge [sflag:s15], $0x3E80  }
0x75: {  	[sflag:s15] =	ssyncset.done $0x0  }
0x76: {  	[sflag:s15] =	ssyncadd.s32 $0xFFFFC180  }
0x77: {  	[spmem:s2] =	stream.indirect.scatter.add.f32 [tilespmem:s14], [sflag:$0x1], $0x80, s21, s18, $0xb8;
	[tilespmem:$0x18400] =	vst v63  }
0x78: {  	_ =	swait.ge [sflag:s15], $0x3E80  }
0x79: {  	[sflag:s15] =	ssyncset.done $0x0  }
0x7a: {  	[sflag:s15] =	ssyncadd.s32 $0xFFFFC180  }
0x7b: {  	[spmem:s2] =	stream.indirect.scatter.add.f32 [tilespmem:s14], [sflag:$0x1], $0x80, s22, s18, $0xb8;
	[tilespmem:$0x18400] =	vst v63  }
0x7c: {  	_ =	swait.ge [sflag:s15], $0x3E80  }
0x7d: {  	[sflag:s15] =	ssyncset.done $0x0  }
0x7e: {  	[sflag:s15] =	ssyncadd.s32 $0xFFFFC180  }
0x7f: {  	[spmem:s2] =	stream.indirect.scatter.add.f32 [tilespmem:s14], [sflag:$0x1], $0x80, s23, s18, $0xb8;
	[tilespmem:$0x18400] =	vst v63  }
0x80: {  	_ =	swait.ge [sflag:s15], $0x3E80  }
0x81: {  	[sflag:s15] =	ssyncset.done $0x0  }
0x82: {  	[sflag:s15] =	ssyncadd.s32 $0xFFFFC180  }
0x83: {  	[spmem:s2] =	stream.indirect.scatter.add.f32 [tilespmem:s14], [sflag:$0x1], $0x80, s24, s18, $0xb8;
	[tilespmem:$0x18400] =	vst v63  }
0x84: {  	_ =	swait.ge [sflag:s15], $0x3E80  }
0x85: {  	[sflag:s15] =	ssyncset.done $0x0  }
0x86: {  	[sflag:s15] =	ssyncadd.s32 $0xFFFFC180  }
0x87: {  	[spmem:s2] =	stream.indirect.scatter.add.f32 [tilespmem:s14], [sflag:$0x1], $0x80, s25, s18, $0xb8;
	[tilespmem:$0x18400] =	vst v63  }
0x88: {  	_ =	swait.ge [sflag:s15], $0x3E80  }
0x89: {  	[sflag:s15] =	ssyncset.done $0x0  }
0x8a: {  	[sflag:s15] =	ssyncadd.s32 $0xFFFFC180  }
0x8b: {  	s28 =	sshrl.u32 @!p0 s8, $0x3;
	[bflag:$0x0] =	sbarrier.arrive $0xFFFF  }
0x8c: {  	[hbm:s11], [sflag:s16] =	dma.local @!p0 [spmem:s28], $0x2800  }
0x8d: {  	s28 =	simm.s32 @!p0 $0x1  }
0x8e: {  	_ =	swait.ge @!p0 [sflag:s28], $0x2800  }
0x8f: {  	[sflag:s28] =	ssyncset.done @!p0 $0x0  }
0x90: {  	[sflag:s28] =	ssyncadd.s32 @!p0 $0xFFFFD800;
	s28 =	sshrl.u32 @!p1 s6, $0x3  }
0x91: {  	[hbm:s10], [sflag:s16] =	dma.local @!p1 [spmem:s28], $0x2700  }
0x92: {  	s28 =	simm.s32 @!p1 $0x1  }
0x93: {  	_ =	swait.ge @!p1 [sflag:s28], $0x2700  }
0x94: {  	[sflag:s28] =	ssyncset.done @!p1 $0x0  }
0x95: {  	[sflag:s28] =	ssyncadd.s32 @!p1 $0xFFFFD900;
	s28 =	sshrl.u32 @!p2 s8, $0x3  }
0x96: {  	[hbm:s9], [sflag:s16] =	dma.local @!p2 [spmem:s28], $0x2800  }
0x97: {  	s28 =	simm.s32 @!p2 $0x1  }
0x98: {  	_ =	swait.ge @!p2 [sflag:s28], $0x2800  }
0x99: {  	s26 =	sadd.s32 $0x1, s26;
	[sflag:s28] =	ssyncset.done @!p2 $0x0  }
0x9a: {  	p4 =	sne.s32 s26, s12;
	[sflag:s28] =	ssyncadd.s32 @!p2 $0xFFFFD800;
	s28 =	sshrl.u32 @!p3 s6, $0x3  }
0x9b: {  	[hbm:s7], [sflag:s16] =	dma.local @!p3 [spmem:s28], $0x2700  }
.Ltmp1:
0x9c: {  	_ = 	snop;
	(pc) =	sbr.rel @p4 .LBB2_1-.Ltmp1, $4  }
0x9d: {  	s28 =	simm.s32 @!p3 $0x1  }
0x9e: {  	_ =	swait.ge @!p3 [sflag:s28], $0x2700  }
0x9f: {  	[sflag:s28] =	ssyncset.done @!p3 $0x0  }
0xa0: {  	[sflag:s28] =	ssyncadd.s32 @!p3 $0xFFFFD900  }
0xa1: {  	_ =	sfence.sel $0x180000  }
0xa2: {  	[bflag:$0x0] =	sbarrier.arrive $0xFFFF  }
0xa3: {  	p0 =	sne.s32 s0, $0x0;
	_ =	strace $0x9000004A  }
0xa4: {  	s0 =	sadd.s32 @!p0 $0x100000, s1;
	[bflag:$0x2] =	sbarrier.arrive $0xFFFF  }
0xa5: {  	[sflag:s0] =	ssyncadd.tile.s32 @!p0 $0x1;
	_ =	shalt  }
.Lfunc_end2:
_tile_overlayer_lowered:
.L_overlay_start_2:
0xa6: {  	(tag) =	ssettag $0x2  }
0xa7: {  	s0 =	rddreg [dreg:$0x0];
	s2 =	stileid.u32  }
0xa8: {  	s1 =	rddreg [dreg:$0x1];
	p0 =	sne.s32 s2, $0x0  }
0xa9: {  	s3 =	rddreg [dreg:$0x2];
	[bflag:$0x3] =	sbarrier.arrive $0xFFFF;
	s2 =	simm.s32 @!p0 $0x1C01  }
0xaa: {  	[timem:s3], [sflag:s2] =	dma.local @!p0 [hbm:s0], s1  }
0xab: {  	s0 =	simm.s32 @!p0 $0x1  }
0xac: {  	_ =	swait.ge @!p0 [sflag:s0], s1  }
0xad: {  	s1 =	ssub.s32 @!p0 $0x0, s1;
	[sflag:s0] =	ssyncset.done @!p0 $0x0  }
0xae: {  	[sflag:s0] =	ssyncadd.s32 @!p0 s1  }
0xaf: {  	[bflag:$0x3] =	sbarrier.arrive $0xFFFF  }
0xb0: {  	_ =	shalt  }

</sc_bundles>
